<compile_context>
chip_gen: v7x
topology: tpu7x:2x2x1
jax: 0.10.2.dev20260603
libtpu: 0.0.44.dev20260713+nightly
codegen_flags: <defaults>
</compile_context>

<pallas_src>
import jax
import jax.numpy as jnp
from jax import lax
from jax.experimental import pallas as pl
from jax.experimental.pallas import tpu as pltpu
from jax.experimental.pallas import tpu_sc as plsc

N_FACTORS = 64
BATCH = 16384
NC = 2
NS = 16
LANES = 16
NW = NC * NS
B_PER_W = BATCH // NW
CHUNK = 128
N_CHUNKS = B_PER_W // CHUNK
N_GROUPS = B_PER_W // LANES
DEPTH = 4


def _scalar_at(vec, jj):
    lane = lax.iota(jnp.int32, LANES)
    return jnp.sum(jnp.where(lane == jj, vec, 0))


def _mf_kernel(uid_hbm, iid_hbm, uvT_hbm, ivT_hbm, ubias_hbm, ibias_hbm,
               out_hbm, uid_v, iid_v, pu, pi, ub_v, ib_v, out_v, sem, bsem):
    wid = lax.axis_index("s") * NC + lax.axis_index("c")
    base = wid * B_PER_W

    pltpu.sync_copy(uid_hbm.at[wid], uid_v)
    pltpu.sync_copy(iid_hbm.at[wid], iid_v)

    bias_copies = []
    for j in range(N_CHUNKS):
        dst = pl.ds(j * CHUNK, CHUNK)
        bias_copies.append(pltpu.async_copy(ubias_hbm.at[uid_v.at[j]], ub_v.at[dst], bsem))
        bias_copies.append(pltpu.async_copy(ibias_hbm.at[iid_v.at[j]], ib_v.at[dst], bsem))

    lane = lax.iota(jnp.int32, LANES)

    def chunk_vecs(g):
        row = g // 8
        off = (g % 8) * LANES
        return uid_v[row, pl.ds(off, LANES)], iid_v[row, pl.ds(off, LANES)]

    def panel_col(vec, jj):
        s = _scalar_at(vec, jj)
        return pl.multiple_of((s >> 7) * CHUNK, CHUNK), s & (CHUNK - 1)

    def issue(gslot, upan, ipan):
        pltpu.async_copy(uvT_hbm.at[:, pl.ds(upan, CHUNK)], pu.at[gslot], sem)
        pltpu.async_copy(ivT_hbm.at[:, pl.ds(ipan, CHUNK)], pi.at[gslot], sem)

    uvec0, ivec0 = chunk_vecs(0)
    for jj in range(DEPTH):
        up0, _ = panel_col(uvec0, jj)
        ip0, _ = panel_col(ivec0, jj)
        issue(jj, up0, ip0)

    for c in bias_copies:
        c.wait()

    def group_body(g, carry):
        uvec, ivec = chunk_vecs(g)
        gn = jnp.minimum(g + 1, N_GROUPS - 1)
        uvec_n, ivec_n = chunk_vecs(gn)

        acc = ub_v[pl.ds(g * LANES, LANES)] + ib_v[pl.ds(g * LANES, LANES)]
        for jj in range(LANES):
            slot = jj % DEPTH
            _, uo = panel_col(uvec, jj)
            _, io = panel_col(ivec, jj)
            pltpu.make_async_copy(uvT_hbm.at[:, pl.ds(0, CHUNK)], pu.at[slot], sem).wait()
            pltpu.make_async_copy(ivT_hbm.at[:, pl.ds(0, CHUNK)], pi.at[slot], sem).wait()
            dot = jnp.zeros((LANES,), jnp.float32)
            ucol = jnp.full((LANES,), 0, jnp.int32) + uo
            icol = jnp.full((LANES,), 0, jnp.int32) + io
            for q in range(N_FACTORS // LANES):
                frow = lane + (q * LANES)
                ug = plsc.load_gather(pu.at[slot], [frow, ucol])
                ig = plsc.load_gather(pi.at[slot], [frow, icol])
                dot = dot + ug * ig
            s = jnp.sum(dot)
            acc = acc + jnp.where(lane == jj, s, jnp.float32(0))
            nxt = jj + DEPTH
            if nxt < LANES:
                upn, _ = panel_col(uvec, nxt)
                ipn, _ = panel_col(ivec, nxt)
            else:
                upn, _ = panel_col(uvec_n, nxt - LANES)
                ipn, _ = panel_col(ivec_n, nxt - LANES)
            issue(nxt % DEPTH, upn, ipn)
        out_v[pl.ds(g * LANES, LANES)] = acc
        return carry

    lax.fori_loop(0, N_GROUPS, group_body, None)

    for jj in range(DEPTH):
        pltpu.make_async_copy(uvT_hbm.at[:, pl.ds(0, CHUNK)], pu.at[jj], sem).wait()
        pltpu.make_async_copy(ivT_hbm.at[:, pl.ds(0, CHUNK)], pi.at[jj], sem).wait()

    pltpu.sync_copy(out_v, out_hbm.at[pl.ds(base, B_PER_W)])


@jax.jit
def _mf(uid2, iid2, uvT, ivT, ub1, ib1):
    mesh = plsc.VectorSubcoreMesh(core_axis_name="c", subcore_axis_name="s",
                                  num_cores=NC, num_subcores=NS)
    return pl.kernel(
        _mf_kernel,
        out_type=jax.ShapeDtypeStruct((BATCH,), jnp.float32),
        mesh=mesh,
        compiler_params=pltpu.CompilerParams(
            needs_layout_passes=False, use_tc_tiling_on_sc=True),
        scratch_types=[
            pltpu.VMEM((N_CHUNKS, CHUNK), jnp.int32),
            pltpu.VMEM((N_CHUNKS, CHUNK), jnp.int32),
            pltpu.VMEM((DEPTH, N_FACTORS, CHUNK), jnp.float32),
            pltpu.VMEM((DEPTH, N_FACTORS, CHUNK), jnp.float32),
            pltpu.VMEM((B_PER_W,), jnp.float32),
            pltpu.VMEM((B_PER_W,), jnp.float32),
            pltpu.VMEM((B_PER_W,), jnp.float32),
            pltpu.SemaphoreType.DMA,
            pltpu.SemaphoreType.DMA,
        ],
    )(uid2, iid2, uvT, ivT, ub1, ib1)


def kernel(user_id, item_id, users_vectors, items_vectors, users_bias, items_bias):
    uid2 = user_id.reshape(NW, N_CHUNKS, CHUNK)
    iid2 = item_id.reshape(NW, N_CHUNKS, CHUNK)
    return _mf(uid2, iid2, users_vectors.T, items_vectors.T,
               users_bias.reshape(-1), items_bias.reshape(-1))

# --- scband reference (transcript-rebuilt; emitter-appended) ---
"""Pipeline reference for scband-matrix-factorization-4054449127780 (READ-ONLY COPY).

The authoritative reference and input builder live on the scoring server;
editing this copy changes nothing except your own understanding.
"""

import jax, jax.numpy as jnp
import numpy as np

N_USERS = 1000000
N_ITEMS = 1000000
N_FACTORS = 64
BATCH = 16384

def setup_inputs(seed: int = 0) -> dict:
    key = jax.random.key(seed)
    k1, k2 = jax.random.split(key, 2)
    user_id = jax.random.randint(k1, (BATCH,), 0, N_USERS, dtype=jnp.int64 if jax.config.jax_enable_x64 else jnp.int32).astype(jnp.int32)
    item_id = jax.random.randint(k2, (BATCH,), 0, N_ITEMS, dtype=jnp.int64 if jax.config.jax_enable_x64 else jnp.int32).astype(jnp.int32)
    # from_pretrained constant tables of 0.01, matching the torch module
    users_vectors = jnp.full((N_USERS, N_FACTORS), 0.01, dtype=jnp.float32)
    items_vectors = jnp.full((N_ITEMS, N_FACTORS), 0.01, dtype=jnp.float32)
    users_bias = jnp.full((N_USERS, 1), 0.01, dtype=jnp.float32)
    items_bias = jnp.full((N_ITEMS, 1), 0.01, dtype=jnp.float32)
    return {
        "user_id": user_id,
        "item_id": item_id,
        "users_vectors": users_vectors,
        "items_vectors": items_vectors,
        "users_bias": users_bias,
        "items_bias": items_bias,
    }

def reference(user_id, item_id, users_vectors, items_vectors, users_bias, items_bias):
    feat_user = jnp.take(users_vectors, user_id, axis=0)   # [B, F]
    feat_item = jnp.take(items_vectors, item_id, axis=0)   # [B, F]
    bias_user = jnp.take(users_bias, user_id, axis=0)      # [B, 1]
    bias_item = jnp.take(items_bias, item_id, axis=0)      # [B, 1]
    result = (feat_user * feat_item).sum(-1) + bias_item.sum(-1) + bias_user.sum(-1)
    return result

if __name__ == "__main__":
    import jax
    _d = setup_inputs()
    print(jax.jit(kernel)(*tuple(_d.values())))

</pallas_src>

<mosaic_0001>
#map = affine_map<(d0, d1) -> (0, 0, 0)>
#map1 = affine_map<(d0, d1) -> (0, 0)>
#map2 = affine_map<(d0, d1) -> (0)>
module attributes {stable_mosaic.version = 14 : i64} {
  func.func @_mf_kernel(%arg0: i32, %arg1: i32, %arg2: memref<32x4x128xi32, #tpu.memory_space<hbm>>, %arg3: memref<32x4x128xi32, #tpu.memory_space<hbm>>, %arg4: memref<64x1000000xf32, #tpu.memory_space<hbm>>, %arg5: memref<64x1000000xf32, #tpu.memory_space<hbm>>, %arg6: memref<1000000xf32, #tpu.memory_space<hbm>>, %arg7: memref<1000000xf32, #tpu.memory_space<hbm>>, %arg8: memref<16384xf32, #tpu.memory_space<hbm>>, %arg9: memref<4x128xi32, #tpu.memory_space<vmem>>, %arg10: memref<4x128xi32, #tpu.memory_space<vmem>>, %arg11: memref<4x64x128xf32, #tpu.memory_space<vmem>>, %arg12: memref<4x64x128xf32, #tpu.memory_space<vmem>>, %arg13: memref<512xf32, #tpu.memory_space<vmem>>, %arg14: memref<512xf32, #tpu.memory_space<vmem>>, %arg15: memref<512xf32, #tpu.memory_space<vmem>>, %arg16: memref<!tpu.dma_semaphore, #tpu.memory_space<semaphore_mem>>, %arg17: memref<!tpu.dma_semaphore, #tpu.memory_space<semaphore_mem>>) attributes {dimension_semantics = [#tpu.dimension_semantics<core_parallel>, #tpu.dimension_semantics<subcore_parallel>], iteration_bounds = array<i64: 2, 16>, scalar_prefetch = 0 : i64, scratch_operands = 9 : i64, tpu.core_type = #tpu.core_type<sc_vector_subcore>, window_params = [{transform_indices = #map}, {transform_indices = #map}, {transform_indices = #map1}, {transform_indices = #map1}, {transform_indices = #map2}, {transform_indices = #map2}, {transform_indices = #map2}]} {
    %mul3A = arith.constant 2 : i32
    %mul3A_0 = arith.muli %arg1, %mul3A : i32
    %add3A = arith.addi %mul3A_0, %arg0 : i32
    %mul3A_1 = arith.constant 512 : i32
    %mul3A_2 = arith.muli %add3A, %mul3A_1 : i32
    "tpu.region"() ({
      %run_scoped3A = tpu.sem_alloc : memref<!tpu.dma_semaphore, #tpu.memory_space<semaphore_mem>>
      %dma_start3A_500 = arith.constant 0 : i32
      %dma_start3A_501 = arith.constant 0 : i32
      %dma_start3A_502 = tpu.memref_slice %arg2[%add3A, %dma_start3A_500, %dma_start3A_501] : memref<32x4x128xi32, #tpu.memory_space<hbm>> -> memref<1x4x128xi32, #tpu.memory_space<hbm>>
      %dma_start3A_503 = tpu.memref_squeeze %dma_start3A_502 : memref<1x4x128xi32, #tpu.memory_space<hbm>> -> memref<4x128xi32, #tpu.memory_space<hbm>>
      %dma_start3A_504 = arith.constant 0 : i32
      %dma_start3A_505 = arith.constant 0 : i32
      %dma_start3A_506 = tpu.memref_slice %arg2[%add3A, %dma_start3A_504, %dma_start3A_505] : memref<32x4x128xi32, #tpu.memory_space<hbm>> -> memref<1x4x128xi32, #tpu.memory_space<hbm>>
      %dma_start3A_507 = tpu.memref_squeeze %dma_start3A_506 : memref<1x4x128xi32, #tpu.memory_space<hbm>> -> memref<4x128xi32, #tpu.memory_space<hbm>>
      tpu.enqueue_dma source(%dma_start3A_507 : memref<4x128xi32, #tpu.memory_space<hbm>>) target(%arg9 : memref<4x128xi32, #tpu.memory_space<vmem>>) target_semaphore(%run_scoped3A : memref<!tpu.dma_semaphore, #tpu.memory_space<semaphore_mem>>)
      %dma_wait3A_508 = arith.constant 0 : i32
      %dma_wait3A_509 = arith.constant 0 : i32
      %dma_wait3A_510 = tpu.memref_slice %arg2[%add3A, %dma_wait3A_508, %dma_wait3A_509] : memref<32x4x128xi32, #tpu.memory_space<hbm>> -> memref<1x4x128xi32, #tpu.memory_space<hbm>>
      %dma_wait3A_511 = tpu.memref_squeeze %dma_wait3A_510 : memref<1x4x128xi32, #tpu.memory_space<hbm>> -> memref<4x128xi32, #tpu.memory_space<hbm>>
      %dma_wait3A_512 = arith.constant 0 : i32
      %dma_wait3A_513 = arith.constant 0 : i32
      %dma_wait3A_514 = tpu.memref_slice %arg2[%add3A, %dma_wait3A_512, %dma_wait3A_513] : memref<32x4x128xi32, #tpu.memory_space<hbm>> -> memref<1x4x128xi32, #tpu.memory_space<hbm>>
      %dma_wait3A_515 = tpu.memref_squeeze %dma_wait3A_514 : memref<1x4x128xi32, #tpu.memory_space<hbm>> -> memref<4x128xi32, #tpu.memory_space<hbm>>
      tpu.wait_dma2 semaphore(%run_scoped3A : memref<!tpu.dma_semaphore, #tpu.memory_space<semaphore_mem>>) src(%dma_wait3A_515 : memref<4x128xi32, #tpu.memory_space<hbm>>) dst(%arg9 : memref<4x128xi32, #tpu.memory_space<vmem>>)
      tpu.yield
    }) : () -> ()
    "tpu.region"() ({
      %run_scoped3A = tpu.sem_alloc : memref<!tpu.dma_semaphore, #tpu.memory_space<semaphore_mem>>
      %dma_start3A_500 = arith.constant 0 : i32
      %dma_start3A_501 = arith.constant 0 : i32
      %dma_start3A_502 = tpu.memref_slice %arg3[%add3A, %dma_start3A_500, %dma_start3A_501] : memref<32x4x128xi32, #tpu.memory_space<hbm>> -> memref<1x4x128xi32, #tpu.memory_space<hbm>>
      %dma_start3A_503 = tpu.memref_squeeze %dma_start3A_502 : memref<1x4x128xi32, #tpu.memory_space<hbm>> -> memref<4x128xi32, #tpu.memory_space<hbm>>
      %dma_start3A_504 = arith.constant 0 : i32
      %dma_start3A_505 = arith.constant 0 : i32
      %dma_start3A_506 = tpu.memref_slice %arg3[%add3A, %dma_start3A_504, %dma_start3A_505] : memref<32x4x128xi32, #tpu.memory_space<hbm>> -> memref<1x4x128xi32, #tpu.memory_space<hbm>>
      %dma_start3A_507 = tpu.memref_squeeze %dma_start3A_506 : memref<1x4x128xi32, #tpu.memory_space<hbm>> -> memref<4x128xi32, #tpu.memory_space<hbm>>
      tpu.enqueue_dma source(%dma_start3A_507 : memref<4x128xi32, #tpu.memory_space<hbm>>) target(%arg10 : memref<4x128xi32, #tpu.memory_space<vmem>>) target_semaphore(%run_scoped3A : memref<!tpu.dma_semaphore, #tpu.memory_space<semaphore_mem>>)
      %dma_wait3A_508 = arith.constant 0 : i32
      %dma_wait3A_509 = arith.constant 0 : i32
      %dma_wait3A_510 = tpu.memref_slice %arg3[%add3A, %dma_wait3A_508, %dma_wait3A_509] : memref<32x4x128xi32, #tpu.memory_space<hbm>> -> memref<1x4x128xi32, #tpu.memory_space<hbm>>
      %dma_wait3A_511 = tpu.memref_squeeze %dma_wait3A_510 : memref<1x4x128xi32, #tpu.memory_space<hbm>> -> memref<4x128xi32, #tpu.memory_space<hbm>>
      %dma_wait3A_512 = arith.constant 0 : i32
      %dma_wait3A_513 = arith.constant 0 : i32
      %dma_wait3A_514 = tpu.memref_slice %arg3[%add3A, %dma_wait3A_512, %dma_wait3A_513] : memref<32x4x128xi32, #tpu.memory_space<hbm>> -> memref<1x4x128xi32, #tpu.memory_space<hbm>>
      %dma_wait3A_515 = tpu.memref_squeeze %dma_wait3A_514 : memref<1x4x128xi32, #tpu.memory_space<hbm>> -> memref<4x128xi32, #tpu.memory_space<hbm>>
      tpu.wait_dma2 semaphore(%run_scoped3A : memref<!tpu.dma_semaphore, #tpu.memory_space<semaphore_mem>>) src(%dma_wait3A_515 : memref<4x128xi32, #tpu.memory_space<hbm>>) dst(%arg10 : memref<4x128xi32, #tpu.memory_space<vmem>>)
      tpu.yield
    }) : () -> ()
    %dma_start3A = arith.constant 0 : i32
    %dma_start3A_3 = arith.constant 0 : i32
    %dma_start3A_4 = tpu.memref_slice %arg13[%dma_start3A_3] : memref<512xf32, #tpu.memory_space<vmem>> -> memref<128xf32, #tpu.memory_space<vmem>>
    %dma_start3A_5 = arith.constant 0 : i32
    %dma_start3A_6 = tpu.memref_slice %arg9[%dma_start3A, %dma_start3A_5] : memref<4x128xi32, #tpu.memory_space<vmem>> -> memref<1x128xi32, #tpu.memory_space<vmem>>
    %dma_start3A_7 = tpu.memref_squeeze %dma_start3A_6 : memref<1x128xi32, #tpu.memory_space<vmem>> -> memref<128xi32, #tpu.memory_space<vmem>>
    %dma_start3A_8 = arith.constant 0 : i32
    %dma_start3A_9 = tpu.memref_slice %arg6[%dma_start3A_8] : memref<1000000xf32, #tpu.memory_space<hbm>> -> memref<1000000xf32, #tpu.memory_space<hbm>>
    tpu.enqueue_indirect_dma source(%dma_start3A_9 : memref<1000000xf32, #tpu.memory_space<hbm>>) target(%dma_start3A_4 : memref<128xf32, #tpu.memory_space<vmem>>) offsets(%dma_start3A_7 : memref<128xi32, #tpu.memory_space<vmem>>) semaphore(%arg17 : memref<!tpu.dma_semaphore, #tpu.memory_space<semaphore_mem>>)
    %dma_start3A_10 = arith.constant 0 : i32
    %dma_start3A_11 = arith.constant 0 : i32
    %dma_start3A_12 = tpu.memref_slice %arg14[%dma_start3A_11] : memref<512xf32, #tpu.memory_space<vmem>> -> memref<128xf32, #tpu.memory_space<vmem>>
    %dma_start3A_13 = arith.constant 0 : i32
    %dma_start3A_14 = tpu.memref_slice %arg10[%dma_start3A_10, %dma_start3A_13] : memref<4x128xi32, #tpu.memory_space<vmem>> -> memref<1x128xi32, #tpu.memory_space<vmem>>
    %dma_start3A_15 = tpu.memref_squeeze %dma_start3A_14 : memref<1x128xi32, #tpu.memory_space<vmem>> -> memref<128xi32, #tpu.memory_space<vmem>>
    %dma_start3A_16 = arith.constant 0 : i32
    %dma_start3A_17 = tpu.memref_slice %arg7[%dma_start3A_16] : memref<1000000xf32, #tpu.memory_space<hbm>> -> memref<1000000xf32, #tpu.memory_space<hbm>>
    tpu.enqueue_indirect_dma source(%dma_start3A_17 : memref<1000000xf32, #tpu.memory_space<hbm>>) target(%dma_start3A_12 : memref<128xf32, #tpu.memory_space<vmem>>) offsets(%dma_start3A_15 : memref<128xi32, #tpu.memory_space<vmem>>) semaphore(%arg17 : memref<!tpu.dma_semaphore, #tpu.memory_space<semaphore_mem>>)
    %dma_start3A_18 = arith.constant 1 : i32
    %dma_start3A_19 = arith.constant 128 : i32
    %dma_start3A_20 = tpu.memref_slice %arg13[%dma_start3A_19] : memref<512xf32, #tpu.memory_space<vmem>> -> memref<128xf32, #tpu.memory_space<vmem>>
    %dma_start3A_21 = arith.constant 0 : i32
    %dma_start3A_22 = tpu.memref_slice %arg9[%dma_start3A_18, %dma_start3A_21] : memref<4x128xi32, #tpu.memory_space<vmem>> -> memref<1x128xi32, #tpu.memory_space<vmem>>
    %dma_start3A_23 = tpu.memref_squeeze %dma_start3A_22 : memref<1x128xi32, #tpu.memory_space<vmem>> -> memref<128xi32, #tpu.memory_space<vmem>>
    %dma_start3A_24 = arith.constant 0 : i32
    %dma_start3A_25 = tpu.memref_slice %arg6[%dma_start3A_24] : memref<1000000xf32, #tpu.memory_space<hbm>> -> memref<1000000xf32, #tpu.memory_space<hbm>>
    tpu.enqueue_indirect_dma source(%dma_start3A_25 : memref<1000000xf32, #tpu.memory_space<hbm>>) target(%dma_start3A_20 : memref<128xf32, #tpu.memory_space<vmem>>) offsets(%dma_start3A_23 : memref<128xi32, #tpu.memory_space<vmem>>) semaphore(%arg17 : memref<!tpu.dma_semaphore, #tpu.memory_space<semaphore_mem>>)
    %dma_start3A_26 = arith.constant 1 : i32
    %dma_start3A_27 = arith.constant 128 : i32
    %dma_start3A_28 = tpu.memref_slice %arg14[%dma_start3A_27] : memref<512xf32, #tpu.memory_space<vmem>> -> memref<128xf32, #tpu.memory_space<vmem>>
    %dma_start3A_29 = arith.constant 0 : i32
    %dma_start3A_30 = tpu.memref_slice %arg10[%dma_start3A_26, %dma_start3A_29] : memref<4x128xi32, #tpu.memory_space<vmem>> -> memref<1x128xi32, #tpu.memory_space<vmem>>
    %dma_start3A_31 = tpu.memref_squeeze %dma_start3A_30 : memref<1x128xi32, #tpu.memory_space<vmem>> -> memref<128xi32, #tpu.memory_space<vmem>>
    %dma_start3A_32 = arith.constant 0 : i32
    %dma_start3A_33 = tpu.memref_slice %arg7[%dma_start3A_32] : memref<1000000xf32, #tpu.memory_space<hbm>> -> memref<1000000xf32, #tpu.memory_space<hbm>>
    tpu.enqueue_indirect_dma source(%dma_start3A_33 : memref<1000000xf32, #tpu.memory_space<hbm>>) target(%dma_start3A_28 : memref<128xf32, #tpu.memory_space<vmem>>) offsets(%dma_start3A_31 : memref<128xi32, #tpu.memory_space<vmem>>) semaphore(%arg17 : memref<!tpu.dma_semaphore, #tpu.memory_space<semaphore_mem>>)
    %dma_start3A_34 = arith.constant 2 : i32
    %dma_start3A_35 = arith.constant 256 : i32
    %dma_start3A_36 = tpu.memref_slice %arg13[%dma_start3A_35] : memref<512xf32, #tpu.memory_space<vmem>> -> memref<128xf32, #tpu.memory_space<vmem>>
    %dma_start3A_37 = arith.constant 0 : i32
    %dma_start3A_38 = tpu.memref_slice %arg9[%dma_start3A_34, %dma_start3A_37] : memref<4x128xi32, #tpu.memory_space<vmem>> -> memref<1x128xi32, #tpu.memory_space<vmem>>
    %dma_start3A_39 = tpu.memref_squeeze %dma_start3A_38 : memref<1x128xi32, #tpu.memory_space<vmem>> -> memref<128xi32, #tpu.memory_space<vmem>>
    %dma_start3A_40 = arith.constant 0 : i32
    %dma_start3A_41 = tpu.memref_slice %arg6[%dma_start3A_40] : memref<1000000xf32, #tpu.memory_space<hbm>> -> memref<1000000xf32, #tpu.memory_space<hbm>>
    tpu.enqueue_indirect_dma source(%dma_start3A_41 : memref<1000000xf32, #tpu.memory_space<hbm>>) target(%dma_start3A_36 : memref<128xf32, #tpu.memory_space<vmem>>) offsets(%dma_start3A_39 : memref<128xi32, #tpu.memory_space<vmem>>) semaphore(%arg17 : memref<!tpu.dma_semaphore, #tpu.memory_space<semaphore_mem>>)
    %dma_start3A_42 = arith.constant 2 : i32
    %dma_start3A_43 = arith.constant 256 : i32
    %dma_start3A_44 = tpu.memref_slice %arg14[%dma_start3A_43] : memref<512xf32, #tpu.memory_space<vmem>> -> memref<128xf32, #tpu.memory_space<vmem>>
    %dma_start3A_45 = arith.constant 0 : i32
    %dma_start3A_46 = tpu.memref_slice %arg10[%dma_start3A_42, %dma_start3A_45] : memref<4x128xi32, #tpu.memory_space<vmem>> -> memref<1x128xi32, #tpu.memory_space<vmem>>
    %dma_start3A_47 = tpu.memref_squeeze %dma_start3A_46 : memref<1x128xi32, #tpu.memory_space<vmem>> -> memref<128xi32, #tpu.memory_space<vmem>>
    %dma_start3A_48 = arith.constant 0 : i32
    %dma_start3A_49 = tpu.memref_slice %arg7[%dma_start3A_48] : memref<1000000xf32, #tpu.memory_space<hbm>> -> memref<1000000xf32, #tpu.memory_space<hbm>>
    tpu.enqueue_indirect_dma source(%dma_start3A_49 : memref<1000000xf32, #tpu.memory_space<hbm>>) target(%dma_start3A_44 : memref<128xf32, #tpu.memory_space<vmem>>) offsets(%dma_start3A_47 : memref<128xi32, #tpu.memory_space<vmem>>) semaphore(%arg17 : memref<!tpu.dma_semaphore, #tpu.memory_space<semaphore_mem>>)
    %dma_start3A_50 = arith.constant 3 : i32
    %dma_start3A_51 = arith.constant 384 : i32
    %dma_start3A_52 = tpu.memref_slice %arg13[%dma_start3A_51] : memref<512xf32, #tpu.memory_space<vmem>> -> memref<128xf32, #tpu.memory_space<vmem>>
    %dma_start3A_53 = arith.constant 0 : i32
    %dma_start3A_54 = tpu.memref_slice %arg9[%dma_start3A_50, %dma_start3A_53] : memref<4x128xi32, #tpu.memory_space<vmem>> -> memref<1x128xi32, #tpu.memory_space<vmem>>
    %dma_start3A_55 = tpu.memref_squeeze %dma_start3A_54 : memref<1x128xi32, #tpu.memory_space<vmem>> -> memref<128xi32, #tpu.memory_space<vmem>>
    %dma_start3A_56 = arith.constant 0 : i32
    %dma_start3A_57 = tpu.memref_slice %arg6[%dma_start3A_56] : memref<1000000xf32, #tpu.memory_space<hbm>> -> memref<1000000xf32, #tpu.memory_space<hbm>>
    tpu.enqueue_indirect_dma source(%dma_start3A_57 : memref<1000000xf32, #tpu.memory_space<hbm>>) target(%dma_start3A_52 : memref<128xf32, #tpu.memory_space<vmem>>) offsets(%dma_start3A_55 : memref<128xi32, #tpu.memory_space<vmem>>) semaphore(%arg17 : memref<!tpu.dma_semaphore, #tpu.memory_space<semaphore_mem>>)
    %dma_start3A_58 = arith.constant 3 : i32
    %dma_start3A_59 = arith.constant 384 : i32
    %dma_start3A_60 = tpu.memref_slice %arg14[%dma_start3A_59] : memref<512xf32, #tpu.memory_space<vmem>> -> memref<128xf32, #tpu.memory_space<vmem>>
    %dma_start3A_61 = arith.constant 0 : i32
    %dma_start3A_62 = tpu.memref_slice %arg10[%dma_start3A_58, %dma_start3A_61] : memref<4x128xi32, #tpu.memory_space<vmem>> -> memref<1x128xi32, #tpu.memory_space<vmem>>
    %dma_start3A_63 = tpu.memref_squeeze %dma_start3A_62 : memref<1x128xi32, #tpu.memory_space<vmem>> -> memref<128xi32, #tpu.memory_space<vmem>>
    %dma_start3A_64 = arith.constant 0 : i32
    %dma_start3A_65 = tpu.memref_slice %arg7[%dma_start3A_64] : memref<1000000xf32, #tpu.memory_space<hbm>> -> memref<1000000xf32, #tpu.memory_space<hbm>>
    tpu.enqueue_indirect_dma source(%dma_start3A_65 : memref<1000000xf32, #tpu.memory_space<hbm>>) target(%dma_start3A_60 : memref<128xf32, #tpu.memory_space<vmem>>) offsets(%dma_start3A_63 : memref<128xi32, #tpu.memory_space<vmem>>) semaphore(%arg17 : memref<!tpu.dma_semaphore, #tpu.memory_space<semaphore_mem>>)
    %iota3A = tpu.iota {dimensions = array<i32: 0>} : vector<16xi32>
    %get3A = arith.constant 0 : i32
    %get3A_66 = arith.index_cast %get3A : i32 to index
    %get3A_67 = arith.constant 0 : index
    %get3A_68 = tpu.vector_load %arg9[%get3A_66, %get3A_67] {strides = array<i32>} : memref<4x128xi32, #tpu.memory_space<vmem>>, vector<16xi32>,
    %get3A_69 = arith.constant 0 : i32
    %get3A_70 = arith.index_cast %get3A_69 : i32 to index
    %get3A_71 = arith.constant 0 : index
    %get3A_72 = tpu.vector_load %arg10[%get3A_70, %get3A_71] {strides = array<i32>} : memref<4x128xi32, #tpu.memory_space<vmem>>, vector<16xi32>,
    %iota3A_73 = tpu.iota {dimensions = array<i32: 0>} : vector<16xi32>
    %eq3A = arith.constant 0 : i32
    %eq3A_74 = vector.broadcast %eq3A : i32 to vector<16xi32>
    %eq3A_75 = arith.cmpi eq, %iota3A_73, %eq3A_74 : vector<16xi32>
    %jit3A = arith.constant 0 : i32
    %broadcast_in_dim3A = vector.broadcast %jit3A : i32 to vector<16xi32>
    %select_n3A = arith.select %eq3A_75, %get3A_68, %broadcast_in_dim3A : vector<16xi1>, vector<16xi32>
    %reduce_sum3A = arith.constant true
    %reduce_sum3A_76 = vector.broadcast %reduce_sum3A : i1 to vector<16xi1>
    %reduce_sum3A_77 = tpu.scan <sum>, %select_n3A masked %reduce_sum3A_76 : vector<16xi32>, vector<16xi1> -> vector<16xi32>
    %reduce_sum3A_78 = vector.extract %reduce_sum3A_77[15] : i32 from vector<16xi32>
    %shift_right_arithmetic3A = arith.constant 7 : i32
    %shift_right_arithmetic3A_79 = arith.shrsi %reduce_sum3A_78, %shift_right_arithmetic3A : i32
    %mul3A_80 = arith.constant 128 : i32
    %mul3A_81 = arith.muli %shift_right_arithmetic3A_79, %mul3A_80 : i32
    %multiple_of3A = tpu.assume_multiple %mul3A_81, 128 : i32
    %and3A = arith.constant 127 : i32
    %and3A_82 = arith.andi %reduce_sum3A_78, %and3A : i32
    %iota3A_83 = tpu.iota {dimensions = array<i32: 0>} : vector<16xi32>
    %eq3A_84 = arith.constant 0 : i32
    %eq3A_85 = vector.broadcast %eq3A_84 : i32 to vector<16xi32>
    %eq3A_86 = arith.cmpi eq, %iota3A_83, %eq3A_85 : vector<16xi32>
    %jit3A_87 = arith.constant 0 : i32
    %broadcast_in_dim3A_88 = vector.broadcast %jit3A_87 : i32 to vector<16xi32>
    %select_n3A_89 = arith.select %eq3A_86, %get3A_72, %broadcast_in_dim3A_88 : vector<16xi1>, vector<16xi32>
    %reduce_sum3A_90 = arith.constant true
    %reduce_sum3A_91 = vector.broadcast %reduce_sum3A_90 : i1 to vector<16xi1>
    %reduce_sum3A_92 = tpu.scan <sum>, %select_n3A_89 masked %reduce_sum3A_91 : vector<16xi32>, vector<16xi1> -> vector<16xi32>
    %reduce_sum3A_93 = vector.extract %reduce_sum3A_92[15] : i32 from vector<16xi32>
    %shift_right_arithmetic3A_94 = arith.constant 7 : i32
    %shift_right_arithmetic3A_95 = arith.shrsi %reduce_sum3A_93, %shift_right_arithmetic3A_94 : i32
    %mul3A_96 = arith.constant 128 : i32
    %mul3A_97 = arith.muli %shift_right_arithmetic3A_95, %mul3A_96 : i32
    %multiple_of3A_98 = tpu.assume_multiple %mul3A_97, 128 : i32
    %and3A_99 = arith.constant 127 : i32
    %and3A_100 = arith.andi %reduce_sum3A_93, %and3A_99 : i32
    %dma_start3A_101 = arith.constant 0 : i32
    %dma_start3A_102 = arith.constant 0 : i32
    %dma_start3A_103 = arith.constant 0 : i32
    %dma_start3A_104 = tpu.memref_slice %arg11[%dma_start3A_101, %dma_start3A_102, %dma_start3A_103] : memref<4x64x128xf32, #tpu.memory_space<vmem>> -> memref<1x64x128xf32, #tpu.memory_space<vmem>>
    %dma_start3A_105 = tpu.memref_squeeze %dma_start3A_104 : memref<1x64x128xf32, #tpu.memory_space<vmem>> -> memref<64x128xf32, #tpu.memory_space<vmem>>
    %dma_start3A_106 = arith.constant 0 : i32
    %dma_start3A_107 = tpu.memref_slice %arg4[%dma_start3A_106, %multiple_of3A] : memref<64x1000000xf32, #tpu.memory_space<hbm>> -> memref<64x128xf32, #tpu.memory_space<hbm>>
    %dma_start3A_108 = arith.constant 0 : i32
    %dma_start3A_109 = arith.constant 0 : i32
    %dma_start3A_110 = tpu.memref_slice %arg11[%dma_start3A_101, %dma_start3A_108, %dma_start3A_109] : memref<4x64x128xf32, #tpu.memory_space<vmem>> -> memref<1x64x128xf32, #tpu.memory_space<vmem>>
    %dma_start3A_111 = tpu.memref_squeeze %dma_start3A_110 : memref<1x64x128xf32, #tpu.memory_space<vmem>> -> memref<64x128xf32, #tpu.memory_space<vmem>>
    %dma_start3A_112 = arith.constant 0 : i32
    %dma_start3A_113 = tpu.memref_slice %arg4[%dma_start3A_112, %multiple_of3A] : memref<64x1000000xf32, #tpu.memory_space<hbm>> -> memref<64x128xf32, #tpu.memory_space<hbm>>
    tpu.enqueue_dma source(%dma_start3A_113 : memref<64x128xf32, #tpu.memory_space<hbm>>) target(%dma_start3A_111 : memref<64x128xf32, #tpu.memory_space<vmem>>) target_semaphore(%arg16 : memref<!tpu.dma_semaphore, #tpu.memory_space<semaphore_mem>>)
    %dma_start3A_114 = arith.constant 0 : i32
    %dma_start3A_115 = arith.constant 0 : i32
    %dma_start3A_116 = arith.constant 0 : i32
    %dma_start3A_117 = tpu.memref_slice %arg12[%dma_start3A_114, %dma_start3A_115, %dma_start3A_116] : memref<4x64x128xf32, #tpu.memory_space<vmem>> -> memref<1x64x128xf32, #tpu.memory_space<vmem>>
    %dma_start3A_118 = tpu.memref_squeeze %dma_start3A_117 : memref<1x64x128xf32, #tpu.memory_space<vmem>> -> memref<64x128xf32, #tpu.memory_space<vmem>>
    %dma_start3A_119 = arith.constant 0 : i32
    %dma_start3A_120 = tpu.memref_slice %arg5[%dma_start3A_119, %multiple_of3A_98] : memref<64x1000000xf32, #tpu.memory_space<hbm>> -> memref<64x128xf32, #tpu.memory_space<hbm>>
    %dma_start3A_121 = arith.constant 0 : i32
    %dma_start3A_122 = arith.constant 0 : i32
    %dma_start3A_123 = tpu.memref_slice %arg12[%dma_start3A_114, %dma_start3A_121, %dma_start3A_122] : memref<4x64x128xf32, #tpu.memory_space<vmem>> -> memref<1x64x128xf32, #tpu.memory_space<vmem>>
    %dma_start3A_124 = tpu.memref_squeeze %dma_start3A_123 : memref<1x64x128xf32, #tpu.memory_space<vmem>> -> memref<64x128xf32, #tpu.memory_space<vmem>>
    %dma_start3A_125 = arith.constant 0 : i32
    %dma_start3A_126 = tpu.memref_slice %arg5[%dma_start3A_125, %multiple_of3A_98] : memref<64x1000000xf32, #tpu.memory_space<hbm>> -> memref<64x128xf32, #tpu.memory_space<hbm>>
    tpu.enqueue_dma source(%dma_start3A_126 : memref<64x128xf32, #tpu.memory_space<hbm>>) target(%dma_start3A_124 : memref<64x128xf32, #tpu.memory_space<vmem>>) target_semaphore(%arg16 : memref<!tpu.dma_semaphore, #tpu.memory_space<semaphore_mem>>)
    %iota3A_127 = tpu.iota {dimensions = array<i32: 0>} : vector<16xi32>
    %eq3A_128 = arith.constant 1 : i32
    %eq3A_129 = vector.broadcast %eq3A_128 : i32 to vector<16xi32>
    %eq3A_130 = arith.cmpi eq, %iota3A_127, %eq3A_129 : vector<16xi32>
    %jit3A_131 = arith.constant 0 : i32
    %broadcast_in_dim3A_132 = vector.broadcast %jit3A_131 : i32 to vector<16xi32>
    %select_n3A_133 = arith.select %eq3A_130, %get3A_68, %broadcast_in_dim3A_132 : vector<16xi1>, vector<16xi32>
    %reduce_sum3A_134 = arith.constant true
    %reduce_sum3A_135 = vector.broadcast %reduce_sum3A_134 : i1 to vector<16xi1>
    %reduce_sum3A_136 = tpu.scan <sum>, %select_n3A_133 masked %reduce_sum3A_135 : vector<16xi32>, vector<16xi1> -> vector<16xi32>
    %reduce_sum3A_137 = vector.extract %reduce_sum3A_136[15] : i32 from vector<16xi32>
    %shift_right_arithmetic3A_138 = arith.constant 7 : i32
    %shift_right_arithmetic3A_139 = arith.shrsi %reduce_sum3A_137, %shift_right_arithmetic3A_138 : i32
    %mul3A_140 = arith.constant 128 : i32
    %mul3A_141 = arith.muli %shift_right_arithmetic3A_139, %mul3A_140 : i32
    %multiple_of3A_142 = tpu.assume_multiple %mul3A_141, 128 : i32
    %and3A_143 = arith.constant 127 : i32
    %and3A_144 = arith.andi %reduce_sum3A_137, %and3A_143 : i32
    %iota3A_145 = tpu.iota {dimensions = array<i32: 0>} : vector<16xi32>
    %eq3A_146 = arith.constant 1 : i32
    %eq3A_147 = vector.broadcast %eq3A_146 : i32 to vector<16xi32>
    %eq3A_148 = arith.cmpi eq, %iota3A_145, %eq3A_147 : vector<16xi32>
    %jit3A_149 = arith.constant 0 : i32
    %broadcast_in_dim3A_150 = vector.broadcast %jit3A_149 : i32 to vector<16xi32>
    %select_n3A_151 = arith.select %eq3A_148, %get3A_72, %broadcast_in_dim3A_150 : vector<16xi1>, vector<16xi32>
    %reduce_sum3A_152 = arith.constant true
    %reduce_sum3A_153 = vector.broadcast %reduce_sum3A_152 : i1 to vector<16xi1>
    %reduce_sum3A_154 = tpu.scan <sum>, %select_n3A_151 masked %reduce_sum3A_153 : vector<16xi32>, vector<16xi1> -> vector<16xi32>
    %reduce_sum3A_155 = vector.extract %reduce_sum3A_154[15] : i32 from vector<16xi32>
    %shift_right_arithmetic3A_156 = arith.constant 7 : i32
    %shift_right_arithmetic3A_157 = arith.shrsi %reduce_sum3A_155, %shift_right_arithmetic3A_156 : i32
    %mul3A_158 = arith.constant 128 : i32
    %mul3A_159 = arith.muli %shift_right_arithmetic3A_157, %mul3A_158 : i32
    %multiple_of3A_160 = tpu.assume_multiple %mul3A_159, 128 : i32
    %and3A_161 = arith.constant 127 : i32
    %and3A_162 = arith.andi %reduce_sum3A_155, %and3A_161 : i32
    %dma_start3A_163 = arith.constant 1 : i32
    %dma_start3A_164 = arith.constant 0 : i32
    %dma_start3A_165 = arith.constant 0 : i32
    %dma_start3A_166 = tpu.memref_slice %arg11[%dma_start3A_163, %dma_start3A_164, %dma_start3A_165] : memref<4x64x128xf32, #tpu.memory_space<vmem>> -> memref<1x64x128xf32, #tpu.memory_space<vmem>>
    %dma_start3A_167 = tpu.memref_squeeze %dma_start3A_166 : memref<1x64x128xf32, #tpu.memory_space<vmem>> -> memref<64x128xf32, #tpu.memory_space<vmem>>
    %dma_start3A_168 = arith.constant 0 : i32
    %dma_start3A_169 = tpu.memref_slice %arg4[%dma_start3A_168, %multiple_of3A_142] : memref<64x1000000xf32, #tpu.memory_space<hbm>> -> memref<64x128xf32, #tpu.memory_space<hbm>>
    %dma_start3A_170 = arith.constant 0 : i32
    %dma_start3A_171 = arith.constant 0 : i32
    %dma_start3A_172 = tpu.memref_slice %arg11[%dma_start3A_163, %dma_start3A_170, %dma_start3A_171] : memref<4x64x128xf32, #tpu.memory_space<vmem>> -> memref<1x64x128xf32, #tpu.memory_space<vmem>>
    %dma_start3A_173 = tpu.memref_squeeze %dma_start3A_172 : memref<1x64x128xf32, #tpu.memory_space<vmem>> -> memref<64x128xf32, #tpu.memory_space<vmem>>
    %dma_start3A_174 = arith.constant 0 : i32
    %dma_start3A_175 = tpu.memref_slice %arg4[%dma_start3A_174, %multiple_of3A_142] : memref<64x1000000xf32, #tpu.memory_space<hbm>> -> memref<64x128xf32, #tpu.memory_space<hbm>>
    tpu.enqueue_dma source(%dma_start3A_175 : memref<64x128xf32, #tpu.memory_space<hbm>>) target(%dma_start3A_173 : memref<64x128xf32, #tpu.memory_space<vmem>>) target_semaphore(%arg16 : memref<!tpu.dma_semaphore, #tpu.memory_space<semaphore_mem>>)
    %dma_start3A_176 = arith.constant 1 : i32
    %dma_start3A_177 = arith.constant 0 : i32
    %dma_start3A_178 = arith.constant 0 : i32
    %dma_start3A_179 = tpu.memref_slice %arg12[%dma_start3A_176, %dma_start3A_177, %dma_start3A_178] : memref<4x64x128xf32, #tpu.memory_space<vmem>> -> memref<1x64x128xf32, #tpu.memory_space<vmem>>
    %dma_start3A_180 = tpu.memref_squeeze %dma_start3A_179 : memref<1x64x128xf32, #tpu.memory_space<vmem>> -> memref<64x128xf32, #tpu.memory_space<vmem>>
    %dma_start3A_181 = arith.constant 0 : i32
    %dma_start3A_182 = tpu.memref_slice %arg5[%dma_start3A_181, %multiple_of3A_160] : memref<64x1000000xf32, #tpu.memory_space<hbm>> -> memref<64x128xf32, #tpu.memory_space<hbm>>
    %dma_start3A_183 = arith.constant 0 : i32
    %dma_start3A_184 = arith.constant 0 : i32
    %dma_start3A_185 = tpu.memref_slice %arg12[%dma_start3A_176, %dma_start3A_183, %dma_start3A_184] : memref<4x64x128xf32, #tpu.memory_space<vmem>> -> memref<1x64x128xf32, #tpu.memory_space<vmem>>
    %dma_start3A_186 = tpu.memref_squeeze %dma_start3A_185 : memref<1x64x128xf32, #tpu.memory_space<vmem>> -> memref<64x128xf32, #tpu.memory_space<vmem>>
    %dma_start3A_187 = arith.constant 0 : i32
    %dma_start3A_188 = tpu.memref_slice %arg5[%dma_start3A_187, %multiple_of3A_160] : memref<64x1000000xf32, #tpu.memory_space<hbm>> -> memref<64x128xf32, #tpu.memory_space<hbm>>
    tpu.enqueue_dma source(%dma_start3A_188 : memref<64x128xf32, #tpu.memory_space<hbm>>) target(%dma_start3A_186 : memref<64x128xf32, #tpu.memory_space<vmem>>) target_semaphore(%arg16 : memref<!tpu.dma_semaphore, #tpu.memory_space<semaphore_mem>>)
    %iota3A_189 = tpu.iota {dimensions = array<i32: 0>} : vector<16xi32>
    %eq3A_190 = arith.constant 2 : i32
    %eq3A_191 = vector.broadcast %eq3A_190 : i32 to vector<16xi32>
    %eq3A_192 = arith.cmpi eq, %iota3A_189, %eq3A_191 : vector<16xi32>
    %jit3A_193 = arith.constant 0 : i32
    %broadcast_in_dim3A_194 = vector.broadcast %jit3A_193 : i32 to vector<16xi32>
    %select_n3A_195 = arith.select %eq3A_192, %get3A_68, %broadcast_in_dim3A_194 : vector<16xi1>, vector<16xi32>
    %reduce_sum3A_196 = arith.constant true
    %reduce_sum3A_197 = vector.broadcast %reduce_sum3A_196 : i1 to vector<16xi1>
    %reduce_sum3A_198 = tpu.scan <sum>, %select_n3A_195 masked %reduce_sum3A_197 : vector<16xi32>, vector<16xi1> -> vector<16xi32>
    %reduce_sum3A_199 = vector.extract %reduce_sum3A_198[15] : i32 from vector<16xi32>
    %shift_right_arithmetic3A_200 = arith.constant 7 : i32
    %shift_right_arithmetic3A_201 = arith.shrsi %reduce_sum3A_199, %shift_right_arithmetic3A_200 : i32
    %mul3A_202 = arith.constant 128 : i32
    %mul3A_203 = arith.muli %shift_right_arithmetic3A_201, %mul3A_202 : i32
    %multiple_of3A_204 = tpu.assume_multiple %mul3A_203, 128 : i32
    %and3A_205 = arith.constant 127 : i32
    %and3A_206 = arith.andi %reduce_sum3A_199, %and3A_205 : i32
    %iota3A_207 = tpu.iota {dimensions = array<i32: 0>} : vector<16xi32>
    %eq3A_208 = arith.constant 2 : i32
    %eq3A_209 = vector.broadcast %eq3A_208 : i32 to vector<16xi32>
    %eq3A_210 = arith.cmpi eq, %iota3A_207, %eq3A_209 : vector<16xi32>
    %jit3A_211 = arith.constant 0 : i32
    %broadcast_in_dim3A_212 = vector.broadcast %jit3A_211 : i32 to vector<16xi32>
    %select_n3A_213 = arith.select %eq3A_210, %get3A_72, %broadcast_in_dim3A_212 : vector<16xi1>, vector<16xi32>
    %reduce_sum3A_214 = arith.constant true
    %reduce_sum3A_215 = vector.broadcast %reduce_sum3A_214 : i1 to vector<16xi1>
    %reduce_sum3A_216 = tpu.scan <sum>, %select_n3A_213 masked %reduce_sum3A_215 : vector<16xi32>, vector<16xi1> -> vector<16xi32>
    %reduce_sum3A_217 = vector.extract %reduce_sum3A_216[15] : i32 from vector<16xi32>
    %shift_right_arithmetic3A_218 = arith.constant 7 : i32
    %shift_right_arithmetic3A_219 = arith.shrsi %reduce_sum3A_217, %shift_right_arithmetic3A_218 : i32
    %mul3A_220 = arith.constant 128 : i32
    %mul3A_221 = arith.muli %shift_right_arithmetic3A_219, %mul3A_220 : i32
    %multiple_of3A_222 = tpu.assume_multiple %mul3A_221, 128 : i32
    %and3A_223 = arith.constant 127 : i32
    %and3A_224 = arith.andi %reduce_sum3A_217, %and3A_223 : i32
    %dma_start3A_225 = arith.constant 2 : i32
    %dma_start3A_226 = arith.constant 0 : i32
    %dma_start3A_227 = arith.constant 0 : i32
    %dma_start3A_228 = tpu.memref_slice %arg11[%dma_start3A_225, %dma_start3A_226, %dma_start3A_227] : memref<4x64x128xf32, #tpu.memory_space<vmem>> -> memref<1x64x128xf32, #tpu.memory_space<vmem>>
    %dma_start3A_229 = tpu.memref_squeeze %dma_start3A_228 : memref<1x64x128xf32, #tpu.memory_space<vmem>> -> memref<64x128xf32, #tpu.memory_space<vmem>>
    %dma_start3A_230 = arith.constant 0 : i32
    %dma_start3A_231 = tpu.memref_slice %arg4[%dma_start3A_230, %multiple_of3A_204] : memref<64x1000000xf32, #tpu.memory_space<hbm>> -> memref<64x128xf32, #tpu.memory_space<hbm>>
    %dma_start3A_232 = arith.constant 0 : i32
    %dma_start3A_233 = arith.constant 0 : i32
    %dma_start3A_234 = tpu.memref_slice %arg11[%dma_start3A_225, %dma_start3A_232, %dma_start3A_233] : memref<4x64x128xf32, #tpu.memory_space<vmem>> -> memref<1x64x128xf32, #tpu.memory_space<vmem>>
    %dma_start3A_235 = tpu.memref_squeeze %dma_start3A_234 : memref<1x64x128xf32, #tpu.memory_space<vmem>> -> memref<64x128xf32, #tpu.memory_space<vmem>>
    %dma_start3A_236 = arith.constant 0 : i32
    %dma_start3A_237 = tpu.memref_slice %arg4[%dma_start3A_236, %multiple_of3A_204] : memref<64x1000000xf32, #tpu.memory_space<hbm>> -> memref<64x128xf32, #tpu.memory_space<hbm>>
    tpu.enqueue_dma source(%dma_start3A_237 : memref<64x128xf32, #tpu.memory_space<hbm>>) target(%dma_start3A_235 : memref<64x128xf32, #tpu.memory_space<vmem>>) target_semaphore(%arg16 : memref<!tpu.dma_semaphore, #tpu.memory_space<semaphore_mem>>)
    %dma_start3A_238 = arith.constant 2 : i32
    %dma_start3A_239 = arith.constant 0 : i32
    %dma_start3A_240 = arith.constant 0 : i32
    %dma_start3A_241 = tpu.memref_slice %arg12[%dma_start3A_238, %dma_start3A_239, %dma_start3A_240] : memref<4x64x128xf32, #tpu.memory_space<vmem>> -> memref<1x64x128xf32, #tpu.memory_space<vmem>>
    %dma_start3A_242 = tpu.memref_squeeze %dma_start3A_241 : memref<1x64x128xf32, #tpu.memory_space<vmem>> -> memref<64x128xf32, #tpu.memory_space<vmem>>
    %dma_start3A_243 = arith.constant 0 : i32
    %dma_start3A_244 = tpu.memref_slice %arg5[%dma_start3A_243, %multiple_of3A_222] : memref<64x1000000xf32, #tpu.memory_space<hbm>> -> memref<64x128xf32, #tpu.memory_space<hbm>>
    %dma_start3A_245 = arith.constant 0 : i32
    %dma_start3A_246 = arith.constant 0 : i32
    %dma_start3A_247 = tpu.memref_slice %arg12[%dma_start3A_238, %dma_start3A_245, %dma_start3A_246] : memref<4x64x128xf32, #tpu.memory_space<vmem>> -> memref<1x64x128xf32, #tpu.memory_space<vmem>>
    %dma_start3A_248 = tpu.memref_squeeze %dma_start3A_247 : memref<1x64x128xf32, #tpu.memory_space<vmem>> -> memref<64x128xf32, #tpu.memory_space<vmem>>
    %dma_start3A_249 = arith.constant 0 : i32
    %dma_start3A_250 = tpu.memref_slice %arg5[%dma_start3A_249, %multiple_of3A_222] : memref<64x1000000xf32, #tpu.memory_space<hbm>> -> memref<64x128xf32, #tpu.memory_space<hbm>>
    tpu.enqueue_dma source(%dma_start3A_250 : memref<64x128xf32, #tpu.memory_space<hbm>>) target(%dma_start3A_248 : memref<64x128xf32, #tpu.memory_space<vmem>>) target_semaphore(%arg16 : memref<!tpu.dma_semaphore, #tpu.memory_space<semaphore_mem>>)
    %iota3A_251 = tpu.iota {dimensions = array<i32: 0>} : vector<16xi32>
    %eq3A_252 = arith.constant 3 : i32
    %eq3A_253 = vector.broadcast %eq3A_252 : i32 to vector<16xi32>
    %eq3A_254 = arith.cmpi eq, %iota3A_251, %eq3A_253 : vector<16xi32>
    %jit3A_255 = arith.constant 0 : i32
    %broadcast_in_dim3A_256 = vector.broadcast %jit3A_255 : i32 to vector<16xi32>
    %select_n3A_257 = arith.select %eq3A_254, %get3A_68, %broadcast_in_dim3A_256 : vector<16xi1>, vector<16xi32>
    %reduce_sum3A_258 = arith.constant true
    %reduce_sum3A_259 = vector.broadcast %reduce_sum3A_258 : i1 to vector<16xi1>
    %reduce_sum3A_260 = tpu.scan <sum>, %select_n3A_257 masked %reduce_sum3A_259 : vector<16xi32>, vector<16xi1> -> vector<16xi32>
    %reduce_sum3A_261 = vector.extract %reduce_sum3A_260[15] : i32 from vector<16xi32>
    %shift_right_arithmetic3A_262 = arith.constant 7 : i32
    %shift_right_arithmetic3A_263 = arith.shrsi %reduce_sum3A_261, %shift_right_arithmetic3A_262 : i32
    %mul3A_264 = arith.constant 128 : i32
    %mul3A_265 = arith.muli %shift_right_arithmetic3A_263, %mul3A_264 : i32
    %multiple_of3A_266 = tpu.assume_multiple %mul3A_265, 128 : i32
    %and3A_267 = arith.constant 127 : i32
    %and3A_268 = arith.andi %reduce_sum3A_261, %and3A_267 : i32
    %iota3A_269 = tpu.iota {dimensions = array<i32: 0>} : vector<16xi32>
    %eq3A_270 = arith.constant 3 : i32
    %eq3A_271 = vector.broadcast %eq3A_270 : i32 to vector<16xi32>
    %eq3A_272 = arith.cmpi eq, %iota3A_269, %eq3A_271 : vector<16xi32>
    %jit3A_273 = arith.constant 0 : i32
    %broadcast_in_dim3A_274 = vector.broadcast %jit3A_273 : i32 to vector<16xi32>
    %select_n3A_275 = arith.select %eq3A_272, %get3A_72, %broadcast_in_dim3A_274 : vector<16xi1>, vector<16xi32>
    %reduce_sum3A_276 = arith.constant true
    %reduce_sum3A_277 = vector.broadcast %reduce_sum3A_276 : i1 to vector<16xi1>
    %reduce_sum3A_278 = tpu.scan <sum>, %select_n3A_275 masked %reduce_sum3A_277 : vector<16xi32>, vector<16xi1> -> vector<16xi32>
    %reduce_sum3A_279 = vector.extract %reduce_sum3A_278[15] : i32 from vector<16xi32>
    %shift_right_arithmetic3A_280 = arith.constant 7 : i32
    %shift_right_arithmetic3A_281 = arith.shrsi %reduce_sum3A_279, %shift_right_arithmetic3A_280 : i32
    %mul3A_282 = arith.constant 128 : i32
    %mul3A_283 = arith.muli %shift_right_arithmetic3A_281, %mul3A_282 : i32
    %multiple_of3A_284 = tpu.assume_multiple %mul3A_283, 128 : i32
    %and3A_285 = arith.constant 127 : i32
    %and3A_286 = arith.andi %reduce_sum3A_279, %and3A_285 : i32
    %dma_start3A_287 = arith.constant 3 : i32
    %dma_start3A_288 = arith.constant 0 : i32
    %dma_start3A_289 = arith.constant 0 : i32
    %dma_start3A_290 = tpu.memref_slice %arg11[%dma_start3A_287, %dma_start3A_288, %dma_start3A_289] : memref<4x64x128xf32, #tpu.memory_space<vmem>> -> memref<1x64x128xf32, #tpu.memory_space<vmem>>
    %dma_start3A_291 = tpu.memref_squeeze %dma_start3A_290 : memref<1x64x128xf32, #tpu.memory_space<vmem>> -> memref<64x128xf32, #tpu.memory_space<vmem>>
    %dma_start3A_292 = arith.constant 0 : i32
    %dma_start3A_293 = tpu.memref_slice %arg4[%dma_start3A_292, %multiple_of3A_266] : memref<64x1000000xf32, #tpu.memory_space<hbm>> -> memref<64x128xf32, #tpu.memory_space<hbm>>
    %dma_start3A_294 = arith.constant 0 : i32
    %dma_start3A_295 = arith.constant 0 : i32
    %dma_start3A_296 = tpu.memref_slice %arg11[%dma_start3A_287, %dma_start3A_294, %dma_start3A_295] : memref<4x64x128xf32, #tpu.memory_space<vmem>> -> memref<1x64x128xf32, #tpu.memory_space<vmem>>
    %dma_start3A_297 = tpu.memref_squeeze %dma_start3A_296 : memref<1x64x128xf32, #tpu.memory_space<vmem>> -> memref<64x128xf32, #tpu.memory_space<vmem>>
    %dma_start3A_298 = arith.constant 0 : i32
    %dma_start3A_299 = tpu.memref_slice %arg4[%dma_start3A_298, %multiple_of3A_266] : memref<64x1000000xf32, #tpu.memory_space<hbm>> -> memref<64x128xf32, #tpu.memory_space<hbm>>
    tpu.enqueue_dma source(%dma_start3A_299 : memref<64x128xf32, #tpu.memory_space<hbm>>) target(%dma_start3A_297 : memref<64x128xf32, #tpu.memory_space<vmem>>) target_semaphore(%arg16 : memref<!tpu.dma_semaphore, #tpu.memory_space<semaphore_mem>>)
    %dma_start3A_300 = arith.constant 3 : i32
    %dma_start3A_301 = arith.constant 0 : i32
    %dma_start3A_302 = arith.constant 0 : i32
    %dma_start3A_303 = tpu.memref_slice %arg12[%dma_start3A_300, %dma_start3A_301, %dma_start3A_302] : memref<4x64x128xf32, #tpu.memory_space<vmem>> -> memref<1x64x128xf32, #tpu.memory_space<vmem>>
    %dma_start3A_304 = tpu.memref_squeeze %dma_start3A_303 : memref<1x64x128xf32, #tpu.memory_space<vmem>> -> memref<64x128xf32, #tpu.memory_space<vmem>>
    %dma_start3A_305 = arith.constant 0 : i32
    %dma_start3A_306 = tpu.memref_slice %arg5[%dma_start3A_305, %multiple_of3A_284] : memref<64x1000000xf32, #tpu.memory_space<hbm>> -> memref<64x128xf32, #tpu.memory_space<hbm>>
    %dma_start3A_307 = arith.constant 0 : i32
    %dma_start3A_308 = arith.constant 0 : i32
    %dma_start3A_309 = tpu.memref_slice %arg12[%dma_start3A_300, %dma_start3A_307, %dma_start3A_308] : memref<4x64x128xf32, #tpu.memory_space<vmem>> -> memref<1x64x128xf32, #tpu.memory_space<vmem>>
    %dma_start3A_310 = tpu.memref_squeeze %dma_start3A_309 : memref<1x64x128xf32, #tpu.memory_space<vmem>> -> memref<64x128xf32, #tpu.memory_space<vmem>>
    %dma_start3A_311 = arith.constant 0 : i32
    %dma_start3A_312 = tpu.memref_slice %arg5[%dma_start3A_311, %multiple_of3A_284] : memref<64x1000000xf32, #tpu.memory_space<hbm>> -> memref<64x128xf32, #tpu.memory_space<hbm>>
    tpu.enqueue_dma source(%dma_start3A_312 : memref<64x128xf32, #tpu.memory_space<hbm>>) target(%dma_start3A_310 : memref<64x128xf32, #tpu.memory_space<vmem>>) target_semaphore(%arg16 : memref<!tpu.dma_semaphore, #tpu.memory_space<semaphore_mem>>)
    %dma_wait3A = arith.constant 0 : i32
    %dma_wait3A_313 = arith.constant 0 : i32
    %dma_wait3A_314 = tpu.memref_slice %arg13[%dma_wait3A_313] : memref<512xf32, #tpu.memory_space<vmem>> -> memref<128xf32, #tpu.memory_space<vmem>>
    %dma_wait3A_315 = arith.constant 0 : i32
    %dma_wait3A_316 = tpu.memref_slice %arg9[%dma_wait3A, %dma_wait3A_315] : memref<4x128xi32, #tpu.memory_space<vmem>> -> memref<1x128xi32, #tpu.memory_space<vmem>>
    %dma_wait3A_317 = tpu.memref_squeeze %dma_wait3A_316 : memref<1x128xi32, #tpu.memory_space<vmem>> -> memref<128xi32, #tpu.memory_space<vmem>>
    %dma_wait3A_318 = arith.constant 0 : i32
    %dma_wait3A_319 = tpu.memref_slice %arg6[%dma_wait3A_318] : memref<1000000xf32, #tpu.memory_space<hbm>> -> memref<1000000xf32, #tpu.memory_space<hbm>>
    tpu.wait_indirect_dma semaphore(%arg17 : memref<!tpu.dma_semaphore, #tpu.memory_space<semaphore_mem>>) src(%dma_wait3A_319 : memref<1000000xf32, #tpu.memory_space<hbm>>) dst(%dma_wait3A_314 : memref<128xf32, #tpu.memory_space<vmem>>)
    %dma_wait3A_320 = arith.constant 0 : i32
    %dma_wait3A_321 = arith.constant 0 : i32
    %dma_wait3A_322 = tpu.memref_slice %arg14[%dma_wait3A_321] : memref<512xf32, #tpu.memory_space<vmem>> -> memref<128xf32, #tpu.memory_space<vmem>>
    %dma_wait3A_323 = arith.constant 0 : i32
    %dma_wait3A_324 = tpu.memref_slice %arg10[%dma_wait3A_320, %dma_wait3A_323] : memref<4x128xi32, #tpu.memory_space<vmem>> -> memref<1x128xi32, #tpu.memory_space<vmem>>
    %dma_wait3A_325 = tpu.memref_squeeze %dma_wait3A_324 : memref<1x128xi32, #tpu.memory_space<vmem>> -> memref<128xi32, #tpu.memory_space<vmem>>
    %dma_wait3A_326 = arith.constant 0 : i32
    %dma_wait3A_327 = tpu.memref_slice %arg7[%dma_wait3A_326] : memref<1000000xf32, #tpu.memory_space<hbm>> -> memref<1000000xf32, #tpu.memory_space<hbm>>
    tpu.wait_indirect_dma semaphore(%arg17 : memref<!tpu.dma_semaphore, #tpu.memory_space<semaphore_mem>>) src(%dma_wait3A_327 : memref<1000000xf32, #tpu.memory_space<hbm>>) dst(%dma_wait3A_322 : memref<128xf32, #tpu.memory_space<vmem>>)
    %dma_wait3A_328 = arith.constant 1 : i32
    %dma_wait3A_329 = arith.constant 128 : i32
    %dma_wait3A_330 = tpu.memref_slice %arg13[%dma_wait3A_329] : memref<512xf32, #tpu.memory_space<vmem>> -> memref<128xf32, #tpu.memory_space<vmem>>
    %dma_wait3A_331 = arith.constant 0 : i32
    %dma_wait3A_332 = tpu.memref_slice %arg9[%dma_wait3A_328, %dma_wait3A_331] : memref<4x128xi32, #tpu.memory_space<vmem>> -> memref<1x128xi32, #tpu.memory_space<vmem>>
    %dma_wait3A_333 = tpu.memref_squeeze %dma_wait3A_332 : memref<1x128xi32, #tpu.memory_space<vmem>> -> memref<128xi32, #tpu.memory_space<vmem>>
    %dma_wait3A_334 = arith.constant 0 : i32
    %dma_wait3A_335 = tpu.memref_slice %arg6[%dma_wait3A_334] : memref<1000000xf32, #tpu.memory_space<hbm>> -> memref<1000000xf32, #tpu.memory_space<hbm>>
    tpu.wait_indirect_dma semaphore(%arg17 : memref<!tpu.dma_semaphore, #tpu.memory_space<semaphore_mem>>) src(%dma_wait3A_335 : memref<1000000xf32, #tpu.memory_space<hbm>>) dst(%dma_wait3A_330 : memref<128xf32, #tpu.memory_space<vmem>>)
    %dma_wait3A_336 = arith.constant 1 : i32
    %dma_wait3A_337 = arith.constant 128 : i32
    %dma_wait3A_338 = tpu.memref_slice %arg14[%dma_wait3A_337] : memref<512xf32, #tpu.memory_space<vmem>> -> memref<128xf32, #tpu.memory_space<vmem>>
    %dma_wait3A_339 = arith.constant 0 : i32
    %dma_wait3A_340 = tpu.memref_slice %arg10[%dma_wait3A_336, %dma_wait3A_339] : memref<4x128xi32, #tpu.memory_space<vmem>> -> memref<1x128xi32, #tpu.memory_space<vmem>>
    %dma_wait3A_341 = tpu.memref_squeeze %dma_wait3A_340 : memref<1x128xi32, #tpu.memory_space<vmem>> -> memref<128xi32, #tpu.memory_space<vmem>>
    %dma_wait3A_342 = arith.constant 0 : i32
    %dma_wait3A_343 = tpu.memref_slice %arg7[%dma_wait3A_342] : memref<1000000xf32, #tpu.memory_space<hbm>> -> memref<1000000xf32, #tpu.memory_space<hbm>>
    tpu.wait_indirect_dma semaphore(%arg17 : memref<!tpu.dma_semaphore, #tpu.memory_space<semaphore_mem>>) src(%dma_wait3A_343 : memref<1000000xf32, #tpu.memory_space<hbm>>) dst(%dma_wait3A_338 : memref<128xf32, #tpu.memory_space<vmem>>)
    %dma_wait3A_344 = arith.constant 2 : i32
    %dma_wait3A_345 = arith.constant 256 : i32
    %dma_wait3A_346 = tpu.memref_slice %arg13[%dma_wait3A_345] : memref<512xf32, #tpu.memory_space<vmem>> -> memref<128xf32, #tpu.memory_space<vmem>>
    %dma_wait3A_347 = arith.constant 0 : i32
    %dma_wait3A_348 = tpu.memref_slice %arg9[%dma_wait3A_344, %dma_wait3A_347] : memref<4x128xi32, #tpu.memory_space<vmem>> -> memref<1x128xi32, #tpu.memory_space<vmem>>
    %dma_wait3A_349 = tpu.memref_squeeze %dma_wait3A_348 : memref<1x128xi32, #tpu.memory_space<vmem>> -> memref<128xi32, #tpu.memory_space<vmem>>
    %dma_wait3A_350 = arith.constant 0 : i32
    %dma_wait3A_351 = tpu.memref_slice %arg6[%dma_wait3A_350] : memref<1000000xf32, #tpu.memory_space<hbm>> -> memref<1000000xf32, #tpu.memory_space<hbm>>
    tpu.wait_indirect_dma semaphore(%arg17 : memref<!tpu.dma_semaphore, #tpu.memory_space<semaphore_mem>>) src(%dma_wait3A_351 : memref<1000000xf32, #tpu.memory_space<hbm>>) dst(%dma_wait3A_346 : memref<128xf32, #tpu.memory_space<vmem>>)
    %dma_wait3A_352 = arith.constant 2 : i32
    %dma_wait3A_353 = arith.constant 256 : i32
    %dma_wait3A_354 = tpu.memref_slice %arg14[%dma_wait3A_353] : memref<512xf32, #tpu.memory_space<vmem>> -> memref<128xf32, #tpu.memory_space<vmem>>
    %dma_wait3A_355 = arith.constant 0 : i32
    %dma_wait3A_356 = tpu.memref_slice %arg10[%dma_wait3A_352, %dma_wait3A_355] : memref<4x128xi32, #tpu.memory_space<vmem>> -> memref<1x128xi32, #tpu.memory_space<vmem>>
    %dma_wait3A_357 = tpu.memref_squeeze %dma_wait3A_356 : memref<1x128xi32, #tpu.memory_space<vmem>> -> memref<128xi32, #tpu.memory_space<vmem>>
    %dma_wait3A_358 = arith.constant 0 : i32
    %dma_wait3A_359 = tpu.memref_slice %arg7[%dma_wait3A_358] : memref<1000000xf32, #tpu.memory_space<hbm>> -> memref<1000000xf32, #tpu.memory_space<hbm>>
    tpu.wait_indirect_dma semaphore(%arg17 : memref<!tpu.dma_semaphore, #tpu.memory_space<semaphore_mem>>) src(%dma_wait3A_359 : memref<1000000xf32, #tpu.memory_space<hbm>>) dst(%dma_wait3A_354 : memref<128xf32, #tpu.memory_space<vmem>>)
    %dma_wait3A_360 = arith.constant 3 : i32
    %dma_wait3A_361 = arith.constant 384 : i32
    %dma_wait3A_362 = tpu.memref_slice %arg13[%dma_wait3A_361] : memref<512xf32, #tpu.memory_space<vmem>> -> memref<128xf32, #tpu.memory_space<vmem>>
    %dma_wait3A_363 = arith.constant 0 : i32
    %dma_wait3A_364 = tpu.memref_slice %arg9[%dma_wait3A_360, %dma_wait3A_363] : memref<4x128xi32, #tpu.memory_space<vmem>> -> memref<1x128xi32, #tpu.memory_space<vmem>>
    %dma_wait3A_365 = tpu.memref_squeeze %dma_wait3A_364 : memref<1x128xi32, #tpu.memory_space<vmem>> -> memref<128xi32, #tpu.memory_space<vmem>>
    %dma_wait3A_366 = arith.constant 0 : i32
    %dma_wait3A_367 = tpu.memref_slice %arg6[%dma_wait3A_366] : memref<1000000xf32, #tpu.memory_space<hbm>> -> memref<1000000xf32, #tpu.memory_space<hbm>>
    tpu.wait_indirect_dma semaphore(%arg17 : memref<!tpu.dma_semaphore, #tpu.memory_space<semaphore_mem>>) src(%dma_wait3A_367 : memref<1000000xf32, #tpu.memory_space<hbm>>) dst(%dma_wait3A_362 : memref<128xf32, #tpu.memory_space<vmem>>)
    %dma_wait3A_368 = arith.constant 3 : i32
    %dma_wait3A_369 = arith.constant 384 : i32
    %dma_wait3A_370 = tpu.memref_slice %arg14[%dma_wait3A_369] : memref<512xf32, #tpu.memory_space<vmem>> -> memref<128xf32, #tpu.memory_space<vmem>>
    %dma_wait3A_371 = arith.constant 0 : i32
    %dma_wait3A_372 = tpu.memref_slice %arg10[%dma_wait3A_368, %dma_wait3A_371] : memref<4x128xi32, #tpu.memory_space<vmem>> -> memref<1x128xi32, #tpu.memory_space<vmem>>
    %dma_wait3A_373 = tpu.memref_squeeze %dma_wait3A_372 : memref<1x128xi32, #tpu.memory_space<vmem>> -> memref<128xi32, #tpu.memory_space<vmem>>
    %dma_wait3A_374 = arith.constant 0 : i32
    %dma_wait3A_375 = tpu.memref_slice %arg7[%dma_wait3A_374] : memref<1000000xf32, #tpu.memory_space<hbm>> -> memref<1000000xf32, #tpu.memory_space<hbm>>
    tpu.wait_indirect_dma semaphore(%arg17 : memref<!tpu.dma_semaphore, #tpu.memory_space<semaphore_mem>>) src(%dma_wait3A_375 : memref<1000000xf32, #tpu.memory_space<hbm>>) dst(%dma_wait3A_370 : memref<128xf32, #tpu.memory_space<vmem>>)
    %scan3A = arith.constant 0 : i32
    %scan3A_376 = arith.constant 32 : i32
    %scan3A_377 = arith.addi %scan3A, %scan3A_376 : i32
    %scan3A_378 = arith.constant 1 : i32
    scf.for %scan3A_500 = %scan3A to %scan3A_377 step %scan3A_378  : i32 {
      %jit3A_501 = arith.constant 8 : i32
      %div3A = arith.divsi %scan3A_500, %jit3A_501 : i32
      %sign3A = arith.constant 0 : i32
      %sign3A_502 = arith.cmpi sgt, %scan3A_500, %sign3A : i32
      %sign3A_503 = arith.extui %sign3A_502 : i1 to i32
      %sign3A_504 = arith.constant 0 : i32
      %sign3A_505 = arith.cmpi slt, %scan3A_500, %sign3A_504 : i32
      %sign3A_506 = arith.extui %sign3A_505 : i1 to i32
      %sign3A_507 = arith.subi %sign3A_503, %sign3A_506 : i32
      %sign3A_508 = arith.constant 0 : i32
      %sign3A_509 = arith.cmpi sgt, %jit3A_501, %sign3A_508 : i32
      %sign3A_510 = arith.extui %sign3A_509 : i1 to i32
      %sign3A_511 = arith.constant 0 : i32
      %sign3A_512 = arith.cmpi slt, %jit3A_501, %sign3A_511 : i32
      %sign3A_513 = arith.extui %sign3A_512 : i1 to i32
      %sign3A_514 = arith.subi %sign3A_510, %sign3A_513 : i32
      %ne3A = arith.cmpi ne, %sign3A_507, %sign3A_514 : i32
      %rem3A = arith.remsi %scan3A_500, %jit3A_501 : i32
      %ne3A_515 = arith.constant 0 : i32
      %ne3A_516 = arith.cmpi ne, %rem3A, %ne3A_515 : i32
      %and3A_517 = arith.andi %ne3A, %ne3A_516 : i1
      %sub3A = arith.constant 1 : i32
      %sub3A_518 = arith.subi %div3A, %sub3A : i32
      %select_n3A_519 = arith.select %and3A_517, %sub3A_518, %div3A : i32
      %jit3A_520 = arith.constant 8 : i32
      %eq3A_521 = arith.constant 0 : i32
      %eq3A_522 = arith.cmpi eq, %jit3A_520, %eq3A_521 : i32
      %jit3A_523 = arith.constant 1 : i32
      %select_n3A_524 = arith.select %eq3A_522, %jit3A_523, %jit3A_520 : i32
      %rem3A_525 = arith.remsi %scan3A_500, %select_n3A_524 : i32
      %ne3A_526 = arith.constant 0 : i32
      %ne3A_527 = arith.cmpi ne, %rem3A_525, %ne3A_526 : i32
      %lt3A = arith.constant 0 : i32
      %lt3A_528 = arith.cmpi slt, %rem3A_525, %lt3A : i32
      %lt3A_529 = arith.constant 0 : i32
      %lt3A_530 = arith.cmpi slt, %select_n3A_524, %lt3A_529 : i32
      %ne3A_531 = arith.xori %lt3A_528, %lt3A_530 : i1
      %and3A_532 = arith.andi %ne3A_531, %ne3A_527 : i1
      %add3A_533 = arith.addi %rem3A_525, %select_n3A_524 : i32
      %select_n3A_534 = arith.select %and3A_532, %add3A_533, %rem3A_525 : i32
      %mul3A_535 = arith.constant 16 : i32
      %mul3A_536 = arith.muli %select_n3A_534, %mul3A_535 : i32
      %get3A_537 = arith.index_cast %select_n3A_519 : i32 to index
      %get3A_538 = arith.index_cast %mul3A_536 : i32 to index
      %get3A_539 = tpu.vector_load %arg9[%get3A_537, %get3A_538] {strides = array<i32>} : memref<4x128xi32, #tpu.memory_space<vmem>>, vector<16xi32>,
      %get3A_540 = arith.index_cast %select_n3A_519 : i32 to index
      %get3A_541 = arith.index_cast %mul3A_536 : i32 to index
      %get3A_542 = tpu.vector_load %arg10[%get3A_540, %get3A_541] {strides = array<i32>} : memref<4x128xi32, #tpu.memory_space<vmem>>, vector<16xi32>,
      %add3A_543 = arith.constant 1 : i32
      %add3A_544 = arith.addi %scan3A_500, %add3A_543 : i32
      %min3A = arith.constant 31 : i32
      %min3A_545 = arith.minsi %add3A_544, %min3A : i32
      %jit3A_546 = arith.constant 8 : i32
      %div3A_547 = arith.divsi %min3A_545, %jit3A_546 : i32
      %sign3A_548 = arith.constant 0 : i32
      %sign3A_549 = arith.cmpi sgt, %min3A_545, %sign3A_548 : i32
      %sign3A_550 = arith.extui %sign3A_549 : i1 to i32
      %sign3A_551 = arith.constant 0 : i32
      %sign3A_552 = arith.cmpi slt, %min3A_545, %sign3A_551 : i32
      %sign3A_553 = arith.extui %sign3A_552 : i1 to i32
      %sign3A_554 = arith.subi %sign3A_550, %sign3A_553 : i32
      %sign3A_555 = arith.constant 0 : i32
      %sign3A_556 = arith.cmpi sgt, %jit3A_546, %sign3A_555 : i32
      %sign3A_557 = arith.extui %sign3A_556 : i1 to i32
      %sign3A_558 = arith.constant 0 : i32
      %sign3A_559 = arith.cmpi slt, %jit3A_546, %sign3A_558 : i32
      %sign3A_560 = arith.extui %sign3A_559 : i1 to i32
      %sign3A_561 = arith.subi %sign3A_557, %sign3A_560 : i32
      %ne3A_562 = arith.cmpi ne, %sign3A_554, %sign3A_561 : i32
      %rem3A_563 = arith.remsi %min3A_545, %jit3A_546 : i32
      %ne3A_564 = arith.constant 0 : i32
      %ne3A_565 = arith.cmpi ne, %rem3A_563, %ne3A_564 : i32
      %and3A_566 = arith.andi %ne3A_562, %ne3A_565 : i1
      %sub3A_567 = arith.constant 1 : i32
      %sub3A_568 = arith.subi %div3A_547, %sub3A_567 : i32
      %select_n3A_569 = arith.select %and3A_566, %sub3A_568, %div3A_547 : i32
      %jit3A_570 = arith.constant 8 : i32
      %eq3A_571 = arith.constant 0 : i32
      %eq3A_572 = arith.cmpi eq, %jit3A_570, %eq3A_571 : i32
      %jit3A_573 = arith.constant 1 : i32
      %select_n3A_574 = arith.select %eq3A_572, %jit3A_573, %jit3A_570 : i32
      %rem3A_575 = arith.remsi %min3A_545, %select_n3A_574 : i32
      %ne3A_576 = arith.constant 0 : i32
      %ne3A_577 = arith.cmpi ne, %rem3A_575, %ne3A_576 : i32
      %lt3A_578 = arith.constant 0 : i32
      %lt3A_579 = arith.cmpi slt, %rem3A_575, %lt3A_578 : i32
      %lt3A_580 = arith.constant 0 : i32
      %lt3A_581 = arith.cmpi slt, %select_n3A_574, %lt3A_580 : i32
      %ne3A_582 = arith.xori %lt3A_579, %lt3A_581 : i1
      %and3A_583 = arith.andi %ne3A_582, %ne3A_577 : i1
      %add3A_584 = arith.addi %rem3A_575, %select_n3A_574 : i32
      %select_n3A_585 = arith.select %and3A_583, %add3A_584, %rem3A_575 : i32
      %mul3A_586 = arith.constant 16 : i32
      %mul3A_587 = arith.muli %select_n3A_585, %mul3A_586 : i32
      %get3A_588 = arith.index_cast %select_n3A_569 : i32 to index
      %get3A_589 = arith.index_cast %mul3A_587 : i32 to index
      %get3A_590 = tpu.vector_load %arg9[%get3A_588, %get3A_589] {strides = array<i32>} : memref<4x128xi32, #tpu.memory_space<vmem>>, vector<16xi32>,
      %get3A_591 = arith.index_cast %select_n3A_569 : i32 to index
      %get3A_592 = arith.index_cast %mul3A_587 : i32 to index
      %get3A_593 = tpu.vector_load %arg10[%get3A_591, %get3A_592] {strides = array<i32>} : memref<4x128xi32, #tpu.memory_space<vmem>>, vector<16xi32>,
      %mul3A_594 = arith.constant 16 : i32
      %mul3A_595 = arith.muli %scan3A_500, %mul3A_594 : i32
      %get3A_596 = arith.index_cast %mul3A_595 : i32 to index
      %get3A_597 = tpu.vector_load %arg13[%get3A_596] {strides = array<i32>} : memref<512xf32, #tpu.memory_space<vmem>>, vector<16xf32>,
      %mul3A_598 = arith.constant 16 : i32
      %mul3A_599 = arith.muli %scan3A_500, %mul3A_598 : i32
      %get3A_600 = arith.index_cast %mul3A_599 : i32 to index
      %get3A_601 = tpu.vector_load %arg14[%get3A_600] {strides = array<i32>} : memref<512xf32, #tpu.memory_space<vmem>>, vector<16xf32>,
      %add3A_602 = arith.addf %get3A_597, %get3A_601 : vector<16xf32>
      %iota3A_603 = tpu.iota {dimensions = array<i32: 0>} : vector<16xi32>
      %eq3A_604 = arith.constant 0 : i32
      %eq3A_605 = vector.broadcast %eq3A_604 : i32 to vector<16xi32>
      %eq3A_606 = arith.cmpi eq, %iota3A_603, %eq3A_605 : vector<16xi32>
      %jit3A_607 = arith.constant 0 : i32
      %broadcast_in_dim3A_608 = vector.broadcast %jit3A_607 : i32 to vector<16xi32>
      %select_n3A_609 = arith.select %eq3A_606, %get3A_539, %broadcast_in_dim3A_608 : vector<16xi1>, vector<16xi32>
      %reduce_sum3A_610 = arith.constant true
      %reduce_sum3A_611 = vector.broadcast %reduce_sum3A_610 : i1 to vector<16xi1>
      %reduce_sum3A_612 = tpu.scan <sum>, %select_n3A_609 masked %reduce_sum3A_611 : vector<16xi32>, vector<16xi1> -> vector<16xi32>
      %reduce_sum3A_613 = vector.extract %reduce_sum3A_612[15] : i32 from vector<16xi32>
      %shift_right_arithmetic3A_614 = arith.constant 7 : i32
      %shift_right_arithmetic3A_615 = arith.shrsi %reduce_sum3A_613, %shift_right_arithmetic3A_614 : i32
      %mul3A_616 = arith.constant 128 : i32
      %mul3A_617 = arith.muli %shift_right_arithmetic3A_615, %mul3A_616 : i32
      %multiple_of3A_618 = tpu.assume_multiple %mul3A_617, 128 : i32
      %and3A_619 = arith.constant 127 : i32
      %and3A_620 = arith.andi %reduce_sum3A_613, %and3A_619 : i32
      %iota3A_621 = tpu.iota {dimensions = array<i32: 0>} : vector<16xi32>
      %eq3A_622 = arith.constant 0 : i32
      %eq3A_623 = vector.broadcast %eq3A_622 : i32 to vector<16xi32>
      %eq3A_624 = arith.cmpi eq, %iota3A_621, %eq3A_623 : vector<16xi32>
      %jit3A_625 = arith.constant 0 : i32
      %broadcast_in_dim3A_626 = vector.broadcast %jit3A_625 : i32 to vector<16xi32>
      %select_n3A_627 = arith.select %eq3A_624, %get3A_542, %broadcast_in_dim3A_626 : vector<16xi1>, vector<16xi32>
      %reduce_sum3A_628 = arith.constant true
      %reduce_sum3A_629 = vector.broadcast %reduce_sum3A_628 : i1 to vector<16xi1>
      %reduce_sum3A_630 = tpu.scan <sum>, %select_n3A_627 masked %reduce_sum3A_629 : vector<16xi32>, vector<16xi1> -> vector<16xi32>
      %reduce_sum3A_631 = vector.extract %reduce_sum3A_630[15] : i32 from vector<16xi32>
      %shift_right_arithmetic3A_632 = arith.constant 7 : i32
      %shift_right_arithmetic3A_633 = arith.shrsi %reduce_sum3A_631, %shift_right_arithmetic3A_632 : i32
      %mul3A_634 = arith.constant 128 : i32
      %mul3A_635 = arith.muli %shift_right_arithmetic3A_633, %mul3A_634 : i32
      %multiple_of3A_636 = tpu.assume_multiple %mul3A_635, 128 : i32
      %and3A_637 = arith.constant 127 : i32
      %and3A_638 = arith.andi %reduce_sum3A_631, %and3A_637 : i32
      %dma_wait3A_639 = arith.constant 0 : i32
      %dma_wait3A_640 = arith.constant 0 : i32
      %dma_wait3A_641 = arith.constant 0 : i32
      %dma_wait3A_642 = tpu.memref_slice %arg11[%dma_wait3A_639, %dma_wait3A_640, %dma_wait3A_641] : memref<4x64x128xf32, #tpu.memory_space<vmem>> -> memref<1x64x128xf32, #tpu.memory_space<vmem>>
      %dma_wait3A_643 = tpu.memref_squeeze %dma_wait3A_642 : memref<1x64x128xf32, #tpu.memory_space<vmem>> -> memref<64x128xf32, #tpu.memory_space<vmem>>
      %dma_wait3A_644 = arith.constant 0 : i32
      %dma_wait3A_645 = arith.constant 0 : i32
      %dma_wait3A_646 = tpu.memref_slice %arg4[%dma_wait3A_644, %dma_wait3A_645] : memref<64x1000000xf32, #tpu.memory_space<hbm>> -> memref<64x128xf32, #tpu.memory_space<hbm>>
      %dma_wait3A_647 = arith.constant 0 : i32
      %dma_wait3A_648 = arith.constant 0 : i32
      %dma_wait3A_649 = tpu.memref_slice %arg11[%dma_wait3A_639, %dma_wait3A_647, %dma_wait3A_648] : memref<4x64x128xf32, #tpu.memory_space<vmem>> -> memref<1x64x128xf32, #tpu.memory_space<vmem>>
      %dma_wait3A_650 = tpu.memref_squeeze %dma_wait3A_649 : memref<1x64x128xf32, #tpu.memory_space<vmem>> -> memref<64x128xf32, #tpu.memory_space<vmem>>
      %dma_wait3A_651 = arith.constant 0 : i32
      %dma_wait3A_652 = arith.constant 0 : i32
      %dma_wait3A_653 = tpu.memref_slice %arg4[%dma_wait3A_651, %dma_wait3A_652] : memref<64x1000000xf32, #tpu.memory_space<hbm>> -> memref<64x128xf32, #tpu.memory_space<hbm>>
      tpu.wait_dma2 semaphore(%arg16 : memref<!tpu.dma_semaphore, #tpu.memory_space<semaphore_mem>>) src(%dma_wait3A_653 : memref<64x128xf32, #tpu.memory_space<hbm>>) dst(%dma_wait3A_650 : memref<64x128xf32, #tpu.memory_space<vmem>>)
      %dma_wait3A_654 = arith.constant 0 : i32
      %dma_wait3A_655 = arith.constant 0 : i32
      %dma_wait3A_656 = arith.constant 0 : i32
      %dma_wait3A_657 = tpu.memref_slice %arg12[%dma_wait3A_654, %dma_wait3A_655, %dma_wait3A_656] : memref<4x64x128xf32, #tpu.memory_space<vmem>> -> memref<1x64x128xf32, #tpu.memory_space<vmem>>
      %dma_wait3A_658 = tpu.memref_squeeze %dma_wait3A_657 : memref<1x64x128xf32, #tpu.memory_space<vmem>> -> memref<64x128xf32, #tpu.memory_space<vmem>>
      %dma_wait3A_659 = arith.constant 0 : i32
      %dma_wait3A_660 = arith.constant 0 : i32
      %dma_wait3A_661 = tpu.memref_slice %arg5[%dma_wait3A_659, %dma_wait3A_660] : memref<64x1000000xf32, #tpu.memory_space<hbm>> -> memref<64x128xf32, #tpu.memory_space<hbm>>
      %dma_wait3A_662 = arith.constant 0 : i32
      %dma_wait3A_663 = arith.constant 0 : i32
      %dma_wait3A_664 = tpu.memref_slice %arg12[%dma_wait3A_654, %dma_wait3A_662, %dma_wait3A_663] : memref<4x64x128xf32, #tpu.memory_space<vmem>> -> memref<1x64x128xf32, #tpu.memory_space<vmem>>
      %dma_wait3A_665 = tpu.memref_squeeze %dma_wait3A_664 : memref<1x64x128xf32, #tpu.memory_space<vmem>> -> memref<64x128xf32, #tpu.memory_space<vmem>>
      %dma_wait3A_666 = arith.constant 0 : i32
      %dma_wait3A_667 = arith.constant 0 : i32
      %dma_wait3A_668 = tpu.memref_slice %arg5[%dma_wait3A_666, %dma_wait3A_667] : memref<64x1000000xf32, #tpu.memory_space<hbm>> -> memref<64x128xf32, #tpu.memory_space<hbm>>
      tpu.wait_dma2 semaphore(%arg16 : memref<!tpu.dma_semaphore, #tpu.memory_space<semaphore_mem>>) src(%dma_wait3A_668 : memref<64x128xf32, #tpu.memory_space<hbm>>) dst(%dma_wait3A_665 : memref<64x128xf32, #tpu.memory_space<vmem>>)
      %broadcast_in_dim3A_669 = arith.constant 0.000000e+00 : f32
      %broadcast_in_dim3A_670 = vector.broadcast %broadcast_in_dim3A_669 : f32 to vector<16xf32>
      %broadcast_in_dim3A_671 = arith.constant 0 : i32
      %broadcast_in_dim3A_672 = vector.broadcast %broadcast_in_dim3A_671 : i32 to vector<16xi32>
      %add3A_673 = vector.broadcast %and3A_620 : i32 to vector<16xi32>
      %add3A_674 = arith.addi %broadcast_in_dim3A_672, %add3A_673 : vector<16xi32>
      %broadcast_in_dim3A_675 = arith.constant 0 : i32
      %broadcast_in_dim3A_676 = vector.broadcast %broadcast_in_dim3A_675 : i32 to vector<16xi32>
      %add3A_677 = vector.broadcast %and3A_638 : i32 to vector<16xi32>
      %add3A_678 = arith.addi %broadcast_in_dim3A_676, %add3A_677 : vector<16xi32>
      %add3A_679 = arith.constant 0 : i32
      %add3A_680 = vector.broadcast %add3A_679 : i32 to vector<16xi32>
      %add3A_681 = arith.addi %iota3A, %add3A_680 : vector<16xi32>
      %gather3A = arith.constant 0 : i32
      %gather3A_682 = arith.constant 0 : i32
      %gather3A_683 = arith.constant 0 : i32
      %gather3A_684 = tpu.memref_slice %arg11[%gather3A, %gather3A_682, %gather3A_683] : memref<4x64x128xf32, #tpu.memory_space<vmem>> -> memref<1x64x128xf32, #tpu.memory_space<vmem>>
      %gather3A_685 = tpu.memref_squeeze %gather3A_684 : memref<1x64x128xf32, #tpu.memory_space<vmem>> -> memref<64x128xf32, #tpu.memory_space<vmem>>
      %gather3A_686 = tpu.vector_load_idx %gather3A_685[%add3A_681, %add3A_674] : memref<64x128xf32, #tpu.memory_space<vmem>>[vector<16xi32>, vector<16xi32>], vector<16xf32>,
      %gather3A_687 = arith.constant 0 : i32
      %gather3A_688 = arith.constant 0 : i32
      %gather3A_689 = arith.constant 0 : i32
      %gather3A_690 = tpu.memref_slice %arg12[%gather3A_687, %gather3A_688, %gather3A_689] : memref<4x64x128xf32, #tpu.memory_space<vmem>> -> memref<1x64x128xf32, #tpu.memory_space<vmem>>
      %gather3A_691 = tpu.memref_squeeze %gather3A_690 : memref<1x64x128xf32, #tpu.memory_space<vmem>> -> memref<64x128xf32, #tpu.memory_space<vmem>>
      %gather3A_692 = tpu.vector_load_idx %gather3A_691[%add3A_681, %add3A_678] : memref<64x128xf32, #tpu.memory_space<vmem>>[vector<16xi32>, vector<16xi32>], vector<16xf32>,
      %mul3A_693 = arith.mulf %gather3A_686, %gather3A_692 : vector<16xf32>
      %add3A_694 = arith.addf %broadcast_in_dim3A_670, %mul3A_693 : vector<16xf32>
      %add3A_695 = arith.constant 16 : i32
      %add3A_696 = vector.broadcast %add3A_695 : i32 to vector<16xi32>
      %add3A_697 = arith.addi %iota3A, %add3A_696 : vector<16xi32>
      %gather3A_698 = arith.constant 0 : i32
      %gather3A_699 = arith.constant 0 : i32
      %gather3A_700 = arith.constant 0 : i32
      %gather3A_701 = tpu.memref_slice %arg11[%gather3A_698, %gather3A_699, %gather3A_700] : memref<4x64x128xf32, #tpu.memory_space<vmem>> -> memref<1x64x128xf32, #tpu.memory_space<vmem>>
      %gather3A_702 = tpu.memref_squeeze %gather3A_701 : memref<1x64x128xf32, #tpu.memory_space<vmem>> -> memref<64x128xf32, #tpu.memory_space<vmem>>
      %gather3A_703 = tpu.vector_load_idx %gather3A_702[%add3A_697, %add3A_674] : memref<64x128xf32, #tpu.memory_space<vmem>>[vector<16xi32>, vector<16xi32>], vector<16xf32>,
      %gather3A_704 = arith.constant 0 : i32
      %gather3A_705 = arith.constant 0 : i32
      %gather3A_706 = arith.constant 0 : i32
      %gather3A_707 = tpu.memref_slice %arg12[%gather3A_704, %gather3A_705, %gather3A_706] : memref<4x64x128xf32, #tpu.memory_space<vmem>> -> memref<1x64x128xf32, #tpu.memory_space<vmem>>
      %gather3A_708 = tpu.memref_squeeze %gather3A_707 : memref<1x64x128xf32, #tpu.memory_space<vmem>> -> memref<64x128xf32, #tpu.memory_space<vmem>>
      %gather3A_709 = tpu.vector_load_idx %gather3A_708[%add3A_697, %add3A_678] : memref<64x128xf32, #tpu.memory_space<vmem>>[vector<16xi32>, vector<16xi32>], vector<16xf32>,
      %mul3A_710 = arith.mulf %gather3A_703, %gather3A_709 : vector<16xf32>
      %add3A_711 = arith.addf %add3A_694, %mul3A_710 : vector<16xf32>
      %add3A_712 = arith.constant 32 : i32
      %add3A_713 = vector.broadcast %add3A_712 : i32 to vector<16xi32>
      %add3A_714 = arith.addi %iota3A, %add3A_713 : vector<16xi32>
      %gather3A_715 = arith.constant 0 : i32
      %gather3A_716 = arith.constant 0 : i32
      %gather3A_717 = arith.constant 0 : i32
      %gather3A_718 = tpu.memref_slice %arg11[%gather3A_715, %gather3A_716, %gather3A_717] : memref<4x64x128xf32, #tpu.memory_space<vmem>> -> memref<1x64x128xf32, #tpu.memory_space<vmem>>
      %gather3A_719 = tpu.memref_squeeze %gather3A_718 : memref<1x64x128xf32, #tpu.memory_space<vmem>> -> memref<64x128xf32, #tpu.memory_space<vmem>>
      %gather3A_720 = tpu.vector_load_idx %gather3A_719[%add3A_714, %add3A_674] : memref<64x128xf32, #tpu.memory_space<vmem>>[vector<16xi32>, vector<16xi32>], vector<16xf32>,
      %gather3A_721 = arith.constant 0 : i32
      %gather3A_722 = arith.constant 0 : i32
      %gather3A_723 = arith.constant 0 : i32
      %gather3A_724 = tpu.memref_slice %arg12[%gather3A_721, %gather3A_722, %gather3A_723] : memref<4x64x128xf32, #tpu.memory_space<vmem>> -> memref<1x64x128xf32, #tpu.memory_space<vmem>>
      %gather3A_725 = tpu.memref_squeeze %gather3A_724 : memref<1x64x128xf32, #tpu.memory_space<vmem>> -> memref<64x128xf32, #tpu.memory_space<vmem>>
      %gather3A_726 = tpu.vector_load_idx %gather3A_725[%add3A_714, %add3A_678] : memref<64x128xf32, #tpu.memory_space<vmem>>[vector<16xi32>, vector<16xi32>], vector<16xf32>,
      %mul3A_727 = arith.mulf %gather3A_720, %gather3A_726 : vector<16xf32>
      %add3A_728 = arith.addf %add3A_711, %mul3A_727 : vector<16xf32>
      %add3A_729 = arith.constant 48 : i32
      %add3A_730 = vector.broadcast %add3A_729 : i32 to vector<16xi32>
      %add3A_731 = arith.addi %iota3A, %add3A_730 : vector<16xi32>
      %gather3A_732 = arith.constant 0 : i32
      %gather3A_733 = arith.constant 0 : i32
      %gather3A_734 = arith.constant 0 : i32
      %gather3A_735 = tpu.memref_slice %arg11[%gather3A_732, %gather3A_733, %gather3A_734] : memref<4x64x128xf32, #tpu.memory_space<vmem>> -> memref<1x64x128xf32, #tpu.memory_space<vmem>>
      %gather3A_736 = tpu.memref_squeeze %gather3A_735 : memref<1x64x128xf32, #tpu.memory_space<vmem>> -> memref<64x128xf32, #tpu.memory_space<vmem>>
      %gather3A_737 = tpu.vector_load_idx %gather3A_736[%add3A_731, %add3A_674] : memref<64x128xf32, #tpu.memory_space<vmem>>[vector<16xi32>, vector<16xi32>], vector<16xf32>,
      %gather3A_738 = arith.constant 0 : i32
      %gather3A_739 = arith.constant 0 : i32
      %gather3A_740 = arith.constant 0 : i32
      %gather3A_741 = tpu.memref_slice %arg12[%gather3A_738, %gather3A_739, %gather3A_740] : memref<4x64x128xf32, #tpu.memory_space<vmem>> -> memref<1x64x128xf32, #tpu.memory_space<vmem>>
      %gather3A_742 = tpu.memref_squeeze %gather3A_741 : memref<1x64x128xf32, #tpu.memory_space<vmem>> -> memref<64x128xf32, #tpu.memory_space<vmem>>
      %gather3A_743 = tpu.vector_load_idx %gather3A_742[%add3A_731, %add3A_678] : memref<64x128xf32, #tpu.memory_space<vmem>>[vector<16xi32>, vector<16xi32>], vector<16xf32>,
      %mul3A_744 = arith.mulf %gather3A_737, %gather3A_743 : vector<16xf32>
      %add3A_745 = arith.addf %add3A_728, %mul3A_744 : vector<16xf32>
      %reduce_sum3A_746 = arith.constant true
      %reduce_sum3A_747 = vector.broadcast %reduce_sum3A_746 : i1 to vector<16xi1>
      %reduce_sum3A_748 = tpu.scan <sum>, %add3A_745 masked %reduce_sum3A_747 : vector<16xf32>, vector<16xi1> -> vector<16xf32>
      %reduce_sum3A_749 = vector.extract %reduce_sum3A_748[15] : f32 from vector<16xf32>
      %eq3A_750 = arith.constant 0 : i32
      %eq3A_751 = vector.broadcast %eq3A_750 : i32 to vector<16xi32>
      %eq3A_752 = arith.cmpi eq, %iota3A, %eq3A_751 : vector<16xi32>
      %jit3A_753 = arith.constant 0.000000e+00 : f32
      %broadcast_in_dim3A_754 = vector.broadcast %reduce_sum3A_749 : f32 to vector<16xf32>
      %broadcast_in_dim3A_755 = vector.broadcast %jit3A_753 : f32 to vector<16xf32>
      %select_n3A_756 = arith.select %eq3A_752, %broadcast_in_dim3A_754, %broadcast_in_dim3A_755 : vector<16xi1>, vector<16xf32>
      %add3A_757 = arith.addf %add3A_602, %select_n3A_756 : vector<16xf32>
      %iota3A_758 = tpu.iota {dimensions = array<i32: 0>} : vector<16xi32>
      %eq3A_759 = arith.constant 4 : i32
      %eq3A_760 = vector.broadcast %eq3A_759 : i32 to vector<16xi32>
      %eq3A_761 = arith.cmpi eq, %iota3A_758, %eq3A_760 : vector<16xi32>
      %jit3A_762 = arith.constant 0 : i32
      %broadcast_in_dim3A_763 = vector.broadcast %jit3A_762 : i32 to vector<16xi32>
      %select_n3A_764 = arith.select %eq3A_761, %get3A_539, %broadcast_in_dim3A_763 : vector<16xi1>, vector<16xi32>
      %reduce_sum3A_765 = arith.constant true
      %reduce_sum3A_766 = vector.broadcast %reduce_sum3A_765 : i1 to vector<16xi1>
      %reduce_sum3A_767 = tpu.scan <sum>, %select_n3A_764 masked %reduce_sum3A_766 : vector<16xi32>, vector<16xi1> -> vector<16xi32>
      %reduce_sum3A_768 = vector.extract %reduce_sum3A_767[15] : i32 from vector<16xi32>
      %shift_right_arithmetic3A_769 = arith.constant 7 : i32
      %shift_right_arithmetic3A_770 = arith.shrsi %reduce_sum3A_768, %shift_right_arithmetic3A_769 : i32
      %mul3A_771 = arith.constant 128 : i32
      %mul3A_772 = arith.muli %shift_right_arithmetic3A_770, %mul3A_771 : i32
      %multiple_of3A_773 = tpu.assume_multiple %mul3A_772, 128 : i32
      %and3A_774 = arith.constant 127 : i32
      %and3A_775 = arith.andi %reduce_sum3A_768, %and3A_774 : i32
      %iota3A_776 = tpu.iota {dimensions = array<i32: 0>} : vector<16xi32>
      %eq3A_777 = arith.constant 4 : i32
      %eq3A_778 = vector.broadcast %eq3A_777 : i32 to vector<16xi32>
      %eq3A_779 = arith.cmpi eq, %iota3A_776, %eq3A_778 : vector<16xi32>
      %jit3A_780 = arith.constant 0 : i32
      %broadcast_in_dim3A_781 = vector.broadcast %jit3A_780 : i32 to vector<16xi32>
      %select_n3A_782 = arith.select %eq3A_779, %get3A_542, %broadcast_in_dim3A_781 : vector<16xi1>, vector<16xi32>
      %reduce_sum3A_783 = arith.constant true
      %reduce_sum3A_784 = vector.broadcast %reduce_sum3A_783 : i1 to vector<16xi1>
      %reduce_sum3A_785 = tpu.scan <sum>, %select_n3A_782 masked %reduce_sum3A_784 : vector<16xi32>, vector<16xi1> -> vector<16xi32>
      %reduce_sum3A_786 = vector.extract %reduce_sum3A_785[15] : i32 from vector<16xi32>
      %shift_right_arithmetic3A_787 = arith.constant 7 : i32
      %shift_right_arithmetic3A_788 = arith.shrsi %reduce_sum3A_786, %shift_right_arithmetic3A_787 : i32
      %mul3A_789 = arith.constant 128 : i32
      %mul3A_790 = arith.muli %shift_right_arithmetic3A_788, %mul3A_789 : i32
      %multiple_of3A_791 = tpu.assume_multiple %mul3A_790, 128 : i32
      %and3A_792 = arith.constant 127 : i32
      %and3A_793 = arith.andi %reduce_sum3A_786, %and3A_792 : i32
      %dma_start3A_794 = arith.constant 0 : i32
      %dma_start3A_795 = arith.constant 0 : i32
      %dma_start3A_796 = arith.constant 0 : i32
      %dma_start3A_797 = tpu.memref_slice %arg11[%dma_start3A_794, %dma_start3A_795, %dma_start3A_796] : memref<4x64x128xf32, #tpu.memory_space<vmem>> -> memref<1x64x128xf32, #tpu.memory_space<vmem>>
      %dma_start3A_798 = tpu.memref_squeeze %dma_start3A_797 : memref<1x64x128xf32, #tpu.memory_space<vmem>> -> memref<64x128xf32, #tpu.memory_space<vmem>>
      %dma_start3A_799 = arith.constant 0 : i32
      %dma_start3A_800 = tpu.memref_slice %arg4[%dma_start3A_799, %multiple_of3A_773] : memref<64x1000000xf32, #tpu.memory_space<hbm>> -> memref<64x128xf32, #tpu.memory_space<hbm>>
      %dma_start3A_801 = arith.constant 0 : i32
      %dma_start3A_802 = arith.constant 0 : i32
      %dma_start3A_803 = tpu.memref_slice %arg11[%dma_start3A_794, %dma_start3A_801, %dma_start3A_802] : memref<4x64x128xf32, #tpu.memory_space<vmem>> -> memref<1x64x128xf32, #tpu.memory_space<vmem>>
      %dma_start3A_804 = tpu.memref_squeeze %dma_start3A_803 : memref<1x64x128xf32, #tpu.memory_space<vmem>> -> memref<64x128xf32, #tpu.memory_space<vmem>>
      %dma_start3A_805 = arith.constant 0 : i32
      %dma_start3A_806 = tpu.memref_slice %arg4[%dma_start3A_805, %multiple_of3A_773] : memref<64x1000000xf32, #tpu.memory_space<hbm>> -> memref<64x128xf32, #tpu.memory_space<hbm>>
      tpu.enqueue_dma source(%dma_start3A_806 : memref<64x128xf32, #tpu.memory_space<hbm>>) target(%dma_start3A_804 : memref<64x128xf32, #tpu.memory_space<vmem>>) target_semaphore(%arg16 : memref<!tpu.dma_semaphore, #tpu.memory_space<semaphore_mem>>)
      %dma_start3A_807 = arith.constant 0 : i32
      %dma_start3A_808 = arith.constant 0 : i32
      %dma_start3A_809 = arith.constant 0 : i32
      %dma_start3A_810 = tpu.memref_slice %arg12[%dma_start3A_807, %dma_start3A_808, %dma_start3A_809] : memref<4x64x128xf32, #tpu.memory_space<vmem>> -> memref<1x64x128xf32, #tpu.memory_space<vmem>>
      %dma_start3A_811 = tpu.memref_squeeze %dma_start3A_810 : memref<1x64x128xf32, #tpu.memory_space<vmem>> -> memref<64x128xf32, #tpu.memory_space<vmem>>
      %dma_start3A_812 = arith.constant 0 : i32
      %dma_start3A_813 = tpu.memref_slice %arg5[%dma_start3A_812, %multiple_of3A_791] : memref<64x1000000xf32, #tpu.memory_space<hbm>> -> memref<64x128xf32, #tpu.memory_space<hbm>>
      %dma_start3A_814 = arith.constant 0 : i32
      %dma_start3A_815 = arith.constant 0 : i32
      %dma_start3A_816 = tpu.memref_slice %arg12[%dma_start3A_807, %dma_start3A_814, %dma_start3A_815] : memref<4x64x128xf32, #tpu.memory_space<vmem>> -> memref<1x64x128xf32, #tpu.memory_space<vmem>>
      %dma_start3A_817 = tpu.memref_squeeze %dma_start3A_816 : memref<1x64x128xf32, #tpu.memory_space<vmem>> -> memref<64x128xf32, #tpu.memory_space<vmem>>
      %dma_start3A_818 = arith.constant 0 : i32
      %dma_start3A_819 = tpu.memref_slice %arg5[%dma_start3A_818, %multiple_of3A_791] : memref<64x1000000xf32, #tpu.memory_space<hbm>> -> memref<64x128xf32, #tpu.memory_space<hbm>>
      tpu.enqueue_dma source(%dma_start3A_819 : memref<64x128xf32, #tpu.memory_space<hbm>>) target(%dma_start3A_817 : memref<64x128xf32, #tpu.memory_space<vmem>>) target_semaphore(%arg16 : memref<!tpu.dma_semaphore, #tpu.memory_space<semaphore_mem>>)
      %iota3A_820 = tpu.iota {dimensions = array<i32: 0>} : vector<16xi32>
      %eq3A_821 = arith.constant 1 : i32
      %eq3A_822 = vector.broadcast %eq3A_821 : i32 to vector<16xi32>
      %eq3A_823 = arith.cmpi eq, %iota3A_820, %eq3A_822 : vector<16xi32>
      %jit3A_824 = arith.constant 0 : i32
      %broadcast_in_dim3A_825 = vector.broadcast %jit3A_824 : i32 to vector<16xi32>
      %select_n3A_826 = arith.select %eq3A_823, %get3A_539, %broadcast_in_dim3A_825 : vector<16xi1>, vector<16xi32>
      %reduce_sum3A_827 = arith.constant true
      %reduce_sum3A_828 = vector.broadcast %reduce_sum3A_827 : i1 to vector<16xi1>
      %reduce_sum3A_829 = tpu.scan <sum>, %select_n3A_826 masked %reduce_sum3A_828 : vector<16xi32>, vector<16xi1> -> vector<16xi32>
      %reduce_sum3A_830 = vector.extract %reduce_sum3A_829[15] : i32 from vector<16xi32>
      %shift_right_arithmetic3A_831 = arith.constant 7 : i32
      %shift_right_arithmetic3A_832 = arith.shrsi %reduce_sum3A_830, %shift_right_arithmetic3A_831 : i32
      %mul3A_833 = arith.constant 128 : i32
      %mul3A_834 = arith.muli %shift_right_arithmetic3A_832, %mul3A_833 : i32
      %multiple_of3A_835 = tpu.assume_multiple %mul3A_834, 128 : i32
      %and3A_836 = arith.constant 127 : i32
      %and3A_837 = arith.andi %reduce_sum3A_830, %and3A_836 : i32
      %iota3A_838 = tpu.iota {dimensions = array<i32: 0>} : vector<16xi32>
      %eq3A_839 = arith.constant 1 : i32
      %eq3A_840 = vector.broadcast %eq3A_839 : i32 to vector<16xi32>
      %eq3A_841 = arith.cmpi eq, %iota3A_838, %eq3A_840 : vector<16xi32>
      %jit3A_842 = arith.constant 0 : i32
      %broadcast_in_dim3A_843 = vector.broadcast %jit3A_842 : i32 to vector<16xi32>
      %select_n3A_844 = arith.select %eq3A_841, %get3A_542, %broadcast_in_dim3A_843 : vector<16xi1>, vector<16xi32>
      %reduce_sum3A_845 = arith.constant true
      %reduce_sum3A_846 = vector.broadcast %reduce_sum3A_845 : i1 to vector<16xi1>
      %reduce_sum3A_847 = tpu.scan <sum>, %select_n3A_844 masked %reduce_sum3A_846 : vector<16xi32>, vector<16xi1> -> vector<16xi32>
      %reduce_sum3A_848 = vector.extract %reduce_sum3A_847[15] : i32 from vector<16xi32>
      %shift_right_arithmetic3A_849 = arith.constant 7 : i32
      %shift_right_arithmetic3A_850 = arith.shrsi %reduce_sum3A_848, %shift_right_arithmetic3A_849 : i32
      %mul3A_851 = arith.constant 128 : i32
      %mul3A_852 = arith.muli %shift_right_arithmetic3A_850, %mul3A_851 : i32
      %multiple_of3A_853 = tpu.assume_multiple %mul3A_852, 128 : i32
      %and3A_854 = arith.constant 127 : i32
      %and3A_855 = arith.andi %reduce_sum3A_848, %and3A_854 : i32
      %dma_wait3A_856 = arith.constant 1 : i32
      %dma_wait3A_857 = arith.constant 0 : i32
      %dma_wait3A_858 = arith.constant 0 : i32
      %dma_wait3A_859 = tpu.memref_slice %arg11[%dma_wait3A_856, %dma_wait3A_857, %dma_wait3A_858] : memref<4x64x128xf32, #tpu.memory_space<vmem>> -> memref<1x64x128xf32, #tpu.memory_space<vmem>>
      %dma_wait3A_860 = tpu.memref_squeeze %dma_wait3A_859 : memref<1x64x128xf32, #tpu.memory_space<vmem>> -> memref<64x128xf32, #tpu.memory_space<vmem>>
      %dma_wait3A_861 = arith.constant 0 : i32
      %dma_wait3A_862 = arith.constant 0 : i32
      %dma_wait3A_863 = tpu.memref_slice %arg4[%dma_wait3A_861, %dma_wait3A_862] : memref<64x1000000xf32, #tpu.memory_space<hbm>> -> memref<64x128xf32, #tpu.memory_space<hbm>>
      %dma_wait3A_864 = arith.constant 0 : i32
      %dma_wait3A_865 = arith.constant 0 : i32
      %dma_wait3A_866 = tpu.memref_slice %arg11[%dma_wait3A_856, %dma_wait3A_864, %dma_wait3A_865] : memref<4x64x128xf32, #tpu.memory_space<vmem>> -> memref<1x64x128xf32, #tpu.memory_space<vmem>>
      %dma_wait3A_867 = tpu.memref_squeeze %dma_wait3A_866 : memref<1x64x128xf32, #tpu.memory_space<vmem>> -> memref<64x128xf32, #tpu.memory_space<vmem>>
      %dma_wait3A_868 = arith.constant 0 : i32
      %dma_wait3A_869 = arith.constant 0 : i32
      %dma_wait3A_870 = tpu.memref_slice %arg4[%dma_wait3A_868, %dma_wait3A_869] : memref<64x1000000xf32, #tpu.memory_space<hbm>> -> memref<64x128xf32, #tpu.memory_space<hbm>>
      tpu.wait_dma2 semaphore(%arg16 : memref<!tpu.dma_semaphore, #tpu.memory_space<semaphore_mem>>) src(%dma_wait3A_870 : memref<64x128xf32, #tpu.memory_space<hbm>>) dst(%dma_wait3A_867 : memref<64x128xf32, #tpu.memory_space<vmem>>)
      %dma_wait3A_871 = arith.constant 1 : i32
      %dma_wait3A_872 = arith.constant 0 : i32
      %dma_wait3A_873 = arith.constant 0 : i32
      %dma_wait3A_874 = tpu.memref_slice %arg12[%dma_wait3A_871, %dma_wait3A_872, %dma_wait3A_873] : memref<4x64x128xf32, #tpu.memory_space<vmem>> -> memref<1x64x128xf32, #tpu.memory_space<vmem>>
      %dma_wait3A_875 = tpu.memref_squeeze %dma_wait3A_874 : memref<1x64x128xf32, #tpu.memory_space<vmem>> -> memref<64x128xf32, #tpu.memory_space<vmem>>
      %dma_wait3A_876 = arith.constant 0 : i32
      %dma_wait3A_877 = arith.constant 0 : i32
      %dma_wait3A_878 = tpu.memref_slice %arg5[%dma_wait3A_876, %dma_wait3A_877] : memref<64x1000000xf32, #tpu.memory_space<hbm>> -> memref<64x128xf32, #tpu.memory_space<hbm>>
      %dma_wait3A_879 = arith.constant 0 : i32
      %dma_wait3A_880 = arith.constant 0 : i32
      %dma_wait3A_881 = tpu.memref_slice %arg12[%dma_wait3A_871, %dma_wait3A_879, %dma_wait3A_880] : memref<4x64x128xf32, #tpu.memory_space<vmem>> -> memref<1x64x128xf32, #tpu.memory_space<vmem>>
      %dma_wait3A_882 = tpu.memref_squeeze %dma_wait3A_881 : memref<1x64x128xf32, #tpu.memory_space<vmem>> -> memref<64x128xf32, #tpu.memory_space<vmem>>
      %dma_wait3A_883 = arith.constant 0 : i32
      %dma_wait3A_884 = arith.constant 0 : i32
      %dma_wait3A_885 = tpu.memref_slice %arg5[%dma_wait3A_883, %dma_wait3A_884] : memref<64x1000000xf32, #tpu.memory_space<hbm>> -> memref<64x128xf32, #tpu.memory_space<hbm>>
      tpu.wait_dma2 semaphore(%arg16 : memref<!tpu.dma_semaphore, #tpu.memory_space<semaphore_mem>>) src(%dma_wait3A_885 : memref<64x128xf32, #tpu.memory_space<hbm>>) dst(%dma_wait3A_882 : memref<64x128xf32, #tpu.memory_space<vmem>>)
      %broadcast_in_dim3A_886 = arith.constant 0.000000e+00 : f32
      %broadcast_in_dim3A_887 = vector.broadcast %broadcast_in_dim3A_886 : f32 to vector<16xf32>
      %broadcast_in_dim3A_888 = arith.constant 0 : i32
      %broadcast_in_dim3A_889 = vector.broadcast %broadcast_in_dim3A_888 : i32 to vector<16xi32>
      %add3A_890 = vector.broadcast %and3A_837 : i32 to vector<16xi32>
      %add3A_891 = arith.addi %broadcast_in_dim3A_889, %add3A_890 : vector<16xi32>
      %broadcast_in_dim3A_892 = arith.constant 0 : i32
      %broadcast_in_dim3A_893 = vector.broadcast %broadcast_in_dim3A_892 : i32 to vector<16xi32>
      %add3A_894 = vector.broadcast %and3A_855 : i32 to vector<16xi32>
      %add3A_895 = arith.addi %broadcast_in_dim3A_893, %add3A_894 : vector<16xi32>
      %add3A_896 = arith.constant 0 : i32
      %add3A_897 = vector.broadcast %add3A_896 : i32 to vector<16xi32>
      %add3A_898 = arith.addi %iota3A, %add3A_897 : vector<16xi32>
      %gather3A_899 = arith.constant 1 : i32
      %gather3A_900 = arith.constant 0 : i32
      %gather3A_901 = arith.constant 0 : i32
      %gather3A_902 = tpu.memref_slice %arg11[%gather3A_899, %gather3A_900, %gather3A_901] : memref<4x64x128xf32, #tpu.memory_space<vmem>> -> memref<1x64x128xf32, #tpu.memory_space<vmem>>
      %gather3A_903 = tpu.memref_squeeze %gather3A_902 : memref<1x64x128xf32, #tpu.memory_space<vmem>> -> memref<64x128xf32, #tpu.memory_space<vmem>>
      %gather3A_904 = tpu.vector_load_idx %gather3A_903[%add3A_898, %add3A_891] : memref<64x128xf32, #tpu.memory_space<vmem>>[vector<16xi32>, vector<16xi32>], vector<16xf32>,
      %gather3A_905 = arith.constant 1 : i32
      %gather3A_906 = arith.constant 0 : i32
      %gather3A_907 = arith.constant 0 : i32
      %gather3A_908 = tpu.memref_slice %arg12[%gather3A_905, %gather3A_906, %gather3A_907] : memref<4x64x128xf32, #tpu.memory_space<vmem>> -> memref<1x64x128xf32, #tpu.memory_space<vmem>>
      %gather3A_909 = tpu.memref_squeeze %gather3A_908 : memref<1x64x128xf32, #tpu.memory_space<vmem>> -> memref<64x128xf32, #tpu.memory_space<vmem>>
      %gather3A_910 = tpu.vector_load_idx %gather3A_909[%add3A_898, %add3A_895] : memref<64x128xf32, #tpu.memory_space<vmem>>[vector<16xi32>, vector<16xi32>], vector<16xf32>,
      %mul3A_911 = arith.mulf %gather3A_904, %gather3A_910 : vector<16xf32>
      %add3A_912 = arith.addf %broadcast_in_dim3A_887, %mul3A_911 : vector<16xf32>
      %add3A_913 = arith.constant 16 : i32
      %add3A_914 = vector.broadcast %add3A_913 : i32 to vector<16xi32>
      %add3A_915 = arith.addi %iota3A, %add3A_914 : vector<16xi32>
      %gather3A_916 = arith.constant 1 : i32
      %gather3A_917 = arith.constant 0 : i32
      %gather3A_918 = arith.constant 0 : i32
      %gather3A_919 = tpu.memref_slice %arg11[%gather3A_916, %gather3A_917, %gather3A_918] : memref<4x64x128xf32, #tpu.memory_space<vmem>> -> memref<1x64x128xf32, #tpu.memory_space<vmem>>
      %gather3A_920 = tpu.memref_squeeze %gather3A_919 : memref<1x64x128xf32, #tpu.memory_space<vmem>> -> memref<64x128xf32, #tpu.memory_space<vmem>>
      %gather3A_921 = tpu.vector_load_idx %gather3A_920[%add3A_915, %add3A_891] : memref<64x128xf32, #tpu.memory_space<vmem>>[vector<16xi32>, vector<16xi32>], vector<16xf32>,
      %gather3A_922 = arith.constant 1 : i32
      %gather3A_923 = arith.constant 0 : i32
      %gather3A_924 = arith.constant 0 : i32
      %gather3A_925 = tpu.memref_slice %arg12[%gather3A_922, %gather3A_923, %gather3A_924] : memref<4x64x128xf32, #tpu.memory_space<vmem>> -> memref<1x64x128xf32, #tpu.memory_space<vmem>>
      %gather3A_926 = tpu.memref_squeeze %gather3A_925 : memref<1x64x128xf32, #tpu.memory_space<vmem>> -> memref<64x128xf32, #tpu.memory_space<vmem>>
      %gather3A_927 = tpu.vector_load_idx %gather3A_926[%add3A_915, %add3A_895] : memref<64x128xf32, #tpu.memory_space<vmem>>[vector<16xi32>, vector<16xi32>], vector<16xf32>,
      %mul3A_928 = arith.mulf %gather3A_921, %gather3A_927 : vector<16xf32>
      %add3A_929 = arith.addf %add3A_912, %mul3A_928 : vector<16xf32>
      %add3A_930 = arith.constant 32 : i32
      %add3A_931 = vector.broadcast %add3A_930 : i32 to vector<16xi32>
      %add3A_932 = arith.addi %iota3A, %add3A_931 : vector<16xi32>
      %gather3A_933 = arith.constant 1 : i32
      %gather3A_934 = arith.constant 0 : i32
      %gather3A_935 = arith.constant 0 : i32
      %gather3A_936 = tpu.memref_slice %arg11[%gather3A_933, %gather3A_934, %gather3A_935] : memref<4x64x128xf32, #tpu.memory_space<vmem>> -> memref<1x64x128xf32, #tpu.memory_space<vmem>>
      %gather3A_937 = tpu.memref_squeeze %gather3A_936 : memref<1x64x128xf32, #tpu.memory_space<vmem>> -> memref<64x128xf32, #tpu.memory_space<vmem>>
      %gather3A_938 = tpu.vector_load_idx %gather3A_937[%add3A_932, %add3A_891] : memref<64x128xf32, #tpu.memory_space<vmem>>[vector<16xi32>, vector<16xi32>], vector<16xf32>,
      %gather3A_939 = arith.constant 1 : i32
      %gather3A_940 = arith.constant 0 : i32
      %gather3A_941 = arith.constant 0 : i32
      %gather3A_942 = tpu.memref_slice %arg12[%gather3A_939, %gather3A_940, %gather3A_941] : memref<4x64x128xf32, #tpu.memory_space<vmem>> -> memref<1x64x128xf32, #tpu.memory_space<vmem>>
      %gather3A_943 = tpu.memref_squeeze %gather3A_942 : memref<1x64x128xf32, #tpu.memory_space<vmem>> -> memref<64x128xf32, #tpu.memory_space<vmem>>
      %gather3A_944 = tpu.vector_load_idx %gather3A_943[%add3A_932, %add3A_895] : memref<64x128xf32, #tpu.memory_space<vmem>>[vector<16xi32>, vector<16xi32>], vector<16xf32>,
      %mul3A_945 = arith.mulf %gather3A_938, %gather3A_944 : vector<16xf32>
      %add3A_946 = arith.addf %add3A_929, %mul3A_945 : vector<16xf32>
      %add3A_947 = arith.constant 48 : i32
      %add3A_948 = vector.broadcast %add3A_947 : i32 to vector<16xi32>
      %add3A_949 = arith.addi %iota3A, %add3A_948 : vector<16xi32>
      %gather3A_950 = arith.constant 1 : i32
      %gather3A_951 = arith.constant 0 : i32
      %gather3A_952 = arith.constant 0 : i32
      %gather3A_953 = tpu.memref_slice %arg11[%gather3A_950, %gather3A_951, %gather3A_952] : memref<4x64x128xf32, #tpu.memory_space<vmem>> -> memref<1x64x128xf32, #tpu.memory_space<vmem>>
      %gather3A_954 = tpu.memref_squeeze %gather3A_953 : memref<1x64x128xf32, #tpu.memory_space<vmem>> -> memref<64x128xf32, #tpu.memory_space<vmem>>
      %gather3A_955 = tpu.vector_load_idx %gather3A_954[%add3A_949, %add3A_891] : memref<64x128xf32, #tpu.memory_space<vmem>>[vector<16xi32>, vector<16xi32>], vector<16xf32>,
      %gather3A_956 = arith.constant 1 : i32
      %gather3A_957 = arith.constant 0 : i32
      %gather3A_958 = arith.constant 0 : i32
      %gather3A_959 = tpu.memref_slice %arg12[%gather3A_956, %gather3A_957, %gather3A_958] : memref<4x64x128xf32, #tpu.memory_space<vmem>> -> memref<1x64x128xf32, #tpu.memory_space<vmem>>
      %gather3A_960 = tpu.memref_squeeze %gather3A_959 : memref<1x64x128xf32, #tpu.memory_space<vmem>> -> memref<64x128xf32, #tpu.memory_space<vmem>>
      %gather3A_961 = tpu.vector_load_idx %gather3A_960[%add3A_949, %add3A_895] : memref<64x128xf32, #tpu.memory_space<vmem>>[vector<16xi32>, vector<16xi32>], vector<16xf32>,
      %mul3A_962 = arith.mulf %gather3A_955, %gather3A_961 : vector<16xf32>
      %add3A_963 = arith.addf %add3A_946, %mul3A_962 : vector<16xf32>
      %reduce_sum3A_964 = arith.constant true
      %reduce_sum3A_965 = vector.broadcast %reduce_sum3A_964 : i1 to vector<16xi1>
      %reduce_sum3A_966 = tpu.scan <sum>, %add3A_963 masked %reduce_sum3A_965 : vector<16xf32>, vector<16xi1> -> vector<16xf32>
      %reduce_sum3A_967 = vector.extract %reduce_sum3A_966[15] : f32 from vector<16xf32>
      %eq3A_968 = arith.constant 1 : i32
      %eq3A_969 = vector.broadcast %eq3A_968 : i32 to vector<16xi32>
      %eq3A_970 = arith.cmpi eq, %iota3A, %eq3A_969 : vector<16xi32>
      %jit3A_971 = arith.constant 0.000000e+00 : f32
      %broadcast_in_dim3A_972 = vector.broadcast %reduce_sum3A_967 : f32 to vector<16xf32>
      %broadcast_in_dim3A_973 = vector.broadcast %jit3A_971 : f32 to vector<16xf32>
      %select_n3A_974 = arith.select %eq3A_970, %broadcast_in_dim3A_972, %broadcast_in_dim3A_973 : vector<16xi1>, vector<16xf32>
      %add3A_975 = arith.addf %add3A_757, %select_n3A_974 : vector<16xf32>
      %iota3A_976 = tpu.iota {dimensions = array<i32: 0>} : vector<16xi32>
      %eq3A_977 = arith.constant 5 : i32
      %eq3A_978 = vector.broadcast %eq3A_977 : i32 to vector<16xi32>
      %eq3A_979 = arith.cmpi eq, %iota3A_976, %eq3A_978 : vector<16xi32>
      %jit3A_980 = arith.constant 0 : i32
      %broadcast_in_dim3A_981 = vector.broadcast %jit3A_980 : i32 to vector<16xi32>
      %select_n3A_982 = arith.select %eq3A_979, %get3A_539, %broadcast_in_dim3A_981 : vector<16xi1>, vector<16xi32>
      %reduce_sum3A_983 = arith.constant true
      %reduce_sum3A_984 = vector.broadcast %reduce_sum3A_983 : i1 to vector<16xi1>
      %reduce_sum3A_985 = tpu.scan <sum>, %select_n3A_982 masked %reduce_sum3A_984 : vector<16xi32>, vector<16xi1> -> vector<16xi32>
      %reduce_sum3A_986 = vector.extract %reduce_sum3A_985[15] : i32 from vector<16xi32>
      %shift_right_arithmetic3A_987 = arith.constant 7 : i32
      %shift_right_arithmetic3A_988 = arith.shrsi %reduce_sum3A_986, %shift_right_arithmetic3A_987 : i32
      %mul3A_989 = arith.constant 128 : i32
      %mul3A_990 = arith.muli %shift_right_arithmetic3A_988, %mul3A_989 : i32
      %multiple_of3A_991 = tpu.assume_multiple %mul3A_990, 128 : i32
      %and3A_992 = arith.constant 127 : i32
      %and3A_993 = arith.andi %reduce_sum3A_986, %and3A_992 : i32
      %iota3A_994 = tpu.iota {dimensions = array<i32: 0>} : vector<16xi32>
      %eq3A_995 = arith.constant 5 : i32
      %eq3A_996 = vector.broadcast %eq3A_995 : i32 to vector<16xi32>
      %eq3A_997 = arith.cmpi eq, %iota3A_994, %eq3A_996 : vector<16xi32>
      %jit3A_998 = arith.constant 0 : i32
      %broadcast_in_dim3A_999 = vector.broadcast %jit3A_998 : i32 to vector<16xi32>
      %select_n3A_1000 = arith.select %eq3A_997, %get3A_542, %broadcast_in_dim3A_999 : vector<16xi1>, vector<16xi32>
      %reduce_sum3A_1001 = arith.constant true
      %reduce_sum3A_1002 = vector.broadcast %reduce_sum3A_1001 : i1 to vector<16xi1>
      %reduce_sum3A_1003 = tpu.scan <sum>, %select_n3A_1000 masked %reduce_sum3A_1002 : vector<16xi32>, vector<16xi1> -> vector<16xi32>
      %reduce_sum3A_1004 = vector.extract %reduce_sum3A_1003[15] : i32 from vector<16xi32>
      %shift_right_arithmetic3A_1005 = arith.constant 7 : i32
      %shift_right_arithmetic3A_1006 = arith.shrsi %reduce_sum3A_1004, %shift_right_arithmetic3A_1005 : i32
      %mul3A_1007 = arith.constant 128 : i32
      %mul3A_1008 = arith.muli %shift_right_arithmetic3A_1006, %mul3A_1007 : i32
      %multiple_of3A_1009 = tpu.assume_multiple %mul3A_1008, 128 : i32
      %and3A_1010 = arith.constant 127 : i32
      %and3A_1011 = arith.andi %reduce_sum3A_1004, %and3A_1010 : i32
      %dma_start3A_1012 = arith.constant 1 : i32
      %dma_start3A_1013 = arith.constant 0 : i32
      %dma_start3A_1014 = arith.constant 0 : i32
      %dma_start3A_1015 = tpu.memref_slice %arg11[%dma_start3A_1012, %dma_start3A_1013, %dma_start3A_1014] : memref<4x64x128xf32, #tpu.memory_space<vmem>> -> memref<1x64x128xf32, #tpu.memory_space<vmem>>
      %dma_start3A_1016 = tpu.memref_squeeze %dma_start3A_1015 : memref<1x64x128xf32, #tpu.memory_space<vmem>> -> memref<64x128xf32, #tpu.memory_space<vmem>>
      %dma_start3A_1017 = arith.constant 0 : i32
      %dma_start3A_1018 = tpu.memref_slice %arg4[%dma_start3A_1017, %multiple_of3A_991] : memref<64x1000000xf32, #tpu.memory_space<hbm>> -> memref<64x128xf32, #tpu.memory_space<hbm>>
      %dma_start3A_1019 = arith.constant 0 : i32
      %dma_start3A_1020 = arith.constant 0 : i32
      %dma_start3A_1021 = tpu.memref_slice %arg11[%dma_start3A_1012, %dma_start3A_1019, %dma_start3A_1020] : memref<4x64x128xf32, #tpu.memory_space<vmem>> -> memref<1x64x128xf32, #tpu.memory_space<vmem>>
      %dma_start3A_1022 = tpu.memref_squeeze %dma_start3A_1021 : memref<1x64x128xf32, #tpu.memory_space<vmem>> -> memref<64x128xf32, #tpu.memory_space<vmem>>
      %dma_start3A_1023 = arith.constant 0 : i32
      %dma_start3A_1024 = tpu.memref_slice %arg4[%dma_start3A_1023, %multiple_of3A_991] : memref<64x1000000xf32, #tpu.memory_space<hbm>> -> memref<64x128xf32, #tpu.memory_space<hbm>>
      tpu.enqueue_dma source(%dma_start3A_1024 : memref<64x128xf32, #tpu.memory_space<hbm>>) target(%dma_start3A_1022 : memref<64x128xf32, #tpu.memory_space<vmem>>) target_semaphore(%arg16 : memref<!tpu.dma_semaphore, #tpu.memory_space<semaphore_mem>>)
      %dma_start3A_1025 = arith.constant 1 : i32
      %dma_start3A_1026 = arith.constant 0 : i32
      %dma_start3A_1027 = arith.constant 0 : i32
      %dma_start3A_1028 = tpu.memref_slice %arg12[%dma_start3A_1025, %dma_start3A_1026, %dma_start3A_1027] : memref<4x64x128xf32, #tpu.memory_space<vmem>> -> memref<1x64x128xf32, #tpu.memory_space<vmem>>
      %dma_start3A_1029 = tpu.memref_squeeze %dma_start3A_1028 : memref<1x64x128xf32, #tpu.memory_space<vmem>> -> memref<64x128xf32, #tpu.memory_space<vmem>>
      %dma_start3A_1030 = arith.constant 0 : i32
      %dma_start3A_1031 = tpu.memref_slice %arg5[%dma_start3A_1030, %multiple_of3A_1009] : memref<64x1000000xf32, #tpu.memory_space<hbm>> -> memref<64x128xf32, #tpu.memory_space<hbm>>
      %dma_start3A_1032 = arith.constant 0 : i32
      %dma_start3A_1033 = arith.constant 0 : i32
      %dma_start3A_1034 = tpu.memref_slice %arg12[%dma_start3A_1025, %dma_start3A_1032, %dma_start3A_1033] : memref<4x64x128xf32, #tpu.memory_space<vmem>> -> memref<1x64x128xf32, #tpu.memory_space<vmem>>
      %dma_start3A_1035 = tpu.memref_squeeze %dma_start3A_1034 : memref<1x64x128xf32, #tpu.memory_space<vmem>> -> memref<64x128xf32, #tpu.memory_space<vmem>>
      %dma_start3A_1036 = arith.constant 0 : i32
      %dma_start3A_1037 = tpu.memref_slice %arg5[%dma_start3A_1036, %multiple_of3A_1009] : memref<64x1000000xf32, #tpu.memory_space<hbm>> -> memref<64x128xf32, #tpu.memory_space<hbm>>
      tpu.enqueue_dma source(%dma_start3A_1037 : memref<64x128xf32, #tpu.memory_space<hbm>>) target(%dma_start3A_1035 : memref<64x128xf32, #tpu.memory_space<vmem>>) target_semaphore(%arg16 : memref<!tpu.dma_semaphore, #tpu.memory_space<semaphore_mem>>)
      %iota3A_1038 = tpu.iota {dimensions = array<i32: 0>} : vector<16xi32>
      %eq3A_1039 = arith.constant 2 : i32
      %eq3A_1040 = vector.broadcast %eq3A_1039 : i32 to vector<16xi32>
      %eq3A_1041 = arith.cmpi eq, %iota3A_1038, %eq3A_1040 : vector<16xi32>
      %jit3A_1042 = arith.constant 0 : i32
      %broadcast_in_dim3A_1043 = vector.broadcast %jit3A_1042 : i32 to vector<16xi32>
      %select_n3A_1044 = arith.select %eq3A_1041, %get3A_539, %broadcast_in_dim3A_1043 : vector<16xi1>, vector<16xi32>
      %reduce_sum3A_1045 = arith.constant true
      %reduce_sum3A_1046 = vector.broadcast %reduce_sum3A_1045 : i1 to vector<16xi1>
      %reduce_sum3A_1047 = tpu.scan <sum>, %select_n3A_1044 masked %reduce_sum3A_1046 : vector<16xi32>, vector<16xi1> -> vector<16xi32>
      %reduce_sum3A_1048 = vector.extract %reduce_sum3A_1047[15] : i32 from vector<16xi32>
      %shift_right_arithmetic3A_1049 = arith.constant 7 : i32
      %shift_right_arithmetic3A_1050 = arith.shrsi %reduce_sum3A_1048, %shift_right_arithmetic3A_1049 : i32
      %mul3A_1051 = arith.constant 128 : i32
      %mul3A_1052 = arith.muli %shift_right_arithmetic3A_1050, %mul3A_1051 : i32
      %multiple_of3A_1053 = tpu.assume_multiple %mul3A_1052, 128 : i32
      %and3A_1054 = arith.constant 127 : i32
      %and3A_1055 = arith.andi %reduce_sum3A_1048, %and3A_1054 : i32
      %iota3A_1056 = tpu.iota {dimensions = array<i32: 0>} : vector<16xi32>
      %eq3A_1057 = arith.constant 2 : i32
      %eq3A_1058 = vector.broadcast %eq3A_1057 : i32 to vector<16xi32>
      %eq3A_1059 = arith.cmpi eq, %iota3A_1056, %eq3A_1058 : vector<16xi32>
      %jit3A_1060 = arith.constant 0 : i32
      %broadcast_in_dim3A_1061 = vector.broadcast %jit3A_1060 : i32 to vector<16xi32>
      %select_n3A_1062 = arith.select %eq3A_1059, %get3A_542, %broadcast_in_dim3A_1061 : vector<16xi1>, vector<16xi32>
      %reduce_sum3A_1063 = arith.constant true
      %reduce_sum3A_1064 = vector.broadcast %reduce_sum3A_1063 : i1 to vector<16xi1>
      %reduce_sum3A_1065 = tpu.scan <sum>, %select_n3A_1062 masked %reduce_sum3A_1064 : vector<16xi32>, vector<16xi1> -> vector<16xi32>
      %reduce_sum3A_1066 = vector.extract %reduce_sum3A_1065[15] : i32 from vector<16xi32>
      %shift_right_arithmetic3A_1067 = arith.constant 7 : i32
      %shift_right_arithmetic3A_1068 = arith.shrsi %reduce_sum3A_1066, %shift_right_arithmetic3A_1067 : i32
      %mul3A_1069 = arith.constant 128 : i32
      %mul3A_1070 = arith.muli %shift_right_arithmetic3A_1068, %mul3A_1069 : i32
      %multiple_of3A_1071 = tpu.assume_multiple %mul3A_1070, 128 : i32
      %and3A_1072 = arith.constant 127 : i32
      %and3A_1073 = arith.andi %reduce_sum3A_1066, %and3A_1072 : i32
      %dma_wait3A_1074 = arith.constant 2 : i32
      %dma_wait3A_1075 = arith.constant 0 : i32
      %dma_wait3A_1076 = arith.constant 0 : i32
      %dma_wait3A_1077 = tpu.memref_slice %arg11[%dma_wait3A_1074, %dma_wait3A_1075, %dma_wait3A_1076] : memref<4x64x128xf32, #tpu.memory_space<vmem>> -> memref<1x64x128xf32, #tpu.memory_space<vmem>>
      %dma_wait3A_1078 = tpu.memref_squeeze %dma_wait3A_1077 : memref<1x64x128xf32, #tpu.memory_space<vmem>> -> memref<64x128xf32, #tpu.memory_space<vmem>>
      %dma_wait3A_1079 = arith.constant 0 : i32
      %dma_wait3A_1080 = arith.constant 0 : i32
      %dma_wait3A_1081 = tpu.memref_slice %arg4[%dma_wait3A_1079, %dma_wait3A_1080] : memref<64x1000000xf32, #tpu.memory_space<hbm>> -> memref<64x128xf32, #tpu.memory_space<hbm>>
      %dma_wait3A_1082 = arith.constant 0 : i32
      %dma_wait3A_1083 = arith.constant 0 : i32
      %dma_wait3A_1084 = tpu.memref_slice %arg11[%dma_wait3A_1074, %dma_wait3A_1082, %dma_wait3A_1083] : memref<4x64x128xf32, #tpu.memory_space<vmem>> -> memref<1x64x128xf32, #tpu.memory_space<vmem>>
      %dma_wait3A_1085 = tpu.memref_squeeze %dma_wait3A_1084 : memref<1x64x128xf32, #tpu.memory_space<vmem>> -> memref<64x128xf32, #tpu.memory_space<vmem>>
      %dma_wait3A_1086 = arith.constant 0 : i32
      %dma_wait3A_1087 = arith.constant 0 : i32
      %dma_wait3A_1088 = tpu.memref_slice %arg4[%dma_wait3A_1086, %dma_wait3A_1087] : memref<64x1000000xf32, #tpu.memory_space<hbm>> -> memref<64x128xf32, #tpu.memory_space<hbm>>
      tpu.wait_dma2 semaphore(%arg16 : memref<!tpu.dma_semaphore, #tpu.memory_space<semaphore_mem>>) src(%dma_wait3A_1088 : memref<64x128xf32, #tpu.memory_space<hbm>>) dst(%dma_wait3A_1085 : memref<64x128xf32, #tpu.memory_space<vmem>>)
      %dma_wait3A_1089 = arith.constant 2 : i32
      %dma_wait3A_1090 = arith.constant 0 : i32
      %dma_wait3A_1091 = arith.constant 0 : i32
      %dma_wait3A_1092 = tpu.memref_slice %arg12[%dma_wait3A_1089, %dma_wait3A_1090, %dma_wait3A_1091] : memref<4x64x128xf32, #tpu.memory_space<vmem>> -> memref<1x64x128xf32, #tpu.memory_space<vmem>>
      %dma_wait3A_1093 = tpu.memref_squeeze %dma_wait3A_1092 : memref<1x64x128xf32, #tpu.memory_space<vmem>> -> memref<64x128xf32, #tpu.memory_space<vmem>>
      %dma_wait3A_1094 = arith.constant 0 : i32
      %dma_wait3A_1095 = arith.constant 0 : i32
      %dma_wait3A_1096 = tpu.memref_slice %arg5[%dma_wait3A_1094, %dma_wait3A_1095] : memref<64x1000000xf32, #tpu.memory_space<hbm>> -> memref<64x128xf32, #tpu.memory_space<hbm>>
      %dma_wait3A_1097 = arith.constant 0 : i32
      %dma_wait3A_1098 = arith.constant 0 : i32
      %dma_wait3A_1099 = tpu.memref_slice %arg12[%dma_wait3A_1089, %dma_wait3A_1097, %dma_wait3A_1098] : memref<4x64x128xf32, #tpu.memory_space<vmem>> -> memref<1x64x128xf32, #tpu.memory_space<vmem>>
      %dma_wait3A_1100 = tpu.memref_squeeze %dma_wait3A_1099 : memref<1x64x128xf32, #tpu.memory_space<vmem>> -> memref<64x128xf32, #tpu.memory_space<vmem>>
      %dma_wait3A_1101 = arith.constant 0 : i32
      %dma_wait3A_1102 = arith.constant 0 : i32
      %dma_wait3A_1103 = tpu.memref_slice %arg5[%dma_wait3A_1101, %dma_wait3A_1102] : memref<64x1000000xf32, #tpu.memory_space<hbm>> -> memref<64x128xf32, #tpu.memory_space<hbm>>
      tpu.wait_dma2 semaphore(%arg16 : memref<!tpu.dma_semaphore, #tpu.memory_space<semaphore_mem>>) src(%dma_wait3A_1103 : memref<64x128xf32, #tpu.memory_space<hbm>>) dst(%dma_wait3A_1100 : memref<64x128xf32, #tpu.memory_space<vmem>>)
      %broadcast_in_dim3A_1104 = arith.constant 0.000000e+00 : f32
      %broadcast_in_dim3A_1105 = vector.broadcast %broadcast_in_dim3A_1104 : f32 to vector<16xf32>
      %broadcast_in_dim3A_1106 = arith.constant 0 : i32
      %broadcast_in_dim3A_1107 = vector.broadcast %broadcast_in_dim3A_1106 : i32 to vector<16xi32>
      %add3A_1108 = vector.broadcast %and3A_1055 : i32 to vector<16xi32>
      %add3A_1109 = arith.addi %broadcast_in_dim3A_1107, %add3A_1108 : vector<16xi32>
      %broadcast_in_dim3A_1110 = arith.constant 0 : i32
      %broadcast_in_dim3A_1111 = vector.broadcast %broadcast_in_dim3A_1110 : i32 to vector<16xi32>
      %add3A_1112 = vector.broadcast %and3A_1073 : i32 to vector<16xi32>
      %add3A_1113 = arith.addi %broadcast_in_dim3A_1111, %add3A_1112 : vector<16xi32>
      %add3A_1114 = arith.constant 0 : i32
      %add3A_1115 = vector.broadcast %add3A_1114 : i32 to vector<16xi32>
      %add3A_1116 = arith.addi %iota3A, %add3A_1115 : vector<16xi32>
      %gather3A_1117 = arith.constant 2 : i32
      %gather3A_1118 = arith.constant 0 : i32
      %gather3A_1119 = arith.constant 0 : i32
      %gather3A_1120 = tpu.memref_slice %arg11[%gather3A_1117, %gather3A_1118, %gather3A_1119] : memref<4x64x128xf32, #tpu.memory_space<vmem>> -> memref<1x64x128xf32, #tpu.memory_space<vmem>>
      %gather3A_1121 = tpu.memref_squeeze %gather3A_1120 : memref<1x64x128xf32, #tpu.memory_space<vmem>> -> memref<64x128xf32, #tpu.memory_space<vmem>>
      %gather3A_1122 = tpu.vector_load_idx %gather3A_1121[%add3A_1116, %add3A_1109] : memref<64x128xf32, #tpu.memory_space<vmem>>[vector<16xi32>, vector<16xi32>], vector<16xf32>,
      %gather3A_1123 = arith.constant 2 : i32
      %gather3A_1124 = arith.constant 0 : i32
      %gather3A_1125 = arith.constant 0 : i32
      %gather3A_1126 = tpu.memref_slice %arg12[%gather3A_1123, %gather3A_1124, %gather3A_1125] : memref<4x64x128xf32, #tpu.memory_space<vmem>> -> memref<1x64x128xf32, #tpu.memory_space<vmem>>
      %gather3A_1127 = tpu.memref_squeeze %gather3A_1126 : memref<1x64x128xf32, #tpu.memory_space<vmem>> -> memref<64x128xf32, #tpu.memory_space<vmem>>
      %gather3A_1128 = tpu.vector_load_idx %gather3A_1127[%add3A_1116, %add3A_1113] : memref<64x128xf32, #tpu.memory_space<vmem>>[vector<16xi32>, vector<16xi32>], vector<16xf32>,
      %mul3A_1129 = arith.mulf %gather3A_1122, %gather3A_1128 : vector<16xf32>
      %add3A_1130 = arith.addf %broadcast_in_dim3A_1105, %mul3A_1129 : vector<16xf32>
      %add3A_1131 = arith.constant 16 : i32
      %add3A_1132 = vector.broadcast %add3A_1131 : i32 to vector<16xi32>
      %add3A_1133 = arith.addi %iota3A, %add3A_1132 : vector<16xi32>
      %gather3A_1134 = arith.constant 2 : i32
      %gather3A_1135 = arith.constant 0 : i32
      %gather3A_1136 = arith.constant 0 : i32
      %gather3A_1137 = tpu.memref_slice %arg11[%gather3A_1134, %gather3A_1135, %gather3A_1136] : memref<4x64x128xf32, #tpu.memory_space<vmem>> -> memref<1x64x128xf32, #tpu.memory_space<vmem>>
      %gather3A_1138 = tpu.memref_squeeze %gather3A_1137 : memref<1x64x128xf32, #tpu.memory_space<vmem>> -> memref<64x128xf32, #tpu.memory_space<vmem>>
      %gather3A_1139 = tpu.vector_load_idx %gather3A_1138[%add3A_1133, %add3A_1109] : memref<64x128xf32, #tpu.memory_space<vmem>>[vector<16xi32>, vector<16xi32>], vector<16xf32>,
      %gather3A_1140 = arith.constant 2 : i32
      %gather3A_1141 = arith.constant 0 : i32
      %gather3A_1142 = arith.constant 0 : i32
      %gather3A_1143 = tpu.memref_slice %arg12[%gather3A_1140, %gather3A_1141, %gather3A_1142] : memref<4x64x128xf32, #tpu.memory_space<vmem>> -> memref<1x64x128xf32, #tpu.memory_space<vmem>>
      %gather3A_1144 = tpu.memref_squeeze %gather3A_1143 : memref<1x64x128xf32, #tpu.memory_space<vmem>> -> memref<64x128xf32, #tpu.memory_space<vmem>>
      %gather3A_1145 = tpu.vector_load_idx %gather3A_1144[%add3A_1133, %add3A_1113] : memref<64x128xf32, #tpu.memory_space<vmem>>[vector<16xi32>, vector<16xi32>], vector<16xf32>,
      %mul3A_1146 = arith.mulf %gather3A_1139, %gather3A_1145 : vector<16xf32>
      %add3A_1147 = arith.addf %add3A_1130, %mul3A_1146 : vector<16xf32>
      %add3A_1148 = arith.constant 32 : i32
      %add3A_1149 = vector.broadcast %add3A_1148 : i32 to vector<16xi32>
      %add3A_1150 = arith.addi %iota3A, %add3A_1149 : vector<16xi32>
      %gather3A_1151 = arith.constant 2 : i32
      %gather3A_1152 = arith.constant 0 : i32
      %gather3A_1153 = arith.constant 0 : i32
      %gather3A_1154 = tpu.memref_slice %arg11[%gather3A_1151, %gather3A_1152, %gather3A_1153] : memref<4x64x128xf32, #tpu.memory_space<vmem>> -> memref<1x64x128xf32, #tpu.memory_space<vmem>>
      %gather3A_1155 = tpu.memref_squeeze %gather3A_1154 : memref<1x64x128xf32, #tpu.memory_space<vmem>> -> memref<64x128xf32, #tpu.memory_space<vmem>>
      %gather3A_1156 = tpu.vector_load_idx %gather3A_1155[%add3A_1150, %add3A_1109] : memref<64x128xf32, #tpu.memory_space<vmem>>[vector<16xi32>, vector<16xi32>], vector<16xf32>,
      %gather3A_1157 = arith.constant 2 : i32
      %gather3A_1158 = arith.constant 0 : i32
      %gather3A_1159 = arith.constant 0 : i32
      %gather3A_1160 = tpu.memref_slice %arg12[%gather3A_1157, %gather3A_1158, %gather3A_1159] : memref<4x64x128xf32, #tpu.memory_space<vmem>> -> memref<1x64x128xf32, #tpu.memory_space<vmem>>
      %gather3A_1161 = tpu.memref_squeeze %gather3A_1160 : memref<1x64x128xf32, #tpu.memory_space<vmem>> -> memref<64x128xf32, #tpu.memory_space<vmem>>
      %gather3A_1162 = tpu.vector_load_idx %gather3A_1161[%add3A_1150, %add3A_1113] : memref<64x128xf32, #tpu.memory_space<vmem>>[vector<16xi32>, vector<16xi32>], vector<16xf32>,
      %mul3A_1163 = arith.mulf %gather3A_1156, %gather3A_1162 : vector<16xf32>
      %add3A_1164 = arith.addf %add3A_1147, %mul3A_1163 : vector<16xf32>
      %add3A_1165 = arith.constant 48 : i32
      %add3A_1166 = vector.broadcast %add3A_1165 : i32 to vector<16xi32>
      %add3A_1167 = arith.addi %iota3A, %add3A_1166 : vector<16xi32>
      %gather3A_1168 = arith.constant 2 : i32
      %gather3A_1169 = arith.constant 0 : i32
      %gather3A_1170 = arith.constant 0 : i32
      %gather3A_1171 = tpu.memref_slice %arg11[%gather3A_1168, %gather3A_1169, %gather3A_1170] : memref<4x64x128xf32, #tpu.memory_space<vmem>> -> memref<1x64x128xf32, #tpu.memory_space<vmem>>
      %gather3A_1172 = tpu.memref_squeeze %gather3A_1171 : memref<1x64x128xf32, #tpu.memory_space<vmem>> -> memref<64x128xf32, #tpu.memory_space<vmem>>
      %gather3A_1173 = tpu.vector_load_idx %gather3A_1172[%add3A_1167, %add3A_1109] : memref<64x128xf32, #tpu.memory_space<vmem>>[vector<16xi32>, vector<16xi32>], vector<16xf32>,
      %gather3A_1174 = arith.constant 2 : i32
      %gather3A_1175 = arith.constant 0 : i32
      %gather3A_1176 = arith.constant 0 : i32
      %gather3A_1177 = tpu.memref_slice %arg12[%gather3A_1174, %gather3A_1175, %gather3A_1176] : memref<4x64x128xf32, #tpu.memory_space<vmem>> -> memref<1x64x128xf32, #tpu.memory_space<vmem>>
      %gather3A_1178 = tpu.memref_squeeze %gather3A_1177 : memref<1x64x128xf32, #tpu.memory_space<vmem>> -> memref<64x128xf32, #tpu.memory_space<vmem>>
      %gather3A_1179 = tpu.vector_load_idx %gather3A_1178[%add3A_1167, %add3A_1113] : memref<64x128xf32, #tpu.memory_space<vmem>>[vector<16xi32>, vector<16xi32>], vector<16xf32>,
      %mul3A_1180 = arith.mulf %gather3A_1173, %gather3A_1179 : vector<16xf32>
      %add3A_1181 = arith.addf %add3A_1164, %mul3A_1180 : vector<16xf32>
      %reduce_sum3A_1182 = arith.constant true
      %reduce_sum3A_1183 = vector.broadcast %reduce_sum3A_1182 : i1 to vector<16xi1>
      %reduce_sum3A_1184 = tpu.scan <sum>, %add3A_1181 masked %reduce_sum3A_1183 : vector<16xf32>, vector<16xi1> -> vector<16xf32>
      %reduce_sum3A_1185 = vector.extract %reduce_sum3A_1184[15] : f32 from vector<16xf32>
      %eq3A_1186 = arith.constant 2 : i32
      %eq3A_1187 = vector.broadcast %eq3A_1186 : i32 to vector<16xi32>
      %eq3A_1188 = arith.cmpi eq, %iota3A, %eq3A_1187 : vector<16xi32>
      %jit3A_1189 = arith.constant 0.000000e+00 : f32
      %broadcast_in_dim3A_1190 = vector.broadcast %reduce_sum3A_1185 : f32 to vector<16xf32>
      %broadcast_in_dim3A_1191 = vector.broadcast %jit3A_1189 : f32 to vector<16xf32>
      %select_n3A_1192 = arith.select %eq3A_1188, %broadcast_in_dim3A_1190, %broadcast_in_dim3A_1191 : vector<16xi1>, vector<16xf32>
      %add3A_1193 = arith.addf %add3A_975, %select_n3A_1192 : vector<16xf32>
      %iota3A_1194 = tpu.iota {dimensions = array<i32: 0>} : vector<16xi32>
      %eq3A_1195 = arith.constant 6 : i32
      %eq3A_1196 = vector.broadcast %eq3A_1195 : i32 to vector<16xi32>
      %eq3A_1197 = arith.cmpi eq, %iota3A_1194, %eq3A_1196 : vector<16xi32>
      %jit3A_1198 = arith.constant 0 : i32
      %broadcast_in_dim3A_1199 = vector.broadcast %jit3A_1198 : i32 to vector<16xi32>
      %select_n3A_1200 = arith.select %eq3A_1197, %get3A_539, %broadcast_in_dim3A_1199 : vector<16xi1>, vector<16xi32>
      %reduce_sum3A_1201 = arith.constant true
      %reduce_sum3A_1202 = vector.broadcast %reduce_sum3A_1201 : i1 to vector<16xi1>
      %reduce_sum3A_1203 = tpu.scan <sum>, %select_n3A_1200 masked %reduce_sum3A_1202 : vector<16xi32>, vector<16xi1> -> vector<16xi32>
      %reduce_sum3A_1204 = vector.extract %reduce_sum3A_1203[15] : i32 from vector<16xi32>
      %shift_right_arithmetic3A_1205 = arith.constant 7 : i32
      %shift_right_arithmetic3A_1206 = arith.shrsi %reduce_sum3A_1204, %shift_right_arithmetic3A_1205 : i32
      %mul3A_1207 = arith.constant 128 : i32
      %mul3A_1208 = arith.muli %shift_right_arithmetic3A_1206, %mul3A_1207 : i32
      %multiple_of3A_1209 = tpu.assume_multiple %mul3A_1208, 128 : i32
      %and3A_1210 = arith.constant 127 : i32
      %and3A_1211 = arith.andi %reduce_sum3A_1204, %and3A_1210 : i32
      %iota3A_1212 = tpu.iota {dimensions = array<i32: 0>} : vector<16xi32>
      %eq3A_1213 = arith.constant 6 : i32
      %eq3A_1214 = vector.broadcast %eq3A_1213 : i32 to vector<16xi32>
      %eq3A_1215 = arith.cmpi eq, %iota3A_1212, %eq3A_1214 : vector<16xi32>
      %jit3A_1216 = arith.constant 0 : i32
      %broadcast_in_dim3A_1217 = vector.broadcast %jit3A_1216 : i32 to vector<16xi32>
      %select_n3A_1218 = arith.select %eq3A_1215, %get3A_542, %broadcast_in_dim3A_1217 : vector<16xi1>, vector<16xi32>
      %reduce_sum3A_1219 = arith.constant true
      %reduce_sum3A_1220 = vector.broadcast %reduce_sum3A_1219 : i1 to vector<16xi1>
      %reduce_sum3A_1221 = tpu.scan <sum>, %select_n3A_1218 masked %reduce_sum3A_1220 : vector<16xi32>, vector<16xi1> -> vector<16xi32>
      %reduce_sum3A_1222 = vector.extract %reduce_sum3A_1221[15] : i32 from vector<16xi32>
      %shift_right_arithmetic3A_1223 = arith.constant 7 : i32
      %shift_right_arithmetic3A_1224 = arith.shrsi %reduce_sum3A_1222, %shift_right_arithmetic3A_1223 : i32
      %mul3A_1225 = arith.constant 128 : i32
      %mul3A_1226 = arith.muli %shift_right_arithmetic3A_1224, %mul3A_1225 : i32
      %multiple_of3A_1227 = tpu.assume_multiple %mul3A_1226, 128 : i32
      %and3A_1228 = arith.constant 127 : i32
      %and3A_1229 = arith.andi %reduce_sum3A_1222, %and3A_1228 : i32
      %dma_start3A_1230 = arith.constant 2 : i32
      %dma_start3A_1231 = arith.constant 0 : i32
      %dma_start3A_1232 = arith.constant 0 : i32
      %dma_start3A_1233 = tpu.memref_slice %arg11[%dma_start3A_1230, %dma_start3A_1231, %dma_start3A_1232] : memref<4x64x128xf32, #tpu.memory_space<vmem>> -> memref<1x64x128xf32, #tpu.memory_space<vmem>>
      %dma_start3A_1234 = tpu.memref_squeeze %dma_start3A_1233 : memref<1x64x128xf32, #tpu.memory_space<vmem>> -> memref<64x128xf32, #tpu.memory_space<vmem>>
      %dma_start3A_1235 = arith.constant 0 : i32
      %dma_start3A_1236 = tpu.memref_slice %arg4[%dma_start3A_1235, %multiple_of3A_1209] : memref<64x1000000xf32, #tpu.memory_space<hbm>> -> memref<64x128xf32, #tpu.memory_space<hbm>>
      %dma_start3A_1237 = arith.constant 0 : i32
      %dma_start3A_1238 = arith.constant 0 : i32
      %dma_start3A_1239 = tpu.memref_slice %arg11[%dma_start3A_1230, %dma_start3A_1237, %dma_start3A_1238] : memref<4x64x128xf32, #tpu.memory_space<vmem>> -> memref<1x64x128xf32, #tpu.memory_space<vmem>>
      %dma_start3A_1240 = tpu.memref_squeeze %dma_start3A_1239 : memref<1x64x128xf32, #tpu.memory_space<vmem>> -> memref<64x128xf32, #tpu.memory_space<vmem>>
      %dma_start3A_1241 = arith.constant 0 : i32
      %dma_start3A_1242 = tpu.memref_slice %arg4[%dma_start3A_1241, %multiple_of3A_1209] : memref<64x1000000xf32, #tpu.memory_space<hbm>> -> memref<64x128xf32, #tpu.memory_space<hbm>>
      tpu.enqueue_dma source(%dma_start3A_1242 : memref<64x128xf32, #tpu.memory_space<hbm>>) target(%dma_start3A_1240 : memref<64x128xf32, #tpu.memory_space<vmem>>) target_semaphore(%arg16 : memref<!tpu.dma_semaphore, #tpu.memory_space<semaphore_mem>>)
      %dma_start3A_1243 = arith.constant 2 : i32
      %dma_start3A_1244 = arith.constant 0 : i32
      %dma_start3A_1245 = arith.constant 0 : i32
      %dma_start3A_1246 = tpu.memref_slice %arg12[%dma_start3A_1243, %dma_start3A_1244, %dma_start3A_1245] : memref<4x64x128xf32, #tpu.memory_space<vmem>> -> memref<1x64x128xf32, #tpu.memory_space<vmem>>
      %dma_start3A_1247 = tpu.memref_squeeze %dma_start3A_1246 : memref<1x64x128xf32, #tpu.memory_space<vmem>> -> memref<64x128xf32, #tpu.memory_space<vmem>>
      %dma_start3A_1248 = arith.constant 0 : i32
      %dma_start3A_1249 = tpu.memref_slice %arg5[%dma_start3A_1248, %multiple_of3A_1227] : memref<64x1000000xf32, #tpu.memory_space<hbm>> -> memref<64x128xf32, #tpu.memory_space<hbm>>
      %dma_start3A_1250 = arith.constant 0 : i32
      %dma_start3A_1251 = arith.constant 0 : i32
      %dma_start3A_1252 = tpu.memref_slice %arg12[%dma_start3A_1243, %dma_start3A_1250, %dma_start3A_1251] : memref<4x64x128xf32, #tpu.memory_space<vmem>> -> memref<1x64x128xf32, #tpu.memory_space<vmem>>
      %dma_start3A_1253 = tpu.memref_squeeze %dma_start3A_1252 : memref<1x64x128xf32, #tpu.memory_space<vmem>> -> memref<64x128xf32, #tpu.memory_space<vmem>>
      %dma_start3A_1254 = arith.constant 0 : i32
      %dma_start3A_1255 = tpu.memref_slice %arg5[%dma_start3A_1254, %multiple_of3A_1227] : memref<64x1000000xf32, #tpu.memory_space<hbm>> -> memref<64x128xf32, #tpu.memory_space<hbm>>
      tpu.enqueue_dma source(%dma_start3A_1255 : memref<64x128xf32, #tpu.memory_space<hbm>>) target(%dma_start3A_1253 : memref<64x128xf32, #tpu.memory_space<vmem>>) target_semaphore(%arg16 : memref<!tpu.dma_semaphore, #tpu.memory_space<semaphore_mem>>)
      %iota3A_1256 = tpu.iota {dimensions = array<i32: 0>} : vector<16xi32>
      %eq3A_1257 = arith.constant 3 : i32
      %eq3A_1258 = vector.broadcast %eq3A_1257 : i32 to vector<16xi32>
      %eq3A_1259 = arith.cmpi eq, %iota3A_1256, %eq3A_1258 : vector<16xi32>
      %jit3A_1260 = arith.constant 0 : i32
      %broadcast_in_dim3A_1261 = vector.broadcast %jit3A_1260 : i32 to vector<16xi32>
      %select_n3A_1262 = arith.select %eq3A_1259, %get3A_539, %broadcast_in_dim3A_1261 : vector<16xi1>, vector<16xi32>
      %reduce_sum3A_1263 = arith.constant true
      %reduce_sum3A_1264 = vector.broadcast %reduce_sum3A_1263 : i1 to vector<16xi1>
      %reduce_sum3A_1265 = tpu.scan <sum>, %select_n3A_1262 masked %reduce_sum3A_1264 : vector<16xi32>, vector<16xi1> -> vector<16xi32>
      %reduce_sum3A_1266 = vector.extract %reduce_sum3A_1265[15] : i32 from vector<16xi32>
      %shift_right_arithmetic3A_1267 = arith.constant 7 : i32
      %shift_right_arithmetic3A_1268 = arith.shrsi %reduce_sum3A_1266, %shift_right_arithmetic3A_1267 : i32
      %mul3A_1269 = arith.constant 128 : i32
      %mul3A_1270 = arith.muli %shift_right_arithmetic3A_1268, %mul3A_1269 : i32
      %multiple_of3A_1271 = tpu.assume_multiple %mul3A_1270, 128 : i32
      %and3A_1272 = arith.constant 127 : i32
      %and3A_1273 = arith.andi %reduce_sum3A_1266, %and3A_1272 : i32
      %iota3A_1274 = tpu.iota {dimensions = array<i32: 0>} : vector<16xi32>
      %eq3A_1275 = arith.constant 3 : i32
      %eq3A_1276 = vector.broadcast %eq3A_1275 : i32 to vector<16xi32>
      %eq3A_1277 = arith.cmpi eq, %iota3A_1274, %eq3A_1276 : vector<16xi32>
      %jit3A_1278 = arith.constant 0 : i32
      %broadcast_in_dim3A_1279 = vector.broadcast %jit3A_1278 : i32 to vector<16xi32>
      %select_n3A_1280 = arith.select %eq3A_1277, %get3A_542, %broadcast_in_dim3A_1279 : vector<16xi1>, vector<16xi32>
      %reduce_sum3A_1281 = arith.constant true
      %reduce_sum3A_1282 = vector.broadcast %reduce_sum3A_1281 : i1 to vector<16xi1>
      %reduce_sum3A_1283 = tpu.scan <sum>, %select_n3A_1280 masked %reduce_sum3A_1282 : vector<16xi32>, vector<16xi1> -> vector<16xi32>
      %reduce_sum3A_1284 = vector.extract %reduce_sum3A_1283[15] : i32 from vector<16xi32>
      %shift_right_arithmetic3A_1285 = arith.constant 7 : i32
      %shift_right_arithmetic3A_1286 = arith.shrsi %reduce_sum3A_1284, %shift_right_arithmetic3A_1285 : i32
      %mul3A_1287 = arith.constant 128 : i32
      %mul3A_1288 = arith.muli %shift_right_arithmetic3A_1286, %mul3A_1287 : i32
      %multiple_of3A_1289 = tpu.assume_multiple %mul3A_1288, 128 : i32
      %and3A_1290 = arith.constant 127 : i32
      %and3A_1291 = arith.andi %reduce_sum3A_1284, %and3A_1290 : i32
      %dma_wait3A_1292 = arith.constant 3 : i32
      %dma_wait3A_1293 = arith.constant 0 : i32
      %dma_wait3A_1294 = arith.constant 0 : i32
      %dma_wait3A_1295 = tpu.memref_slice %arg11[%dma_wait3A_1292, %dma_wait3A_1293, %dma_wait3A_1294] : memref<4x64x128xf32, #tpu.memory_space<vmem>> -> memref<1x64x128xf32, #tpu.memory_space<vmem>>
      %dma_wait3A_1296 = tpu.memref_squeeze %dma_wait3A_1295 : memref<1x64x128xf32, #tpu.memory_space<vmem>> -> memref<64x128xf32, #tpu.memory_space<vmem>>
      %dma_wait3A_1297 = arith.constant 0 : i32
      %dma_wait3A_1298 = arith.constant 0 : i32
      %dma_wait3A_1299 = tpu.memref_slice %arg4[%dma_wait3A_1297, %dma_wait3A_1298] : memref<64x1000000xf32, #tpu.memory_space<hbm>> -> memref<64x128xf32, #tpu.memory_space<hbm>>
      %dma_wait3A_1300 = arith.constant 0 : i32
      %dma_wait3A_1301 = arith.constant 0 : i32
      %dma_wait3A_1302 = tpu.memref_slice %arg11[%dma_wait3A_1292, %dma_wait3A_1300, %dma_wait3A_1301] : memref<4x64x128xf32, #tpu.memory_space<vmem>> -> memref<1x64x128xf32, #tpu.memory_space<vmem>>
      %dma_wait3A_1303 = tpu.memref_squeeze %dma_wait3A_1302 : memref<1x64x128xf32, #tpu.memory_space<vmem>> -> memref<64x128xf32, #tpu.memory_space<vmem>>
      %dma_wait3A_1304 = arith.constant 0 : i32
      %dma_wait3A_1305 = arith.constant 0 : i32
      %dma_wait3A_1306 = tpu.memref_slice %arg4[%dma_wait3A_1304, %dma_wait3A_1305] : memref<64x1000000xf32, #tpu.memory_space<hbm>> -> memref<64x128xf32, #tpu.memory_space<hbm>>
      tpu.wait_dma2 semaphore(%arg16 : memref<!tpu.dma_semaphore, #tpu.memory_space<semaphore_mem>>) src(%dma_wait3A_1306 : memref<64x128xf32, #tpu.memory_space<hbm>>) dst(%dma_wait3A_1303 : memref<64x128xf32, #tpu.memory_space<vmem>>)
      %dma_wait3A_1307 = arith.constant 3 : i32
      %dma_wait3A_1308 = arith.constant 0 : i32
      %dma_wait3A_1309 = arith.constant 0 : i32
      %dma_wait3A_1310 = tpu.memref_slice %arg12[%dma_wait3A_1307, %dma_wait3A_1308, %dma_wait3A_1309] : memref<4x64x128xf32, #tpu.memory_space<vmem>> -> memref<1x64x128xf32, #tpu.memory_space<vmem>>
      %dma_wait3A_1311 = tpu.memref_squeeze %dma_wait3A_1310 : memref<1x64x128xf32, #tpu.memory_space<vmem>> -> memref<64x128xf32, #tpu.memory_space<vmem>>
      %dma_wait3A_1312 = arith.constant 0 : i32
      %dma_wait3A_1313 = arith.constant 0 : i32
      %dma_wait3A_1314 = tpu.memref_slice %arg5[%dma_wait3A_1312, %dma_wait3A_1313] : memref<64x1000000xf32, #tpu.memory_space<hbm>> -> memref<64x128xf32, #tpu.memory_space<hbm>>
      %dma_wait3A_1315 = arith.constant 0 : i32
      %dma_wait3A_1316 = arith.constant 0 : i32
      %dma_wait3A_1317 = tpu.memref_slice %arg12[%dma_wait3A_1307, %dma_wait3A_1315, %dma_wait3A_1316] : memref<4x64x128xf32, #tpu.memory_space<vmem>> -> memref<1x64x128xf32, #tpu.memory_space<vmem>>
      %dma_wait3A_1318 = tpu.memref_squeeze %dma_wait3A_1317 : memref<1x64x128xf32, #tpu.memory_space<vmem>> -> memref<64x128xf32, #tpu.memory_space<vmem>>
      %dma_wait3A_1319 = arith.constant 0 : i32
      %dma_wait3A_1320 = arith.constant 0 : i32
      %dma_wait3A_1321 = tpu.memref_slice %arg5[%dma_wait3A_1319, %dma_wait3A_1320] : memref<64x1000000xf32, #tpu.memory_space<hbm>> -> memref<64x128xf32, #tpu.memory_space<hbm>>
      tpu.wait_dma2 semaphore(%arg16 : memref<!tpu.dma_semaphore, #tpu.memory_space<semaphore_mem>>) src(%dma_wait3A_1321 : memref<64x128xf32, #tpu.memory_space<hbm>>) dst(%dma_wait3A_1318 : memref<64x128xf32, #tpu.memory_space<vmem>>)
      %broadcast_in_dim3A_1322 = arith.constant 0.000000e+00 : f32
      %broadcast_in_dim3A_1323 = vector.broadcast %broadcast_in_dim3A_1322 : f32 to vector<16xf32>
      %broadcast_in_dim3A_1324 = arith.constant 0 : i32
      %broadcast_in_dim3A_1325 = vector.broadcast %broadcast_in_dim3A_1324 : i32 to vector<16xi32>
      %add3A_1326 = vector.broadcast %and3A_1273 : i32 to vector<16xi32>
      %add3A_1327 = arith.addi %broadcast_in_dim3A_1325, %add3A_1326 : vector<16xi32>
      %broadcast_in_dim3A_1328 = arith.constant 0 : i32
      %broadcast_in_dim3A_1329 = vector.broadcast %broadcast_in_dim3A_1328 : i32 to vector<16xi32>
      %add3A_1330 = vector.broadcast %and3A_1291 : i32 to vector<16xi32>
      %add3A_1331 = arith.addi %broadcast_in_dim3A_1329, %add3A_1330 : vector<16xi32>
      %add3A_1332 = arith.constant 0 : i32
      %add3A_1333 = vector.broadcast %add3A_1332 : i32 to vector<16xi32>
      %add3A_1334 = arith.addi %iota3A, %add3A_1333 : vector<16xi32>
      %gather3A_1335 = arith.constant 3 : i32
      %gather3A_1336 = arith.constant 0 : i32
      %gather3A_1337 = arith.constant 0 : i32
      %gather3A_1338 = tpu.memref_slice %arg11[%gather3A_1335, %gather3A_1336, %gather3A_1337] : memref<4x64x128xf32, #tpu.memory_space<vmem>> -> memref<1x64x128xf32, #tpu.memory_space<vmem>>
      %gather3A_1339 = tpu.memref_squeeze %gather3A_1338 : memref<1x64x128xf32, #tpu.memory_space<vmem>> -> memref<64x128xf32, #tpu.memory_space<vmem>>
      %gather3A_1340 = tpu.vector_load_idx %gather3A_1339[%add3A_1334, %add3A_1327] : memref<64x128xf32, #tpu.memory_space<vmem>>[vector<16xi32>, vector<16xi32>], vector<16xf32>,
      %gather3A_1341 = arith.constant 3 : i32
      %gather3A_1342 = arith.constant 0 : i32
      %gather3A_1343 = arith.constant 0 : i32
      %gather3A_1344 = tpu.memref_slice %arg12[%gather3A_1341, %gather3A_1342, %gather3A_1343] : memref<4x64x128xf32, #tpu.memory_space<vmem>> -> memref<1x64x128xf32, #tpu.memory_space<vmem>>
      %gather3A_1345 = tpu.memref_squeeze %gather3A_1344 : memref<1x64x128xf32, #tpu.memory_space<vmem>> -> memref<64x128xf32, #tpu.memory_space<vmem>>
      %gather3A_1346 = tpu.vector_load_idx %gather3A_1345[%add3A_1334, %add3A_1331] : memref<64x128xf32, #tpu.memory_space<vmem>>[vector<16xi32>, vector<16xi32>], vector<16xf32>,
      %mul3A_1347 = arith.mulf %gather3A_1340, %gather3A_1346 : vector<16xf32>
      %add3A_1348 = arith.addf %broadcast_in_dim3A_1323, %mul3A_1347 : vector<16xf32>
      %add3A_1349 = arith.constant 16 : i32
      %add3A_1350 = vector.broadcast %add3A_1349 : i32 to vector<16xi32>
      %add3A_1351 = arith.addi %iota3A, %add3A_1350 : vector<16xi32>
      %gather3A_1352 = arith.constant 3 : i32
      %gather3A_1353 = arith.constant 0 : i32
      %gather3A_1354 = arith.constant 0 : i32
      %gather3A_1355 = tpu.memref_slice %arg11[%gather3A_1352, %gather3A_1353, %gather3A_1354] : memref<4x64x128xf32, #tpu.memory_space<vmem>> -> memref<1x64x128xf32, #tpu.memory_space<vmem>>
      %gather3A_1356 = tpu.memref_squeeze %gather3A_1355 : memref<1x64x128xf32, #tpu.memory_space<vmem>> -> memref<64x128xf32, #tpu.memory_space<vmem>>
      %gather3A_1357 = tpu.vector_load_idx %gather3A_1356[%add3A_1351, %add3A_1327] : memref<64x128xf32, #tpu.memory_space<vmem>>[vector<16xi32>, vector<16xi32>], vector<16xf32>,
      %gather3A_1358 = arith.constant 3 : i32
      %gather3A_1359 = arith.constant 0 : i32
      %gather3A_1360 = arith.constant 0 : i32
      %gather3A_1361 = tpu.memref_slice %arg12[%gather3A_1358, %gather3A_1359, %gather3A_1360] : memref<4x64x128xf32, #tpu.memory_space<vmem>> -> memref<1x64x128xf32, #tpu.memory_space<vmem>>
      %gather3A_1362 = tpu.memref_squeeze %gather3A_1361 : memref<1x64x128xf32, #tpu.memory_space<vmem>> -> memref<64x128xf32, #tpu.memory_space<vmem>>
      %gather3A_1363 = tpu.vector_load_idx %gather3A_1362[%add3A_1351, %add3A_1331] : memref<64x128xf32, #tpu.memory_space<vmem>>[vector<16xi32>, vector<16xi32>], vector<16xf32>,
      %mul3A_1364 = arith.mulf %gather3A_1357, %gather3A_1363 : vector<16xf32>
      %add3A_1365 = arith.addf %add3A_1348, %mul3A_1364 : vector<16xf32>
      %add3A_1366 = arith.constant 32 : i32
      %add3A_1367 = vector.broadcast %add3A_1366 : i32 to vector<16xi32>
      %add3A_1368 = arith.addi %iota3A, %add3A_1367 : vector<16xi32>
      %gather3A_1369 = arith.constant 3 : i32
      %gather3A_1370 = arith.constant 0 : i32
      %gather3A_1371 = arith.constant 0 : i32
      %gather3A_1372 = tpu.memref_slice %arg11[%gather3A_1369, %gather3A_1370, %gather3A_1371] : memref<4x64x128xf32, #tpu.memory_space<vmem>> -> memref<1x64x128xf32, #tpu.memory_space<vmem>>
      %gather3A_1373 = tpu.memref_squeeze %gather3A_1372 : memref<1x64x128xf32, #tpu.memory_space<vmem>> -> memref<64x128xf32, #tpu.memory_space<vmem>>
      %gather3A_1374 = tpu.vector_load_idx %gather3A_1373[%add3A_1368, %add3A_1327] : memref<64x128xf32, #tpu.memory_space<vmem>>[vector<16xi32>, vector<16xi32>], vector<16xf32>,
      %gather3A_1375 = arith.constant 3 : i32
      %gather3A_1376 = arith.constant 0 : i32
      %gather3A_1377 = arith.constant 0 : i32
      %gather3A_1378 = tpu.memref_slice %arg12[%gather3A_1375, %gather3A_1376, %gather3A_1377] : memref<4x64x128xf32, #tpu.memory_space<vmem>> -> memref<1x64x128xf32, #tpu.memory_space<vmem>>
      %gather3A_1379 = tpu.memref_squeeze %gather3A_1378 : memref<1x64x128xf32, #tpu.memory_space<vmem>> -> memref<64x128xf32, #tpu.memory_space<vmem>>
      %gather3A_1380 = tpu.vector_load_idx %gather3A_1379[%add3A_1368, %add3A_1331] : memref<64x128xf32, #tpu.memory_space<vmem>>[vector<16xi32>, vector<16xi32>], vector<16xf32>,
      %mul3A_1381 = arith.mulf %gather3A_1374, %gather3A_1380 : vector<16xf32>
      %add3A_1382 = arith.addf %add3A_1365, %mul3A_1381 : vector<16xf32>
      %add3A_1383 = arith.constant 48 : i32
      %add3A_1384 = vector.broadcast %add3A_1383 : i32 to vector<16xi32>
      %add3A_1385 = arith.addi %iota3A, %add3A_1384 : vector<16xi32>
      %gather3A_1386 = arith.constant 3 : i32
      %gather3A_1387 = arith.constant 0 : i32
      %gather3A_1388 = arith.constant 0 : i32
      %gather3A_1389 = tpu.memref_slice %arg11[%gather3A_1386, %gather3A_1387, %gather3A_1388] : memref<4x64x128xf32, #tpu.memory_space<vmem>> -> memref<1x64x128xf32, #tpu.memory_space<vmem>>
      %gather3A_1390 = tpu.memref_squeeze %gather3A_1389 : memref<1x64x128xf32, #tpu.memory_space<vmem>> -> memref<64x128xf32, #tpu.memory_space<vmem>>
      %gather3A_1391 = tpu.vector_load_idx %gather3A_1390[%add3A_1385, %add3A_1327] : memref<64x128xf32, #tpu.memory_space<vmem>>[vector<16xi32>, vector<16xi32>], vector<16xf32>,
      %gather3A_1392 = arith.constant 3 : i32
      %gather3A_1393 = arith.constant 0 : i32
      %gather3A_1394 = arith.constant 0 : i32
      %gather3A_1395 = tpu.memref_slice %arg12[%gather3A_1392, %gather3A_1393, %gather3A_1394] : memref<4x64x128xf32, #tpu.memory_space<vmem>> -> memref<1x64x128xf32, #tpu.memory_space<vmem>>
      %gather3A_1396 = tpu.memref_squeeze %gather3A_1395 : memref<1x64x128xf32, #tpu.memory_space<vmem>> -> memref<64x128xf32, #tpu.memory_space<vmem>>
      %gather3A_1397 = tpu.vector_load_idx %gather3A_1396[%add3A_1385, %add3A_1331] : memref<64x128xf32, #tpu.memory_space<vmem>>[vector<16xi32>, vector<16xi32>], vector<16xf32>,
      %mul3A_1398 = arith.mulf %gather3A_1391, %gather3A_1397 : vector<16xf32>
      %add3A_1399 = arith.addf %add3A_1382, %mul3A_1398 : vector<16xf32>
      %reduce_sum3A_1400 = arith.constant true
      %reduce_sum3A_1401 = vector.broadcast %reduce_sum3A_1400 : i1 to vector<16xi1>
      %reduce_sum3A_1402 = tpu.scan <sum>, %add3A_1399 masked %reduce_sum3A_1401 : vector<16xf32>, vector<16xi1> -> vector<16xf32>
      %reduce_sum3A_1403 = vector.extract %reduce_sum3A_1402[15] : f32 from vector<16xf32>
      %eq3A_1404 = arith.constant 3 : i32
      %eq3A_1405 = vector.broadcast %eq3A_1404 : i32 to vector<16xi32>
      %eq3A_1406 = arith.cmpi eq, %iota3A, %eq3A_1405 : vector<16xi32>
      %jit3A_1407 = arith.constant 0.000000e+00 : f32
      %broadcast_in_dim3A_1408 = vector.broadcast %reduce_sum3A_1403 : f32 to vector<16xf32>
      %broadcast_in_dim3A_1409 = vector.broadcast %jit3A_1407 : f32 to vector<16xf32>
      %select_n3A_1410 = arith.select %eq3A_1406, %broadcast_in_dim3A_1408, %broadcast_in_dim3A_1409 : vector<16xi1>, vector<16xf32>
      %add3A_1411 = arith.addf %add3A_1193, %select_n3A_1410 : vector<16xf32>
      %iota3A_1412 = tpu.iota {dimensions = array<i32: 0>} : vector<16xi32>
      %eq3A_1413 = arith.constant 7 : i32
      %eq3A_1414 = vector.broadcast %eq3A_1413 : i32 to vector<16xi32>
      %eq3A_1415 = arith.cmpi eq, %iota3A_1412, %eq3A_1414 : vector<16xi32>
      %jit3A_1416 = arith.constant 0 : i32
      %broadcast_in_dim3A_1417 = vector.broadcast %jit3A_1416 : i32 to vector<16xi32>
      %select_n3A_1418 = arith.select %eq3A_1415, %get3A_539, %broadcast_in_dim3A_1417 : vector<16xi1>, vector<16xi32>
      %reduce_sum3A_1419 = arith.constant true
      %reduce_sum3A_1420 = vector.broadcast %reduce_sum3A_1419 : i1 to vector<16xi1>
      %reduce_sum3A_1421 = tpu.scan <sum>, %select_n3A_1418 masked %reduce_sum3A_1420 : vector<16xi32>, vector<16xi1> -> vector<16xi32>
      %reduce_sum3A_1422 = vector.extract %reduce_sum3A_1421[15] : i32 from vector<16xi32>
      %shift_right_arithmetic3A_1423 = arith.constant 7 : i32
      %shift_right_arithmetic3A_1424 = arith.shrsi %reduce_sum3A_1422, %shift_right_arithmetic3A_1423 : i32
      %mul3A_1425 = arith.constant 128 : i32
      %mul3A_1426 = arith.muli %shift_right_arithmetic3A_1424, %mul3A_1425 : i32
      %multiple_of3A_1427 = tpu.assume_multiple %mul3A_1426, 128 : i32
      %and3A_1428 = arith.constant 127 : i32
      %and3A_1429 = arith.andi %reduce_sum3A_1422, %and3A_1428 : i32
      %iota3A_1430 = tpu.iota {dimensions = array<i32: 0>} : vector<16xi32>
      %eq3A_1431 = arith.constant 7 : i32
      %eq3A_1432 = vector.broadcast %eq3A_1431 : i32 to vector<16xi32>
      %eq3A_1433 = arith.cmpi eq, %iota3A_1430, %eq3A_1432 : vector<16xi32>
      %jit3A_1434 = arith.constant 0 : i32
      %broadcast_in_dim3A_1435 = vector.broadcast %jit3A_1434 : i32 to vector<16xi32>
      %select_n3A_1436 = arith.select %eq3A_1433, %get3A_542, %broadcast_in_dim3A_1435 : vector<16xi1>, vector<16xi32>
      %reduce_sum3A_1437 = arith.constant true
      %reduce_sum3A_1438 = vector.broadcast %reduce_sum3A_1437 : i1 to vector<16xi1>
      %reduce_sum3A_1439 = tpu.scan <sum>, %select_n3A_1436 masked %reduce_sum3A_1438 : vector<16xi32>, vector<16xi1> -> vector<16xi32>
      %reduce_sum3A_1440 = vector.extract %reduce_sum3A_1439[15] : i32 from vector<16xi32>
      %shift_right_arithmetic3A_1441 = arith.constant 7 : i32
      %shift_right_arithmetic3A_1442 = arith.shrsi %reduce_sum3A_1440, %shift_right_arithmetic3A_1441 : i32
      %mul3A_1443 = arith.constant 128 : i32
      %mul3A_1444 = arith.muli %shift_right_arithmetic3A_1442, %mul3A_1443 : i32
      %multiple_of3A_1445 = tpu.assume_multiple %mul3A_1444, 128 : i32
      %and3A_1446 = arith.constant 127 : i32
      %and3A_1447 = arith.andi %reduce_sum3A_1440, %and3A_1446 : i32
      %dma_start3A_1448 = arith.constant 3 : i32
      %dma_start3A_1449 = arith.constant 0 : i32
      %dma_start3A_1450 = arith.constant 0 : i32
      %dma_start3A_1451 = tpu.memref_slice %arg11[%dma_start3A_1448, %dma_start3A_1449, %dma_start3A_1450] : memref<4x64x128xf32, #tpu.memory_space<vmem>> -> memref<1x64x128xf32, #tpu.memory_space<vmem>>
      %dma_start3A_1452 = tpu.memref_squeeze %dma_start3A_1451 : memref<1x64x128xf32, #tpu.memory_space<vmem>> -> memref<64x128xf32, #tpu.memory_space<vmem>>
      %dma_start3A_1453 = arith.constant 0 : i32
      %dma_start3A_1454 = tpu.memref_slice %arg4[%dma_start3A_1453, %multiple_of3A_1427] : memref<64x1000000xf32, #tpu.memory_space<hbm>> -> memref<64x128xf32, #tpu.memory_space<hbm>>
      %dma_start3A_1455 = arith.constant 0 : i32
      %dma_start3A_1456 = arith.constant 0 : i32
      %dma_start3A_1457 = tpu.memref_slice %arg11[%dma_start3A_1448, %dma_start3A_1455, %dma_start3A_1456] : memref<4x64x128xf32, #tpu.memory_space<vmem>> -> memref<1x64x128xf32, #tpu.memory_space<vmem>>
      %dma_start3A_1458 = tpu.memref_squeeze %dma_start3A_1457 : memref<1x64x128xf32, #tpu.memory_space<vmem>> -> memref<64x128xf32, #tpu.memory_space<vmem>>
      %dma_start3A_1459 = arith.constant 0 : i32
      %dma_start3A_1460 = tpu.memref_slice %arg4[%dma_start3A_1459, %multiple_of3A_1427] : memref<64x1000000xf32, #tpu.memory_space<hbm>> -> memref<64x128xf32, #tpu.memory_space<hbm>>
      tpu.enqueue_dma source(%dma_start3A_1460 : memref<64x128xf32, #tpu.memory_space<hbm>>) target(%dma_start3A_1458 : memref<64x128xf32, #tpu.memory_space<vmem>>) target_semaphore(%arg16 : memref<!tpu.dma_semaphore, #tpu.memory_space<semaphore_mem>>)
      %dma_start3A_1461 = arith.constant 3 : i32
      %dma_start3A_1462 = arith.constant 0 : i32
      %dma_start3A_1463 = arith.constant 0 : i32
      %dma_start3A_1464 = tpu.memref_slice %arg12[%dma_start3A_1461, %dma_start3A_1462, %dma_start3A_1463] : memref<4x64x128xf32, #tpu.memory_space<vmem>> -> memref<1x64x128xf32, #tpu.memory_space<vmem>>
      %dma_start3A_1465 = tpu.memref_squeeze %dma_start3A_1464 : memref<1x64x128xf32, #tpu.memory_space<vmem>> -> memref<64x128xf32, #tpu.memory_space<vmem>>
      %dma_start3A_1466 = arith.constant 0 : i32
      %dma_start3A_1467 = tpu.memref_slice %arg5[%dma_start3A_1466, %multiple_of3A_1445] : memref<64x1000000xf32, #tpu.memory_space<hbm>> -> memref<64x128xf32, #tpu.memory_space<hbm>>
      %dma_start3A_1468 = arith.constant 0 : i32
      %dma_start3A_1469 = arith.constant 0 : i32
      %dma_start3A_1470 = tpu.memref_slice %arg12[%dma_start3A_1461, %dma_start3A_1468, %dma_start3A_1469] : memref<4x64x128xf32, #tpu.memory_space<vmem>> -> memref<1x64x128xf32, #tpu.memory_space<vmem>>
      %dma_start3A_1471 = tpu.memref_squeeze %dma_start3A_1470 : memref<1x64x128xf32, #tpu.memory_space<vmem>> -> memref<64x128xf32, #tpu.memory_space<vmem>>
      %dma_start3A_1472 = arith.constant 0 : i32
      %dma_start3A_1473 = tpu.memref_slice %arg5[%dma_start3A_1472, %multiple_of3A_1445] : memref<64x1000000xf32, #tpu.memory_space<hbm>> -> memref<64x128xf32, #tpu.memory_space<hbm>>
      tpu.enqueue_dma source(%dma_start3A_1473 : memref<64x128xf32, #tpu.memory_space<hbm>>) target(%dma_start3A_1471 : memref<64x128xf32, #tpu.memory_space<vmem>>) target_semaphore(%arg16 : memref<!tpu.dma_semaphore, #tpu.memory_space<semaphore_mem>>)
      %iota3A_1474 = tpu.iota {dimensions = array<i32: 0>} : vector<16xi32>
      %eq3A_1475 = arith.constant 4 : i32
      %eq3A_1476 = vector.broadcast %eq3A_1475 : i32 to vector<16xi32>
      %eq3A_1477 = arith.cmpi eq, %iota3A_1474, %eq3A_1476 : vector<16xi32>
      %jit3A_1478 = arith.constant 0 : i32
      %broadcast_in_dim3A_1479 = vector.broadcast %jit3A_1478 : i32 to vector<16xi32>
      %select_n3A_1480 = arith.select %eq3A_1477, %get3A_539, %broadcast_in_dim3A_1479 : vector<16xi1>, vector<16xi32>
      %reduce_sum3A_1481 = arith.constant true
      %reduce_sum3A_1482 = vector.broadcast %reduce_sum3A_1481 : i1 to vector<16xi1>
      %reduce_sum3A_1483 = tpu.scan <sum>, %select_n3A_1480 masked %reduce_sum3A_1482 : vector<16xi32>, vector<16xi1> -> vector<16xi32>
      %reduce_sum3A_1484 = vector.extract %reduce_sum3A_1483[15] : i32 from vector<16xi32>
      %shift_right_arithmetic3A_1485 = arith.constant 7 : i32
      %shift_right_arithmetic3A_1486 = arith.shrsi %reduce_sum3A_1484, %shift_right_arithmetic3A_1485 : i32
      %mul3A_1487 = arith.constant 128 : i32
      %mul3A_1488 = arith.muli %shift_right_arithmetic3A_1486, %mul3A_1487 : i32
      %multiple_of3A_1489 = tpu.assume_multiple %mul3A_1488, 128 : i32
      %and3A_1490 = arith.constant 127 : i32
      %and3A_1491 = arith.andi %reduce_sum3A_1484, %and3A_1490 : i32
      %iota3A_1492 = tpu.iota {dimensions = array<i32: 0>} : vector<16xi32>
      %eq3A_1493 = arith.constant 4 : i32
      %eq3A_1494 = vector.broadcast %eq3A_1493 : i32 to vector<16xi32>
      %eq3A_1495 = arith.cmpi eq, %iota3A_1492, %eq3A_1494 : vector<16xi32>
      %jit3A_1496 = arith.constant 0 : i32
      %broadcast_in_dim3A_1497 = vector.broadcast %jit3A_1496 : i32 to vector<16xi32>
      %select_n3A_1498 = arith.select %eq3A_1495, %get3A_542, %broadcast_in_dim3A_1497 : vector<16xi1>, vector<16xi32>
      %reduce_sum3A_1499 = arith.constant true
      %reduce_sum3A_1500 = vector.broadcast %reduce_sum3A_1499 : i1 to vector<16xi1>
      %reduce_sum3A_1501 = tpu.scan <sum>, %select_n3A_1498 masked %reduce_sum3A_1500 : vector<16xi32>, vector<16xi1> -> vector<16xi32>
      %reduce_sum3A_1502 = vector.extract %reduce_sum3A_1501[15] : i32 from vector<16xi32>
      %shift_right_arithmetic3A_1503 = arith.constant 7 : i32
      %shift_right_arithmetic3A_1504 = arith.shrsi %reduce_sum3A_1502, %shift_right_arithmetic3A_1503 : i32
      %mul3A_1505 = arith.constant 128 : i32
      %mul3A_1506 = arith.muli %shift_right_arithmetic3A_1504, %mul3A_1505 : i32
      %multiple_of3A_1507 = tpu.assume_multiple %mul3A_1506, 128 : i32
      %and3A_1508 = arith.constant 127 : i32
      %and3A_1509 = arith.andi %reduce_sum3A_1502, %and3A_1508 : i32
      %dma_wait3A_1510 = arith.constant 0 : i32
      %dma_wait3A_1511 = arith.constant 0 : i32
      %dma_wait3A_1512 = arith.constant 0 : i32
      %dma_wait3A_1513 = tpu.memref_slice %arg11[%dma_wait3A_1510, %dma_wait3A_1511, %dma_wait3A_1512] : memref<4x64x128xf32, #tpu.memory_space<vmem>> -> memref<1x64x128xf32, #tpu.memory_space<vmem>>
      %dma_wait3A_1514 = tpu.memref_squeeze %dma_wait3A_1513 : memref<1x64x128xf32, #tpu.memory_space<vmem>> -> memref<64x128xf32, #tpu.memory_space<vmem>>
      %dma_wait3A_1515 = arith.constant 0 : i32
      %dma_wait3A_1516 = arith.constant 0 : i32
      %dma_wait3A_1517 = tpu.memref_slice %arg4[%dma_wait3A_1515, %dma_wait3A_1516] : memref<64x1000000xf32, #tpu.memory_space<hbm>> -> memref<64x128xf32, #tpu.memory_space<hbm>>
      %dma_wait3A_1518 = arith.constant 0 : i32
      %dma_wait3A_1519 = arith.constant 0 : i32
      %dma_wait3A_1520 = tpu.memref_slice %arg11[%dma_wait3A_1510, %dma_wait3A_1518, %dma_wait3A_1519] : memref<4x64x128xf32, #tpu.memory_space<vmem>> -> memref<1x64x128xf32, #tpu.memory_space<vmem>>
      %dma_wait3A_1521 = tpu.memref_squeeze %dma_wait3A_1520 : memref<1x64x128xf32, #tpu.memory_space<vmem>> -> memref<64x128xf32, #tpu.memory_space<vmem>>
      %dma_wait3A_1522 = arith.constant 0 : i32
      %dma_wait3A_1523 = arith.constant 0 : i32
      %dma_wait3A_1524 = tpu.memref_slice %arg4[%dma_wait3A_1522, %dma_wait3A_1523] : memref<64x1000000xf32, #tpu.memory_space<hbm>> -> memref<64x128xf32, #tpu.memory_space<hbm>>
      tpu.wait_dma2 semaphore(%arg16 : memref<!tpu.dma_semaphore, #tpu.memory_space<semaphore_mem>>) src(%dma_wait3A_1524 : memref<64x128xf32, #tpu.memory_space<hbm>>) dst(%dma_wait3A_1521 : memref<64x128xf32, #tpu.memory_space<vmem>>)
      %dma_wait3A_1525 = arith.constant 0 : i32
      %dma_wait3A_1526 = arith.constant 0 : i32
      %dma_wait3A_1527 = arith.constant 0 : i32
      %dma_wait3A_1528 = tpu.memref_slice %arg12[%dma_wait3A_1525, %dma_wait3A_1526, %dma_wait3A_1527] : memref<4x64x128xf32, #tpu.memory_space<vmem>> -> memref<1x64x128xf32, #tpu.memory_space<vmem>>
      %dma_wait3A_1529 = tpu.memref_squeeze %dma_wait3A_1528 : memref<1x64x128xf32, #tpu.memory_space<vmem>> -> memref<64x128xf32, #tpu.memory_space<vmem>>
      %dma_wait3A_1530 = arith.constant 0 : i32
      %dma_wait3A_1531 = arith.constant 0 : i32
      %dma_wait3A_1532 = tpu.memref_slice %arg5[%dma_wait3A_1530, %dma_wait3A_1531] : memref<64x1000000xf32, #tpu.memory_space<hbm>> -> memref<64x128xf32, #tpu.memory_space<hbm>>
      %dma_wait3A_1533 = arith.constant 0 : i32
      %dma_wait3A_1534 = arith.constant 0 : i32
      %dma_wait3A_1535 = tpu.memref_slice %arg12[%dma_wait3A_1525, %dma_wait3A_1533, %dma_wait3A_1534] : memref<4x64x128xf32, #tpu.memory_space<vmem>> -> memref<1x64x128xf32, #tpu.memory_space<vmem>>
      %dma_wait3A_1536 = tpu.memref_squeeze %dma_wait3A_1535 : memref<1x64x128xf32, #tpu.memory_space<vmem>> -> memref<64x128xf32, #tpu.memory_space<vmem>>
      %dma_wait3A_1537 = arith.constant 0 : i32
      %dma_wait3A_1538 = arith.constant 0 : i32
      %dma_wait3A_1539 = tpu.memref_slice %arg5[%dma_wait3A_1537, %dma_wait3A_1538] : memref<64x1000000xf32, #tpu.memory_space<hbm>> -> memref<64x128xf32, #tpu.memory_space<hbm>>
      tpu.wait_dma2 semaphore(%arg16 : memref<!tpu.dma_semaphore, #tpu.memory_space<semaphore_mem>>) src(%dma_wait3A_1539 : memref<64x128xf32, #tpu.memory_space<hbm>>) dst(%dma_wait3A_1536 : memref<64x128xf32, #tpu.memory_space<vmem>>)
      %broadcast_in_dim3A_1540 = arith.constant 0.000000e+00 : f32
      %broadcast_in_dim3A_1541 = vector.broadcast %broadcast_in_dim3A_1540 : f32 to vector<16xf32>
      %broadcast_in_dim3A_1542 = arith.constant 0 : i32
      %broadcast_in_dim3A_1543 = vector.broadcast %broadcast_in_dim3A_1542 : i32 to vector<16xi32>
      %add3A_1544 = vector.broadcast %and3A_1491 : i32 to vector<16xi32>
      %add3A_1545 = arith.addi %broadcast_in_dim3A_1543, %add3A_1544 : vector<16xi32>
      %broadcast_in_dim3A_1546 = arith.constant 0 : i32
      %broadcast_in_dim3A_1547 = vector.broadcast %broadcast_in_dim3A_1546 : i32 to vector<16xi32>
      %add3A_1548 = vector.broadcast %and3A_1509 : i32 to vector<16xi32>
      %add3A_1549 = arith.addi %broadcast_in_dim3A_1547, %add3A_1548 : vector<16xi32>
      %add3A_1550 = arith.constant 0 : i32
      %add3A_1551 = vector.broadcast %add3A_1550 : i32 to vector<16xi32>
      %add3A_1552 = arith.addi %iota3A, %add3A_1551 : vector<16xi32>
      %gather3A_1553 = arith.constant 0 : i32
      %gather3A_1554 = arith.constant 0 : i32
      %gather3A_1555 = arith.constant 0 : i32
      %gather3A_1556 = tpu.memref_slice %arg11[%gather3A_1553, %gather3A_1554, %gather3A_1555] : memref<4x64x128xf32, #tpu.memory_space<vmem>> -> memref<1x64x128xf32, #tpu.memory_space<vmem>>
      %gather3A_1557 = tpu.memref_squeeze %gather3A_1556 : memref<1x64x128xf32, #tpu.memory_space<vmem>> -> memref<64x128xf32, #tpu.memory_space<vmem>>
      %gather3A_1558 = tpu.vector_load_idx %gather3A_1557[%add3A_1552, %add3A_1545] : memref<64x128xf32, #tpu.memory_space<vmem>>[vector<16xi32>, vector<16xi32>], vector<16xf32>,
      %gather3A_1559 = arith.constant 0 : i32
      %gather3A_1560 = arith.constant 0 : i32
      %gather3A_1561 = arith.constant 0 : i32
      %gather3A_1562 = tpu.memref_slice %arg12[%gather3A_1559, %gather3A_1560, %gather3A_1561] : memref<4x64x128xf32, #tpu.memory_space<vmem>> -> memref<1x64x128xf32, #tpu.memory_space<vmem>>
      %gather3A_1563 = tpu.memref_squeeze %gather3A_1562 : memref<1x64x128xf32, #tpu.memory_space<vmem>> -> memref<64x128xf32, #tpu.memory_space<vmem>>
      %gather3A_1564 = tpu.vector_load_idx %gather3A_1563[%add3A_1552, %add3A_1549] : memref<64x128xf32, #tpu.memory_space<vmem>>[vector<16xi32>, vector<16xi32>], vector<16xf32>,
      %mul3A_1565 = arith.mulf %gather3A_1558, %gather3A_1564 : vector<16xf32>
      %add3A_1566 = arith.addf %broadcast_in_dim3A_1541, %mul3A_1565 : vector<16xf32>
      %add3A_1567 = arith.constant 16 : i32
      %add3A_1568 = vector.broadcast %add3A_1567 : i32 to vector<16xi32>
      %add3A_1569 = arith.addi %iota3A, %add3A_1568 : vector<16xi32>
      %gather3A_1570 = arith.constant 0 : i32
      %gather3A_1571 = arith.constant 0 : i32
      %gather3A_1572 = arith.constant 0 : i32
      %gather3A_1573 = tpu.memref_slice %arg11[%gather3A_1570, %gather3A_1571, %gather3A_1572] : memref<4x64x128xf32, #tpu.memory_space<vmem>> -> memref<1x64x128xf32, #tpu.memory_space<vmem>>
      %gather3A_1574 = tpu.memref_squeeze %gather3A_1573 : memref<1x64x128xf32, #tpu.memory_space<vmem>> -> memref<64x128xf32, #tpu.memory_space<vmem>>
      %gather3A_1575 = tpu.vector_load_idx %gather3A_1574[%add3A_1569, %add3A_1545] : memref<64x128xf32, #tpu.memory_space<vmem>>[vector<16xi32>, vector<16xi32>], vector<16xf32>,
      %gather3A_1576 = arith.constant 0 : i32
      %gather3A_1577 = arith.constant 0 : i32
      %gather3A_1578 = arith.constant 0 : i32
      %gather3A_1579 = tpu.memref_slice %arg12[%gather3A_1576, %gather3A_1577, %gather3A_1578] : memref<4x64x128xf32, #tpu.memory_space<vmem>> -> memref<1x64x128xf32, #tpu.memory_space<vmem>>
      %gather3A_1580 = tpu.memref_squeeze %gather3A_1579 : memref<1x64x128xf32, #tpu.memory_space<vmem>> -> memref<64x128xf32, #tpu.memory_space<vmem>>
      %gather3A_1581 = tpu.vector_load_idx %gather3A_1580[%add3A_1569, %add3A_1549] : memref<64x128xf32, #tpu.memory_space<vmem>>[vector<16xi32>, vector<16xi32>], vector<16xf32>,
      %mul3A_1582 = arith.mulf %gather3A_1575, %gather3A_1581 : vector<16xf32>
      %add3A_1583 = arith.addf %add3A_1566, %mul3A_1582 : vector<16xf32>
      %add3A_1584 = arith.constant 32 : i32
      %add3A_1585 = vector.broadcast %add3A_1584 : i32 to vector<16xi32>
      %add3A_1586 = arith.addi %iota3A, %add3A_1585 : vector<16xi32>
      %gather3A_1587 = arith.constant 0 : i32
      %gather3A_1588 = arith.constant 0 : i32
      %gather3A_1589 = arith.constant 0 : i32
      %gather3A_1590 = tpu.memref_slice %arg11[%gather3A_1587, %gather3A_1588, %gather3A_1589] : memref<4x64x128xf32, #tpu.memory_space<vmem>> -> memref<1x64x128xf32, #tpu.memory_space<vmem>>
      %gather3A_1591 = tpu.memref_squeeze %gather3A_1590 : memref<1x64x128xf32, #tpu.memory_space<vmem>> -> memref<64x128xf32, #tpu.memory_space<vmem>>
      %gather3A_1592 = tpu.vector_load_idx %gather3A_1591[%add3A_1586, %add3A_1545] : memref<64x128xf32, #tpu.memory_space<vmem>>[vector<16xi32>, vector<16xi32>], vector<16xf32>,
      %gather3A_1593 = arith.constant 0 : i32
      %gather3A_1594 = arith.constant 0 : i32
      %gather3A_1595 = arith.constant 0 : i32
      %gather3A_1596 = tpu.memref_slice %arg12[%gather3A_1593, %gather3A_1594, %gather3A_1595] : memref<4x64x128xf32, #tpu.memory_space<vmem>> -> memref<1x64x128xf32, #tpu.memory_space<vmem>>
      %gather3A_1597 = tpu.memref_squeeze %gather3A_1596 : memref<1x64x128xf32, #tpu.memory_space<vmem>> -> memref<64x128xf32, #tpu.memory_space<vmem>>
      %gather3A_1598 = tpu.vector_load_idx %gather3A_1597[%add3A_1586, %add3A_1549] : memref<64x128xf32, #tpu.memory_space<vmem>>[vector<16xi32>, vector<16xi32>], vector<16xf32>,
      %mul3A_1599 = arith.mulf %gather3A_1592, %gather3A_1598 : vector<16xf32>
      %add3A_1600 = arith.addf %add3A_1583, %mul3A_1599 : vector<16xf32>
      %add3A_1601 = arith.constant 48 : i32
      %add3A_1602 = vector.broadcast %add3A_1601 : i32 to vector<16xi32>
      %add3A_1603 = arith.addi %iota3A, %add3A_1602 : vector<16xi32>
      %gather3A_1604 = arith.constant 0 : i32
      %gather3A_1605 = arith.constant 0 : i32
      %gather3A_1606 = arith.constant 0 : i32
      %gather3A_1607 = tpu.memref_slice %arg11[%gather3A_1604, %gather3A_1605, %gather3A_1606] : memref<4x64x128xf32, #tpu.memory_space<vmem>> -> memref<1x64x128xf32, #tpu.memory_space<vmem>>
      %gather3A_1608 = tpu.memref_squeeze %gather3A_1607 : memref<1x64x128xf32, #tpu.memory_space<vmem>> -> memref<64x128xf32, #tpu.memory_space<vmem>>
      %gather3A_1609 = tpu.vector_load_idx %gather3A_1608[%add3A_1603, %add3A_1545] : memref<64x128xf32, #tpu.memory_space<vmem>>[vector<16xi32>, vector<16xi32>], vector<16xf32>,
      %gather3A_1610 = arith.constant 0 : i32
      %gather3A_1611 = arith.constant 0 : i32
      %gather3A_1612 = arith.constant 0 : i32
      %gather3A_1613 = tpu.memref_slice %arg12[%gather3A_1610, %gather3A_1611, %gather3A_1612] : memref<4x64x128xf32, #tpu.memory_space<vmem>> -> memref<1x64x128xf32, #tpu.memory_space<vmem>>
      %gather3A_1614 = tpu.memref_squeeze %gather3A_1613 : memref<1x64x128xf32, #tpu.memory_space<vmem>> -> memref<64x128xf32, #tpu.memory_space<vmem>>
      %gather3A_1615 = tpu.vector_load_idx %gather3A_1614[%add3A_1603, %add3A_1549] : memref<64x128xf32, #tpu.memory_space<vmem>>[vector<16xi32>, vector<16xi32>], vector<16xf32>,
      %mul3A_1616 = arith.mulf %gather3A_1609, %gather3A_1615 : vector<16xf32>
      %add3A_1617 = arith.addf %add3A_1600, %mul3A_1616 : vector<16xf32>
      %reduce_sum3A_1618 = arith.constant true
      %reduce_sum3A_1619 = vector.broadcast %reduce_sum3A_1618 : i1 to vector<16xi1>
      %reduce_sum3A_1620 = tpu.scan <sum>, %add3A_1617 masked %reduce_sum3A_1619 : vector<16xf32>, vector<16xi1> -> vector<16xf32>
      %reduce_sum3A_1621 = vector.extract %reduce_sum3A_1620[15] : f32 from vector<16xf32>
      %eq3A_1622 = arith.constant 4 : i32
      %eq3A_1623 = vector.broadcast %eq3A_1622 : i32 to vector<16xi32>
      %eq3A_1624 = arith.cmpi eq, %iota3A, %eq3A_1623 : vector<16xi32>
      %jit3A_1625 = arith.constant 0.000000e+00 : f32
      %broadcast_in_dim3A_1626 = vector.broadcast %reduce_sum3A_1621 : f32 to vector<16xf32>
      %broadcast_in_dim3A_1627 = vector.broadcast %jit3A_1625 : f32 to vector<16xf32>
      %select_n3A_1628 = arith.select %eq3A_1624, %broadcast_in_dim3A_1626, %broadcast_in_dim3A_1627 : vector<16xi1>, vector<16xf32>
      %add3A_1629 = arith.addf %add3A_1411, %select_n3A_1628 : vector<16xf32>
      %iota3A_1630 = tpu.iota {dimensions = array<i32: 0>} : vector<16xi32>
      %eq3A_1631 = arith.constant 8 : i32
      %eq3A_1632 = vector.broadcast %eq3A_1631 : i32 to vector<16xi32>
      %eq3A_1633 = arith.cmpi eq, %iota3A_1630, %eq3A_1632 : vector<16xi32>
      %jit3A_1634 = arith.constant 0 : i32
      %broadcast_in_dim3A_1635 = vector.broadcast %jit3A_1634 : i32 to vector<16xi32>
      %select_n3A_1636 = arith.select %eq3A_1633, %get3A_539, %broadcast_in_dim3A_1635 : vector<16xi1>, vector<16xi32>
      %reduce_sum3A_1637 = arith.constant true
      %reduce_sum3A_1638 = vector.broadcast %reduce_sum3A_1637 : i1 to vector<16xi1>
      %reduce_sum3A_1639 = tpu.scan <sum>, %select_n3A_1636 masked %reduce_sum3A_1638 : vector<16xi32>, vector<16xi1> -> vector<16xi32>
      %reduce_sum3A_1640 = vector.extract %reduce_sum3A_1639[15] : i32 from vector<16xi32>
      %shift_right_arithmetic3A_1641 = arith.constant 7 : i32
      %shift_right_arithmetic3A_1642 = arith.shrsi %reduce_sum3A_1640, %shift_right_arithmetic3A_1641 : i32
      %mul3A_1643 = arith.constant 128 : i32
      %mul3A_1644 = arith.muli %shift_right_arithmetic3A_1642, %mul3A_1643 : i32
      %multiple_of3A_1645 = tpu.assume_multiple %mul3A_1644, 128 : i32
      %and3A_1646 = arith.constant 127 : i32
      %and3A_1647 = arith.andi %reduce_sum3A_1640, %and3A_1646 : i32
      %iota3A_1648 = tpu.iota {dimensions = array<i32: 0>} : vector<16xi32>
      %eq3A_1649 = arith.constant 8 : i32
      %eq3A_1650 = vector.broadcast %eq3A_1649 : i32 to vector<16xi32>
      %eq3A_1651 = arith.cmpi eq, %iota3A_1648, %eq3A_1650 : vector<16xi32>
      %jit3A_1652 = arith.constant 0 : i32
      %broadcast_in_dim3A_1653 = vector.broadcast %jit3A_1652 : i32 to vector<16xi32>
      %select_n3A_1654 = arith.select %eq3A_1651, %get3A_542, %broadcast_in_dim3A_1653 : vector<16xi1>, vector<16xi32>
      %reduce_sum3A_1655 = arith.constant true
      %reduce_sum3A_1656 = vector.broadcast %reduce_sum3A_1655 : i1 to vector<16xi1>
      %reduce_sum3A_1657 = tpu.scan <sum>, %select_n3A_1654 masked %reduce_sum3A_1656 : vector<16xi32>, vector<16xi1> -> vector<16xi32>
      %reduce_sum3A_1658 = vector.extract %reduce_sum3A_1657[15] : i32 from vector<16xi32>
      %shift_right_arithmetic3A_1659 = arith.constant 7 : i32
      %shift_right_arithmetic3A_1660 = arith.shrsi %reduce_sum3A_1658, %shift_right_arithmetic3A_1659 : i32
      %mul3A_1661 = arith.constant 128 : i32
      %mul3A_1662 = arith.muli %shift_right_arithmetic3A_1660, %mul3A_1661 : i32
      %multiple_of3A_1663 = tpu.assume_multiple %mul3A_1662, 128 : i32
      %and3A_1664 = arith.constant 127 : i32
      %and3A_1665 = arith.andi %reduce_sum3A_1658, %and3A_1664 : i32
      %dma_start3A_1666 = arith.constant 0 : i32
      %dma_start3A_1667 = arith.constant 0 : i32
      %dma_start3A_1668 = arith.constant 0 : i32
      %dma_start3A_1669 = tpu.memref_slice %arg11[%dma_start3A_1666, %dma_start3A_1667, %dma_start3A_1668] : memref<4x64x128xf32, #tpu.memory_space<vmem>> -> memref<1x64x128xf32, #tpu.memory_space<vmem>>
      %dma_start3A_1670 = tpu.memref_squeeze %dma_start3A_1669 : memref<1x64x128xf32, #tpu.memory_space<vmem>> -> memref<64x128xf32, #tpu.memory_space<vmem>>
      %dma_start3A_1671 = arith.constant 0 : i32
      %dma_start3A_1672 = tpu.memref_slice %arg4[%dma_start3A_1671, %multiple_of3A_1645] : memref<64x1000000xf32, #tpu.memory_space<hbm>> -> memref<64x128xf32, #tpu.memory_space<hbm>>
      %dma_start3A_1673 = arith.constant 0 : i32
      %dma_start3A_1674 = arith.constant 0 : i32
      %dma_start3A_1675 = tpu.memref_slice %arg11[%dma_start3A_1666, %dma_start3A_1673, %dma_start3A_1674] : memref<4x64x128xf32, #tpu.memory_space<vmem>> -> memref<1x64x128xf32, #tpu.memory_space<vmem>>
      %dma_start3A_1676 = tpu.memref_squeeze %dma_start3A_1675 : memref<1x64x128xf32, #tpu.memory_space<vmem>> -> memref<64x128xf32, #tpu.memory_space<vmem>>
      %dma_start3A_1677 = arith.constant 0 : i32
      %dma_start3A_1678 = tpu.memref_slice %arg4[%dma_start3A_1677, %multiple_of3A_1645] : memref<64x1000000xf32, #tpu.memory_space<hbm>> -> memref<64x128xf32, #tpu.memory_space<hbm>>
      tpu.enqueue_dma source(%dma_start3A_1678 : memref<64x128xf32, #tpu.memory_space<hbm>>) target(%dma_start3A_1676 : memref<64x128xf32, #tpu.memory_space<vmem>>) target_semaphore(%arg16 : memref<!tpu.dma_semaphore, #tpu.memory_space<semaphore_mem>>)
      %dma_start3A_1679 = arith.constant 0 : i32
      %dma_start3A_1680 = arith.constant 0 : i32
      %dma_start3A_1681 = arith.constant 0 : i32
      %dma_start3A_1682 = tpu.memref_slice %arg12[%dma_start3A_1679, %dma_start3A_1680, %dma_start3A_1681] : memref<4x64x128xf32, #tpu.memory_space<vmem>> -> memref<1x64x128xf32, #tpu.memory_space<vmem>>
      %dma_start3A_1683 = tpu.memref_squeeze %dma_start3A_1682 : memref<1x64x128xf32, #tpu.memory_space<vmem>> -> memref<64x128xf32, #tpu.memory_space<vmem>>
      %dma_start3A_1684 = arith.constant 0 : i32
      %dma_start3A_1685 = tpu.memref_slice %arg5[%dma_start3A_1684, %multiple_of3A_1663] : memref<64x1000000xf32, #tpu.memory_space<hbm>> -> memref<64x128xf32, #tpu.memory_space<hbm>>
      %dma_start3A_1686 = arith.constant 0 : i32
      %dma_start3A_1687 = arith.constant 0 : i32
      %dma_start3A_1688 = tpu.memref_slice %arg12[%dma_start3A_1679, %dma_start3A_1686, %dma_start3A_1687] : memref<4x64x128xf32, #tpu.memory_space<vmem>> -> memref<1x64x128xf32, #tpu.memory_space<vmem>>
      %dma_start3A_1689 = tpu.memref_squeeze %dma_start3A_1688 : memref<1x64x128xf32, #tpu.memory_space<vmem>> -> memref<64x128xf32, #tpu.memory_space<vmem>>
      %dma_start3A_1690 = arith.constant 0 : i32
      %dma_start3A_1691 = tpu.memref_slice %arg5[%dma_start3A_1690, %multiple_of3A_1663] : memref<64x1000000xf32, #tpu.memory_space<hbm>> -> memref<64x128xf32, #tpu.memory_space<hbm>>
      tpu.enqueue_dma source(%dma_start3A_1691 : memref<64x128xf32, #tpu.memory_space<hbm>>) target(%dma_start3A_1689 : memref<64x128xf32, #tpu.memory_space<vmem>>) target_semaphore(%arg16 : memref<!tpu.dma_semaphore, #tpu.memory_space<semaphore_mem>>)
      %iota3A_1692 = tpu.iota {dimensions = array<i32: 0>} : vector<16xi32>
      %eq3A_1693 = arith.constant 5 : i32
      %eq3A_1694 = vector.broadcast %eq3A_1693 : i32 to vector<16xi32>
      %eq3A_1695 = arith.cmpi eq, %iota3A_1692, %eq3A_1694 : vector<16xi32>
      %jit3A_1696 = arith.constant 0 : i32
      %broadcast_in_dim3A_1697 = vector.broadcast %jit3A_1696 : i32 to vector<16xi32>
      %select_n3A_1698 = arith.select %eq3A_1695, %get3A_539, %broadcast_in_dim3A_1697 : vector<16xi1>, vector<16xi32>
      %reduce_sum3A_1699 = arith.constant true
      %reduce_sum3A_1700 = vector.broadcast %reduce_sum3A_1699 : i1 to vector<16xi1>
      %reduce_sum3A_1701 = tpu.scan <sum>, %select_n3A_1698 masked %reduce_sum3A_1700 : vector<16xi32>, vector<16xi1> -> vector<16xi32>
      %reduce_sum3A_1702 = vector.extract %reduce_sum3A_1701[15] : i32 from vector<16xi32>
      %shift_right_arithmetic3A_1703 = arith.constant 7 : i32
      %shift_right_arithmetic3A_1704 = arith.shrsi %reduce_sum3A_1702, %shift_right_arithmetic3A_1703 : i32
      %mul3A_1705 = arith.constant 128 : i32
      %mul3A_1706 = arith.muli %shift_right_arithmetic3A_1704, %mul3A_1705 : i32
      %multiple_of3A_1707 = tpu.assume_multiple %mul3A_1706, 128 : i32
      %and3A_1708 = arith.constant 127 : i32
      %and3A_1709 = arith.andi %reduce_sum3A_1702, %and3A_1708 : i32
      %iota3A_1710 = tpu.iota {dimensions = array<i32: 0>} : vector<16xi32>
      %eq3A_1711 = arith.constant 5 : i32
      %eq3A_1712 = vector.broadcast %eq3A_1711 : i32 to vector<16xi32>
      %eq3A_1713 = arith.cmpi eq, %iota3A_1710, %eq3A_1712 : vector<16xi32>
      %jit3A_1714 = arith.constant 0 : i32
      %broadcast_in_dim3A_1715 = vector.broadcast %jit3A_1714 : i32 to vector<16xi32>
      %select_n3A_1716 = arith.select %eq3A_1713, %get3A_542, %broadcast_in_dim3A_1715 : vector<16xi1>, vector<16xi32>
      %reduce_sum3A_1717 = arith.constant true
      %reduce_sum3A_1718 = vector.broadcast %reduce_sum3A_1717 : i1 to vector<16xi1>
      %reduce_sum3A_1719 = tpu.scan <sum>, %select_n3A_1716 masked %reduce_sum3A_1718 : vector<16xi32>, vector<16xi1> -> vector<16xi32>
      %reduce_sum3A_1720 = vector.extract %reduce_sum3A_1719[15] : i32 from vector<16xi32>
      %shift_right_arithmetic3A_1721 = arith.constant 7 : i32
      %shift_right_arithmetic3A_1722 = arith.shrsi %reduce_sum3A_1720, %shift_right_arithmetic3A_1721 : i32
      %mul3A_1723 = arith.constant 128 : i32
      %mul3A_1724 = arith.muli %shift_right_arithmetic3A_1722, %mul3A_1723 : i32
      %multiple_of3A_1725 = tpu.assume_multiple %mul3A_1724, 128 : i32
      %and3A_1726 = arith.constant 127 : i32
      %and3A_1727 = arith.andi %reduce_sum3A_1720, %and3A_1726 : i32
      %dma_wait3A_1728 = arith.constant 1 : i32
      %dma_wait3A_1729 = arith.constant 0 : i32
      %dma_wait3A_1730 = arith.constant 0 : i32
      %dma_wait3A_1731 = tpu.memref_slice %arg11[%dma_wait3A_1728, %dma_wait3A_1729, %dma_wait3A_1730] : memref<4x64x128xf32, #tpu.memory_space<vmem>> -> memref<1x64x128xf32, #tpu.memory_space<vmem>>
      %dma_wait3A_1732 = tpu.memref_squeeze %dma_wait3A_1731 : memref<1x64x128xf32, #tpu.memory_space<vmem>> -> memref<64x128xf32, #tpu.memory_space<vmem>>
      %dma_wait3A_1733 = arith.constant 0 : i32
      %dma_wait3A_1734 = arith.constant 0 : i32
      %dma_wait3A_1735 = tpu.memref_slice %arg4[%dma_wait3A_1733, %dma_wait3A_1734] : memref<64x1000000xf32, #tpu.memory_space<hbm>> -> memref<64x128xf32, #tpu.memory_space<hbm>>
      %dma_wait3A_1736 = arith.constant 0 : i32
      %dma_wait3A_1737 = arith.constant 0 : i32
      %dma_wait3A_1738 = tpu.memref_slice %arg11[%dma_wait3A_1728, %dma_wait3A_1736, %dma_wait3A_1737] : memref<4x64x128xf32, #tpu.memory_space<vmem>> -> memref<1x64x128xf32, #tpu.memory_space<vmem>>
      %dma_wait3A_1739 = tpu.memref_squeeze %dma_wait3A_1738 : memref<1x64x128xf32, #tpu.memory_space<vmem>> -> memref<64x128xf32, #tpu.memory_space<vmem>>
      %dma_wait3A_1740 = arith.constant 0 : i32
      %dma_wait3A_1741 = arith.constant 0 : i32
      %dma_wait3A_1742 = tpu.memref_slice %arg4[%dma_wait3A_1740, %dma_wait3A_1741] : memref<64x1000000xf32, #tpu.memory_space<hbm>> -> memref<64x128xf32, #tpu.memory_space<hbm>>
      tpu.wait_dma2 semaphore(%arg16 : memref<!tpu.dma_semaphore, #tpu.memory_space<semaphore_mem>>) src(%dma_wait3A_1742 : memref<64x128xf32, #tpu.memory_space<hbm>>) dst(%dma_wait3A_1739 : memref<64x128xf32, #tpu.memory_space<vmem>>)
      %dma_wait3A_1743 = arith.constant 1 : i32
      %dma_wait3A_1744 = arith.constant 0 : i32
      %dma_wait3A_1745 = arith.constant 0 : i32
      %dma_wait3A_1746 = tpu.memref_slice %arg12[%dma_wait3A_1743, %dma_wait3A_1744, %dma_wait3A_1745] : memref<4x64x128xf32, #tpu.memory_space<vmem>> -> memref<1x64x128xf32, #tpu.memory_space<vmem>>
      %dma_wait3A_1747 = tpu.memref_squeeze %dma_wait3A_1746 : memref<1x64x128xf32, #tpu.memory_space<vmem>> -> memref<64x128xf32, #tpu.memory_space<vmem>>
      %dma_wait3A_1748 = arith.constant 0 : i32
      %dma_wait3A_1749 = arith.constant 0 : i32
      %dma_wait3A_1750 = tpu.memref_slice %arg5[%dma_wait3A_1748, %dma_wait3A_1749] : memref<64x1000000xf32, #tpu.memory_space<hbm>> -> memref<64x128xf32, #tpu.memory_space<hbm>>
      %dma_wait3A_1751 = arith.constant 0 : i32
      %dma_wait3A_1752 = arith.constant 0 : i32
      %dma_wait3A_1753 = tpu.memref_slice %arg12[%dma_wait3A_1743, %dma_wait3A_1751, %dma_wait3A_1752] : memref<4x64x128xf32, #tpu.memory_space<vmem>> -> memref<1x64x128xf32, #tpu.memory_space<vmem>>
      %dma_wait3A_1754 = tpu.memref_squeeze %dma_wait3A_1753 : memref<1x64x128xf32, #tpu.memory_space<vmem>> -> memref<64x128xf32, #tpu.memory_space<vmem>>
      %dma_wait3A_1755 = arith.constant 0 : i32
      %dma_wait3A_1756 = arith.constant 0 : i32
      %dma_wait3A_1757 = tpu.memref_slice %arg5[%dma_wait3A_1755, %dma_wait3A_1756] : memref<64x1000000xf32, #tpu.memory_space<hbm>> -> memref<64x128xf32, #tpu.memory_space<hbm>>
      tpu.wait_dma2 semaphore(%arg16 : memref<!tpu.dma_semaphore, #tpu.memory_space<semaphore_mem>>) src(%dma_wait3A_1757 : memref<64x128xf32, #tpu.memory_space<hbm>>) dst(%dma_wait3A_1754 : memref<64x128xf32, #tpu.memory_space<vmem>>)
      %broadcast_in_dim3A_1758 = arith.constant 0.000000e+00 : f32
      %broadcast_in_dim3A_1759 = vector.broadcast %broadcast_in_dim3A_1758 : f32 to vector<16xf32>
      %broadcast_in_dim3A_1760 = arith.constant 0 : i32
      %broadcast_in_dim3A_1761 = vector.broadcast %broadcast_in_dim3A_1760 : i32 to vector<16xi32>
      %add3A_1762 = vector.broadcast %and3A_1709 : i32 to vector<16xi32>
      %add3A_1763 = arith.addi %broadcast_in_dim3A_1761, %add3A_1762 : vector<16xi32>
      %broadcast_in_dim3A_1764 = arith.constant 0 : i32
      %broadcast_in_dim3A_1765 = vector.broadcast %broadcast_in_dim3A_1764 : i32 to vector<16xi32>
      %add3A_1766 = vector.broadcast %and3A_1727 : i32 to vector<16xi32>
      %add3A_1767 = arith.addi %broadcast_in_dim3A_1765, %add3A_1766 : vector<16xi32>
      %add3A_1768 = arith.constant 0 : i32
      %add3A_1769 = vector.broadcast %add3A_1768 : i32 to vector<16xi32>
      %add3A_1770 = arith.addi %iota3A, %add3A_1769 : vector<16xi32>
      %gather3A_1771 = arith.constant 1 : i32
      %gather3A_1772 = arith.constant 0 : i32
      %gather3A_1773 = arith.constant 0 : i32
      %gather3A_1774 = tpu.memref_slice %arg11[%gather3A_1771, %gather3A_1772, %gather3A_1773] : memref<4x64x128xf32, #tpu.memory_space<vmem>> -> memref<1x64x128xf32, #tpu.memory_space<vmem>>
      %gather3A_1775 = tpu.memref_squeeze %gather3A_1774 : memref<1x64x128xf32, #tpu.memory_space<vmem>> -> memref<64x128xf32, #tpu.memory_space<vmem>>
      %gather3A_1776 = tpu.vector_load_idx %gather3A_1775[%add3A_1770, %add3A_1763] : memref<64x128xf32, #tpu.memory_space<vmem>>[vector<16xi32>, vector<16xi32>], vector<16xf32>,
      %gather3A_1777 = arith.constant 1 : i32
      %gather3A_1778 = arith.constant 0 : i32
      %gather3A_1779 = arith.constant 0 : i32
      %gather3A_1780 = tpu.memref_slice %arg12[%gather3A_1777, %gather3A_1778, %gather3A_1779] : memref<4x64x128xf32, #tpu.memory_space<vmem>> -> memref<1x64x128xf32, #tpu.memory_space<vmem>>
      %gather3A_1781 = tpu.memref_squeeze %gather3A_1780 : memref<1x64x128xf32, #tpu.memory_space<vmem>> -> memref<64x128xf32, #tpu.memory_space<vmem>>
      %gather3A_1782 = tpu.vector_load_idx %gather3A_1781[%add3A_1770, %add3A_1767] : memref<64x128xf32, #tpu.memory_space<vmem>>[vector<16xi32>, vector<16xi32>], vector<16xf32>,
      %mul3A_1783 = arith.mulf %gather3A_1776, %gather3A_1782 : vector<16xf32>
      %add3A_1784 = arith.addf %broadcast_in_dim3A_1759, %mul3A_1783 : vector<16xf32>
      %add3A_1785 = arith.constant 16 : i32
      %add3A_1786 = vector.broadcast %add3A_1785 : i32 to vector<16xi32>
      %add3A_1787 = arith.addi %iota3A, %add3A_1786 : vector<16xi32>
      %gather3A_1788 = arith.constant 1 : i32
      %gather3A_1789 = arith.constant 0 : i32
      %gather3A_1790 = arith.constant 0 : i32
      %gather3A_1791 = tpu.memref_slice %arg11[%gather3A_1788, %gather3A_1789, %gather3A_1790] : memref<4x64x128xf32, #tpu.memory_space<vmem>> -> memref<1x64x128xf32, #tpu.memory_space<vmem>>
      %gather3A_1792 = tpu.memref_squeeze %gather3A_1791 : memref<1x64x128xf32, #tpu.memory_space<vmem>> -> memref<64x128xf32, #tpu.memory_space<vmem>>
      %gather3A_1793 = tpu.vector_load_idx %gather3A_1792[%add3A_1787, %add3A_1763] : memref<64x128xf32, #tpu.memory_space<vmem>>[vector<16xi32>, vector<16xi32>], vector<16xf32>,
      %gather3A_1794 = arith.constant 1 : i32
      %gather3A_1795 = arith.constant 0 : i32
      %gather3A_1796 = arith.constant 0 : i32
      %gather3A_1797 = tpu.memref_slice %arg12[%gather3A_1794, %gather3A_1795, %gather3A_1796] : memref<4x64x128xf32, #tpu.memory_space<vmem>> -> memref<1x64x128xf32, #tpu.memory_space<vmem>>
      %gather3A_1798 = tpu.memref_squeeze %gather3A_1797 : memref<1x64x128xf32, #tpu.memory_space<vmem>> -> memref<64x128xf32, #tpu.memory_space<vmem>>
      %gather3A_1799 = tpu.vector_load_idx %gather3A_1798[%add3A_1787, %add3A_1767] : memref<64x128xf32, #tpu.memory_space<vmem>>[vector<16xi32>, vector<16xi32>], vector<16xf32>,
      %mul3A_1800 = arith.mulf %gather3A_1793, %gather3A_1799 : vector<16xf32>
      %add3A_1801 = arith.addf %add3A_1784, %mul3A_1800 : vector<16xf32>
      %add3A_1802 = arith.constant 32 : i32
      %add3A_1803 = vector.broadcast %add3A_1802 : i32 to vector<16xi32>
      %add3A_1804 = arith.addi %iota3A, %add3A_1803 : vector<16xi32>
      %gather3A_1805 = arith.constant 1 : i32
      %gather3A_1806 = arith.constant 0 : i32
      %gather3A_1807 = arith.constant 0 : i32
      %gather3A_1808 = tpu.memref_slice %arg11[%gather3A_1805, %gather3A_1806, %gather3A_1807] : memref<4x64x128xf32, #tpu.memory_space<vmem>> -> memref<1x64x128xf32, #tpu.memory_space<vmem>>
      %gather3A_1809 = tpu.memref_squeeze %gather3A_1808 : memref<1x64x128xf32, #tpu.memory_space<vmem>> -> memref<64x128xf32, #tpu.memory_space<vmem>>
      %gather3A_1810 = tpu.vector_load_idx %gather3A_1809[%add3A_1804, %add3A_1763] : memref<64x128xf32, #tpu.memory_space<vmem>>[vector<16xi32>, vector<16xi32>], vector<16xf32>,
      %gather3A_1811 = arith.constant 1 : i32
      %gather3A_1812 = arith.constant 0 : i32
      %gather3A_1813 = arith.constant 0 : i32
      %gather3A_1814 = tpu.memref_slice %arg12[%gather3A_1811, %gather3A_1812, %gather3A_1813] : memref<4x64x128xf32, #tpu.memory_space<vmem>> -> memref<1x64x128xf32, #tpu.memory_space<vmem>>
      %gather3A_1815 = tpu.memref_squeeze %gather3A_1814 : memref<1x64x128xf32, #tpu.memory_space<vmem>> -> memref<64x128xf32, #tpu.memory_space<vmem>>
      %gather3A_1816 = tpu.vector_load_idx %gather3A_1815[%add3A_1804, %add3A_1767] : memref<64x128xf32, #tpu.memory_space<vmem>>[vector<16xi32>, vector<16xi32>], vector<16xf32>,
      %mul3A_1817 = arith.mulf %gather3A_1810, %gather3A_1816 : vector<16xf32>
      %add3A_1818 = arith.addf %add3A_1801, %mul3A_1817 : vector<16xf32>
      %add3A_1819 = arith.constant 48 : i32
      %add3A_1820 = vector.broadcast %add3A_1819 : i32 to vector<16xi32>
      %add3A_1821 = arith.addi %iota3A, %add3A_1820 : vector<16xi32>
      %gather3A_1822 = arith.constant 1 : i32
      %gather3A_1823 = arith.constant 0 : i32
      %gather3A_1824 = arith.constant 0 : i32
      %gather3A_1825 = tpu.memref_slice %arg11[%gather3A_1822, %gather3A_1823, %gather3A_1824] : memref<4x64x128xf32, #tpu.memory_space<vmem>> -> memref<1x64x128xf32, #tpu.memory_space<vmem>>
      %gather3A_1826 = tpu.memref_squeeze %gather3A_1825 : memref<1x64x128xf32, #tpu.memory_space<vmem>> -> memref<64x128xf32, #tpu.memory_space<vmem>>
      %gather3A_1827 = tpu.vector_load_idx %gather3A_1826[%add3A_1821, %add3A_1763] : memref<64x128xf32, #tpu.memory_space<vmem>>[vector<16xi32>, vector<16xi32>], vector<16xf32>,
      %gather3A_1828 = arith.constant 1 : i32
      %gather3A_1829 = arith.constant 0 : i32
      %gather3A_1830 = arith.constant 0 : i32
      %gather3A_1831 = tpu.memref_slice %arg12[%gather3A_1828, %gather3A_1829, %gather3A_1830] : memref<4x64x128xf32, #tpu.memory_space<vmem>> -> memref<1x64x128xf32, #tpu.memory_space<vmem>>
      %gather3A_1832 = tpu.memref_squeeze %gather3A_1831 : memref<1x64x128xf32, #tpu.memory_space<vmem>> -> memref<64x128xf32, #tpu.memory_space<vmem>>
      %gather3A_1833 = tpu.vector_load_idx %gather3A_1832[%add3A_1821, %add3A_1767] : memref<64x128xf32, #tpu.memory_space<vmem>>[vector<16xi32>, vector<16xi32>], vector<16xf32>,
      %mul3A_1834 = arith.mulf %gather3A_1827, %gather3A_1833 : vector<16xf32>
      %add3A_1835 = arith.addf %add3A_1818, %mul3A_1834 : vector<16xf32>
      %reduce_sum3A_1836 = arith.constant true
      %reduce_sum3A_1837 = vector.broadcast %reduce_sum3A_1836 : i1 to vector<16xi1>
      %reduce_sum3A_1838 = tpu.scan <sum>, %add3A_1835 masked %reduce_sum3A_1837 : vector<16xf32>, vector<16xi1> -> vector<16xf32>
      %reduce_sum3A_1839 = vector.extract %reduce_sum3A_1838[15] : f32 from vector<16xf32>
      %eq3A_1840 = arith.constant 5 : i32
      %eq3A_1841 = vector.broadcast %eq3A_1840 : i32 to vector<16xi32>
      %eq3A_1842 = arith.cmpi eq, %iota3A, %eq3A_1841 : vector<16xi32>
      %jit3A_1843 = arith.constant 0.000000e+00 : f32
      %broadcast_in_dim3A_1844 = vector.broadcast %reduce_sum3A_1839 : f32 to vector<16xf32>
      %broadcast_in_dim3A_1845 = vector.broadcast %jit3A_1843 : f32 to vector<16xf32>
      %select_n3A_1846 = arith.select %eq3A_1842, %broadcast_in_dim3A_1844, %broadcast_in_dim3A_1845 : vector<16xi1>, vector<16xf32>
      %add3A_1847 = arith.addf %add3A_1629, %select_n3A_1846 : vector<16xf32>
      %iota3A_1848 = tpu.iota {dimensions = array<i32: 0>} : vector<16xi32>
      %eq3A_1849 = arith.constant 9 : i32
      %eq3A_1850 = vector.broadcast %eq3A_1849 : i32 to vector<16xi32>
      %eq3A_1851 = arith.cmpi eq, %iota3A_1848, %eq3A_1850 : vector<16xi32>
      %jit3A_1852 = arith.constant 0 : i32
      %broadcast_in_dim3A_1853 = vector.broadcast %jit3A_1852 : i32 to vector<16xi32>
      %select_n3A_1854 = arith.select %eq3A_1851, %get3A_539, %broadcast_in_dim3A_1853 : vector<16xi1>, vector<16xi32>
      %reduce_sum3A_1855 = arith.constant true
      %reduce_sum3A_1856 = vector.broadcast %reduce_sum3A_1855 : i1 to vector<16xi1>
      %reduce_sum3A_1857 = tpu.scan <sum>, %select_n3A_1854 masked %reduce_sum3A_1856 : vector<16xi32>, vector<16xi1> -> vector<16xi32>
      %reduce_sum3A_1858 = vector.extract %reduce_sum3A_1857[15] : i32 from vector<16xi32>
      %shift_right_arithmetic3A_1859 = arith.constant 7 : i32
      %shift_right_arithmetic3A_1860 = arith.shrsi %reduce_sum3A_1858, %shift_right_arithmetic3A_1859 : i32
      %mul3A_1861 = arith.constant 128 : i32
      %mul3A_1862 = arith.muli %shift_right_arithmetic3A_1860, %mul3A_1861 : i32
      %multiple_of3A_1863 = tpu.assume_multiple %mul3A_1862, 128 : i32
      %and3A_1864 = arith.constant 127 : i32
      %and3A_1865 = arith.andi %reduce_sum3A_1858, %and3A_1864 : i32
      %iota3A_1866 = tpu.iota {dimensions = array<i32: 0>} : vector<16xi32>
      %eq3A_1867 = arith.constant 9 : i32
      %eq3A_1868 = vector.broadcast %eq3A_1867 : i32 to vector<16xi32>
      %eq3A_1869 = arith.cmpi eq, %iota3A_1866, %eq3A_1868 : vector<16xi32>
      %jit3A_1870 = arith.constant 0 : i32
      %broadcast_in_dim3A_1871 = vector.broadcast %jit3A_1870 : i32 to vector<16xi32>
      %select_n3A_1872 = arith.select %eq3A_1869, %get3A_542, %broadcast_in_dim3A_1871 : vector<16xi1>, vector<16xi32>
      %reduce_sum3A_1873 = arith.constant true
      %reduce_sum3A_1874 = vector.broadcast %reduce_sum3A_1873 : i1 to vector<16xi1>
      %reduce_sum3A_1875 = tpu.scan <sum>, %select_n3A_1872 masked %reduce_sum3A_1874 : vector<16xi32>, vector<16xi1> -> vector<16xi32>
      %reduce_sum3A_1876 = vector.extract %reduce_sum3A_1875[15] : i32 from vector<16xi32>
      %shift_right_arithmetic3A_1877 = arith.constant 7 : i32
      %shift_right_arithmetic3A_1878 = arith.shrsi %reduce_sum3A_1876, %shift_right_arithmetic3A_1877 : i32
      %mul3A_1879 = arith.constant 128 : i32
      %mul3A_1880 = arith.muli %shift_right_arithmetic3A_1878, %mul3A_1879 : i32
      %multiple_of3A_1881 = tpu.assume_multiple %mul3A_1880, 128 : i32
      %and3A_1882 = arith.constant 127 : i32
      %and3A_1883 = arith.andi %reduce_sum3A_1876, %and3A_1882 : i32
      %dma_start3A_1884 = arith.constant 1 : i32
      %dma_start3A_1885 = arith.constant 0 : i32
      %dma_start3A_1886 = arith.constant 0 : i32
      %dma_start3A_1887 = tpu.memref_slice %arg11[%dma_start3A_1884, %dma_start3A_1885, %dma_start3A_1886] : memref<4x64x128xf32, #tpu.memory_space<vmem>> -> memref<1x64x128xf32, #tpu.memory_space<vmem>>
      %dma_start3A_1888 = tpu.memref_squeeze %dma_start3A_1887 : memref<1x64x128xf32, #tpu.memory_space<vmem>> -> memref<64x128xf32, #tpu.memory_space<vmem>>
      %dma_start3A_1889 = arith.constant 0 : i32
      %dma_start3A_1890 = tpu.memref_slice %arg4[%dma_start3A_1889, %multiple_of3A_1863] : memref<64x1000000xf32, #tpu.memory_space<hbm>> -> memref<64x128xf32, #tpu.memory_space<hbm>>
      %dma_start3A_1891 = arith.constant 0 : i32
      %dma_start3A_1892 = arith.constant 0 : i32
      %dma_start3A_1893 = tpu.memref_slice %arg11[%dma_start3A_1884, %dma_start3A_1891, %dma_start3A_1892] : memref<4x64x128xf32, #tpu.memory_space<vmem>> -> memref<1x64x128xf32, #tpu.memory_space<vmem>>
      %dma_start3A_1894 = tpu.memref_squeeze %dma_start3A_1893 : memref<1x64x128xf32, #tpu.memory_space<vmem>> -> memref<64x128xf32, #tpu.memory_space<vmem>>
      %dma_start3A_1895 = arith.constant 0 : i32
      %dma_start3A_1896 = tpu.memref_slice %arg4[%dma_start3A_1895, %multiple_of3A_1863] : memref<64x1000000xf32, #tpu.memory_space<hbm>> -> memref<64x128xf32, #tpu.memory_space<hbm>>
      tpu.enqueue_dma source(%dma_start3A_1896 : memref<64x128xf32, #tpu.memory_space<hbm>>) target(%dma_start3A_1894 : memref<64x128xf32, #tpu.memory_space<vmem>>) target_semaphore(%arg16 : memref<!tpu.dma_semaphore, #tpu.memory_space<semaphore_mem>>)
      %dma_start3A_1897 = arith.constant 1 : i32
      %dma_start3A_1898 = arith.constant 0 : i32
      %dma_start3A_1899 = arith.constant 0 : i32
      %dma_start3A_1900 = tpu.memref_slice %arg12[%dma_start3A_1897, %dma_start3A_1898, %dma_start3A_1899] : memref<4x64x128xf32, #tpu.memory_space<vmem>> -> memref<1x64x128xf32, #tpu.memory_space<vmem>>
      %dma_start3A_1901 = tpu.memref_squeeze %dma_start3A_1900 : memref<1x64x128xf32, #tpu.memory_space<vmem>> -> memref<64x128xf32, #tpu.memory_space<vmem>>
      %dma_start3A_1902 = arith.constant 0 : i32
      %dma_start3A_1903 = tpu.memref_slice %arg5[%dma_start3A_1902, %multiple_of3A_1881] : memref<64x1000000xf32, #tpu.memory_space<hbm>> -> memref<64x128xf32, #tpu.memory_space<hbm>>
      %dma_start3A_1904 = arith.constant 0 : i32
      %dma_start3A_1905 = arith.constant 0 : i32
      %dma_start3A_1906 = tpu.memref_slice %arg12[%dma_start3A_1897, %dma_start3A_1904, %dma_start3A_1905] : memref<4x64x128xf32, #tpu.memory_space<vmem>> -> memref<1x64x128xf32, #tpu.memory_space<vmem>>
      %dma_start3A_1907 = tpu.memref_squeeze %dma_start3A_1906 : memref<1x64x128xf32, #tpu.memory_space<vmem>> -> memref<64x128xf32, #tpu.memory_space<vmem>>
      %dma_start3A_1908 = arith.constant 0 : i32
      %dma_start3A_1909 = tpu.memref_slice %arg5[%dma_start3A_1908, %multiple_of3A_1881] : memref<64x1000000xf32, #tpu.memory_space<hbm>> -> memref<64x128xf32, #tpu.memory_space<hbm>>
      tpu.enqueue_dma source(%dma_start3A_1909 : memref<64x128xf32, #tpu.memory_space<hbm>>) target(%dma_start3A_1907 : memref<64x128xf32, #tpu.memory_space<vmem>>) target_semaphore(%arg16 : memref<!tpu.dma_semaphore, #tpu.memory_space<semaphore_mem>>)
      %iota3A_1910 = tpu.iota {dimensions = array<i32: 0>} : vector<16xi32>
      %eq3A_1911 = arith.constant 6 : i32
      %eq3A_1912 = vector.broadcast %eq3A_1911 : i32 to vector<16xi32>
      %eq3A_1913 = arith.cmpi eq, %iota3A_1910, %eq3A_1912 : vector<16xi32>
      %jit3A_1914 = arith.constant 0 : i32
      %broadcast_in_dim3A_1915 = vector.broadcast %jit3A_1914 : i32 to vector<16xi32>
      %select_n3A_1916 = arith.select %eq3A_1913, %get3A_539, %broadcast_in_dim3A_1915 : vector<16xi1>, vector<16xi32>
      %reduce_sum3A_1917 = arith.constant true
      %reduce_sum3A_1918 = vector.broadcast %reduce_sum3A_1917 : i1 to vector<16xi1>
      %reduce_sum3A_1919 = tpu.scan <sum>, %select_n3A_1916 masked %reduce_sum3A_1918 : vector<16xi32>, vector<16xi1> -> vector<16xi32>
      %reduce_sum3A_1920 = vector.extract %reduce_sum3A_1919[15] : i32 from vector<16xi32>
      %shift_right_arithmetic3A_1921 = arith.constant 7 : i32
      %shift_right_arithmetic3A_1922 = arith.shrsi %reduce_sum3A_1920, %shift_right_arithmetic3A_1921 : i32
      %mul3A_1923 = arith.constant 128 : i32
      %mul3A_1924 = arith.muli %shift_right_arithmetic3A_1922, %mul3A_1923 : i32
      %multiple_of3A_1925 = tpu.assume_multiple %mul3A_1924, 128 : i32
      %and3A_1926 = arith.constant 127 : i32
      %and3A_1927 = arith.andi %reduce_sum3A_1920, %and3A_1926 : i32
      %iota3A_1928 = tpu.iota {dimensions = array<i32: 0>} : vector<16xi32>
      %eq3A_1929 = arith.constant 6 : i32
      %eq3A_1930 = vector.broadcast %eq3A_1929 : i32 to vector<16xi32>
      %eq3A_1931 = arith.cmpi eq, %iota3A_1928, %eq3A_1930 : vector<16xi32>
      %jit3A_1932 = arith.constant 0 : i32
      %broadcast_in_dim3A_1933 = vector.broadcast %jit3A_1932 : i32 to vector<16xi32>
      %select_n3A_1934 = arith.select %eq3A_1931, %get3A_542, %broadcast_in_dim3A_1933 : vector<16xi1>, vector<16xi32>
      %reduce_sum3A_1935 = arith.constant true
      %reduce_sum3A_1936 = vector.broadcast %reduce_sum3A_1935 : i1 to vector<16xi1>
      %reduce_sum3A_1937 = tpu.scan <sum>, %select_n3A_1934 masked %reduce_sum3A_1936 : vector<16xi32>, vector<16xi1> -> vector<16xi32>
      %reduce_sum3A_1938 = vector.extract %reduce_sum3A_1937[15] : i32 from vector<16xi32>
      %shift_right_arithmetic3A_1939 = arith.constant 7 : i32
      %shift_right_arithmetic3A_1940 = arith.shrsi %reduce_sum3A_1938, %shift_right_arithmetic3A_1939 : i32
      %mul3A_1941 = arith.constant 128 : i32
      %mul3A_1942 = arith.muli %shift_right_arithmetic3A_1940, %mul3A_1941 : i32
      %multiple_of3A_1943 = tpu.assume_multiple %mul3A_1942, 128 : i32
      %and3A_1944 = arith.constant 127 : i32
      %and3A_1945 = arith.andi %reduce_sum3A_1938, %and3A_1944 : i32
      %dma_wait3A_1946 = arith.constant 2 : i32
      %dma_wait3A_1947 = arith.constant 0 : i32
      %dma_wait3A_1948 = arith.constant 0 : i32
      %dma_wait3A_1949 = tpu.memref_slice %arg11[%dma_wait3A_1946, %dma_wait3A_1947, %dma_wait3A_1948] : memref<4x64x128xf32, #tpu.memory_space<vmem>> -> memref<1x64x128xf32, #tpu.memory_space<vmem>>
      %dma_wait3A_1950 = tpu.memref_squeeze %dma_wait3A_1949 : memref<1x64x128xf32, #tpu.memory_space<vmem>> -> memref<64x128xf32, #tpu.memory_space<vmem>>
      %dma_wait3A_1951 = arith.constant 0 : i32
      %dma_wait3A_1952 = arith.constant 0 : i32
      %dma_wait3A_1953 = tpu.memref_slice %arg4[%dma_wait3A_1951, %dma_wait3A_1952] : memref<64x1000000xf32, #tpu.memory_space<hbm>> -> memref<64x128xf32, #tpu.memory_space<hbm>>
      %dma_wait3A_1954 = arith.constant 0 : i32
      %dma_wait3A_1955 = arith.constant 0 : i32
      %dma_wait3A_1956 = tpu.memref_slice %arg11[%dma_wait3A_1946, %dma_wait3A_1954, %dma_wait3A_1955] : memref<4x64x128xf32, #tpu.memory_space<vmem>> -> memref<1x64x128xf32, #tpu.memory_space<vmem>>
      %dma_wait3A_1957 = tpu.memref_squeeze %dma_wait3A_1956 : memref<1x64x128xf32, #tpu.memory_space<vmem>> -> memref<64x128xf32, #tpu.memory_space<vmem>>
      %dma_wait3A_1958 = arith.constant 0 : i32
      %dma_wait3A_1959 = arith.constant 0 : i32
      %dma_wait3A_1960 = tpu.memref_slice %arg4[%dma_wait3A_1958, %dma_wait3A_1959] : memref<64x1000000xf32, #tpu.memory_space<hbm>> -> memref<64x128xf32, #tpu.memory_space<hbm>>
      tpu.wait_dma2 semaphore(%arg16 : memref<!tpu.dma_semaphore, #tpu.memory_space<semaphore_mem>>) src(%dma_wait3A_1960 : memref<64x128xf32, #tpu.memory_space<hbm>>) dst(%dma_wait3A_1957 : memref<64x128xf32, #tpu.memory_space<vmem>>)
      %dma_wait3A_1961 = arith.constant 2 : i32
      %dma_wait3A_1962 = arith.constant 0 : i32
      %dma_wait3A_1963 = arith.constant 0 : i32
      %dma_wait3A_1964 = tpu.memref_slice %arg12[%dma_wait3A_1961, %dma_wait3A_1962, %dma_wait3A_1963] : memref<4x64x128xf32, #tpu.memory_space<vmem>> -> memref<1x64x128xf32, #tpu.memory_space<vmem>>
      %dma_wait3A_1965 = tpu.memref_squeeze %dma_wait3A_1964 : memref<1x64x128xf32, #tpu.memory_space<vmem>> -> memref<64x128xf32, #tpu.memory_space<vmem>>
      %dma_wait3A_1966 = arith.constant 0 : i32
      %dma_wait3A_1967 = arith.constant 0 : i32
      %dma_wait3A_1968 = tpu.memref_slice %arg5[%dma_wait3A_1966, %dma_wait3A_1967] : memref<64x1000000xf32, #tpu.memory_space<hbm>> -> memref<64x128xf32, #tpu.memory_space<hbm>>
      %dma_wait3A_1969 = arith.constant 0 : i32
      %dma_wait3A_1970 = arith.constant 0 : i32
      %dma_wait3A_1971 = tpu.memref_slice %arg12[%dma_wait3A_1961, %dma_wait3A_1969, %dma_wait3A_1970] : memref<4x64x128xf32, #tpu.memory_space<vmem>> -> memref<1x64x128xf32, #tpu.memory_space<vmem>>
      %dma_wait3A_1972 = tpu.memref_squeeze %dma_wait3A_1971 : memref<1x64x128xf32, #tpu.memory_space<vmem>> -> memref<64x128xf32, #tpu.memory_space<vmem>>
      %dma_wait3A_1973 = arith.constant 0 : i32
      %dma_wait3A_1974 = arith.constant 0 : i32
      %dma_wait3A_1975 = tpu.memref_slice %arg5[%dma_wait3A_1973, %dma_wait3A_1974] : memref<64x1000000xf32, #tpu.memory_space<hbm>> -> memref<64x128xf32, #tpu.memory_space<hbm>>
      tpu.wait_dma2 semaphore(%arg16 : memref<!tpu.dma_semaphore, #tpu.memory_space<semaphore_mem>>) src(%dma_wait3A_1975 : memref<64x128xf32, #tpu.memory_space<hbm>>) dst(%dma_wait3A_1972 : memref<64x128xf32, #tpu.memory_space<vmem>>)
      %broadcast_in_dim3A_1976 = arith.constant 0.000000e+00 : f32
      %broadcast_in_dim3A_1977 = vector.broadcast %broadcast_in_dim3A_1976 : f32 to vector<16xf32>
      %broadcast_in_dim3A_1978 = arith.constant 0 : i32
      %broadcast_in_dim3A_1979 = vector.broadcast %broadcast_in_dim3A_1978 : i32 to vector<16xi32>
      %add3A_1980 = vector.broadcast %and3A_1927 : i32 to vector<16xi32>
      %add3A_1981 = arith.addi %broadcast_in_dim3A_1979, %add3A_1980 : vector<16xi32>
      %broadcast_in_dim3A_1982 = arith.constant 0 : i32
      %broadcast_in_dim3A_1983 = vector.broadcast %broadcast_in_dim3A_1982 : i32 to vector<16xi32>
      %add3A_1984 = vector.broadcast %and3A_1945 : i32 to vector<16xi32>
      %add3A_1985 = arith.addi %broadcast_in_dim3A_1983, %add3A_1984 : vector<16xi32>
      %add3A_1986 = arith.constant 0 : i32
      %add3A_1987 = vector.broadcast %add3A_1986 : i32 to vector<16xi32>
      %add3A_1988 = arith.addi %iota3A, %add3A_1987 : vector<16xi32>
      %gather3A_1989 = arith.constant 2 : i32
      %gather3A_1990 = arith.constant 0 : i32
      %gather3A_1991 = arith.constant 0 : i32
      %gather3A_1992 = tpu.memref_slice %arg11[%gather3A_1989, %gather3A_1990, %gather3A_1991] : memref<4x64x128xf32, #tpu.memory_space<vmem>> -> memref<1x64x128xf32, #tpu.memory_space<vmem>>
      %gather3A_1993 = tpu.memref_squeeze %gather3A_1992 : memref<1x64x128xf32, #tpu.memory_space<vmem>> -> memref<64x128xf32, #tpu.memory_space<vmem>>
      %gather3A_1994 = tpu.vector_load_idx %gather3A_1993[%add3A_1988, %add3A_1981] : memref<64x128xf32, #tpu.memory_space<vmem>>[vector<16xi32>, vector<16xi32>], vector<16xf32>,
      %gather3A_1995 = arith.constant 2 : i32
      %gather3A_1996 = arith.constant 0 : i32
      %gather3A_1997 = arith.constant 0 : i32
      %gather3A_1998 = tpu.memref_slice %arg12[%gather3A_1995, %gather3A_1996, %gather3A_1997] : memref<4x64x128xf32, #tpu.memory_space<vmem>> -> memref<1x64x128xf32, #tpu.memory_space<vmem>>
      %gather3A_1999 = tpu.memref_squeeze %gather3A_1998 : memref<1x64x128xf32, #tpu.memory_space<vmem>> -> memref<64x128xf32, #tpu.memory_space<vmem>>
      %gather3A_2000 = tpu.vector_load_idx %gather3A_1999[%add3A_1988, %add3A_1985] : memref<64x128xf32, #tpu.memory_space<vmem>>[vector<16xi32>, vector<16xi32>], vector<16xf32>,
      %mul3A_2001 = arith.mulf %gather3A_1994, %gather3A_2000 : vector<16xf32>
      %add3A_2002 = arith.addf %broadcast_in_dim3A_1977, %mul3A_2001 : vector<16xf32>
      %add3A_2003 = arith.constant 16 : i32
      %add3A_2004 = vector.broadcast %add3A_2003 : i32 to vector<16xi32>
      %add3A_2005 = arith.addi %iota3A, %add3A_2004 : vector<16xi32>
      %gather3A_2006 = arith.constant 2 : i32
      %gather3A_2007 = arith.constant 0 : i32
      %gather3A_2008 = arith.constant 0 : i32
      %gather3A_2009 = tpu.memref_slice %arg11[%gather3A_2006, %gather3A_2007, %gather3A_2008] : memref<4x64x128xf32, #tpu.memory_space<vmem>> -> memref<1x64x128xf32, #tpu.memory_space<vmem>>
      %gather3A_2010 = tpu.memref_squeeze %gather3A_2009 : memref<1x64x128xf32, #tpu.memory_space<vmem>> -> memref<64x128xf32, #tpu.memory_space<vmem>>
      %gather3A_2011 = tpu.vector_load_idx %gather3A_2010[%add3A_2005, %add3A_1981] : memref<64x128xf32, #tpu.memory_space<vmem>>[vector<16xi32>, vector<16xi32>], vector<16xf32>,
      %gather3A_2012 = arith.constant 2 : i32
      %gather3A_2013 = arith.constant 0 : i32
      %gather3A_2014 = arith.constant 0 : i32
      %gather3A_2015 = tpu.memref_slice %arg12[%gather3A_2012, %gather3A_2013, %gather3A_2014] : memref<4x64x128xf32, #tpu.memory_space<vmem>> -> memref<1x64x128xf32, #tpu.memory_space<vmem>>
      %gather3A_2016 = tpu.memref_squeeze %gather3A_2015 : memref<1x64x128xf32, #tpu.memory_space<vmem>> -> memref<64x128xf32, #tpu.memory_space<vmem>>
      %gather3A_2017 = tpu.vector_load_idx %gather3A_2016[%add3A_2005, %add3A_1985] : memref<64x128xf32, #tpu.memory_space<vmem>>[vector<16xi32>, vector<16xi32>], vector<16xf32>,
      %mul3A_2018 = arith.mulf %gather3A_2011, %gather3A_2017 : vector<16xf32>
      %add3A_2019 = arith.addf %add3A_2002, %mul3A_2018 : vector<16xf32>
      %add3A_2020 = arith.constant 32 : i32
      %add3A_2021 = vector.broadcast %add3A_2020 : i32 to vector<16xi32>
      %add3A_2022 = arith.addi %iota3A, %add3A_2021 : vector<16xi32>
      %gather3A_2023 = arith.constant 2 : i32
      %gather3A_2024 = arith.constant 0 : i32
      %gather3A_2025 = arith.constant 0 : i32
      %gather3A_2026 = tpu.memref_slice %arg11[%gather3A_2023, %gather3A_2024, %gather3A_2025] : memref<4x64x128xf32, #tpu.memory_space<vmem>> -> memref<1x64x128xf32, #tpu.memory_space<vmem>>
      %gather3A_2027 = tpu.memref_squeeze %gather3A_2026 : memref<1x64x128xf32, #tpu.memory_space<vmem>> -> memref<64x128xf32, #tpu.memory_space<vmem>>
      %gather3A_2028 = tpu.vector_load_idx %gather3A_2027[%add3A_2022, %add3A_1981] : memref<64x128xf32, #tpu.memory_space<vmem>>[vector<16xi32>, vector<16xi32>], vector<16xf32>,
      %gather3A_2029 = arith.constant 2 : i32
      %gather3A_2030 = arith.constant 0 : i32
      %gather3A_2031 = arith.constant 0 : i32
      %gather3A_2032 = tpu.memref_slice %arg12[%gather3A_2029, %gather3A_2030, %gather3A_2031] : memref<4x64x128xf32, #tpu.memory_space<vmem>> -> memref<1x64x128xf32, #tpu.memory_space<vmem>>
      %gather3A_2033 = tpu.memref_squeeze %gather3A_2032 : memref<1x64x128xf32, #tpu.memory_space<vmem>> -> memref<64x128xf32, #tpu.memory_space<vmem>>
      %gather3A_2034 = tpu.vector_load_idx %gather3A_2033[%add3A_2022, %add3A_1985] : memref<64x128xf32, #tpu.memory_space<vmem>>[vector<16xi32>, vector<16xi32>], vector<16xf32>,
      %mul3A_2035 = arith.mulf %gather3A_2028, %gather3A_2034 : vector<16xf32>
      %add3A_2036 = arith.addf %add3A_2019, %mul3A_2035 : vector<16xf32>
      %add3A_2037 = arith.constant 48 : i32
      %add3A_2038 = vector.broadcast %add3A_2037 : i32 to vector<16xi32>
      %add3A_2039 = arith.addi %iota3A, %add3A_2038 : vector<16xi32>
      %gather3A_2040 = arith.constant 2 : i32
      %gather3A_2041 = arith.constant 0 : i32
      %gather3A_2042 = arith.constant 0 : i32
      %gather3A_2043 = tpu.memref_slice %arg11[%gather3A_2040, %gather3A_2041, %gather3A_2042] : memref<4x64x128xf32, #tpu.memory_space<vmem>> -> memref<1x64x128xf32, #tpu.memory_space<vmem>>
      %gather3A_2044 = tpu.memref_squeeze %gather3A_2043 : memref<1x64x128xf32, #tpu.memory_space<vmem>> -> memref<64x128xf32, #tpu.memory_space<vmem>>
      %gather3A_2045 = tpu.vector_load_idx %gather3A_2044[%add3A_2039, %add3A_1981] : memref<64x128xf32, #tpu.memory_space<vmem>>[vector<16xi32>, vector<16xi32>], vector<16xf32>,
      %gather3A_2046 = arith.constant 2 : i32
      %gather3A_2047 = arith.constant 0 : i32
      %gather3A_2048 = arith.constant 0 : i32
      %gather3A_2049 = tpu.memref_slice %arg12[%gather3A_2046, %gather3A_2047, %gather3A_2048] : memref<4x64x128xf32, #tpu.memory_space<vmem>> -> memref<1x64x128xf32, #tpu.memory_space<vmem>>
      %gather3A_2050 = tpu.memref_squeeze %gather3A_2049 : memref<1x64x128xf32, #tpu.memory_space<vmem>> -> memref<64x128xf32, #tpu.memory_space<vmem>>
      %gather3A_2051 = tpu.vector_load_idx %gather3A_2050[%add3A_2039, %add3A_1985] : memref<64x128xf32, #tpu.memory_space<vmem>>[vector<16xi32>, vector<16xi32>], vector<16xf32>,
      %mul3A_2052 = arith.mulf %gather3A_2045, %gather3A_2051 : vector<16xf32>
      %add3A_2053 = arith.addf %add3A_2036, %mul3A_2052 : vector<16xf32>
      %reduce_sum3A_2054 = arith.constant true
      %reduce_sum3A_2055 = vector.broadcast %reduce_sum3A_2054 : i1 to vector<16xi1>
      %reduce_sum3A_2056 = tpu.scan <sum>, %add3A_2053 masked %reduce_sum3A_2055 : vector<16xf32>, vector<16xi1> -> vector<16xf32>
      %reduce_sum3A_2057 = vector.extract %reduce_sum3A_2056[15] : f32 from vector<16xf32>
      %eq3A_2058 = arith.constant 6 : i32
      %eq3A_2059 = vector.broadcast %eq3A_2058 : i32 to vector<16xi32>
      %eq3A_2060 = arith.cmpi eq, %iota3A, %eq3A_2059 : vector<16xi32>
      %jit3A_2061 = arith.constant 0.000000e+00 : f32
      %broadcast_in_dim3A_2062 = vector.broadcast %reduce_sum3A_2057 : f32 to vector<16xf32>
      %broadcast_in_dim3A_2063 = vector.broadcast %jit3A_2061 : f32 to vector<16xf32>
      %select_n3A_2064 = arith.select %eq3A_2060, %broadcast_in_dim3A_2062, %broadcast_in_dim3A_2063 : vector<16xi1>, vector<16xf32>
      %add3A_2065 = arith.addf %add3A_1847, %select_n3A_2064 : vector<16xf32>
      %iota3A_2066 = tpu.iota {dimensions = array<i32: 0>} : vector<16xi32>
      %eq3A_2067 = arith.constant 10 : i32
      %eq3A_2068 = vector.broadcast %eq3A_2067 : i32 to vector<16xi32>
      %eq3A_2069 = arith.cmpi eq, %iota3A_2066, %eq3A_2068 : vector<16xi32>
      %jit3A_2070 = arith.constant 0 : i32
      %broadcast_in_dim3A_2071 = vector.broadcast %jit3A_2070 : i32 to vector<16xi32>
      %select_n3A_2072 = arith.select %eq3A_2069, %get3A_539, %broadcast_in_dim3A_2071 : vector<16xi1>, vector<16xi32>
      %reduce_sum3A_2073 = arith.constant true
      %reduce_sum3A_2074 = vector.broadcast %reduce_sum3A_2073 : i1 to vector<16xi1>
      %reduce_sum3A_2075 = tpu.scan <sum>, %select_n3A_2072 masked %reduce_sum3A_2074 : vector<16xi32>, vector<16xi1> -> vector<16xi32>
      %reduce_sum3A_2076 = vector.extract %reduce_sum3A_2075[15] : i32 from vector<16xi32>
      %shift_right_arithmetic3A_2077 = arith.constant 7 : i32
      %shift_right_arithmetic3A_2078 = arith.shrsi %reduce_sum3A_2076, %shift_right_arithmetic3A_2077 : i32
      %mul3A_2079 = arith.constant 128 : i32
      %mul3A_2080 = arith.muli %shift_right_arithmetic3A_2078, %mul3A_2079 : i32
      %multiple_of3A_2081 = tpu.assume_multiple %mul3A_2080, 128 : i32
      %and3A_2082 = arith.constant 127 : i32
      %and3A_2083 = arith.andi %reduce_sum3A_2076, %and3A_2082 : i32
      %iota3A_2084 = tpu.iota {dimensions = array<i32: 0>} : vector<16xi32>
      %eq3A_2085 = arith.constant 10 : i32
      %eq3A_2086 = vector.broadcast %eq3A_2085 : i32 to vector<16xi32>
      %eq3A_2087 = arith.cmpi eq, %iota3A_2084, %eq3A_2086 : vector<16xi32>
      %jit3A_2088 = arith.constant 0 : i32
      %broadcast_in_dim3A_2089 = vector.broadcast %jit3A_2088 : i32 to vector<16xi32>
      %select_n3A_2090 = arith.select %eq3A_2087, %get3A_542, %broadcast_in_dim3A_2089 : vector<16xi1>, vector<16xi32>
      %reduce_sum3A_2091 = arith.constant true
      %reduce_sum3A_2092 = vector.broadcast %reduce_sum3A_2091 : i1 to vector<16xi1>
      %reduce_sum3A_2093 = tpu.scan <sum>, %select_n3A_2090 masked %reduce_sum3A_2092 : vector<16xi32>, vector<16xi1> -> vector<16xi32>
      %reduce_sum3A_2094 = vector.extract %reduce_sum3A_2093[15] : i32 from vector<16xi32>
      %shift_right_arithmetic3A_2095 = arith.constant 7 : i32
      %shift_right_arithmetic3A_2096 = arith.shrsi %reduce_sum3A_2094, %shift_right_arithmetic3A_2095 : i32
      %mul3A_2097 = arith.constant 128 : i32
      %mul3A_2098 = arith.muli %shift_right_arithmetic3A_2096, %mul3A_2097 : i32
      %multiple_of3A_2099 = tpu.assume_multiple %mul3A_2098, 128 : i32
      %and3A_2100 = arith.constant 127 : i32
      %and3A_2101 = arith.andi %reduce_sum3A_2094, %and3A_2100 : i32
      %dma_start3A_2102 = arith.constant 2 : i32
      %dma_start3A_2103 = arith.constant 0 : i32
      %dma_start3A_2104 = arith.constant 0 : i32
      %dma_start3A_2105 = tpu.memref_slice %arg11[%dma_start3A_2102, %dma_start3A_2103, %dma_start3A_2104] : memref<4x64x128xf32, #tpu.memory_space<vmem>> -> memref<1x64x128xf32, #tpu.memory_space<vmem>>
      %dma_start3A_2106 = tpu.memref_squeeze %dma_start3A_2105 : memref<1x64x128xf32, #tpu.memory_space<vmem>> -> memref<64x128xf32, #tpu.memory_space<vmem>>
      %dma_start3A_2107 = arith.constant 0 : i32
      %dma_start3A_2108 = tpu.memref_slice %arg4[%dma_start3A_2107, %multiple_of3A_2081] : memref<64x1000000xf32, #tpu.memory_space<hbm>> -> memref<64x128xf32, #tpu.memory_space<hbm>>
      %dma_start3A_2109 = arith.constant 0 : i32
      %dma_start3A_2110 = arith.constant 0 : i32
      %dma_start3A_2111 = tpu.memref_slice %arg11[%dma_start3A_2102, %dma_start3A_2109, %dma_start3A_2110] : memref<4x64x128xf32, #tpu.memory_space<vmem>> -> memref<1x64x128xf32, #tpu.memory_space<vmem>>
      %dma_start3A_2112 = tpu.memref_squeeze %dma_start3A_2111 : memref<1x64x128xf32, #tpu.memory_space<vmem>> -> memref<64x128xf32, #tpu.memory_space<vmem>>
      %dma_start3A_2113 = arith.constant 0 : i32
      %dma_start3A_2114 = tpu.memref_slice %arg4[%dma_start3A_2113, %multiple_of3A_2081] : memref<64x1000000xf32, #tpu.memory_space<hbm>> -> memref<64x128xf32, #tpu.memory_space<hbm>>
      tpu.enqueue_dma source(%dma_start3A_2114 : memref<64x128xf32, #tpu.memory_space<hbm>>) target(%dma_start3A_2112 : memref<64x128xf32, #tpu.memory_space<vmem>>) target_semaphore(%arg16 : memref<!tpu.dma_semaphore, #tpu.memory_space<semaphore_mem>>)
      %dma_start3A_2115 = arith.constant 2 : i32
      %dma_start3A_2116 = arith.constant 0 : i32
      %dma_start3A_2117 = arith.constant 0 : i32
      %dma_start3A_2118 = tpu.memref_slice %arg12[%dma_start3A_2115, %dma_start3A_2116, %dma_start3A_2117] : memref<4x64x128xf32, #tpu.memory_space<vmem>> -> memref<1x64x128xf32, #tpu.memory_space<vmem>>
      %dma_start3A_2119 = tpu.memref_squeeze %dma_start3A_2118 : memref<1x64x128xf32, #tpu.memory_space<vmem>> -> memref<64x128xf32, #tpu.memory_space<vmem>>
      %dma_start3A_2120 = arith.constant 0 : i32
      %dma_start3A_2121 = tpu.memref_slice %arg5[%dma_start3A_2120, %multiple_of3A_2099] : memref<64x1000000xf32, #tpu.memory_space<hbm>> -> memref<64x128xf32, #tpu.memory_space<hbm>>
      %dma_start3A_2122 = arith.constant 0 : i32
      %dma_start3A_2123 = arith.constant 0 : i32
      %dma_start3A_2124 = tpu.memref_slice %arg12[%dma_start3A_2115, %dma_start3A_2122, %dma_start3A_2123] : memref<4x64x128xf32, #tpu.memory_space<vmem>> -> memref<1x64x128xf32, #tpu.memory_space<vmem>>
      %dma_start3A_2125 = tpu.memref_squeeze %dma_start3A_2124 : memref<1x64x128xf32, #tpu.memory_space<vmem>> -> memref<64x128xf32, #tpu.memory_space<vmem>>
      %dma_start3A_2126 = arith.constant 0 : i32
      %dma_start3A_2127 = tpu.memref_slice %arg5[%dma_start3A_2126, %multiple_of3A_2099] : memref<64x1000000xf32, #tpu.memory_space<hbm>> -> memref<64x128xf32, #tpu.memory_space<hbm>>
      tpu.enqueue_dma source(%dma_start3A_2127 : memref<64x128xf32, #tpu.memory_space<hbm>>) target(%dma_start3A_2125 : memref<64x128xf32, #tpu.memory_space<vmem>>) target_semaphore(%arg16 : memref<!tpu.dma_semaphore, #tpu.memory_space<semaphore_mem>>)
      %iota3A_2128 = tpu.iota {dimensions = array<i32: 0>} : vector<16xi32>
      %eq3A_2129 = arith.constant 7 : i32
      %eq3A_2130 = vector.broadcast %eq3A_2129 : i32 to vector<16xi32>
      %eq3A_2131 = arith.cmpi eq, %iota3A_2128, %eq3A_2130 : vector<16xi32>
      %jit3A_2132 = arith.constant 0 : i32
      %broadcast_in_dim3A_2133 = vector.broadcast %jit3A_2132 : i32 to vector<16xi32>
      %select_n3A_2134 = arith.select %eq3A_2131, %get3A_539, %broadcast_in_dim3A_2133 : vector<16xi1>, vector<16xi32>
      %reduce_sum3A_2135 = arith.constant true
      %reduce_sum3A_2136 = vector.broadcast %reduce_sum3A_2135 : i1 to vector<16xi1>
      %reduce_sum3A_2137 = tpu.scan <sum>, %select_n3A_2134 masked %reduce_sum3A_2136 : vector<16xi32>, vector<16xi1> -> vector<16xi32>
      %reduce_sum3A_2138 = vector.extract %reduce_sum3A_2137[15] : i32 from vector<16xi32>
      %shift_right_arithmetic3A_2139 = arith.constant 7 : i32
      %shift_right_arithmetic3A_2140 = arith.shrsi %reduce_sum3A_2138, %shift_right_arithmetic3A_2139 : i32
      %mul3A_2141 = arith.constant 128 : i32
      %mul3A_2142 = arith.muli %shift_right_arithmetic3A_2140, %mul3A_2141 : i32
      %multiple_of3A_2143 = tpu.assume_multiple %mul3A_2142, 128 : i32
      %and3A_2144 = arith.constant 127 : i32
      %and3A_2145 = arith.andi %reduce_sum3A_2138, %and3A_2144 : i32
      %iota3A_2146 = tpu.iota {dimensions = array<i32: 0>} : vector<16xi32>
      %eq3A_2147 = arith.constant 7 : i32
      %eq3A_2148 = vector.broadcast %eq3A_2147 : i32 to vector<16xi32>
      %eq3A_2149 = arith.cmpi eq, %iota3A_2146, %eq3A_2148 : vector<16xi32>
      %jit3A_2150 = arith.constant 0 : i32
      %broadcast_in_dim3A_2151 = vector.broadcast %jit3A_2150 : i32 to vector<16xi32>
      %select_n3A_2152 = arith.select %eq3A_2149, %get3A_542, %broadcast_in_dim3A_2151 : vector<16xi1>, vector<16xi32>
      %reduce_sum3A_2153 = arith.constant true
      %reduce_sum3A_2154 = vector.broadcast %reduce_sum3A_2153 : i1 to vector<16xi1>
      %reduce_sum3A_2155 = tpu.scan <sum>, %select_n3A_2152 masked %reduce_sum3A_2154 : vector<16xi32>, vector<16xi1> -> vector<16xi32>
      %reduce_sum3A_2156 = vector.extract %reduce_sum3A_2155[15] : i32 from vector<16xi32>
      %shift_right_arithmetic3A_2157 = arith.constant 7 : i32
      %shift_right_arithmetic3A_2158 = arith.shrsi %reduce_sum3A_2156, %shift_right_arithmetic3A_2157 : i32
      %mul3A_2159 = arith.constant 128 : i32
      %mul3A_2160 = arith.muli %shift_right_arithmetic3A_2158, %mul3A_2159 : i32
      %multiple_of3A_2161 = tpu.assume_multiple %mul3A_2160, 128 : i32
      %and3A_2162 = arith.constant 127 : i32
      %and3A_2163 = arith.andi %reduce_sum3A_2156, %and3A_2162 : i32
      %dma_wait3A_2164 = arith.constant 3 : i32
      %dma_wait3A_2165 = arith.constant 0 : i32
      %dma_wait3A_2166 = arith.constant 0 : i32
      %dma_wait3A_2167 = tpu.memref_slice %arg11[%dma_wait3A_2164, %dma_wait3A_2165, %dma_wait3A_2166] : memref<4x64x128xf32, #tpu.memory_space<vmem>> -> memref<1x64x128xf32, #tpu.memory_space<vmem>>
      %dma_wait3A_2168 = tpu.memref_squeeze %dma_wait3A_2167 : memref<1x64x128xf32, #tpu.memory_space<vmem>> -> memref<64x128xf32, #tpu.memory_space<vmem>>
      %dma_wait3A_2169 = arith.constant 0 : i32
      %dma_wait3A_2170 = arith.constant 0 : i32
      %dma_wait3A_2171 = tpu.memref_slice %arg4[%dma_wait3A_2169, %dma_wait3A_2170] : memref<64x1000000xf32, #tpu.memory_space<hbm>> -> memref<64x128xf32, #tpu.memory_space<hbm>>
      %dma_wait3A_2172 = arith.constant 0 : i32
      %dma_wait3A_2173 = arith.constant 0 : i32
      %dma_wait3A_2174 = tpu.memref_slice %arg11[%dma_wait3A_2164, %dma_wait3A_2172, %dma_wait3A_2173] : memref<4x64x128xf32, #tpu.memory_space<vmem>> -> memref<1x64x128xf32, #tpu.memory_space<vmem>>
      %dma_wait3A_2175 = tpu.memref_squeeze %dma_wait3A_2174 : memref<1x64x128xf32, #tpu.memory_space<vmem>> -> memref<64x128xf32, #tpu.memory_space<vmem>>
      %dma_wait3A_2176 = arith.constant 0 : i32
      %dma_wait3A_2177 = arith.constant 0 : i32
      %dma_wait3A_2178 = tpu.memref_slice %arg4[%dma_wait3A_2176, %dma_wait3A_2177] : memref<64x1000000xf32, #tpu.memory_space<hbm>> -> memref<64x128xf32, #tpu.memory_space<hbm>>
      tpu.wait_dma2 semaphore(%arg16 : memref<!tpu.dma_semaphore, #tpu.memory_space<semaphore_mem>>) src(%dma_wait3A_2178 : memref<64x128xf32, #tpu.memory_space<hbm>>) dst(%dma_wait3A_2175 : memref<64x128xf32, #tpu.memory_space<vmem>>)
      %dma_wait3A_2179 = arith.constant 3 : i32
      %dma_wait3A_2180 = arith.constant 0 : i32
      %dma_wait3A_2181 = arith.constant 0 : i32
      %dma_wait3A_2182 = tpu.memref_slice %arg12[%dma_wait3A_2179, %dma_wait3A_2180, %dma_wait3A_2181] : memref<4x64x128xf32, #tpu.memory_space<vmem>> -> memref<1x64x128xf32, #tpu.memory_space<vmem>>
      %dma_wait3A_2183 = tpu.memref_squeeze %dma_wait3A_2182 : memref<1x64x128xf32, #tpu.memory_space<vmem>> -> memref<64x128xf32, #tpu.memory_space<vmem>>
      %dma_wait3A_2184 = arith.constant 0 : i32
      %dma_wait3A_2185 = arith.constant 0 : i32
      %dma_wait3A_2186 = tpu.memref_slice %arg5[%dma_wait3A_2184, %dma_wait3A_2185] : memref<64x1000000xf32, #tpu.memory_space<hbm>> -> memref<64x128xf32, #tpu.memory_space<hbm>>
      %dma_wait3A_2187 = arith.constant 0 : i32
      %dma_wait3A_2188 = arith.constant 0 : i32
      %dma_wait3A_2189 = tpu.memref_slice %arg12[%dma_wait3A_2179, %dma_wait3A_2187, %dma_wait3A_2188] : memref<4x64x128xf32, #tpu.memory_space<vmem>> -> memref<1x64x128xf32, #tpu.memory_space<vmem>>
      %dma_wait3A_2190 = tpu.memref_squeeze %dma_wait3A_2189 : memref<1x64x128xf32, #tpu.memory_space<vmem>> -> memref<64x128xf32, #tpu.memory_space<vmem>>
      %dma_wait3A_2191 = arith.constant 0 : i32
      %dma_wait3A_2192 = arith.constant 0 : i32
      %dma_wait3A_2193 = tpu.memref_slice %arg5[%dma_wait3A_2191, %dma_wait3A_2192] : memref<64x1000000xf32, #tpu.memory_space<hbm>> -> memref<64x128xf32, #tpu.memory_space<hbm>>
      tpu.wait_dma2 semaphore(%arg16 : memref<!tpu.dma_semaphore, #tpu.memory_space<semaphore_mem>>) src(%dma_wait3A_2193 : memref<64x128xf32, #tpu.memory_space<hbm>>) dst(%dma_wait3A_2190 : memref<64x128xf32, #tpu.memory_space<vmem>>)
      %broadcast_in_dim3A_2194 = arith.constant 0.000000e+00 : f32
      %broadcast_in_dim3A_2195 = vector.broadcast %broadcast_in_dim3A_2194 : f32 to vector<16xf32>
      %broadcast_in_dim3A_2196 = arith.constant 0 : i32
      %broadcast_in_dim3A_2197 = vector.broadcast %broadcast_in_dim3A_2196 : i32 to vector<16xi32>
      %add3A_2198 = vector.broadcast %and3A_2145 : i32 to vector<16xi32>
      %add3A_2199 = arith.addi %broadcast_in_dim3A_2197, %add3A_2198 : vector<16xi32>
      %broadcast_in_dim3A_2200 = arith.constant 0 : i32
      %broadcast_in_dim3A_2201 = vector.broadcast %broadcast_in_dim3A_2200 : i32 to vector<16xi32>
      %add3A_2202 = vector.broadcast %and3A_2163 : i32 to vector<16xi32>
      %add3A_2203 = arith.addi %broadcast_in_dim3A_2201, %add3A_2202 : vector<16xi32>
      %add3A_2204 = arith.constant 0 : i32
      %add3A_2205 = vector.broadcast %add3A_2204 : i32 to vector<16xi32>
      %add3A_2206 = arith.addi %iota3A, %add3A_2205 : vector<16xi32>
      %gather3A_2207 = arith.constant 3 : i32
      %gather3A_2208 = arith.constant 0 : i32
      %gather3A_2209 = arith.constant 0 : i32
      %gather3A_2210 = tpu.memref_slice %arg11[%gather3A_2207, %gather3A_2208, %gather3A_2209] : memref<4x64x128xf32, #tpu.memory_space<vmem>> -> memref<1x64x128xf32, #tpu.memory_space<vmem>>
      %gather3A_2211 = tpu.memref_squeeze %gather3A_2210 : memref<1x64x128xf32, #tpu.memory_space<vmem>> -> memref<64x128xf32, #tpu.memory_space<vmem>>
      %gather3A_2212 = tpu.vector_load_idx %gather3A_2211[%add3A_2206, %add3A_2199] : memref<64x128xf32, #tpu.memory_space<vmem>>[vector<16xi32>, vector<16xi32>], vector<16xf32>,
      %gather3A_2213 = arith.constant 3 : i32
      %gather3A_2214 = arith.constant 0 : i32
      %gather3A_2215 = arith.constant 0 : i32
      %gather3A_2216 = tpu.memref_slice %arg12[%gather3A_2213, %gather3A_2214, %gather3A_2215] : memref<4x64x128xf32, #tpu.memory_space<vmem>> -> memref<1x64x128xf32, #tpu.memory_space<vmem>>
      %gather3A_2217 = tpu.memref_squeeze %gather3A_2216 : memref<1x64x128xf32, #tpu.memory_space<vmem>> -> memref<64x128xf32, #tpu.memory_space<vmem>>
      %gather3A_2218 = tpu.vector_load_idx %gather3A_2217[%add3A_2206, %add3A_2203] : memref<64x128xf32, #tpu.memory_space<vmem>>[vector<16xi32>, vector<16xi32>], vector<16xf32>,
      %mul3A_2219 = arith.mulf %gather3A_2212, %gather3A_2218 : vector<16xf32>
      %add3A_2220 = arith.addf %broadcast_in_dim3A_2195, %mul3A_2219 : vector<16xf32>
      %add3A_2221 = arith.constant 16 : i32
      %add3A_2222 = vector.broadcast %add3A_2221 : i32 to vector<16xi32>
      %add3A_2223 = arith.addi %iota3A, %add3A_2222 : vector<16xi32>
      %gather3A_2224 = arith.constant 3 : i32
      %gather3A_2225 = arith.constant 0 : i32
      %gather3A_2226 = arith.constant 0 : i32
      %gather3A_2227 = tpu.memref_slice %arg11[%gather3A_2224, %gather3A_2225, %gather3A_2226] : memref<4x64x128xf32, #tpu.memory_space<vmem>> -> memref<1x64x128xf32, #tpu.memory_space<vmem>>
      %gather3A_2228 = tpu.memref_squeeze %gather3A_2227 : memref<1x64x128xf32, #tpu.memory_space<vmem>> -> memref<64x128xf32, #tpu.memory_space<vmem>>
      %gather3A_2229 = tpu.vector_load_idx %gather3A_2228[%add3A_2223, %add3A_2199] : memref<64x128xf32, #tpu.memory_space<vmem>>[vector<16xi32>, vector<16xi32>], vector<16xf32>,
      %gather3A_2230 = arith.constant 3 : i32
      %gather3A_2231 = arith.constant 0 : i32
      %gather3A_2232 = arith.constant 0 : i32
      %gather3A_2233 = tpu.memref_slice %arg12[%gather3A_2230, %gather3A_2231, %gather3A_2232] : memref<4x64x128xf32, #tpu.memory_space<vmem>> -> memref<1x64x128xf32, #tpu.memory_space<vmem>>
      %gather3A_2234 = tpu.memref_squeeze %gather3A_2233 : memref<1x64x128xf32, #tpu.memory_space<vmem>> -> memref<64x128xf32, #tpu.memory_space<vmem>>
      %gather3A_2235 = tpu.vector_load_idx %gather3A_2234[%add3A_2223, %add3A_2203] : memref<64x128xf32, #tpu.memory_space<vmem>>[vector<16xi32>, vector<16xi32>], vector<16xf32>,
      %mul3A_2236 = arith.mulf %gather3A_2229, %gather3A_2235 : vector<16xf32>
      %add3A_2237 = arith.addf %add3A_2220, %mul3A_2236 : vector<16xf32>
      %add3A_2238 = arith.constant 32 : i32
      %add3A_2239 = vector.broadcast %add3A_2238 : i32 to vector<16xi32>
      %add3A_2240 = arith.addi %iota3A, %add3A_2239 : vector<16xi32>
      %gather3A_2241 = arith.constant 3 : i32
      %gather3A_2242 = arith.constant 0 : i32
      %gather3A_2243 = arith.constant 0 : i32
      %gather3A_2244 = tpu.memref_slice %arg11[%gather3A_2241, %gather3A_2242, %gather3A_2243] : memref<4x64x128xf32, #tpu.memory_space<vmem>> -> memref<1x64x128xf32, #tpu.memory_space<vmem>>
      %gather3A_2245 = tpu.memref_squeeze %gather3A_2244 : memref<1x64x128xf32, #tpu.memory_space<vmem>> -> memref<64x128xf32, #tpu.memory_space<vmem>>
      %gather3A_2246 = tpu.vector_load_idx %gather3A_2245[%add3A_2240, %add3A_2199] : memref<64x128xf32, #tpu.memory_space<vmem>>[vector<16xi32>, vector<16xi32>], vector<16xf32>,
      %gather3A_2247 = arith.constant 3 : i32
      %gather3A_2248 = arith.constant 0 : i32
      %gather3A_2249 = arith.constant 0 : i32
      %gather3A_2250 = tpu.memref_slice %arg12[%gather3A_2247, %gather3A_2248, %gather3A_2249] : memref<4x64x128xf32, #tpu.memory_space<vmem>> -> memref<1x64x128xf32, #tpu.memory_space<vmem>>
      %gather3A_2251 = tpu.memref_squeeze %gather3A_2250 : memref<1x64x128xf32, #tpu.memory_space<vmem>> -> memref<64x128xf32, #tpu.memory_space<vmem>>
      %gather3A_2252 = tpu.vector_load_idx %gather3A_2251[%add3A_2240, %add3A_2203] : memref<64x128xf32, #tpu.memory_space<vmem>>[vector<16xi32>, vector<16xi32>], vector<16xf32>,
      %mul3A_2253 = arith.mulf %gather3A_2246, %gather3A_2252 : vector<16xf32>
      %add3A_2254 = arith.addf %add3A_2237, %mul3A_2253 : vector<16xf32>
      %add3A_2255 = arith.constant 48 : i32
      %add3A_2256 = vector.broadcast %add3A_2255 : i32 to vector<16xi32>
      %add3A_2257 = arith.addi %iota3A, %add3A_2256 : vector<16xi32>
      %gather3A_2258 = arith.constant 3 : i32
      %gather3A_2259 = arith.constant 0 : i32
      %gather3A_2260 = arith.constant 0 : i32
      %gather3A_2261 = tpu.memref_slice %arg11[%gather3A_2258, %gather3A_2259, %gather3A_2260] : memref<4x64x128xf32, #tpu.memory_space<vmem>> -> memref<1x64x128xf32, #tpu.memory_space<vmem>>
      %gather3A_2262 = tpu.memref_squeeze %gather3A_2261 : memref<1x64x128xf32, #tpu.memory_space<vmem>> -> memref<64x128xf32, #tpu.memory_space<vmem>>
      %gather3A_2263 = tpu.vector_load_idx %gather3A_2262[%add3A_2257, %add3A_2199] : memref<64x128xf32, #tpu.memory_space<vmem>>[vector<16xi32>, vector<16xi32>], vector<16xf32>,
      %gather3A_2264 = arith.constant 3 : i32
      %gather3A_2265 = arith.constant 0 : i32
      %gather3A_2266 = arith.constant 0 : i32
      %gather3A_2267 = tpu.memref_slice %arg12[%gather3A_2264, %gather3A_2265, %gather3A_2266] : memref<4x64x128xf32, #tpu.memory_space<vmem>> -> memref<1x64x128xf32, #tpu.memory_space<vmem>>
      %gather3A_2268 = tpu.memref_squeeze %gather3A_2267 : memref<1x64x128xf32, #tpu.memory_space<vmem>> -> memref<64x128xf32, #tpu.memory_space<vmem>>
      %gather3A_2269 = tpu.vector_load_idx %gather3A_2268[%add3A_2257, %add3A_2203] : memref<64x128xf32, #tpu.memory_space<vmem>>[vector<16xi32>, vector<16xi32>], vector<16xf32>,
      %mul3A_2270 = arith.mulf %gather3A_2263, %gather3A_2269 : vector<16xf32>
      %add3A_2271 = arith.addf %add3A_2254, %mul3A_2270 : vector<16xf32>
      %reduce_sum3A_2272 = arith.constant true
      %reduce_sum3A_2273 = vector.broadcast %reduce_sum3A_2272 : i1 to vector<16xi1>
      %reduce_sum3A_2274 = tpu.scan <sum>, %add3A_2271 masked %reduce_sum3A_2273 : vector<16xf32>, vector<16xi1> -> vector<16xf32>
      %reduce_sum3A_2275 = vector.extract %reduce_sum3A_2274[15] : f32 from vector<16xf32>
      %eq3A_2276 = arith.constant 7 : i32
      %eq3A_2277 = vector.broadcast %eq3A_2276 : i32 to vector<16xi32>
      %eq3A_2278 = arith.cmpi eq, %iota3A, %eq3A_2277 : vector<16xi32>
      %jit3A_2279 = arith.constant 0.000000e+00 : f32
      %broadcast_in_dim3A_2280 = vector.broadcast %reduce_sum3A_2275 : f32 to vector<16xf32>
      %broadcast_in_dim3A_2281 = vector.broadcast %jit3A_2279 : f32 to vector<16xf32>
      %select_n3A_2282 = arith.select %eq3A_2278, %broadcast_in_dim3A_2280, %broadcast_in_dim3A_2281 : vector<16xi1>, vector<16xf32>
      %add3A_2283 = arith.addf %add3A_2065, %select_n3A_2282 : vector<16xf32>
      %iota3A_2284 = tpu.iota {dimensions = array<i32: 0>} : vector<16xi32>
      %eq3A_2285 = arith.constant 11 : i32
      %eq3A_2286 = vector.broadcast %eq3A_2285 : i32 to vector<16xi32>
      %eq3A_2287 = arith.cmpi eq, %iota3A_2284, %eq3A_2286 : vector<16xi32>
      %jit3A_2288 = arith.constant 0 : i32
      %broadcast_in_dim3A_2289 = vector.broadcast %jit3A_2288 : i32 to vector<16xi32>
      %select_n3A_2290 = arith.select %eq3A_2287, %get3A_539, %broadcast_in_dim3A_2289 : vector<16xi1>, vector<16xi32>
      %reduce_sum3A_2291 = arith.constant true
      %reduce_sum3A_2292 = vector.broadcast %reduce_sum3A_2291 : i1 to vector<16xi1>
      %reduce_sum3A_2293 = tpu.scan <sum>, %select_n3A_2290 masked %reduce_sum3A_2292 : vector<16xi32>, vector<16xi1> -> vector<16xi32>
      %reduce_sum3A_2294 = vector.extract %reduce_sum3A_2293[15] : i32 from vector<16xi32>
      %shift_right_arithmetic3A_2295 = arith.constant 7 : i32
      %shift_right_arithmetic3A_2296 = arith.shrsi %reduce_sum3A_2294, %shift_right_arithmetic3A_2295 : i32
      %mul3A_2297 = arith.constant 128 : i32
      %mul3A_2298 = arith.muli %shift_right_arithmetic3A_2296, %mul3A_2297 : i32
      %multiple_of3A_2299 = tpu.assume_multiple %mul3A_2298, 128 : i32
      %and3A_2300 = arith.constant 127 : i32
      %and3A_2301 = arith.andi %reduce_sum3A_2294, %and3A_2300 : i32
      %iota3A_2302 = tpu.iota {dimensions = array<i32: 0>} : vector<16xi32>
      %eq3A_2303 = arith.constant 11 : i32
      %eq3A_2304 = vector.broadcast %eq3A_2303 : i32 to vector<16xi32>
      %eq3A_2305 = arith.cmpi eq, %iota3A_2302, %eq3A_2304 : vector<16xi32>
      %jit3A_2306 = arith.constant 0 : i32
      %broadcast_in_dim3A_2307 = vector.broadcast %jit3A_2306 : i32 to vector<16xi32>
      %select_n3A_2308 = arith.select %eq3A_2305, %get3A_542, %broadcast_in_dim3A_2307 : vector<16xi1>, vector<16xi32>
      %reduce_sum3A_2309 = arith.constant true
      %reduce_sum3A_2310 = vector.broadcast %reduce_sum3A_2309 : i1 to vector<16xi1>
      %reduce_sum3A_2311 = tpu.scan <sum>, %select_n3A_2308 masked %reduce_sum3A_2310 : vector<16xi32>, vector<16xi1> -> vector<16xi32>
      %reduce_sum3A_2312 = vector.extract %reduce_sum3A_2311[15] : i32 from vector<16xi32>
      %shift_right_arithmetic3A_2313 = arith.constant 7 : i32
      %shift_right_arithmetic3A_2314 = arith.shrsi %reduce_sum3A_2312, %shift_right_arithmetic3A_2313 : i32
      %mul3A_2315 = arith.constant 128 : i32
      %mul3A_2316 = arith.muli %shift_right_arithmetic3A_2314, %mul3A_2315 : i32
      %multiple_of3A_2317 = tpu.assume_multiple %mul3A_2316, 128 : i32
      %and3A_2318 = arith.constant 127 : i32
      %and3A_2319 = arith.andi %reduce_sum3A_2312, %and3A_2318 : i32
      %dma_start3A_2320 = arith.constant 3 : i32
      %dma_start3A_2321 = arith.constant 0 : i32
      %dma_start3A_2322 = arith.constant 0 : i32
      %dma_start3A_2323 = tpu.memref_slice %arg11[%dma_start3A_2320, %dma_start3A_2321, %dma_start3A_2322] : memref<4x64x128xf32, #tpu.memory_space<vmem>> -> memref<1x64x128xf32, #tpu.memory_space<vmem>>
      %dma_start3A_2324 = tpu.memref_squeeze %dma_start3A_2323 : memref<1x64x128xf32, #tpu.memory_space<vmem>> -> memref<64x128xf32, #tpu.memory_space<vmem>>
      %dma_start3A_2325 = arith.constant 0 : i32
      %dma_start3A_2326 = tpu.memref_slice %arg4[%dma_start3A_2325, %multiple_of3A_2299] : memref<64x1000000xf32, #tpu.memory_space<hbm>> -> memref<64x128xf32, #tpu.memory_space<hbm>>
      %dma_start3A_2327 = arith.constant 0 : i32
      %dma_start3A_2328 = arith.constant 0 : i32
      %dma_start3A_2329 = tpu.memref_slice %arg11[%dma_start3A_2320, %dma_start3A_2327, %dma_start3A_2328] : memref<4x64x128xf32, #tpu.memory_space<vmem>> -> memref<1x64x128xf32, #tpu.memory_space<vmem>>
      %dma_start3A_2330 = tpu.memref_squeeze %dma_start3A_2329 : memref<1x64x128xf32, #tpu.memory_space<vmem>> -> memref<64x128xf32, #tpu.memory_space<vmem>>
      %dma_start3A_2331 = arith.constant 0 : i32
      %dma_start3A_2332 = tpu.memref_slice %arg4[%dma_start3A_2331, %multiple_of3A_2299] : memref<64x1000000xf32, #tpu.memory_space<hbm>> -> memref<64x128xf32, #tpu.memory_space<hbm>>
      tpu.enqueue_dma source(%dma_start3A_2332 : memref<64x128xf32, #tpu.memory_space<hbm>>) target(%dma_start3A_2330 : memref<64x128xf32, #tpu.memory_space<vmem>>) target_semaphore(%arg16 : memref<!tpu.dma_semaphore, #tpu.memory_space<semaphore_mem>>)
      %dma_start3A_2333 = arith.constant 3 : i32
      %dma_start3A_2334 = arith.constant 0 : i32
      %dma_start3A_2335 = arith.constant 0 : i32
      %dma_start3A_2336 = tpu.memref_slice %arg12[%dma_start3A_2333, %dma_start3A_2334, %dma_start3A_2335] : memref<4x64x128xf32, #tpu.memory_space<vmem>> -> memref<1x64x128xf32, #tpu.memory_space<vmem>>
      %dma_start3A_2337 = tpu.memref_squeeze %dma_start3A_2336 : memref<1x64x128xf32, #tpu.memory_space<vmem>> -> memref<64x128xf32, #tpu.memory_space<vmem>>
      %dma_start3A_2338 = arith.constant 0 : i32
      %dma_start3A_2339 = tpu.memref_slice %arg5[%dma_start3A_2338, %multiple_of3A_2317] : memref<64x1000000xf32, #tpu.memory_space<hbm>> -> memref<64x128xf32, #tpu.memory_space<hbm>>
      %dma_start3A_2340 = arith.constant 0 : i32
      %dma_start3A_2341 = arith.constant 0 : i32
      %dma_start3A_2342 = tpu.memref_slice %arg12[%dma_start3A_2333, %dma_start3A_2340, %dma_start3A_2341] : memref<4x64x128xf32, #tpu.memory_space<vmem>> -> memref<1x64x128xf32, #tpu.memory_space<vmem>>
      %dma_start3A_2343 = tpu.memref_squeeze %dma_start3A_2342 : memref<1x64x128xf32, #tpu.memory_space<vmem>> -> memref<64x128xf32, #tpu.memory_space<vmem>>
      %dma_start3A_2344 = arith.constant 0 : i32
      %dma_start3A_2345 = tpu.memref_slice %arg5[%dma_start3A_2344, %multiple_of3A_2317] : memref<64x1000000xf32, #tpu.memory_space<hbm>> -> memref<64x128xf32, #tpu.memory_space<hbm>>
      tpu.enqueue_dma source(%dma_start3A_2345 : memref<64x128xf32, #tpu.memory_space<hbm>>) target(%dma_start3A_2343 : memref<64x128xf32, #tpu.memory_space<vmem>>) target_semaphore(%arg16 : memref<!tpu.dma_semaphore, #tpu.memory_space<semaphore_mem>>)
      %iota3A_2346 = tpu.iota {dimensions = array<i32: 0>} : vector<16xi32>
      %eq3A_2347 = arith.constant 8 : i32
      %eq3A_2348 = vector.broadcast %eq3A_2347 : i32 to vector<16xi32>
      %eq3A_2349 = arith.cmpi eq, %iota3A_2346, %eq3A_2348 : vector<16xi32>
      %jit3A_2350 = arith.constant 0 : i32
      %broadcast_in_dim3A_2351 = vector.broadcast %jit3A_2350 : i32 to vector<16xi32>
      %select_n3A_2352 = arith.select %eq3A_2349, %get3A_539, %broadcast_in_dim3A_2351 : vector<16xi1>, vector<16xi32>
      %reduce_sum3A_2353 = arith.constant true
      %reduce_sum3A_2354 = vector.broadcast %reduce_sum3A_2353 : i1 to vector<16xi1>
      %reduce_sum3A_2355 = tpu.scan <sum>, %select_n3A_2352 masked %reduce_sum3A_2354 : vector<16xi32>, vector<16xi1> -> vector<16xi32>
      %reduce_sum3A_2356 = vector.extract %reduce_sum3A_2355[15] : i32 from vector<16xi32>
      %shift_right_arithmetic3A_2357 = arith.constant 7 : i32
      %shift_right_arithmetic3A_2358 = arith.shrsi %reduce_sum3A_2356, %shift_right_arithmetic3A_2357 : i32
      %mul3A_2359 = arith.constant 128 : i32
      %mul3A_2360 = arith.muli %shift_right_arithmetic3A_2358, %mul3A_2359 : i32
      %multiple_of3A_2361 = tpu.assume_multiple %mul3A_2360, 128 : i32
      %and3A_2362 = arith.constant 127 : i32
      %and3A_2363 = arith.andi %reduce_sum3A_2356, %and3A_2362 : i32
      %iota3A_2364 = tpu.iota {dimensions = array<i32: 0>} : vector<16xi32>
      %eq3A_2365 = arith.constant 8 : i32
      %eq3A_2366 = vector.broadcast %eq3A_2365 : i32 to vector<16xi32>
      %eq3A_2367 = arith.cmpi eq, %iota3A_2364, %eq3A_2366 : vector<16xi32>
      %jit3A_2368 = arith.constant 0 : i32
      %broadcast_in_dim3A_2369 = vector.broadcast %jit3A_2368 : i32 to vector<16xi32>
      %select_n3A_2370 = arith.select %eq3A_2367, %get3A_542, %broadcast_in_dim3A_2369 : vector<16xi1>, vector<16xi32>
      %reduce_sum3A_2371 = arith.constant true
      %reduce_sum3A_2372 = vector.broadcast %reduce_sum3A_2371 : i1 to vector<16xi1>
      %reduce_sum3A_2373 = tpu.scan <sum>, %select_n3A_2370 masked %reduce_sum3A_2372 : vector<16xi32>, vector<16xi1> -> vector<16xi32>
      %reduce_sum3A_2374 = vector.extract %reduce_sum3A_2373[15] : i32 from vector<16xi32>
      %shift_right_arithmetic3A_2375 = arith.constant 7 : i32
      %shift_right_arithmetic3A_2376 = arith.shrsi %reduce_sum3A_2374, %shift_right_arithmetic3A_2375 : i32
      %mul3A_2377 = arith.constant 128 : i32
      %mul3A_2378 = arith.muli %shift_right_arithmetic3A_2376, %mul3A_2377 : i32
      %multiple_of3A_2379 = tpu.assume_multiple %mul3A_2378, 128 : i32
      %and3A_2380 = arith.constant 127 : i32
      %and3A_2381 = arith.andi %reduce_sum3A_2374, %and3A_2380 : i32
      %dma_wait3A_2382 = arith.constant 0 : i32
      %dma_wait3A_2383 = arith.constant 0 : i32
      %dma_wait3A_2384 = arith.constant 0 : i32
      %dma_wait3A_2385 = tpu.memref_slice %arg11[%dma_wait3A_2382, %dma_wait3A_2383, %dma_wait3A_2384] : memref<4x64x128xf32, #tpu.memory_space<vmem>> -> memref<1x64x128xf32, #tpu.memory_space<vmem>>
      %dma_wait3A_2386 = tpu.memref_squeeze %dma_wait3A_2385 : memref<1x64x128xf32, #tpu.memory_space<vmem>> -> memref<64x128xf32, #tpu.memory_space<vmem>>
      %dma_wait3A_2387 = arith.constant 0 : i32
      %dma_wait3A_2388 = arith.constant 0 : i32
      %dma_wait3A_2389 = tpu.memref_slice %arg4[%dma_wait3A_2387, %dma_wait3A_2388] : memref<64x1000000xf32, #tpu.memory_space<hbm>> -> memref<64x128xf32, #tpu.memory_space<hbm>>
      %dma_wait3A_2390 = arith.constant 0 : i32
      %dma_wait3A_2391 = arith.constant 0 : i32
      %dma_wait3A_2392 = tpu.memref_slice %arg11[%dma_wait3A_2382, %dma_wait3A_2390, %dma_wait3A_2391] : memref<4x64x128xf32, #tpu.memory_space<vmem>> -> memref<1x64x128xf32, #tpu.memory_space<vmem>>
      %dma_wait3A_2393 = tpu.memref_squeeze %dma_wait3A_2392 : memref<1x64x128xf32, #tpu.memory_space<vmem>> -> memref<64x128xf32, #tpu.memory_space<vmem>>
      %dma_wait3A_2394 = arith.constant 0 : i32
      %dma_wait3A_2395 = arith.constant 0 : i32
      %dma_wait3A_2396 = tpu.memref_slice %arg4[%dma_wait3A_2394, %dma_wait3A_2395] : memref<64x1000000xf32, #tpu.memory_space<hbm>> -> memref<64x128xf32, #tpu.memory_space<hbm>>
      tpu.wait_dma2 semaphore(%arg16 : memref<!tpu.dma_semaphore, #tpu.memory_space<semaphore_mem>>) src(%dma_wait3A_2396 : memref<64x128xf32, #tpu.memory_space<hbm>>) dst(%dma_wait3A_2393 : memref<64x128xf32, #tpu.memory_space<vmem>>)
      %dma_wait3A_2397 = arith.constant 0 : i32
      %dma_wait3A_2398 = arith.constant 0 : i32
      %dma_wait3A_2399 = arith.constant 0 : i32
      %dma_wait3A_2400 = tpu.memref_slice %arg12[%dma_wait3A_2397, %dma_wait3A_2398, %dma_wait3A_2399] : memref<4x64x128xf32, #tpu.memory_space<vmem>> -> memref<1x64x128xf32, #tpu.memory_space<vmem>>
      %dma_wait3A_2401 = tpu.memref_squeeze %dma_wait3A_2400 : memref<1x64x128xf32, #tpu.memory_space<vmem>> -> memref<64x128xf32, #tpu.memory_space<vmem>>
      %dma_wait3A_2402 = arith.constant 0 : i32
      %dma_wait3A_2403 = arith.constant 0 : i32
      %dma_wait3A_2404 = tpu.memref_slice %arg5[%dma_wait3A_2402, %dma_wait3A_2403] : memref<64x1000000xf32, #tpu.memory_space<hbm>> -> memref<64x128xf32, #tpu.memory_space<hbm>>
      %dma_wait3A_2405 = arith.constant 0 : i32
      %dma_wait3A_2406 = arith.constant 0 : i32
      %dma_wait3A_2407 = tpu.memref_slice %arg12[%dma_wait3A_2397, %dma_wait3A_2405, %dma_wait3A_2406] : memref<4x64x128xf32, #tpu.memory_space<vmem>> -> memref<1x64x128xf32, #tpu.memory_space<vmem>>
      %dma_wait3A_2408 = tpu.memref_squeeze %dma_wait3A_2407 : memref<1x64x128xf32, #tpu.memory_space<vmem>> -> memref<64x128xf32, #tpu.memory_space<vmem>>
      %dma_wait3A_2409 = arith.constant 0 : i32
      %dma_wait3A_2410 = arith.constant 0 : i32
      %dma_wait3A_2411 = tpu.memref_slice %arg5[%dma_wait3A_2409, %dma_wait3A_2410] : memref<64x1000000xf32, #tpu.memory_space<hbm>> -> memref<64x128xf32, #tpu.memory_space<hbm>>
      tpu.wait_dma2 semaphore(%arg16 : memref<!tpu.dma_semaphore, #tpu.memory_space<semaphore_mem>>) src(%dma_wait3A_2411 : memref<64x128xf32, #tpu.memory_space<hbm>>) dst(%dma_wait3A_2408 : memref<64x128xf32, #tpu.memory_space<vmem>>)
      %broadcast_in_dim3A_2412 = arith.constant 0.000000e+00 : f32
      %broadcast_in_dim3A_2413 = vector.broadcast %broadcast_in_dim3A_2412 : f32 to vector<16xf32>
      %broadcast_in_dim3A_2414 = arith.constant 0 : i32
      %broadcast_in_dim3A_2415 = vector.broadcast %broadcast_in_dim3A_2414 : i32 to vector<16xi32>
      %add3A_2416 = vector.broadcast %and3A_2363 : i32 to vector<16xi32>
      %add3A_2417 = arith.addi %broadcast_in_dim3A_2415, %add3A_2416 : vector<16xi32>
      %broadcast_in_dim3A_2418 = arith.constant 0 : i32
      %broadcast_in_dim3A_2419 = vector.broadcast %broadcast_in_dim3A_2418 : i32 to vector<16xi32>
      %add3A_2420 = vector.broadcast %and3A_2381 : i32 to vector<16xi32>
      %add3A_2421 = arith.addi %broadcast_in_dim3A_2419, %add3A_2420 : vector<16xi32>
      %add3A_2422 = arith.constant 0 : i32
      %add3A_2423 = vector.broadcast %add3A_2422 : i32 to vector<16xi32>
      %add3A_2424 = arith.addi %iota3A, %add3A_2423 : vector<16xi32>
      %gather3A_2425 = arith.constant 0 : i32
      %gather3A_2426 = arith.constant 0 : i32
      %gather3A_2427 = arith.constant 0 : i32
      %gather3A_2428 = tpu.memref_slice %arg11[%gather3A_2425, %gather3A_2426, %gather3A_2427] : memref<4x64x128xf32, #tpu.memory_space<vmem>> -> memref<1x64x128xf32, #tpu.memory_space<vmem>>
      %gather3A_2429 = tpu.memref_squeeze %gather3A_2428 : memref<1x64x128xf32, #tpu.memory_space<vmem>> -> memref<64x128xf32, #tpu.memory_space<vmem>>
      %gather3A_2430 = tpu.vector_load_idx %gather3A_2429[%add3A_2424, %add3A_2417] : memref<64x128xf32, #tpu.memory_space<vmem>>[vector<16xi32>, vector<16xi32>], vector<16xf32>,
      %gather3A_2431 = arith.constant 0 : i32
      %gather3A_2432 = arith.constant 0 : i32
      %gather3A_2433 = arith.constant 0 : i32
      %gather3A_2434 = tpu.memref_slice %arg12[%gather3A_2431, %gather3A_2432, %gather3A_2433] : memref<4x64x128xf32, #tpu.memory_space<vmem>> -> memref<1x64x128xf32, #tpu.memory_space<vmem>>
      %gather3A_2435 = tpu.memref_squeeze %gather3A_2434 : memref<1x64x128xf32, #tpu.memory_space<vmem>> -> memref<64x128xf32, #tpu.memory_space<vmem>>
      %gather3A_2436 = tpu.vector_load_idx %gather3A_2435[%add3A_2424, %add3A_2421] : memref<64x128xf32, #tpu.memory_space<vmem>>[vector<16xi32>, vector<16xi32>], vector<16xf32>,
      %mul3A_2437 = arith.mulf %gather3A_2430, %gather3A_2436 : vector<16xf32>
      %add3A_2438 = arith.addf %broadcast_in_dim3A_2413, %mul3A_2437 : vector<16xf32>
      %add3A_2439 = arith.constant 16 : i32
      %add3A_2440 = vector.broadcast %add3A_2439 : i32 to vector<16xi32>
      %add3A_2441 = arith.addi %iota3A, %add3A_2440 : vector<16xi32>
      %gather3A_2442 = arith.constant 0 : i32
      %gather3A_2443 = arith.constant 0 : i32
      %gather3A_2444 = arith.constant 0 : i32
      %gather3A_2445 = tpu.memref_slice %arg11[%gather3A_2442, %gather3A_2443, %gather3A_2444] : memref<4x64x128xf32, #tpu.memory_space<vmem>> -> memref<1x64x128xf32, #tpu.memory_space<vmem>>
      %gather3A_2446 = tpu.memref_squeeze %gather3A_2445 : memref<1x64x128xf32, #tpu.memory_space<vmem>> -> memref<64x128xf32, #tpu.memory_space<vmem>>
      %gather3A_2447 = tpu.vector_load_idx %gather3A_2446[%add3A_2441, %add3A_2417] : memref<64x128xf32, #tpu.memory_space<vmem>>[vector<16xi32>, vector<16xi32>], vector<16xf32>,
      %gather3A_2448 = arith.constant 0 : i32
      %gather3A_2449 = arith.constant 0 : i32
      %gather3A_2450 = arith.constant 0 : i32
      %gather3A_2451 = tpu.memref_slice %arg12[%gather3A_2448, %gather3A_2449, %gather3A_2450] : memref<4x64x128xf32, #tpu.memory_space<vmem>> -> memref<1x64x128xf32, #tpu.memory_space<vmem>>
      %gather3A_2452 = tpu.memref_squeeze %gather3A_2451 : memref<1x64x128xf32, #tpu.memory_space<vmem>> -> memref<64x128xf32, #tpu.memory_space<vmem>>
      %gather3A_2453 = tpu.vector_load_idx %gather3A_2452[%add3A_2441, %add3A_2421] : memref<64x128xf32, #tpu.memory_space<vmem>>[vector<16xi32>, vector<16xi32>], vector<16xf32>,
      %mul3A_2454 = arith.mulf %gather3A_2447, %gather3A_2453 : vector<16xf32>
      %add3A_2455 = arith.addf %add3A_2438, %mul3A_2454 : vector<16xf32>
      %add3A_2456 = arith.constant 32 : i32
      %add3A_2457 = vector.broadcast %add3A_2456 : i32 to vector<16xi32>
      %add3A_2458 = arith.addi %iota3A, %add3A_2457 : vector<16xi32>
      %gather3A_2459 = arith.constant 0 : i32
      %gather3A_2460 = arith.constant 0 : i32
      %gather3A_2461 = arith.constant 0 : i32
      %gather3A_2462 = tpu.memref_slice %arg11[%gather3A_2459, %gather3A_2460, %gather3A_2461] : memref<4x64x128xf32, #tpu.memory_space<vmem>> -> memref<1x64x128xf32, #tpu.memory_space<vmem>>
      %gather3A_2463 = tpu.memref_squeeze %gather3A_2462 : memref<1x64x128xf32, #tpu.memory_space<vmem>> -> memref<64x128xf32, #tpu.memory_space<vmem>>
      %gather3A_2464 = tpu.vector_load_idx %gather3A_2463[%add3A_2458, %add3A_2417] : memref<64x128xf32, #tpu.memory_space<vmem>>[vector<16xi32>, vector<16xi32>], vector<16xf32>,
      %gather3A_2465 = arith.constant 0 : i32
      %gather3A_2466 = arith.constant 0 : i32
      %gather3A_2467 = arith.constant 0 : i32
      %gather3A_2468 = tpu.memref_slice %arg12[%gather3A_2465, %gather3A_2466, %gather3A_2467] : memref<4x64x128xf32, #tpu.memory_space<vmem>> -> memref<1x64x128xf32, #tpu.memory_space<vmem>>
      %gather3A_2469 = tpu.memref_squeeze %gather3A_2468 : memref<1x64x128xf32, #tpu.memory_space<vmem>> -> memref<64x128xf32, #tpu.memory_space<vmem>>
      %gather3A_2470 = tpu.vector_load_idx %gather3A_2469[%add3A_2458, %add3A_2421] : memref<64x128xf32, #tpu.memory_space<vmem>>[vector<16xi32>, vector<16xi32>], vector<16xf32>,
      %mul3A_2471 = arith.mulf %gather3A_2464, %gather3A_2470 : vector<16xf32>
      %add3A_2472 = arith.addf %add3A_2455, %mul3A_2471 : vector<16xf32>
      %add3A_2473 = arith.constant 48 : i32
      %add3A_2474 = vector.broadcast %add3A_2473 : i32 to vector<16xi32>
      %add3A_2475 = arith.addi %iota3A, %add3A_2474 : vector<16xi32>
      %gather3A_2476 = arith.constant 0 : i32
      %gather3A_2477 = arith.constant 0 : i32
      %gather3A_2478 = arith.constant 0 : i32
      %gather3A_2479 = tpu.memref_slice %arg11[%gather3A_2476, %gather3A_2477, %gather3A_2478] : memref<4x64x128xf32, #tpu.memory_space<vmem>> -> memref<1x64x128xf32, #tpu.memory_space<vmem>>
      %gather3A_2480 = tpu.memref_squeeze %gather3A_2479 : memref<1x64x128xf32, #tpu.memory_space<vmem>> -> memref<64x128xf32, #tpu.memory_space<vmem>>
      %gather3A_2481 = tpu.vector_load_idx %gather3A_2480[%add3A_2475, %add3A_2417] : memref<64x128xf32, #tpu.memory_space<vmem>>[vector<16xi32>, vector<16xi32>], vector<16xf32>,
      %gather3A_2482 = arith.constant 0 : i32
      %gather3A_2483 = arith.constant 0 : i32
      %gather3A_2484 = arith.constant 0 : i32
      %gather3A_2485 = tpu.memref_slice %arg12[%gather3A_2482, %gather3A_2483, %gather3A_2484] : memref<4x64x128xf32, #tpu.memory_space<vmem>> -> memref<1x64x128xf32, #tpu.memory_space<vmem>>
      %gather3A_2486 = tpu.memref_squeeze %gather3A_2485 : memref<1x64x128xf32, #tpu.memory_space<vmem>> -> memref<64x128xf32, #tpu.memory_space<vmem>>
      %gather3A_2487 = tpu.vector_load_idx %gather3A_2486[%add3A_2475, %add3A_2421] : memref<64x128xf32, #tpu.memory_space<vmem>>[vector<16xi32>, vector<16xi32>], vector<16xf32>,
      %mul3A_2488 = arith.mulf %gather3A_2481, %gather3A_2487 : vector<16xf32>
      %add3A_2489 = arith.addf %add3A_2472, %mul3A_2488 : vector<16xf32>
      %reduce_sum3A_2490 = arith.constant true
      %reduce_sum3A_2491 = vector.broadcast %reduce_sum3A_2490 : i1 to vector<16xi1>
      %reduce_sum3A_2492 = tpu.scan <sum>, %add3A_2489 masked %reduce_sum3A_2491 : vector<16xf32>, vector<16xi1> -> vector<16xf32>
      %reduce_sum3A_2493 = vector.extract %reduce_sum3A_2492[15] : f32 from vector<16xf32>
      %eq3A_2494 = arith.constant 8 : i32
      %eq3A_2495 = vector.broadcast %eq3A_2494 : i32 to vector<16xi32>
      %eq3A_2496 = arith.cmpi eq, %iota3A, %eq3A_2495 : vector<16xi32>
      %jit3A_2497 = arith.constant 0.000000e+00 : f32
      %broadcast_in_dim3A_2498 = vector.broadcast %reduce_sum3A_2493 : f32 to vector<16xf32>
      %broadcast_in_dim3A_2499 = vector.broadcast %jit3A_2497 : f32 to vector<16xf32>
      %select_n3A_2500 = arith.select %eq3A_2496, %broadcast_in_dim3A_2498, %broadcast_in_dim3A_2499 : vector<16xi1>, vector<16xf32>
      %add3A_2501 = arith.addf %add3A_2283, %select_n3A_2500 : vector<16xf32>
      %iota3A_2502 = tpu.iota {dimensions = array<i32: 0>} : vector<16xi32>
      %eq3A_2503 = arith.constant 12 : i32
      %eq3A_2504 = vector.broadcast %eq3A_2503 : i32 to vector<16xi32>
      %eq3A_2505 = arith.cmpi eq, %iota3A_2502, %eq3A_2504 : vector<16xi32>
      %jit3A_2506 = arith.constant 0 : i32
      %broadcast_in_dim3A_2507 = vector.broadcast %jit3A_2506 : i32 to vector<16xi32>
      %select_n3A_2508 = arith.select %eq3A_2505, %get3A_539, %broadcast_in_dim3A_2507 : vector<16xi1>, vector<16xi32>
      %reduce_sum3A_2509 = arith.constant true
      %reduce_sum3A_2510 = vector.broadcast %reduce_sum3A_2509 : i1 to vector<16xi1>
      %reduce_sum3A_2511 = tpu.scan <sum>, %select_n3A_2508 masked %reduce_sum3A_2510 : vector<16xi32>, vector<16xi1> -> vector<16xi32>
      %reduce_sum3A_2512 = vector.extract %reduce_sum3A_2511[15] : i32 from vector<16xi32>
      %shift_right_arithmetic3A_2513 = arith.constant 7 : i32
      %shift_right_arithmetic3A_2514 = arith.shrsi %reduce_sum3A_2512, %shift_right_arithmetic3A_2513 : i32
      %mul3A_2515 = arith.constant 128 : i32
      %mul3A_2516 = arith.muli %shift_right_arithmetic3A_2514, %mul3A_2515 : i32
      %multiple_of3A_2517 = tpu.assume_multiple %mul3A_2516, 128 : i32
      %and3A_2518 = arith.constant 127 : i32
      %and3A_2519 = arith.andi %reduce_sum3A_2512, %and3A_2518 : i32
      %iota3A_2520 = tpu.iota {dimensions = array<i32: 0>} : vector<16xi32>
      %eq3A_2521 = arith.constant 12 : i32
      %eq3A_2522 = vector.broadcast %eq3A_2521 : i32 to vector<16xi32>
      %eq3A_2523 = arith.cmpi eq, %iota3A_2520, %eq3A_2522 : vector<16xi32>
      %jit3A_2524 = arith.constant 0 : i32
      %broadcast_in_dim3A_2525 = vector.broadcast %jit3A_2524 : i32 to vector<16xi32>
      %select_n3A_2526 = arith.select %eq3A_2523, %get3A_542, %broadcast_in_dim3A_2525 : vector<16xi1>, vector<16xi32>
      %reduce_sum3A_2527 = arith.constant true
      %reduce_sum3A_2528 = vector.broadcast %reduce_sum3A_2527 : i1 to vector<16xi1>
      %reduce_sum3A_2529 = tpu.scan <sum>, %select_n3A_2526 masked %reduce_sum3A_2528 : vector<16xi32>, vector<16xi1> -> vector<16xi32>
      %reduce_sum3A_2530 = vector.extract %reduce_sum3A_2529[15] : i32 from vector<16xi32>
      %shift_right_arithmetic3A_2531 = arith.constant 7 : i32
      %shift_right_arithmetic3A_2532 = arith.shrsi %reduce_sum3A_2530, %shift_right_arithmetic3A_2531 : i32
      %mul3A_2533 = arith.constant 128 : i32
      %mul3A_2534 = arith.muli %shift_right_arithmetic3A_2532, %mul3A_2533 : i32
      %multiple_of3A_2535 = tpu.assume_multiple %mul3A_2534, 128 : i32
      %and3A_2536 = arith.constant 127 : i32
      %and3A_2537 = arith.andi %reduce_sum3A_2530, %and3A_2536 : i32
      %dma_start3A_2538 = arith.constant 0 : i32
      %dma_start3A_2539 = arith.constant 0 : i32
      %dma_start3A_2540 = arith.constant 0 : i32
      %dma_start3A_2541 = tpu.memref_slice %arg11[%dma_start3A_2538, %dma_start3A_2539, %dma_start3A_2540] : memref<4x64x128xf32, #tpu.memory_space<vmem>> -> memref<1x64x128xf32, #tpu.memory_space<vmem>>
      %dma_start3A_2542 = tpu.memref_squeeze %dma_start3A_2541 : memref<1x64x128xf32, #tpu.memory_space<vmem>> -> memref<64x128xf32, #tpu.memory_space<vmem>>
      %dma_start3A_2543 = arith.constant 0 : i32
      %dma_start3A_2544 = tpu.memref_slice %arg4[%dma_start3A_2543, %multiple_of3A_2517] : memref<64x1000000xf32, #tpu.memory_space<hbm>> -> memref<64x128xf32, #tpu.memory_space<hbm>>
      %dma_start3A_2545 = arith.constant 0 : i32
      %dma_start3A_2546 = arith.constant 0 : i32
      %dma_start3A_2547 = tpu.memref_slice %arg11[%dma_start3A_2538, %dma_start3A_2545, %dma_start3A_2546] : memref<4x64x128xf32, #tpu.memory_space<vmem>> -> memref<1x64x128xf32, #tpu.memory_space<vmem>>
      %dma_start3A_2548 = tpu.memref_squeeze %dma_start3A_2547 : memref<1x64x128xf32, #tpu.memory_space<vmem>> -> memref<64x128xf32, #tpu.memory_space<vmem>>
      %dma_start3A_2549 = arith.constant 0 : i32
      %dma_start3A_2550 = tpu.memref_slice %arg4[%dma_start3A_2549, %multiple_of3A_2517] : memref<64x1000000xf32, #tpu.memory_space<hbm>> -> memref<64x128xf32, #tpu.memory_space<hbm>>
      tpu.enqueue_dma source(%dma_start3A_2550 : memref<64x128xf32, #tpu.memory_space<hbm>>) target(%dma_start3A_2548 : memref<64x128xf32, #tpu.memory_space<vmem>>) target_semaphore(%arg16 : memref<!tpu.dma_semaphore, #tpu.memory_space<semaphore_mem>>)
      %dma_start3A_2551 = arith.constant 0 : i32
      %dma_start3A_2552 = arith.constant 0 : i32
      %dma_start3A_2553 = arith.constant 0 : i32
      %dma_start3A_2554 = tpu.memref_slice %arg12[%dma_start3A_2551, %dma_start3A_2552, %dma_start3A_2553] : memref<4x64x128xf32, #tpu.memory_space<vmem>> -> memref<1x64x128xf32, #tpu.memory_space<vmem>>
      %dma_start3A_2555 = tpu.memref_squeeze %dma_start3A_2554 : memref<1x64x128xf32, #tpu.memory_space<vmem>> -> memref<64x128xf32, #tpu.memory_space<vmem>>
      %dma_start3A_2556 = arith.constant 0 : i32
      %dma_start3A_2557 = tpu.memref_slice %arg5[%dma_start3A_2556, %multiple_of3A_2535] : memref<64x1000000xf32, #tpu.memory_space<hbm>> -> memref<64x128xf32, #tpu.memory_space<hbm>>
      %dma_start3A_2558 = arith.constant 0 : i32
      %dma_start3A_2559 = arith.constant 0 : i32
      %dma_start3A_2560 = tpu.memref_slice %arg12[%dma_start3A_2551, %dma_start3A_2558, %dma_start3A_2559] : memref<4x64x128xf32, #tpu.memory_space<vmem>> -> memref<1x64x128xf32, #tpu.memory_space<vmem>>
      %dma_start3A_2561 = tpu.memref_squeeze %dma_start3A_2560 : memref<1x64x128xf32, #tpu.memory_space<vmem>> -> memref<64x128xf32, #tpu.memory_space<vmem>>
      %dma_start3A_2562 = arith.constant 0 : i32
      %dma_start3A_2563 = tpu.memref_slice %arg5[%dma_start3A_2562, %multiple_of3A_2535] : memref<64x1000000xf32, #tpu.memory_space<hbm>> -> memref<64x128xf32, #tpu.memory_space<hbm>>
      tpu.enqueue_dma source(%dma_start3A_2563 : memref<64x128xf32, #tpu.memory_space<hbm>>) target(%dma_start3A_2561 : memref<64x128xf32, #tpu.memory_space<vmem>>) target_semaphore(%arg16 : memref<!tpu.dma_semaphore, #tpu.memory_space<semaphore_mem>>)
      %iota3A_2564 = tpu.iota {dimensions = array<i32: 0>} : vector<16xi32>
      %eq3A_2565 = arith.constant 9 : i32
      %eq3A_2566 = vector.broadcast %eq3A_2565 : i32 to vector<16xi32>
      %eq3A_2567 = arith.cmpi eq, %iota3A_2564, %eq3A_2566 : vector<16xi32>
      %jit3A_2568 = arith.constant 0 : i32
      %broadcast_in_dim3A_2569 = vector.broadcast %jit3A_2568 : i32 to vector<16xi32>
      %select_n3A_2570 = arith.select %eq3A_2567, %get3A_539, %broadcast_in_dim3A_2569 : vector<16xi1>, vector<16xi32>
      %reduce_sum3A_2571 = arith.constant true
      %reduce_sum3A_2572 = vector.broadcast %reduce_sum3A_2571 : i1 to vector<16xi1>
      %reduce_sum3A_2573 = tpu.scan <sum>, %select_n3A_2570 masked %reduce_sum3A_2572 : vector<16xi32>, vector<16xi1> -> vector<16xi32>
      %reduce_sum3A_2574 = vector.extract %reduce_sum3A_2573[15] : i32 from vector<16xi32>
      %shift_right_arithmetic3A_2575 = arith.constant 7 : i32
      %shift_right_arithmetic3A_2576 = arith.shrsi %reduce_sum3A_2574, %shift_right_arithmetic3A_2575 : i32
      %mul3A_2577 = arith.constant 128 : i32
      %mul3A_2578 = arith.muli %shift_right_arithmetic3A_2576, %mul3A_2577 : i32
      %multiple_of3A_2579 = tpu.assume_multiple %mul3A_2578, 128 : i32
      %and3A_2580 = arith.constant 127 : i32
      %and3A_2581 = arith.andi %reduce_sum3A_2574, %and3A_2580 : i32
      %iota3A_2582 = tpu.iota {dimensions = array<i32: 0>} : vector<16xi32>
      %eq3A_2583 = arith.constant 9 : i32
      %eq3A_2584 = vector.broadcast %eq3A_2583 : i32 to vector<16xi32>
      %eq3A_2585 = arith.cmpi eq, %iota3A_2582, %eq3A_2584 : vector<16xi32>
      %jit3A_2586 = arith.constant 0 : i32
      %broadcast_in_dim3A_2587 = vector.broadcast %jit3A_2586 : i32 to vector<16xi32>
      %select_n3A_2588 = arith.select %eq3A_2585, %get3A_542, %broadcast_in_dim3A_2587 : vector<16xi1>, vector<16xi32>
      %reduce_sum3A_2589 = arith.constant true
      %reduce_sum3A_2590 = vector.broadcast %reduce_sum3A_2589 : i1 to vector<16xi1>
      %reduce_sum3A_2591 = tpu.scan <sum>, %select_n3A_2588 masked %reduce_sum3A_2590 : vector<16xi32>, vector<16xi1> -> vector<16xi32>
      %reduce_sum3A_2592 = vector.extract %reduce_sum3A_2591[15] : i32 from vector<16xi32>
      %shift_right_arithmetic3A_2593 = arith.constant 7 : i32
      %shift_right_arithmetic3A_2594 = arith.shrsi %reduce_sum3A_2592, %shift_right_arithmetic3A_2593 : i32
      %mul3A_2595 = arith.constant 128 : i32
      %mul3A_2596 = arith.muli %shift_right_arithmetic3A_2594, %mul3A_2595 : i32
      %multiple_of3A_2597 = tpu.assume_multiple %mul3A_2596, 128 : i32
      %and3A_2598 = arith.constant 127 : i32
      %and3A_2599 = arith.andi %reduce_sum3A_2592, %and3A_2598 : i32
      %dma_wait3A_2600 = arith.constant 1 : i32
      %dma_wait3A_2601 = arith.constant 0 : i32
      %dma_wait3A_2602 = arith.constant 0 : i32
      %dma_wait3A_2603 = tpu.memref_slice %arg11[%dma_wait3A_2600, %dma_wait3A_2601, %dma_wait3A_2602] : memref<4x64x128xf32, #tpu.memory_space<vmem>> -> memref<1x64x128xf32, #tpu.memory_space<vmem>>
      %dma_wait3A_2604 = tpu.memref_squeeze %dma_wait3A_2603 : memref<1x64x128xf32, #tpu.memory_space<vmem>> -> memref<64x128xf32, #tpu.memory_space<vmem>>
      %dma_wait3A_2605 = arith.constant 0 : i32
      %dma_wait3A_2606 = arith.constant 0 : i32
      %dma_wait3A_2607 = tpu.memref_slice %arg4[%dma_wait3A_2605, %dma_wait3A_2606] : memref<64x1000000xf32, #tpu.memory_space<hbm>> -> memref<64x128xf32, #tpu.memory_space<hbm>>
      %dma_wait3A_2608 = arith.constant 0 : i32
      %dma_wait3A_2609 = arith.constant 0 : i32
      %dma_wait3A_2610 = tpu.memref_slice %arg11[%dma_wait3A_2600, %dma_wait3A_2608, %dma_wait3A_2609] : memref<4x64x128xf32, #tpu.memory_space<vmem>> -> memref<1x64x128xf32, #tpu.memory_space<vmem>>
      %dma_wait3A_2611 = tpu.memref_squeeze %dma_wait3A_2610 : memref<1x64x128xf32, #tpu.memory_space<vmem>> -> memref<64x128xf32, #tpu.memory_space<vmem>>
      %dma_wait3A_2612 = arith.constant 0 : i32
      %dma_wait3A_2613 = arith.constant 0 : i32
      %dma_wait3A_2614 = tpu.memref_slice %arg4[%dma_wait3A_2612, %dma_wait3A_2613] : memref<64x1000000xf32, #tpu.memory_space<hbm>> -> memref<64x128xf32, #tpu.memory_space<hbm>>
      tpu.wait_dma2 semaphore(%arg16 : memref<!tpu.dma_semaphore, #tpu.memory_space<semaphore_mem>>) src(%dma_wait3A_2614 : memref<64x128xf32, #tpu.memory_space<hbm>>) dst(%dma_wait3A_2611 : memref<64x128xf32, #tpu.memory_space<vmem>>)
      %dma_wait3A_2615 = arith.constant 1 : i32
      %dma_wait3A_2616 = arith.constant 0 : i32
      %dma_wait3A_2617 = arith.constant 0 : i32
      %dma_wait3A_2618 = tpu.memref_slice %arg12[%dma_wait3A_2615, %dma_wait3A_2616, %dma_wait3A_2617] : memref<4x64x128xf32, #tpu.memory_space<vmem>> -> memref<1x64x128xf32, #tpu.memory_space<vmem>>
      %dma_wait3A_2619 = tpu.memref_squeeze %dma_wait3A_2618 : memref<1x64x128xf32, #tpu.memory_space<vmem>> -> memref<64x128xf32, #tpu.memory_space<vmem>>
      %dma_wait3A_2620 = arith.constant 0 : i32
      %dma_wait3A_2621 = arith.constant 0 : i32
      %dma_wait3A_2622 = tpu.memref_slice %arg5[%dma_wait3A_2620, %dma_wait3A_2621] : memref<64x1000000xf32, #tpu.memory_space<hbm>> -> memref<64x128xf32, #tpu.memory_space<hbm>>
      %dma_wait3A_2623 = arith.constant 0 : i32
      %dma_wait3A_2624 = arith.constant 0 : i32
      %dma_wait3A_2625 = tpu.memref_slice %arg12[%dma_wait3A_2615, %dma_wait3A_2623, %dma_wait3A_2624] : memref<4x64x128xf32, #tpu.memory_space<vmem>> -> memref<1x64x128xf32, #tpu.memory_space<vmem>>
      %dma_wait3A_2626 = tpu.memref_squeeze %dma_wait3A_2625 : memref<1x64x128xf32, #tpu.memory_space<vmem>> -> memref<64x128xf32, #tpu.memory_space<vmem>>
      %dma_wait3A_2627 = arith.constant 0 : i32
      %dma_wait3A_2628 = arith.constant 0 : i32
      %dma_wait3A_2629 = tpu.memref_slice %arg5[%dma_wait3A_2627, %dma_wait3A_2628] : memref<64x1000000xf32, #tpu.memory_space<hbm>> -> memref<64x128xf32, #tpu.memory_space<hbm>>
      tpu.wait_dma2 semaphore(%arg16 : memref<!tpu.dma_semaphore, #tpu.memory_space<semaphore_mem>>) src(%dma_wait3A_2629 : memref<64x128xf32, #tpu.memory_space<hbm>>) dst(%dma_wait3A_2626 : memref<64x128xf32, #tpu.memory_space<vmem>>)
      %broadcast_in_dim3A_2630 = arith.constant 0.000000e+00 : f32
      %broadcast_in_dim3A_2631 = vector.broadcast %broadcast_in_dim3A_2630 : f32 to vector<16xf32>
      %broadcast_in_dim3A_2632 = arith.constant 0 : i32
      %broadcast_in_dim3A_2633 = vector.broadcast %broadcast_in_dim3A_2632 : i32 to vector<16xi32>
      %add3A_2634 = vector.broadcast %and3A_2581 : i32 to vector<16xi32>
      %add3A_2635 = arith.addi %broadcast_in_dim3A_2633, %add3A_2634 : vector<16xi32>
      %broadcast_in_dim3A_2636 = arith.constant 0 : i32
      %broadcast_in_dim3A_2637 = vector.broadcast %broadcast_in_dim3A_2636 : i32 to vector<16xi32>
      %add3A_2638 = vector.broadcast %and3A_2599 : i32 to vector<16xi32>
      %add3A_2639 = arith.addi %broadcast_in_dim3A_2637, %add3A_2638 : vector<16xi32>
      %add3A_2640 = arith.constant 0 : i32
      %add3A_2641 = vector.broadcast %add3A_2640 : i32 to vector<16xi32>
      %add3A_2642 = arith.addi %iota3A, %add3A_2641 : vector<16xi32>
      %gather3A_2643 = arith.constant 1 : i32
      %gather3A_2644 = arith.constant 0 : i32
      %gather3A_2645 = arith.constant 0 : i32
      %gather3A_2646 = tpu.memref_slice %arg11[%gather3A_2643, %gather3A_2644, %gather3A_2645] : memref<4x64x128xf32, #tpu.memory_space<vmem>> -> memref<1x64x128xf32, #tpu.memory_space<vmem>>
      %gather3A_2647 = tpu.memref_squeeze %gather3A_2646 : memref<1x64x128xf32, #tpu.memory_space<vmem>> -> memref<64x128xf32, #tpu.memory_space<vmem>>
      %gather3A_2648 = tpu.vector_load_idx %gather3A_2647[%add3A_2642, %add3A_2635] : memref<64x128xf32, #tpu.memory_space<vmem>>[vector<16xi32>, vector<16xi32>], vector<16xf32>,
      %gather3A_2649 = arith.constant 1 : i32
      %gather3A_2650 = arith.constant 0 : i32
      %gather3A_2651 = arith.constant 0 : i32
      %gather3A_2652 = tpu.memref_slice %arg12[%gather3A_2649, %gather3A_2650, %gather3A_2651] : memref<4x64x128xf32, #tpu.memory_space<vmem>> -> memref<1x64x128xf32, #tpu.memory_space<vmem>>
      %gather3A_2653 = tpu.memref_squeeze %gather3A_2652 : memref<1x64x128xf32, #tpu.memory_space<vmem>> -> memref<64x128xf32, #tpu.memory_space<vmem>>
      %gather3A_2654 = tpu.vector_load_idx %gather3A_2653[%add3A_2642, %add3A_2639] : memref<64x128xf32, #tpu.memory_space<vmem>>[vector<16xi32>, vector<16xi32>], vector<16xf32>,
      %mul3A_2655 = arith.mulf %gather3A_2648, %gather3A_2654 : vector<16xf32>
      %add3A_2656 = arith.addf %broadcast_in_dim3A_2631, %mul3A_2655 : vector<16xf32>
      %add3A_2657 = arith.constant 16 : i32
      %add3A_2658 = vector.broadcast %add3A_2657 : i32 to vector<16xi32>
      %add3A_2659 = arith.addi %iota3A, %add3A_2658 : vector<16xi32>
      %gather3A_2660 = arith.constant 1 : i32
      %gather3A_2661 = arith.constant 0 : i32
      %gather3A_2662 = arith.constant 0 : i32
      %gather3A_2663 = tpu.memref_slice %arg11[%gather3A_2660, %gather3A_2661, %gather3A_2662] : memref<4x64x128xf32, #tpu.memory_space<vmem>> -> memref<1x64x128xf32, #tpu.memory_space<vmem>>
      %gather3A_2664 = tpu.memref_squeeze %gather3A_2663 : memref<1x64x128xf32, #tpu.memory_space<vmem>> -> memref<64x128xf32, #tpu.memory_space<vmem>>
      %gather3A_2665 = tpu.vector_load_idx %gather3A_2664[%add3A_2659, %add3A_2635] : memref<64x128xf32, #tpu.memory_space<vmem>>[vector<16xi32>, vector<16xi32>], vector<16xf32>,
      %gather3A_2666 = arith.constant 1 : i32
      %gather3A_2667 = arith.constant 0 : i32
      %gather3A_2668 = arith.constant 0 : i32
      %gather3A_2669 = tpu.memref_slice %arg12[%gather3A_2666, %gather3A_2667, %gather3A_2668] : memref<4x64x128xf32, #tpu.memory_space<vmem>> -> memref<1x64x128xf32, #tpu.memory_space<vmem>>
      %gather3A_2670 = tpu.memref_squeeze %gather3A_2669 : memref<1x64x128xf32, #tpu.memory_space<vmem>> -> memref<64x128xf32, #tpu.memory_space<vmem>>
      %gather3A_2671 = tpu.vector_load_idx %gather3A_2670[%add3A_2659, %add3A_2639] : memref<64x128xf32, #tpu.memory_space<vmem>>[vector<16xi32>, vector<16xi32>], vector<16xf32>,
      %mul3A_2672 = arith.mulf %gather3A_2665, %gather3A_2671 : vector<16xf32>
      %add3A_2673 = arith.addf %add3A_2656, %mul3A_2672 : vector<16xf32>
      %add3A_2674 = arith.constant 32 : i32
      %add3A_2675 = vector.broadcast %add3A_2674 : i32 to vector<16xi32>
      %add3A_2676 = arith.addi %iota3A, %add3A_2675 : vector<16xi32>
      %gather3A_2677 = arith.constant 1 : i32
      %gather3A_2678 = arith.constant 0 : i32
      %gather3A_2679 = arith.constant 0 : i32
      %gather3A_2680 = tpu.memref_slice %arg11[%gather3A_2677, %gather3A_2678, %gather3A_2679] : memref<4x64x128xf32, #tpu.memory_space<vmem>> -> memref<1x64x128xf32, #tpu.memory_space<vmem>>
      %gather3A_2681 = tpu.memref_squeeze %gather3A_2680 : memref<1x64x128xf32, #tpu.memory_space<vmem>> -> memref<64x128xf32, #tpu.memory_space<vmem>>
      %gather3A_2682 = tpu.vector_load_idx %gather3A_2681[%add3A_2676, %add3A_2635] : memref<64x128xf32, #tpu.memory_space<vmem>>[vector<16xi32>, vector<16xi32>], vector<16xf32>,
      %gather3A_2683 = arith.constant 1 : i32
      %gather3A_2684 = arith.constant 0 : i32
      %gather3A_2685 = arith.constant 0 : i32
      %gather3A_2686 = tpu.memref_slice %arg12[%gather3A_2683, %gather3A_2684, %gather3A_2685] : memref<4x64x128xf32, #tpu.memory_space<vmem>> -> memref<1x64x128xf32, #tpu.memory_space<vmem>>
      %gather3A_2687 = tpu.memref_squeeze %gather3A_2686 : memref<1x64x128xf32, #tpu.memory_space<vmem>> -> memref<64x128xf32, #tpu.memory_space<vmem>>
      %gather3A_2688 = tpu.vector_load_idx %gather3A_2687[%add3A_2676, %add3A_2639] : memref<64x128xf32, #tpu.memory_space<vmem>>[vector<16xi32>, vector<16xi32>], vector<16xf32>,
      %mul3A_2689 = arith.mulf %gather3A_2682, %gather3A_2688 : vector<16xf32>
      %add3A_2690 = arith.addf %add3A_2673, %mul3A_2689 : vector<16xf32>
      %add3A_2691 = arith.constant 48 : i32
      %add3A_2692 = vector.broadcast %add3A_2691 : i32 to vector<16xi32>
      %add3A_2693 = arith.addi %iota3A, %add3A_2692 : vector<16xi32>
      %gather3A_2694 = arith.constant 1 : i32
      %gather3A_2695 = arith.constant 0 : i32
      %gather3A_2696 = arith.constant 0 : i32
      %gather3A_2697 = tpu.memref_slice %arg11[%gather3A_2694, %gather3A_2695, %gather3A_2696] : memref<4x64x128xf32, #tpu.memory_space<vmem>> -> memref<1x64x128xf32, #tpu.memory_space<vmem>>
      %gather3A_2698 = tpu.memref_squeeze %gather3A_2697 : memref<1x64x128xf32, #tpu.memory_space<vmem>> -> memref<64x128xf32, #tpu.memory_space<vmem>>
      %gather3A_2699 = tpu.vector_load_idx %gather3A_2698[%add3A_2693, %add3A_2635] : memref<64x128xf32, #tpu.memory_space<vmem>>[vector<16xi32>, vector<16xi32>], vector<16xf32>,
      %gather3A_2700 = arith.constant 1 : i32
      %gather3A_2701 = arith.constant 0 : i32
      %gather3A_2702 = arith.constant 0 : i32
      %gather3A_2703 = tpu.memref_slice %arg12[%gather3A_2700, %gather3A_2701, %gather3A_2702] : memref<4x64x128xf32, #tpu.memory_space<vmem>> -> memref<1x64x128xf32, #tpu.memory_space<vmem>>
      %gather3A_2704 = tpu.memref_squeeze %gather3A_2703 : memref<1x64x128xf32, #tpu.memory_space<vmem>> -> memref<64x128xf32, #tpu.memory_space<vmem>>
      %gather3A_2705 = tpu.vector_load_idx %gather3A_2704[%add3A_2693, %add3A_2639] : memref<64x128xf32, #tpu.memory_space<vmem>>[vector<16xi32>, vector<16xi32>], vector<16xf32>,
      %mul3A_2706 = arith.mulf %gather3A_2699, %gather3A_2705 : vector<16xf32>
      %add3A_2707 = arith.addf %add3A_2690, %mul3A_2706 : vector<16xf32>
      %reduce_sum3A_2708 = arith.constant true
      %reduce_sum3A_2709 = vector.broadcast %reduce_sum3A_2708 : i1 to vector<16xi1>
      %reduce_sum3A_2710 = tpu.scan <sum>, %add3A_2707 masked %reduce_sum3A_2709 : vector<16xf32>, vector<16xi1> -> vector<16xf32>
      %reduce_sum3A_2711 = vector.extract %reduce_sum3A_2710[15] : f32 from vector<16xf32>
      %eq3A_2712 = arith.constant 9 : i32
      %eq3A_2713 = vector.broadcast %eq3A_2712 : i32 to vector<16xi32>
      %eq3A_2714 = arith.cmpi eq, %iota3A, %eq3A_2713 : vector<16xi32>
      %jit3A_2715 = arith.constant 0.000000e+00 : f32
      %broadcast_in_dim3A_2716 = vector.broadcast %reduce_sum3A_2711 : f32 to vector<16xf32>
      %broadcast_in_dim3A_2717 = vector.broadcast %jit3A_2715 : f32 to vector<16xf32>
      %select_n3A_2718 = arith.select %eq3A_2714, %broadcast_in_dim3A_2716, %broadcast_in_dim3A_2717 : vector<16xi1>, vector<16xf32>
      %add3A_2719 = arith.addf %add3A_2501, %select_n3A_2718 : vector<16xf32>
      %iota3A_2720 = tpu.iota {dimensions = array<i32: 0>} : vector<16xi32>
      %eq3A_2721 = arith.constant 13 : i32
      %eq3A_2722 = vector.broadcast %eq3A_2721 : i32 to vector<16xi32>
      %eq3A_2723 = arith.cmpi eq, %iota3A_2720, %eq3A_2722 : vector<16xi32>
      %jit3A_2724 = arith.constant 0 : i32
      %broadcast_in_dim3A_2725 = vector.broadcast %jit3A_2724 : i32 to vector<16xi32>
      %select_n3A_2726 = arith.select %eq3A_2723, %get3A_539, %broadcast_in_dim3A_2725 : vector<16xi1>, vector<16xi32>
      %reduce_sum3A_2727 = arith.constant true
      %reduce_sum3A_2728 = vector.broadcast %reduce_sum3A_2727 : i1 to vector<16xi1>
      %reduce_sum3A_2729 = tpu.scan <sum>, %select_n3A_2726 masked %reduce_sum3A_2728 : vector<16xi32>, vector<16xi1> -> vector<16xi32>
      %reduce_sum3A_2730 = vector.extract %reduce_sum3A_2729[15] : i32 from vector<16xi32>
      %shift_right_arithmetic3A_2731 = arith.constant 7 : i32
      %shift_right_arithmetic3A_2732 = arith.shrsi %reduce_sum3A_2730, %shift_right_arithmetic3A_2731 : i32
      %mul3A_2733 = arith.constant 128 : i32
      %mul3A_2734 = arith.muli %shift_right_arithmetic3A_2732, %mul3A_2733 : i32
      %multiple_of3A_2735 = tpu.assume_multiple %mul3A_2734, 128 : i32
      %and3A_2736 = arith.constant 127 : i32
      %and3A_2737 = arith.andi %reduce_sum3A_2730, %and3A_2736 : i32
      %iota3A_2738 = tpu.iota {dimensions = array<i32: 0>} : vector<16xi32>
      %eq3A_2739 = arith.constant 13 : i32
      %eq3A_2740 = vector.broadcast %eq3A_2739 : i32 to vector<16xi32>
      %eq3A_2741 = arith.cmpi eq, %iota3A_2738, %eq3A_2740 : vector<16xi32>
      %jit3A_2742 = arith.constant 0 : i32
      %broadcast_in_dim3A_2743 = vector.broadcast %jit3A_2742 : i32 to vector<16xi32>
      %select_n3A_2744 = arith.select %eq3A_2741, %get3A_542, %broadcast_in_dim3A_2743 : vector<16xi1>, vector<16xi32>
      %reduce_sum3A_2745 = arith.constant true
      %reduce_sum3A_2746 = vector.broadcast %reduce_sum3A_2745 : i1 to vector<16xi1>
      %reduce_sum3A_2747 = tpu.scan <sum>, %select_n3A_2744 masked %reduce_sum3A_2746 : vector<16xi32>, vector<16xi1> -> vector<16xi32>
      %reduce_sum3A_2748 = vector.extract %reduce_sum3A_2747[15] : i32 from vector<16xi32>
      %shift_right_arithmetic3A_2749 = arith.constant 7 : i32
      %shift_right_arithmetic3A_2750 = arith.shrsi %reduce_sum3A_2748, %shift_right_arithmetic3A_2749 : i32
      %mul3A_2751 = arith.constant 128 : i32
      %mul3A_2752 = arith.muli %shift_right_arithmetic3A_2750, %mul3A_2751 : i32
      %multiple_of3A_2753 = tpu.assume_multiple %mul3A_2752, 128 : i32
      %and3A_2754 = arith.constant 127 : i32
      %and3A_2755 = arith.andi %reduce_sum3A_2748, %and3A_2754 : i32
      %dma_start3A_2756 = arith.constant 1 : i32
      %dma_start3A_2757 = arith.constant 0 : i32
      %dma_start3A_2758 = arith.constant 0 : i32
      %dma_start3A_2759 = tpu.memref_slice %arg11[%dma_start3A_2756, %dma_start3A_2757, %dma_start3A_2758] : memref<4x64x128xf32, #tpu.memory_space<vmem>> -> memref<1x64x128xf32, #tpu.memory_space<vmem>>
      %dma_start3A_2760 = tpu.memref_squeeze %dma_start3A_2759 : memref<1x64x128xf32, #tpu.memory_space<vmem>> -> memref<64x128xf32, #tpu.memory_space<vmem>>
      %dma_start3A_2761 = arith.constant 0 : i32
      %dma_start3A_2762 = tpu.memref_slice %arg4[%dma_start3A_2761, %multiple_of3A_2735] : memref<64x1000000xf32, #tpu.memory_space<hbm>> -> memref<64x128xf32, #tpu.memory_space<hbm>>
      %dma_start3A_2763 = arith.constant 0 : i32
      %dma_start3A_2764 = arith.constant 0 : i32
      %dma_start3A_2765 = tpu.memref_slice %arg11[%dma_start3A_2756, %dma_start3A_2763, %dma_start3A_2764] : memref<4x64x128xf32, #tpu.memory_space<vmem>> -> memref<1x64x128xf32, #tpu.memory_space<vmem>>
      %dma_start3A_2766 = tpu.memref_squeeze %dma_start3A_2765 : memref<1x64x128xf32, #tpu.memory_space<vmem>> -> memref<64x128xf32, #tpu.memory_space<vmem>>
      %dma_start3A_2767 = arith.constant 0 : i32
      %dma_start3A_2768 = tpu.memref_slice %arg4[%dma_start3A_2767, %multiple_of3A_2735] : memref<64x1000000xf32, #tpu.memory_space<hbm>> -> memref<64x128xf32, #tpu.memory_space<hbm>>
      tpu.enqueue_dma source(%dma_start3A_2768 : memref<64x128xf32, #tpu.memory_space<hbm>>) target(%dma_start3A_2766 : memref<64x128xf32, #tpu.memory_space<vmem>>) target_semaphore(%arg16 : memref<!tpu.dma_semaphore, #tpu.memory_space<semaphore_mem>>)
      %dma_start3A_2769 = arith.constant 1 : i32
      %dma_start3A_2770 = arith.constant 0 : i32
      %dma_start3A_2771 = arith.constant 0 : i32
      %dma_start3A_2772 = tpu.memref_slice %arg12[%dma_start3A_2769, %dma_start3A_2770, %dma_start3A_2771] : memref<4x64x128xf32, #tpu.memory_space<vmem>> -> memref<1x64x128xf32, #tpu.memory_space<vmem>>
      %dma_start3A_2773 = tpu.memref_squeeze %dma_start3A_2772 : memref<1x64x128xf32, #tpu.memory_space<vmem>> -> memref<64x128xf32, #tpu.memory_space<vmem>>
      %dma_start3A_2774 = arith.constant 0 : i32
      %dma_start3A_2775 = tpu.memref_slice %arg5[%dma_start3A_2774, %multiple_of3A_2753] : memref<64x1000000xf32, #tpu.memory_space<hbm>> -> memref<64x128xf32, #tpu.memory_space<hbm>>
      %dma_start3A_2776 = arith.constant 0 : i32
      %dma_start3A_2777 = arith.constant 0 : i32
      %dma_start3A_2778 = tpu.memref_slice %arg12[%dma_start3A_2769, %dma_start3A_2776, %dma_start3A_2777] : memref<4x64x128xf32, #tpu.memory_space<vmem>> -> memref<1x64x128xf32, #tpu.memory_space<vmem>>
      %dma_start3A_2779 = tpu.memref_squeeze %dma_start3A_2778 : memref<1x64x128xf32, #tpu.memory_space<vmem>> -> memref<64x128xf32, #tpu.memory_space<vmem>>
      %dma_start3A_2780 = arith.constant 0 : i32
      %dma_start3A_2781 = tpu.memref_slice %arg5[%dma_start3A_2780, %multiple_of3A_2753] : memref<64x1000000xf32, #tpu.memory_space<hbm>> -> memref<64x128xf32, #tpu.memory_space<hbm>>
      tpu.enqueue_dma source(%dma_start3A_2781 : memref<64x128xf32, #tpu.memory_space<hbm>>) target(%dma_start3A_2779 : memref<64x128xf32, #tpu.memory_space<vmem>>) target_semaphore(%arg16 : memref<!tpu.dma_semaphore, #tpu.memory_space<semaphore_mem>>)
      %iota3A_2782 = tpu.iota {dimensions = array<i32: 0>} : vector<16xi32>
      %eq3A_2783 = arith.constant 10 : i32
      %eq3A_2784 = vector.broadcast %eq3A_2783 : i32 to vector<16xi32>
      %eq3A_2785 = arith.cmpi eq, %iota3A_2782, %eq3A_2784 : vector<16xi32>
      %jit3A_2786 = arith.constant 0 : i32
      %broadcast_in_dim3A_2787 = vector.broadcast %jit3A_2786 : i32 to vector<16xi32>
      %select_n3A_2788 = arith.select %eq3A_2785, %get3A_539, %broadcast_in_dim3A_2787 : vector<16xi1>, vector<16xi32>
      %reduce_sum3A_2789 = arith.constant true
      %reduce_sum3A_2790 = vector.broadcast %reduce_sum3A_2789 : i1 to vector<16xi1>
      %reduce_sum3A_2791 = tpu.scan <sum>, %select_n3A_2788 masked %reduce_sum3A_2790 : vector<16xi32>, vector<16xi1> -> vector<16xi32>
      %reduce_sum3A_2792 = vector.extract %reduce_sum3A_2791[15] : i32 from vector<16xi32>
      %shift_right_arithmetic3A_2793 = arith.constant 7 : i32
      %shift_right_arithmetic3A_2794 = arith.shrsi %reduce_sum3A_2792, %shift_right_arithmetic3A_2793 : i32
      %mul3A_2795 = arith.constant 128 : i32
      %mul3A_2796 = arith.muli %shift_right_arithmetic3A_2794, %mul3A_2795 : i32
      %multiple_of3A_2797 = tpu.assume_multiple %mul3A_2796, 128 : i32
      %and3A_2798 = arith.constant 127 : i32
      %and3A_2799 = arith.andi %reduce_sum3A_2792, %and3A_2798 : i32
      %iota3A_2800 = tpu.iota {dimensions = array<i32: 0>} : vector<16xi32>
      %eq3A_2801 = arith.constant 10 : i32
      %eq3A_2802 = vector.broadcast %eq3A_2801 : i32 to vector<16xi32>
      %eq3A_2803 = arith.cmpi eq, %iota3A_2800, %eq3A_2802 : vector<16xi32>
      %jit3A_2804 = arith.constant 0 : i32
      %broadcast_in_dim3A_2805 = vector.broadcast %jit3A_2804 : i32 to vector<16xi32>
      %select_n3A_2806 = arith.select %eq3A_2803, %get3A_542, %broadcast_in_dim3A_2805 : vector<16xi1>, vector<16xi32>
      %reduce_sum3A_2807 = arith.constant true
      %reduce_sum3A_2808 = vector.broadcast %reduce_sum3A_2807 : i1 to vector<16xi1>
      %reduce_sum3A_2809 = tpu.scan <sum>, %select_n3A_2806 masked %reduce_sum3A_2808 : vector<16xi32>, vector<16xi1> -> vector<16xi32>
      %reduce_sum3A_2810 = vector.extract %reduce_sum3A_2809[15] : i32 from vector<16xi32>
      %shift_right_arithmetic3A_2811 = arith.constant 7 : i32
      %shift_right_arithmetic3A_2812 = arith.shrsi %reduce_sum3A_2810, %shift_right_arithmetic3A_2811 : i32
      %mul3A_2813 = arith.constant 128 : i32
      %mul3A_2814 = arith.muli %shift_right_arithmetic3A_2812, %mul3A_2813 : i32
      %multiple_of3A_2815 = tpu.assume_multiple %mul3A_2814, 128 : i32
      %and3A_2816 = arith.constant 127 : i32
      %and3A_2817 = arith.andi %reduce_sum3A_2810, %and3A_2816 : i32
      %dma_wait3A_2818 = arith.constant 2 : i32
      %dma_wait3A_2819 = arith.constant 0 : i32
      %dma_wait3A_2820 = arith.constant 0 : i32
      %dma_wait3A_2821 = tpu.memref_slice %arg11[%dma_wait3A_2818, %dma_wait3A_2819, %dma_wait3A_2820] : memref<4x64x128xf32, #tpu.memory_space<vmem>> -> memref<1x64x128xf32, #tpu.memory_space<vmem>>
      %dma_wait3A_2822 = tpu.memref_squeeze %dma_wait3A_2821 : memref<1x64x128xf32, #tpu.memory_space<vmem>> -> memref<64x128xf32, #tpu.memory_space<vmem>>
      %dma_wait3A_2823 = arith.constant 0 : i32
      %dma_wait3A_2824 = arith.constant 0 : i32
      %dma_wait3A_2825 = tpu.memref_slice %arg4[%dma_wait3A_2823, %dma_wait3A_2824] : memref<64x1000000xf32, #tpu.memory_space<hbm>> -> memref<64x128xf32, #tpu.memory_space<hbm>>
      %dma_wait3A_2826 = arith.constant 0 : i32
      %dma_wait3A_2827 = arith.constant 0 : i32
      %dma_wait3A_2828 = tpu.memref_slice %arg11[%dma_wait3A_2818, %dma_wait3A_2826, %dma_wait3A_2827] : memref<4x64x128xf32, #tpu.memory_space<vmem>> -> memref<1x64x128xf32, #tpu.memory_space<vmem>>
      %dma_wait3A_2829 = tpu.memref_squeeze %dma_wait3A_2828 : memref<1x64x128xf32, #tpu.memory_space<vmem>> -> memref<64x128xf32, #tpu.memory_space<vmem>>
      %dma_wait3A_2830 = arith.constant 0 : i32
      %dma_wait3A_2831 = arith.constant 0 : i32
      %dma_wait3A_2832 = tpu.memref_slice %arg4[%dma_wait3A_2830, %dma_wait3A_2831] : memref<64x1000000xf32, #tpu.memory_space<hbm>> -> memref<64x128xf32, #tpu.memory_space<hbm>>
      tpu.wait_dma2 semaphore(%arg16 : memref<!tpu.dma_semaphore, #tpu.memory_space<semaphore_mem>>) src(%dma_wait3A_2832 : memref<64x128xf32, #tpu.memory_space<hbm>>) dst(%dma_wait3A_2829 : memref<64x128xf32, #tpu.memory_space<vmem>>)
      %dma_wait3A_2833 = arith.constant 2 : i32
      %dma_wait3A_2834 = arith.constant 0 : i32
      %dma_wait3A_2835 = arith.constant 0 : i32
      %dma_wait3A_2836 = tpu.memref_slice %arg12[%dma_wait3A_2833, %dma_wait3A_2834, %dma_wait3A_2835] : memref<4x64x128xf32, #tpu.memory_space<vmem>> -> memref<1x64x128xf32, #tpu.memory_space<vmem>>
      %dma_wait3A_2837 = tpu.memref_squeeze %dma_wait3A_2836 : memref<1x64x128xf32, #tpu.memory_space<vmem>> -> memref<64x128xf32, #tpu.memory_space<vmem>>
      %dma_wait3A_2838 = arith.constant 0 : i32
      %dma_wait3A_2839 = arith.constant 0 : i32
      %dma_wait3A_2840 = tpu.memref_slice %arg5[%dma_wait3A_2838, %dma_wait3A_2839] : memref<64x1000000xf32, #tpu.memory_space<hbm>> -> memref<64x128xf32, #tpu.memory_space<hbm>>
      %dma_wait3A_2841 = arith.constant 0 : i32
      %dma_wait3A_2842 = arith.constant 0 : i32
      %dma_wait3A_2843 = tpu.memref_slice %arg12[%dma_wait3A_2833, %dma_wait3A_2841, %dma_wait3A_2842] : memref<4x64x128xf32, #tpu.memory_space<vmem>> -> memref<1x64x128xf32, #tpu.memory_space<vmem>>
      %dma_wait3A_2844 = tpu.memref_squeeze %dma_wait3A_2843 : memref<1x64x128xf32, #tpu.memory_space<vmem>> -> memref<64x128xf32, #tpu.memory_space<vmem>>
      %dma_wait3A_2845 = arith.constant 0 : i32
      %dma_wait3A_2846 = arith.constant 0 : i32
      %dma_wait3A_2847 = tpu.memref_slice %arg5[%dma_wait3A_2845, %dma_wait3A_2846] : memref<64x1000000xf32, #tpu.memory_space<hbm>> -> memref<64x128xf32, #tpu.memory_space<hbm>>
      tpu.wait_dma2 semaphore(%arg16 : memref<!tpu.dma_semaphore, #tpu.memory_space<semaphore_mem>>) src(%dma_wait3A_2847 : memref<64x128xf32, #tpu.memory_space<hbm>>) dst(%dma_wait3A_2844 : memref<64x128xf32, #tpu.memory_space<vmem>>)
      %broadcast_in_dim3A_2848 = arith.constant 0.000000e+00 : f32
      %broadcast_in_dim3A_2849 = vector.broadcast %broadcast_in_dim3A_2848 : f32 to vector<16xf32>
      %broadcast_in_dim3A_2850 = arith.constant 0 : i32
      %broadcast_in_dim3A_2851 = vector.broadcast %broadcast_in_dim3A_2850 : i32 to vector<16xi32>
      %add3A_2852 = vector.broadcast %and3A_2799 : i32 to vector<16xi32>
      %add3A_2853 = arith.addi %broadcast_in_dim3A_2851, %add3A_2852 : vector<16xi32>
      %broadcast_in_dim3A_2854 = arith.constant 0 : i32
      %broadcast_in_dim3A_2855 = vector.broadcast %broadcast_in_dim3A_2854 : i32 to vector<16xi32>
      %add3A_2856 = vector.broadcast %and3A_2817 : i32 to vector<16xi32>
      %add3A_2857 = arith.addi %broadcast_in_dim3A_2855, %add3A_2856 : vector<16xi32>
      %add3A_2858 = arith.constant 0 : i32
      %add3A_2859 = vector.broadcast %add3A_2858 : i32 to vector<16xi32>
      %add3A_2860 = arith.addi %iota3A, %add3A_2859 : vector<16xi32>
      %gather3A_2861 = arith.constant 2 : i32
      %gather3A_2862 = arith.constant 0 : i32
      %gather3A_2863 = arith.constant 0 : i32
      %gather3A_2864 = tpu.memref_slice %arg11[%gather3A_2861, %gather3A_2862, %gather3A_2863] : memref<4x64x128xf32, #tpu.memory_space<vmem>> -> memref<1x64x128xf32, #tpu.memory_space<vmem>>
      %gather3A_2865 = tpu.memref_squeeze %gather3A_2864 : memref<1x64x128xf32, #tpu.memory_space<vmem>> -> memref<64x128xf32, #tpu.memory_space<vmem>>
      %gather3A_2866 = tpu.vector_load_idx %gather3A_2865[%add3A_2860, %add3A_2853] : memref<64x128xf32, #tpu.memory_space<vmem>>[vector<16xi32>, vector<16xi32>], vector<16xf32>,
      %gather3A_2867 = arith.constant 2 : i32
      %gather3A_2868 = arith.constant 0 : i32
      %gather3A_2869 = arith.constant 0 : i32
      %gather3A_2870 = tpu.memref_slice %arg12[%gather3A_2867, %gather3A_2868, %gather3A_2869] : memref<4x64x128xf32, #tpu.memory_space<vmem>> -> memref<1x64x128xf32, #tpu.memory_space<vmem>>
      %gather3A_2871 = tpu.memref_squeeze %gather3A_2870 : memref<1x64x128xf32, #tpu.memory_space<vmem>> -> memref<64x128xf32, #tpu.memory_space<vmem>>
      %gather3A_2872 = tpu.vector_load_idx %gather3A_2871[%add3A_2860, %add3A_2857] : memref<64x128xf32, #tpu.memory_space<vmem>>[vector<16xi32>, vector<16xi32>], vector<16xf32>,
      %mul3A_2873 = arith.mulf %gather3A_2866, %gather3A_2872 : vector<16xf32>
      %add3A_2874 = arith.addf %broadcast_in_dim3A_2849, %mul3A_2873 : vector<16xf32>
      %add3A_2875 = arith.constant 16 : i32
      %add3A_2876 = vector.broadcast %add3A_2875 : i32 to vector<16xi32>
      %add3A_2877 = arith.addi %iota3A, %add3A_2876 : vector<16xi32>
      %gather3A_2878 = arith.constant 2 : i32
      %gather3A_2879 = arith.constant 0 : i32
      %gather3A_2880 = arith.constant 0 : i32
      %gather3A_2881 = tpu.memref_slice %arg11[%gather3A_2878, %gather3A_2879, %gather3A_2880] : memref<4x64x128xf32, #tpu.memory_space<vmem>> -> memref<1x64x128xf32, #tpu.memory_space<vmem>>
      %gather3A_2882 = tpu.memref_squeeze %gather3A_2881 : memref<1x64x128xf32, #tpu.memory_space<vmem>> -> memref<64x128xf32, #tpu.memory_space<vmem>>
      %gather3A_2883 = tpu.vector_load_idx %gather3A_2882[%add3A_2877, %add3A_2853] : memref<64x128xf32, #tpu.memory_space<vmem>>[vector<16xi32>, vector<16xi32>], vector<16xf32>,
      %gather3A_2884 = arith.constant 2 : i32
      %gather3A_2885 = arith.constant 0 : i32
      %gather3A_2886 = arith.constant 0 : i32
      %gather3A_2887 = tpu.memref_slice %arg12[%gather3A_2884, %gather3A_2885, %gather3A_2886] : memref<4x64x128xf32, #tpu.memory_space<vmem>> -> memref<1x64x128xf32, #tpu.memory_space<vmem>>
      %gather3A_2888 = tpu.memref_squeeze %gather3A_2887 : memref<1x64x128xf32, #tpu.memory_space<vmem>> -> memref<64x128xf32, #tpu.memory_space<vmem>>
      %gather3A_2889 = tpu.vector_load_idx %gather3A_2888[%add3A_2877, %add3A_2857] : memref<64x128xf32, #tpu.memory_space<vmem>>[vector<16xi32>, vector<16xi32>], vector<16xf32>,
      %mul3A_2890 = arith.mulf %gather3A_2883, %gather3A_2889 : vector<16xf32>
      %add3A_2891 = arith.addf %add3A_2874, %mul3A_2890 : vector<16xf32>
      %add3A_2892 = arith.constant 32 : i32
      %add3A_2893 = vector.broadcast %add3A_2892 : i32 to vector<16xi32>
      %add3A_2894 = arith.addi %iota3A, %add3A_2893 : vector<16xi32>
      %gather3A_2895 = arith.constant 2 : i32
      %gather3A_2896 = arith.constant 0 : i32
      %gather3A_2897 = arith.constant 0 : i32
      %gather3A_2898 = tpu.memref_slice %arg11[%gather3A_2895, %gather3A_2896, %gather3A_2897] : memref<4x64x128xf32, #tpu.memory_space<vmem>> -> memref<1x64x128xf32, #tpu.memory_space<vmem>>
      %gather3A_2899 = tpu.memref_squeeze %gather3A_2898 : memref<1x64x128xf32, #tpu.memory_space<vmem>> -> memref<64x128xf32, #tpu.memory_space<vmem>>
      %gather3A_2900 = tpu.vector_load_idx %gather3A_2899[%add3A_2894, %add3A_2853] : memref<64x128xf32, #tpu.memory_space<vmem>>[vector<16xi32>, vector<16xi32>], vector<16xf32>,
      %gather3A_2901 = arith.constant 2 : i32
      %gather3A_2902 = arith.constant 0 : i32
      %gather3A_2903 = arith.constant 0 : i32
      %gather3A_2904 = tpu.memref_slice %arg12[%gather3A_2901, %gather3A_2902, %gather3A_2903] : memref<4x64x128xf32, #tpu.memory_space<vmem>> -> memref<1x64x128xf32, #tpu.memory_space<vmem>>
      %gather3A_2905 = tpu.memref_squeeze %gather3A_2904 : memref<1x64x128xf32, #tpu.memory_space<vmem>> -> memref<64x128xf32, #tpu.memory_space<vmem>>
      %gather3A_2906 = tpu.vector_load_idx %gather3A_2905[%add3A_2894, %add3A_2857] : memref<64x128xf32, #tpu.memory_space<vmem>>[vector<16xi32>, vector<16xi32>], vector<16xf32>,
      %mul3A_2907 = arith.mulf %gather3A_2900, %gather3A_2906 : vector<16xf32>
      %add3A_2908 = arith.addf %add3A_2891, %mul3A_2907 : vector<16xf32>
      %add3A_2909 = arith.constant 48 : i32
      %add3A_2910 = vector.broadcast %add3A_2909 : i32 to vector<16xi32>
      %add3A_2911 = arith.addi %iota3A, %add3A_2910 : vector<16xi32>
      %gather3A_2912 = arith.constant 2 : i32
      %gather3A_2913 = arith.constant 0 : i32
      %gather3A_2914 = arith.constant 0 : i32
      %gather3A_2915 = tpu.memref_slice %arg11[%gather3A_2912, %gather3A_2913, %gather3A_2914] : memref<4x64x128xf32, #tpu.memory_space<vmem>> -> memref<1x64x128xf32, #tpu.memory_space<vmem>>
      %gather3A_2916 = tpu.memref_squeeze %gather3A_2915 : memref<1x64x128xf32, #tpu.memory_space<vmem>> -> memref<64x128xf32, #tpu.memory_space<vmem>>
      %gather3A_2917 = tpu.vector_load_idx %gather3A_2916[%add3A_2911, %add3A_2853] : memref<64x128xf32, #tpu.memory_space<vmem>>[vector<16xi32>, vector<16xi32>], vector<16xf32>,
      %gather3A_2918 = arith.constant 2 : i32
      %gather3A_2919 = arith.constant 0 : i32
      %gather3A_2920 = arith.constant 0 : i32
      %gather3A_2921 = tpu.memref_slice %arg12[%gather3A_2918, %gather3A_2919, %gather3A_2920] : memref<4x64x128xf32, #tpu.memory_space<vmem>> -> memref<1x64x128xf32, #tpu.memory_space<vmem>>
      %gather3A_2922 = tpu.memref_squeeze %gather3A_2921 : memref<1x64x128xf32, #tpu.memory_space<vmem>> -> memref<64x128xf32, #tpu.memory_space<vmem>>
      %gather3A_2923 = tpu.vector_load_idx %gather3A_2922[%add3A_2911, %add3A_2857] : memref<64x128xf32, #tpu.memory_space<vmem>>[vector<16xi32>, vector<16xi32>], vector<16xf32>,
      %mul3A_2924 = arith.mulf %gather3A_2917, %gather3A_2923 : vector<16xf32>
      %add3A_2925 = arith.addf %add3A_2908, %mul3A_2924 : vector<16xf32>
      %reduce_sum3A_2926 = arith.constant true
      %reduce_sum3A_2927 = vector.broadcast %reduce_sum3A_2926 : i1 to vector<16xi1>
      %reduce_sum3A_2928 = tpu.scan <sum>, %add3A_2925 masked %reduce_sum3A_2927 : vector<16xf32>, vector<16xi1> -> vector<16xf32>
      %reduce_sum3A_2929 = vector.extract %reduce_sum3A_2928[15] : f32 from vector<16xf32>
      %eq3A_2930 = arith.constant 10 : i32
      %eq3A_2931 = vector.broadcast %eq3A_2930 : i32 to vector<16xi32>
      %eq3A_2932 = arith.cmpi eq, %iota3A, %eq3A_2931 : vector<16xi32>
      %jit3A_2933 = arith.constant 0.000000e+00 : f32
      %broadcast_in_dim3A_2934 = vector.broadcast %reduce_sum3A_2929 : f32 to vector<16xf32>
      %broadcast_in_dim3A_2935 = vector.broadcast %jit3A_2933 : f32 to vector<16xf32>
      %select_n3A_2936 = arith.select %eq3A_2932, %broadcast_in_dim3A_2934, %broadcast_in_dim3A_2935 : vector<16xi1>, vector<16xf32>
      %add3A_2937 = arith.addf %add3A_2719, %select_n3A_2936 : vector<16xf32>
      %iota3A_2938 = tpu.iota {dimensions = array<i32: 0>} : vector<16xi32>
      %eq3A_2939 = arith.constant 14 : i32
      %eq3A_2940 = vector.broadcast %eq3A_2939 : i32 to vector<16xi32>
      %eq3A_2941 = arith.cmpi eq, %iota3A_2938, %eq3A_2940 : vector<16xi32>
      %jit3A_2942 = arith.constant 0 : i32
      %broadcast_in_dim3A_2943 = vector.broadcast %jit3A_2942 : i32 to vector<16xi32>
      %select_n3A_2944 = arith.select %eq3A_2941, %get3A_539, %broadcast_in_dim3A_2943 : vector<16xi1>, vector<16xi32>
      %reduce_sum3A_2945 = arith.constant true
      %reduce_sum3A_2946 = vector.broadcast %reduce_sum3A_2945 : i1 to vector<16xi1>
      %reduce_sum3A_2947 = tpu.scan <sum>, %select_n3A_2944 masked %reduce_sum3A_2946 : vector<16xi32>, vector<16xi1> -> vector<16xi32>
      %reduce_sum3A_2948 = vector.extract %reduce_sum3A_2947[15] : i32 from vector<16xi32>
      %shift_right_arithmetic3A_2949 = arith.constant 7 : i32
      %shift_right_arithmetic3A_2950 = arith.shrsi %reduce_sum3A_2948, %shift_right_arithmetic3A_2949 : i32
      %mul3A_2951 = arith.constant 128 : i32
      %mul3A_2952 = arith.muli %shift_right_arithmetic3A_2950, %mul3A_2951 : i32
      %multiple_of3A_2953 = tpu.assume_multiple %mul3A_2952, 128 : i32
      %and3A_2954 = arith.constant 127 : i32
      %and3A_2955 = arith.andi %reduce_sum3A_2948, %and3A_2954 : i32
      %iota3A_2956 = tpu.iota {dimensions = array<i32: 0>} : vector<16xi32>
      %eq3A_2957 = arith.constant 14 : i32
      %eq3A_2958 = vector.broadcast %eq3A_2957 : i32 to vector<16xi32>
      %eq3A_2959 = arith.cmpi eq, %iota3A_2956, %eq3A_2958 : vector<16xi32>
      %jit3A_2960 = arith.constant 0 : i32
      %broadcast_in_dim3A_2961 = vector.broadcast %jit3A_2960 : i32 to vector<16xi32>
      %select_n3A_2962 = arith.select %eq3A_2959, %get3A_542, %broadcast_in_dim3A_2961 : vector<16xi1>, vector<16xi32>
      %reduce_sum3A_2963 = arith.constant true
      %reduce_sum3A_2964 = vector.broadcast %reduce_sum3A_2963 : i1 to vector<16xi1>
      %reduce_sum3A_2965 = tpu.scan <sum>, %select_n3A_2962 masked %reduce_sum3A_2964 : vector<16xi32>, vector<16xi1> -> vector<16xi32>
      %reduce_sum3A_2966 = vector.extract %reduce_sum3A_2965[15] : i32 from vector<16xi32>
      %shift_right_arithmetic3A_2967 = arith.constant 7 : i32
      %shift_right_arithmetic3A_2968 = arith.shrsi %reduce_sum3A_2966, %shift_right_arithmetic3A_2967 : i32
      %mul3A_2969 = arith.constant 128 : i32
      %mul3A_2970 = arith.muli %shift_right_arithmetic3A_2968, %mul3A_2969 : i32
      %multiple_of3A_2971 = tpu.assume_multiple %mul3A_2970, 128 : i32
      %and3A_2972 = arith.constant 127 : i32
      %and3A_2973 = arith.andi %reduce_sum3A_2966, %and3A_2972 : i32
      %dma_start3A_2974 = arith.constant 2 : i32
      %dma_start3A_2975 = arith.constant 0 : i32
      %dma_start3A_2976 = arith.constant 0 : i32
      %dma_start3A_2977 = tpu.memref_slice %arg11[%dma_start3A_2974, %dma_start3A_2975, %dma_start3A_2976] : memref<4x64x128xf32, #tpu.memory_space<vmem>> -> memref<1x64x128xf32, #tpu.memory_space<vmem>>
      %dma_start3A_2978 = tpu.memref_squeeze %dma_start3A_2977 : memref<1x64x128xf32, #tpu.memory_space<vmem>> -> memref<64x128xf32, #tpu.memory_space<vmem>>
      %dma_start3A_2979 = arith.constant 0 : i32
      %dma_start3A_2980 = tpu.memref_slice %arg4[%dma_start3A_2979, %multiple_of3A_2953] : memref<64x1000000xf32, #tpu.memory_space<hbm>> -> memref<64x128xf32, #tpu.memory_space<hbm>>
      %dma_start3A_2981 = arith.constant 0 : i32
      %dma_start3A_2982 = arith.constant 0 : i32
      %dma_start3A_2983 = tpu.memref_slice %arg11[%dma_start3A_2974, %dma_start3A_2981, %dma_start3A_2982] : memref<4x64x128xf32, #tpu.memory_space<vmem>> -> memref<1x64x128xf32, #tpu.memory_space<vmem>>
      %dma_start3A_2984 = tpu.memref_squeeze %dma_start3A_2983 : memref<1x64x128xf32, #tpu.memory_space<vmem>> -> memref<64x128xf32, #tpu.memory_space<vmem>>
      %dma_start3A_2985 = arith.constant 0 : i32
      %dma_start3A_2986 = tpu.memref_slice %arg4[%dma_start3A_2985, %multiple_of3A_2953] : memref<64x1000000xf32, #tpu.memory_space<hbm>> -> memref<64x128xf32, #tpu.memory_space<hbm>>
      tpu.enqueue_dma source(%dma_start3A_2986 : memref<64x128xf32, #tpu.memory_space<hbm>>) target(%dma_start3A_2984 : memref<64x128xf32, #tpu.memory_space<vmem>>) target_semaphore(%arg16 : memref<!tpu.dma_semaphore, #tpu.memory_space<semaphore_mem>>)
      %dma_start3A_2987 = arith.constant 2 : i32
      %dma_start3A_2988 = arith.constant 0 : i32
      %dma_start3A_2989 = arith.constant 0 : i32
      %dma_start3A_2990 = tpu.memref_slice %arg12[%dma_start3A_2987, %dma_start3A_2988, %dma_start3A_2989] : memref<4x64x128xf32, #tpu.memory_space<vmem>> -> memref<1x64x128xf32, #tpu.memory_space<vmem>>
      %dma_start3A_2991 = tpu.memref_squeeze %dma_start3A_2990 : memref<1x64x128xf32, #tpu.memory_space<vmem>> -> memref<64x128xf32, #tpu.memory_space<vmem>>
      %dma_start3A_2992 = arith.constant 0 : i32
      %dma_start3A_2993 = tpu.memref_slice %arg5[%dma_start3A_2992, %multiple_of3A_2971] : memref<64x1000000xf32, #tpu.memory_space<hbm>> -> memref<64x128xf32, #tpu.memory_space<hbm>>
      %dma_start3A_2994 = arith.constant 0 : i32
      %dma_start3A_2995 = arith.constant 0 : i32
      %dma_start3A_2996 = tpu.memref_slice %arg12[%dma_start3A_2987, %dma_start3A_2994, %dma_start3A_2995] : memref<4x64x128xf32, #tpu.memory_space<vmem>> -> memref<1x64x128xf32, #tpu.memory_space<vmem>>
      %dma_start3A_2997 = tpu.memref_squeeze %dma_start3A_2996 : memref<1x64x128xf32, #tpu.memory_space<vmem>> -> memref<64x128xf32, #tpu.memory_space<vmem>>
      %dma_start3A_2998 = arith.constant 0 : i32
      %dma_start3A_2999 = tpu.memref_slice %arg5[%dma_start3A_2998, %multiple_of3A_2971] : memref<64x1000000xf32, #tpu.memory_space<hbm>> -> memref<64x128xf32, #tpu.memory_space<hbm>>
      tpu.enqueue_dma source(%dma_start3A_2999 : memref<64x128xf32, #tpu.memory_space<hbm>>) target(%dma_start3A_2997 : memref<64x128xf32, #tpu.memory_space<vmem>>) target_semaphore(%arg16 : memref<!tpu.dma_semaphore, #tpu.memory_space<semaphore_mem>>)
      %iota3A_3000 = tpu.iota {dimensions = array<i32: 0>} : vector<16xi32>
      %eq3A_3001 = arith.constant 11 : i32
      %eq3A_3002 = vector.broadcast %eq3A_3001 : i32 to vector<16xi32>
      %eq3A_3003 = arith.cmpi eq, %iota3A_3000, %eq3A_3002 : vector<16xi32>
      %jit3A_3004 = arith.constant 0 : i32
      %broadcast_in_dim3A_3005 = vector.broadcast %jit3A_3004 : i32 to vector<16xi32>
      %select_n3A_3006 = arith.select %eq3A_3003, %get3A_539, %broadcast_in_dim3A_3005 : vector<16xi1>, vector<16xi32>
      %reduce_sum3A_3007 = arith.constant true
      %reduce_sum3A_3008 = vector.broadcast %reduce_sum3A_3007 : i1 to vector<16xi1>
      %reduce_sum3A_3009 = tpu.scan <sum>, %select_n3A_3006 masked %reduce_sum3A_3008 : vector<16xi32>, vector<16xi1> -> vector<16xi32>
      %reduce_sum3A_3010 = vector.extract %reduce_sum3A_3009[15] : i32 from vector<16xi32>
      %shift_right_arithmetic3A_3011 = arith.constant 7 : i32
      %shift_right_arithmetic3A_3012 = arith.shrsi %reduce_sum3A_3010, %shift_right_arithmetic3A_3011 : i32
      %mul3A_3013 = arith.constant 128 : i32
      %mul3A_3014 = arith.muli %shift_right_arithmetic3A_3012, %mul3A_3013 : i32
      %multiple_of3A_3015 = tpu.assume_multiple %mul3A_3014, 128 : i32
      %and3A_3016 = arith.constant 127 : i32
      %and3A_3017 = arith.andi %reduce_sum3A_3010, %and3A_3016 : i32
      %iota3A_3018 = tpu.iota {dimensions = array<i32: 0>} : vector<16xi32>
      %eq3A_3019 = arith.constant 11 : i32
      %eq3A_3020 = vector.broadcast %eq3A_3019 : i32 to vector<16xi32>
      %eq3A_3021 = arith.cmpi eq, %iota3A_3018, %eq3A_3020 : vector<16xi32>
      %jit3A_3022 = arith.constant 0 : i32
      %broadcast_in_dim3A_3023 = vector.broadcast %jit3A_3022 : i32 to vector<16xi32>
      %select_n3A_3024 = arith.select %eq3A_3021, %get3A_542, %broadcast_in_dim3A_3023 : vector<16xi1>, vector<16xi32>
      %reduce_sum3A_3025 = arith.constant true
      %reduce_sum3A_3026 = vector.broadcast %reduce_sum3A_3025 : i1 to vector<16xi1>
      %reduce_sum3A_3027 = tpu.scan <sum>, %select_n3A_3024 masked %reduce_sum3A_3026 : vector<16xi32>, vector<16xi1> -> vector<16xi32>
      %reduce_sum3A_3028 = vector.extract %reduce_sum3A_3027[15] : i32 from vector<16xi32>
      %shift_right_arithmetic3A_3029 = arith.constant 7 : i32
      %shift_right_arithmetic3A_3030 = arith.shrsi %reduce_sum3A_3028, %shift_right_arithmetic3A_3029 : i32
      %mul3A_3031 = arith.constant 128 : i32
      %mul3A_3032 = arith.muli %shift_right_arithmetic3A_3030, %mul3A_3031 : i32
      %multiple_of3A_3033 = tpu.assume_multiple %mul3A_3032, 128 : i32
      %and3A_3034 = arith.constant 127 : i32
      %and3A_3035 = arith.andi %reduce_sum3A_3028, %and3A_3034 : i32
      %dma_wait3A_3036 = arith.constant 3 : i32
      %dma_wait3A_3037 = arith.constant 0 : i32
      %dma_wait3A_3038 = arith.constant 0 : i32
      %dma_wait3A_3039 = tpu.memref_slice %arg11[%dma_wait3A_3036, %dma_wait3A_3037, %dma_wait3A_3038] : memref<4x64x128xf32, #tpu.memory_space<vmem>> -> memref<1x64x128xf32, #tpu.memory_space<vmem>>
      %dma_wait3A_3040 = tpu.memref_squeeze %dma_wait3A_3039 : memref<1x64x128xf32, #tpu.memory_space<vmem>> -> memref<64x128xf32, #tpu.memory_space<vmem>>
      %dma_wait3A_3041 = arith.constant 0 : i32
      %dma_wait3A_3042 = arith.constant 0 : i32
      %dma_wait3A_3043 = tpu.memref_slice %arg4[%dma_wait3A_3041, %dma_wait3A_3042] : memref<64x1000000xf32, #tpu.memory_space<hbm>> -> memref<64x128xf32, #tpu.memory_space<hbm>>
      %dma_wait3A_3044 = arith.constant 0 : i32
      %dma_wait3A_3045 = arith.constant 0 : i32
      %dma_wait3A_3046 = tpu.memref_slice %arg11[%dma_wait3A_3036, %dma_wait3A_3044, %dma_wait3A_3045] : memref<4x64x128xf32, #tpu.memory_space<vmem>> -> memref<1x64x128xf32, #tpu.memory_space<vmem>>
      %dma_wait3A_3047 = tpu.memref_squeeze %dma_wait3A_3046 : memref<1x64x128xf32, #tpu.memory_space<vmem>> -> memref<64x128xf32, #tpu.memory_space<vmem>>
      %dma_wait3A_3048 = arith.constant 0 : i32
      %dma_wait3A_3049 = arith.constant 0 : i32
      %dma_wait3A_3050 = tpu.memref_slice %arg4[%dma_wait3A_3048, %dma_wait3A_3049] : memref<64x1000000xf32, #tpu.memory_space<hbm>> -> memref<64x128xf32, #tpu.memory_space<hbm>>
      tpu.wait_dma2 semaphore(%arg16 : memref<!tpu.dma_semaphore, #tpu.memory_space<semaphore_mem>>) src(%dma_wait3A_3050 : memref<64x128xf32, #tpu.memory_space<hbm>>) dst(%dma_wait3A_3047 : memref<64x128xf32, #tpu.memory_space<vmem>>)
      %dma_wait3A_3051 = arith.constant 3 : i32
      %dma_wait3A_3052 = arith.constant 0 : i32
      %dma_wait3A_3053 = arith.constant 0 : i32
      %dma_wait3A_3054 = tpu.memref_slice %arg12[%dma_wait3A_3051, %dma_wait3A_3052, %dma_wait3A_3053] : memref<4x64x128xf32, #tpu.memory_space<vmem>> -> memref<1x64x128xf32, #tpu.memory_space<vmem>>
      %dma_wait3A_3055 = tpu.memref_squeeze %dma_wait3A_3054 : memref<1x64x128xf32, #tpu.memory_space<vmem>> -> memref<64x128xf32, #tpu.memory_space<vmem>>
      %dma_wait3A_3056 = arith.constant 0 : i32
      %dma_wait3A_3057 = arith.constant 0 : i32
      %dma_wait3A_3058 = tpu.memref_slice %arg5[%dma_wait3A_3056, %dma_wait3A_3057] : memref<64x1000000xf32, #tpu.memory_space<hbm>> -> memref<64x128xf32, #tpu.memory_space<hbm>>
      %dma_wait3A_3059 = arith.constant 0 : i32
      %dma_wait3A_3060 = arith.constant 0 : i32
      %dma_wait3A_3061 = tpu.memref_slice %arg12[%dma_wait3A_3051, %dma_wait3A_3059, %dma_wait3A_3060] : memref<4x64x128xf32, #tpu.memory_space<vmem>> -> memref<1x64x128xf32, #tpu.memory_space<vmem>>
      %dma_wait3A_3062 = tpu.memref_squeeze %dma_wait3A_3061 : memref<1x64x128xf32, #tpu.memory_space<vmem>> -> memref<64x128xf32, #tpu.memory_space<vmem>>
      %dma_wait3A_3063 = arith.constant 0 : i32
      %dma_wait3A_3064 = arith.constant 0 : i32
      %dma_wait3A_3065 = tpu.memref_slice %arg5[%dma_wait3A_3063, %dma_wait3A_3064] : memref<64x1000000xf32, #tpu.memory_space<hbm>> -> memref<64x128xf32, #tpu.memory_space<hbm>>
      tpu.wait_dma2 semaphore(%arg16 : memref<!tpu.dma_semaphore, #tpu.memory_space<semaphore_mem>>) src(%dma_wait3A_3065 : memref<64x128xf32, #tpu.memory_space<hbm>>) dst(%dma_wait3A_3062 : memref<64x128xf32, #tpu.memory_space<vmem>>)
      %broadcast_in_dim3A_3066 = arith.constant 0.000000e+00 : f32
      %broadcast_in_dim3A_3067 = vector.broadcast %broadcast_in_dim3A_3066 : f32 to vector<16xf32>
      %broadcast_in_dim3A_3068 = arith.constant 0 : i32
      %broadcast_in_dim3A_3069 = vector.broadcast %broadcast_in_dim3A_3068 : i32 to vector<16xi32>
      %add3A_3070 = vector.broadcast %and3A_3017 : i32 to vector<16xi32>
      %add3A_3071 = arith.addi %broadcast_in_dim3A_3069, %add3A_3070 : vector<16xi32>
      %broadcast_in_dim3A_3072 = arith.constant 0 : i32
      %broadcast_in_dim3A_3073 = vector.broadcast %broadcast_in_dim3A_3072 : i32 to vector<16xi32>
      %add3A_3074 = vector.broadcast %and3A_3035 : i32 to vector<16xi32>
      %add3A_3075 = arith.addi %broadcast_in_dim3A_3073, %add3A_3074 : vector<16xi32>
      %add3A_3076 = arith.constant 0 : i32
      %add3A_3077 = vector.broadcast %add3A_3076 : i32 to vector<16xi32>
      %add3A_3078 = arith.addi %iota3A, %add3A_3077 : vector<16xi32>
      %gather3A_3079 = arith.constant 3 : i32
      %gather3A_3080 = arith.constant 0 : i32
      %gather3A_3081 = arith.constant 0 : i32
      %gather3A_3082 = tpu.memref_slice %arg11[%gather3A_3079, %gather3A_3080, %gather3A_3081] : memref<4x64x128xf32, #tpu.memory_space<vmem>> -> memref<1x64x128xf32, #tpu.memory_space<vmem>>
      %gather3A_3083 = tpu.memref_squeeze %gather3A_3082 : memref<1x64x128xf32, #tpu.memory_space<vmem>> -> memref<64x128xf32, #tpu.memory_space<vmem>>
      %gather3A_3084 = tpu.vector_load_idx %gather3A_3083[%add3A_3078, %add3A_3071] : memref<64x128xf32, #tpu.memory_space<vmem>>[vector<16xi32>, vector<16xi32>], vector<16xf32>,
      %gather3A_3085 = arith.constant 3 : i32
      %gather3A_3086 = arith.constant 0 : i32
      %gather3A_3087 = arith.constant 0 : i32
      %gather3A_3088 = tpu.memref_slice %arg12[%gather3A_3085, %gather3A_3086, %gather3A_3087] : memref<4x64x128xf32, #tpu.memory_space<vmem>> -> memref<1x64x128xf32, #tpu.memory_space<vmem>>
      %gather3A_3089 = tpu.memref_squeeze %gather3A_3088 : memref<1x64x128xf32, #tpu.memory_space<vmem>> -> memref<64x128xf32, #tpu.memory_space<vmem>>
      %gather3A_3090 = tpu.vector_load_idx %gather3A_3089[%add3A_3078, %add3A_3075] : memref<64x128xf32, #tpu.memory_space<vmem>>[vector<16xi32>, vector<16xi32>], vector<16xf32>,
      %mul3A_3091 = arith.mulf %gather3A_3084, %gather3A_3090 : vector<16xf32>
      %add3A_3092 = arith.addf %broadcast_in_dim3A_3067, %mul3A_3091 : vector<16xf32>
      %add3A_3093 = arith.constant 16 : i32
      %add3A_3094 = vector.broadcast %add3A_3093 : i32 to vector<16xi32>
      %add3A_3095 = arith.addi %iota3A, %add3A_3094 : vector<16xi32>
      %gather3A_3096 = arith.constant 3 : i32
      %gather3A_3097 = arith.constant 0 : i32
      %gather3A_3098 = arith.constant 0 : i32
      %gather3A_3099 = tpu.memref_slice %arg11[%gather3A_3096, %gather3A_3097, %gather3A_3098] : memref<4x64x128xf32, #tpu.memory_space<vmem>> -> memref<1x64x128xf32, #tpu.memory_space<vmem>>
      %gather3A_3100 = tpu.memref_squeeze %gather3A_3099 : memref<1x64x128xf32, #tpu.memory_space<vmem>> -> memref<64x128xf32, #tpu.memory_space<vmem>>
      %gather3A_3101 = tpu.vector_load_idx %gather3A_3100[%add3A_3095, %add3A_3071] : memref<64x128xf32, #tpu.memory_space<vmem>>[vector<16xi32>, vector<16xi32>], vector<16xf32>,
      %gather3A_3102 = arith.constant 3 : i32
      %gather3A_3103 = arith.constant 0 : i32
      %gather3A_3104 = arith.constant 0 : i32
      %gather3A_3105 = tpu.memref_slice %arg12[%gather3A_3102, %gather3A_3103, %gather3A_3104] : memref<4x64x128xf32, #tpu.memory_space<vmem>> -> memref<1x64x128xf32, #tpu.memory_space<vmem>>
      %gather3A_3106 = tpu.memref_squeeze %gather3A_3105 : memref<1x64x128xf32, #tpu.memory_space<vmem>> -> memref<64x128xf32, #tpu.memory_space<vmem>>
      %gather3A_3107 = tpu.vector_load_idx %gather3A_3106[%add3A_3095, %add3A_3075] : memref<64x128xf32, #tpu.memory_space<vmem>>[vector<16xi32>, vector<16xi32>], vector<16xf32>,
      %mul3A_3108 = arith.mulf %gather3A_3101, %gather3A_3107 : vector<16xf32>
      %add3A_3109 = arith.addf %add3A_3092, %mul3A_3108 : vector<16xf32>
      %add3A_3110 = arith.constant 32 : i32
      %add3A_3111 = vector.broadcast %add3A_3110 : i32 to vector<16xi32>
      %add3A_3112 = arith.addi %iota3A, %add3A_3111 : vector<16xi32>
      %gather3A_3113 = arith.constant 3 : i32
      %gather3A_3114 = arith.constant 0 : i32
      %gather3A_3115 = arith.constant 0 : i32
      %gather3A_3116 = tpu.memref_slice %arg11[%gather3A_3113, %gather3A_3114, %gather3A_3115] : memref<4x64x128xf32, #tpu.memory_space<vmem>> -> memref<1x64x128xf32, #tpu.memory_space<vmem>>
      %gather3A_3117 = tpu.memref_squeeze %gather3A_3116 : memref<1x64x128xf32, #tpu.memory_space<vmem>> -> memref<64x128xf32, #tpu.memory_space<vmem>>
      %gather3A_3118 = tpu.vector_load_idx %gather3A_3117[%add3A_3112, %add3A_3071] : memref<64x128xf32, #tpu.memory_space<vmem>>[vector<16xi32>, vector<16xi32>], vector<16xf32>,
      %gather3A_3119 = arith.constant 3 : i32
      %gather3A_3120 = arith.constant 0 : i32
      %gather3A_3121 = arith.constant 0 : i32
      %gather3A_3122 = tpu.memref_slice %arg12[%gather3A_3119, %gather3A_3120, %gather3A_3121] : memref<4x64x128xf32, #tpu.memory_space<vmem>> -> memref<1x64x128xf32, #tpu.memory_space<vmem>>
      %gather3A_3123 = tpu.memref_squeeze %gather3A_3122 : memref<1x64x128xf32, #tpu.memory_space<vmem>> -> memref<64x128xf32, #tpu.memory_space<vmem>>
      %gather3A_3124 = tpu.vector_load_idx %gather3A_3123[%add3A_3112, %add3A_3075] : memref<64x128xf32, #tpu.memory_space<vmem>>[vector<16xi32>, vector<16xi32>], vector<16xf32>,
      %mul3A_3125 = arith.mulf %gather3A_3118, %gather3A_3124 : vector<16xf32>
      %add3A_3126 = arith.addf %add3A_3109, %mul3A_3125 : vector<16xf32>
      %add3A_3127 = arith.constant 48 : i32
      %add3A_3128 = vector.broadcast %add3A_3127 : i32 to vector<16xi32>
      %add3A_3129 = arith.addi %iota3A, %add3A_3128 : vector<16xi32>
      %gather3A_3130 = arith.constant 3 : i32
      %gather3A_3131 = arith.constant 0 : i32
      %gather3A_3132 = arith.constant 0 : i32
      %gather3A_3133 = tpu.memref_slice %arg11[%gather3A_3130, %gather3A_3131, %gather3A_3132] : memref<4x64x128xf32, #tpu.memory_space<vmem>> -> memref<1x64x128xf32, #tpu.memory_space<vmem>>
      %gather3A_3134 = tpu.memref_squeeze %gather3A_3133 : memref<1x64x128xf32, #tpu.memory_space<vmem>> -> memref<64x128xf32, #tpu.memory_space<vmem>>
      %gather3A_3135 = tpu.vector_load_idx %gather3A_3134[%add3A_3129, %add3A_3071] : memref<64x128xf32, #tpu.memory_space<vmem>>[vector<16xi32>, vector<16xi32>], vector<16xf32>,
      %gather3A_3136 = arith.constant 3 : i32
      %gather3A_3137 = arith.constant 0 : i32
      %gather3A_3138 = arith.constant 0 : i32
      %gather3A_3139 = tpu.memref_slice %arg12[%gather3A_3136, %gather3A_3137, %gather3A_3138] : memref<4x64x128xf32, #tpu.memory_space<vmem>> -> memref<1x64x128xf32, #tpu.memory_space<vmem>>
      %gather3A_3140 = tpu.memref_squeeze %gather3A_3139 : memref<1x64x128xf32, #tpu.memory_space<vmem>> -> memref<64x128xf32, #tpu.memory_space<vmem>>
      %gather3A_3141 = tpu.vector_load_idx %gather3A_3140[%add3A_3129, %add3A_3075] : memref<64x128xf32, #tpu.memory_space<vmem>>[vector<16xi32>, vector<16xi32>], vector<16xf32>,
      %mul3A_3142 = arith.mulf %gather3A_3135, %gather3A_3141 : vector<16xf32>
      %add3A_3143 = arith.addf %add3A_3126, %mul3A_3142 : vector<16xf32>
      %reduce_sum3A_3144 = arith.constant true
      %reduce_sum3A_3145 = vector.broadcast %reduce_sum3A_3144 : i1 to vector<16xi1>
      %reduce_sum3A_3146 = tpu.scan <sum>, %add3A_3143 masked %reduce_sum3A_3145 : vector<16xf32>, vector<16xi1> -> vector<16xf32>
      %reduce_sum3A_3147 = vector.extract %reduce_sum3A_3146[15] : f32 from vector<16xf32>
      %eq3A_3148 = arith.constant 11 : i32
      %eq3A_3149 = vector.broadcast %eq3A_3148 : i32 to vector<16xi32>
      %eq3A_3150 = arith.cmpi eq, %iota3A, %eq3A_3149 : vector<16xi32>
      %jit3A_3151 = arith.constant 0.000000e+00 : f32
      %broadcast_in_dim3A_3152 = vector.broadcast %reduce_sum3A_3147 : f32 to vector<16xf32>
      %broadcast_in_dim3A_3153 = vector.broadcast %jit3A_3151 : f32 to vector<16xf32>
      %select_n3A_3154 = arith.select %eq3A_3150, %broadcast_in_dim3A_3152, %broadcast_in_dim3A_3153 : vector<16xi1>, vector<16xf32>
      %add3A_3155 = arith.addf %add3A_2937, %select_n3A_3154 : vector<16xf32>
      %iota3A_3156 = tpu.iota {dimensions = array<i32: 0>} : vector<16xi32>
      %eq3A_3157 = arith.constant 15 : i32
      %eq3A_3158 = vector.broadcast %eq3A_3157 : i32 to vector<16xi32>
      %eq3A_3159 = arith.cmpi eq, %iota3A_3156, %eq3A_3158 : vector<16xi32>
      %jit3A_3160 = arith.constant 0 : i32
      %broadcast_in_dim3A_3161 = vector.broadcast %jit3A_3160 : i32 to vector<16xi32>
      %select_n3A_3162 = arith.select %eq3A_3159, %get3A_539, %broadcast_in_dim3A_3161 : vector<16xi1>, vector<16xi32>
      %reduce_sum3A_3163 = arith.constant true
      %reduce_sum3A_3164 = vector.broadcast %reduce_sum3A_3163 : i1 to vector<16xi1>
      %reduce_sum3A_3165 = tpu.scan <sum>, %select_n3A_3162 masked %reduce_sum3A_3164 : vector<16xi32>, vector<16xi1> -> vector<16xi32>
      %reduce_sum3A_3166 = vector.extract %reduce_sum3A_3165[15] : i32 from vector<16xi32>
      %shift_right_arithmetic3A_3167 = arith.constant 7 : i32
      %shift_right_arithmetic3A_3168 = arith.shrsi %reduce_sum3A_3166, %shift_right_arithmetic3A_3167 : i32
      %mul3A_3169 = arith.constant 128 : i32
      %mul3A_3170 = arith.muli %shift_right_arithmetic3A_3168, %mul3A_3169 : i32
      %multiple_of3A_3171 = tpu.assume_multiple %mul3A_3170, 128 : i32
      %and3A_3172 = arith.constant 127 : i32
      %and3A_3173 = arith.andi %reduce_sum3A_3166, %and3A_3172 : i32
      %iota3A_3174 = tpu.iota {dimensions = array<i32: 0>} : vector<16xi32>
      %eq3A_3175 = arith.constant 15 : i32
      %eq3A_3176 = vector.broadcast %eq3A_3175 : i32 to vector<16xi32>
      %eq3A_3177 = arith.cmpi eq, %iota3A_3174, %eq3A_3176 : vector<16xi32>
      %jit3A_3178 = arith.constant 0 : i32
      %broadcast_in_dim3A_3179 = vector.broadcast %jit3A_3178 : i32 to vector<16xi32>
      %select_n3A_3180 = arith.select %eq3A_3177, %get3A_542, %broadcast_in_dim3A_3179 : vector<16xi1>, vector<16xi32>
      %reduce_sum3A_3181 = arith.constant true
      %reduce_sum3A_3182 = vector.broadcast %reduce_sum3A_3181 : i1 to vector<16xi1>
      %reduce_sum3A_3183 = tpu.scan <sum>, %select_n3A_3180 masked %reduce_sum3A_3182 : vector<16xi32>, vector<16xi1> -> vector<16xi32>
      %reduce_sum3A_3184 = vector.extract %reduce_sum3A_3183[15] : i32 from vector<16xi32>
      %shift_right_arithmetic3A_3185 = arith.constant 7 : i32
      %shift_right_arithmetic3A_3186 = arith.shrsi %reduce_sum3A_3184, %shift_right_arithmetic3A_3185 : i32
      %mul3A_3187 = arith.constant 128 : i32
      %mul3A_3188 = arith.muli %shift_right_arithmetic3A_3186, %mul3A_3187 : i32
      %multiple_of3A_3189 = tpu.assume_multiple %mul3A_3188, 128 : i32
      %and3A_3190 = arith.constant 127 : i32
      %and3A_3191 = arith.andi %reduce_sum3A_3184, %and3A_3190 : i32
      %dma_start3A_3192 = arith.constant 3 : i32
      %dma_start3A_3193 = arith.constant 0 : i32
      %dma_start3A_3194 = arith.constant 0 : i32
      %dma_start3A_3195 = tpu.memref_slice %arg11[%dma_start3A_3192, %dma_start3A_3193, %dma_start3A_3194] : memref<4x64x128xf32, #tpu.memory_space<vmem>> -> memref<1x64x128xf32, #tpu.memory_space<vmem>>
      %dma_start3A_3196 = tpu.memref_squeeze %dma_start3A_3195 : memref<1x64x128xf32, #tpu.memory_space<vmem>> -> memref<64x128xf32, #tpu.memory_space<vmem>>
      %dma_start3A_3197 = arith.constant 0 : i32
      %dma_start3A_3198 = tpu.memref_slice %arg4[%dma_start3A_3197, %multiple_of3A_3171] : memref<64x1000000xf32, #tpu.memory_space<hbm>> -> memref<64x128xf32, #tpu.memory_space<hbm>>
      %dma_start3A_3199 = arith.constant 0 : i32
      %dma_start3A_3200 = arith.constant 0 : i32
      %dma_start3A_3201 = tpu.memref_slice %arg11[%dma_start3A_3192, %dma_start3A_3199, %dma_start3A_3200] : memref<4x64x128xf32, #tpu.memory_space<vmem>> -> memref<1x64x128xf32, #tpu.memory_space<vmem>>
      %dma_start3A_3202 = tpu.memref_squeeze %dma_start3A_3201 : memref<1x64x128xf32, #tpu.memory_space<vmem>> -> memref<64x128xf32, #tpu.memory_space<vmem>>
      %dma_start3A_3203 = arith.constant 0 : i32
      %dma_start3A_3204 = tpu.memref_slice %arg4[%dma_start3A_3203, %multiple_of3A_3171] : memref<64x1000000xf32, #tpu.memory_space<hbm>> -> memref<64x128xf32, #tpu.memory_space<hbm>>
      tpu.enqueue_dma source(%dma_start3A_3204 : memref<64x128xf32, #tpu.memory_space<hbm>>) target(%dma_start3A_3202 : memref<64x128xf32, #tpu.memory_space<vmem>>) target_semaphore(%arg16 : memref<!tpu.dma_semaphore, #tpu.memory_space<semaphore_mem>>)
      %dma_start3A_3205 = arith.constant 3 : i32
      %dma_start3A_3206 = arith.constant 0 : i32
      %dma_start3A_3207 = arith.constant 0 : i32
      %dma_start3A_3208 = tpu.memref_slice %arg12[%dma_start3A_3205, %dma_start3A_3206, %dma_start3A_3207] : memref<4x64x128xf32, #tpu.memory_space<vmem>> -> memref<1x64x128xf32, #tpu.memory_space<vmem>>
      %dma_start3A_3209 = tpu.memref_squeeze %dma_start3A_3208 : memref<1x64x128xf32, #tpu.memory_space<vmem>> -> memref<64x128xf32, #tpu.memory_space<vmem>>
      %dma_start3A_3210 = arith.constant 0 : i32
      %dma_start3A_3211 = tpu.memref_slice %arg5[%dma_start3A_3210, %multiple_of3A_3189] : memref<64x1000000xf32, #tpu.memory_space<hbm>> -> memref<64x128xf32, #tpu.memory_space<hbm>>
      %dma_start3A_3212 = arith.constant 0 : i32
      %dma_start3A_3213 = arith.constant 0 : i32
      %dma_start3A_3214 = tpu.memref_slice %arg12[%dma_start3A_3205, %dma_start3A_3212, %dma_start3A_3213] : memref<4x64x128xf32, #tpu.memory_space<vmem>> -> memref<1x64x128xf32, #tpu.memory_space<vmem>>
      %dma_start3A_3215 = tpu.memref_squeeze %dma_start3A_3214 : memref<1x64x128xf32, #tpu.memory_space<vmem>> -> memref<64x128xf32, #tpu.memory_space<vmem>>
      %dma_start3A_3216 = arith.constant 0 : i32
      %dma_start3A_3217 = tpu.memref_slice %arg5[%dma_start3A_3216, %multiple_of3A_3189] : memref<64x1000000xf32, #tpu.memory_space<hbm>> -> memref<64x128xf32, #tpu.memory_space<hbm>>
      tpu.enqueue_dma source(%dma_start3A_3217 : memref<64x128xf32, #tpu.memory_space<hbm>>) target(%dma_start3A_3215 : memref<64x128xf32, #tpu.memory_space<vmem>>) target_semaphore(%arg16 : memref<!tpu.dma_semaphore, #tpu.memory_space<semaphore_mem>>)
      %iota3A_3218 = tpu.iota {dimensions = array<i32: 0>} : vector<16xi32>
      %eq3A_3219 = arith.constant 12 : i32
      %eq3A_3220 = vector.broadcast %eq3A_3219 : i32 to vector<16xi32>
      %eq3A_3221 = arith.cmpi eq, %iota3A_3218, %eq3A_3220 : vector<16xi32>
      %jit3A_3222 = arith.constant 0 : i32
      %broadcast_in_dim3A_3223 = vector.broadcast %jit3A_3222 : i32 to vector<16xi32>
      %select_n3A_3224 = arith.select %eq3A_3221, %get3A_539, %broadcast_in_dim3A_3223 : vector<16xi1>, vector<16xi32>
      %reduce_sum3A_3225 = arith.constant true
      %reduce_sum3A_3226 = vector.broadcast %reduce_sum3A_3225 : i1 to vector<16xi1>
      %reduce_sum3A_3227 = tpu.scan <sum>, %select_n3A_3224 masked %reduce_sum3A_3226 : vector<16xi32>, vector<16xi1> -> vector<16xi32>
      %reduce_sum3A_3228 = vector.extract %reduce_sum3A_3227[15] : i32 from vector<16xi32>
      %shift_right_arithmetic3A_3229 = arith.constant 7 : i32
      %shift_right_arithmetic3A_3230 = arith.shrsi %reduce_sum3A_3228, %shift_right_arithmetic3A_3229 : i32
      %mul3A_3231 = arith.constant 128 : i32
      %mul3A_3232 = arith.muli %shift_right_arithmetic3A_3230, %mul3A_3231 : i32
      %multiple_of3A_3233 = tpu.assume_multiple %mul3A_3232, 128 : i32
      %and3A_3234 = arith.constant 127 : i32
      %and3A_3235 = arith.andi %reduce_sum3A_3228, %and3A_3234 : i32
      %iota3A_3236 = tpu.iota {dimensions = array<i32: 0>} : vector<16xi32>
      %eq3A_3237 = arith.constant 12 : i32
      %eq3A_3238 = vector.broadcast %eq3A_3237 : i32 to vector<16xi32>
      %eq3A_3239 = arith.cmpi eq, %iota3A_3236, %eq3A_3238 : vector<16xi32>
      %jit3A_3240 = arith.constant 0 : i32
      %broadcast_in_dim3A_3241 = vector.broadcast %jit3A_3240 : i32 to vector<16xi32>
      %select_n3A_3242 = arith.select %eq3A_3239, %get3A_542, %broadcast_in_dim3A_3241 : vector<16xi1>, vector<16xi32>
      %reduce_sum3A_3243 = arith.constant true
      %reduce_sum3A_3244 = vector.broadcast %reduce_sum3A_3243 : i1 to vector<16xi1>
      %reduce_sum3A_3245 = tpu.scan <sum>, %select_n3A_3242 masked %reduce_sum3A_3244 : vector<16xi32>, vector<16xi1> -> vector<16xi32>
      %reduce_sum3A_3246 = vector.extract %reduce_sum3A_3245[15] : i32 from vector<16xi32>
      %shift_right_arithmetic3A_3247 = arith.constant 7 : i32
      %shift_right_arithmetic3A_3248 = arith.shrsi %reduce_sum3A_3246, %shift_right_arithmetic3A_3247 : i32
      %mul3A_3249 = arith.constant 128 : i32
      %mul3A_3250 = arith.muli %shift_right_arithmetic3A_3248, %mul3A_3249 : i32
      %multiple_of3A_3251 = tpu.assume_multiple %mul3A_3250, 128 : i32
      %and3A_3252 = arith.constant 127 : i32
      %and3A_3253 = arith.andi %reduce_sum3A_3246, %and3A_3252 : i32
      %dma_wait3A_3254 = arith.constant 0 : i32
      %dma_wait3A_3255 = arith.constant 0 : i32
      %dma_wait3A_3256 = arith.constant 0 : i32
      %dma_wait3A_3257 = tpu.memref_slice %arg11[%dma_wait3A_3254, %dma_wait3A_3255, %dma_wait3A_3256] : memref<4x64x128xf32, #tpu.memory_space<vmem>> -> memref<1x64x128xf32, #tpu.memory_space<vmem>>
      %dma_wait3A_3258 = tpu.memref_squeeze %dma_wait3A_3257 : memref<1x64x128xf32, #tpu.memory_space<vmem>> -> memref<64x128xf32, #tpu.memory_space<vmem>>
      %dma_wait3A_3259 = arith.constant 0 : i32
      %dma_wait3A_3260 = arith.constant 0 : i32
      %dma_wait3A_3261 = tpu.memref_slice %arg4[%dma_wait3A_3259, %dma_wait3A_3260] : memref<64x1000000xf32, #tpu.memory_space<hbm>> -> memref<64x128xf32, #tpu.memory_space<hbm>>
      %dma_wait3A_3262 = arith.constant 0 : i32
      %dma_wait3A_3263 = arith.constant 0 : i32
      %dma_wait3A_3264 = tpu.memref_slice %arg11[%dma_wait3A_3254, %dma_wait3A_3262, %dma_wait3A_3263] : memref<4x64x128xf32, #tpu.memory_space<vmem>> -> memref<1x64x128xf32, #tpu.memory_space<vmem>>
      %dma_wait3A_3265 = tpu.memref_squeeze %dma_wait3A_3264 : memref<1x64x128xf32, #tpu.memory_space<vmem>> -> memref<64x128xf32, #tpu.memory_space<vmem>>
      %dma_wait3A_3266 = arith.constant 0 : i32
      %dma_wait3A_3267 = arith.constant 0 : i32
      %dma_wait3A_3268 = tpu.memref_slice %arg4[%dma_wait3A_3266, %dma_wait3A_3267] : memref<64x1000000xf32, #tpu.memory_space<hbm>> -> memref<64x128xf32, #tpu.memory_space<hbm>>
      tpu.wait_dma2 semaphore(%arg16 : memref<!tpu.dma_semaphore, #tpu.memory_space<semaphore_mem>>) src(%dma_wait3A_3268 : memref<64x128xf32, #tpu.memory_space<hbm>>) dst(%dma_wait3A_3265 : memref<64x128xf32, #tpu.memory_space<vmem>>)
      %dma_wait3A_3269 = arith.constant 0 : i32
      %dma_wait3A_3270 = arith.constant 0 : i32
      %dma_wait3A_3271 = arith.constant 0 : i32
      %dma_wait3A_3272 = tpu.memref_slice %arg12[%dma_wait3A_3269, %dma_wait3A_3270, %dma_wait3A_3271] : memref<4x64x128xf32, #tpu.memory_space<vmem>> -> memref<1x64x128xf32, #tpu.memory_space<vmem>>
      %dma_wait3A_3273 = tpu.memref_squeeze %dma_wait3A_3272 : memref<1x64x128xf32, #tpu.memory_space<vmem>> -> memref<64x128xf32, #tpu.memory_space<vmem>>
      %dma_wait3A_3274 = arith.constant 0 : i32
      %dma_wait3A_3275 = arith.constant 0 : i32
      %dma_wait3A_3276 = tpu.memref_slice %arg5[%dma_wait3A_3274, %dma_wait3A_3275] : memref<64x1000000xf32, #tpu.memory_space<hbm>> -> memref<64x128xf32, #tpu.memory_space<hbm>>
      %dma_wait3A_3277 = arith.constant 0 : i32
      %dma_wait3A_3278 = arith.constant 0 : i32
      %dma_wait3A_3279 = tpu.memref_slice %arg12[%dma_wait3A_3269, %dma_wait3A_3277, %dma_wait3A_3278] : memref<4x64x128xf32, #tpu.memory_space<vmem>> -> memref<1x64x128xf32, #tpu.memory_space<vmem>>
      %dma_wait3A_3280 = tpu.memref_squeeze %dma_wait3A_3279 : memref<1x64x128xf32, #tpu.memory_space<vmem>> -> memref<64x128xf32, #tpu.memory_space<vmem>>
      %dma_wait3A_3281 = arith.constant 0 : i32
      %dma_wait3A_3282 = arith.constant 0 : i32
      %dma_wait3A_3283 = tpu.memref_slice %arg5[%dma_wait3A_3281, %dma_wait3A_3282] : memref<64x1000000xf32, #tpu.memory_space<hbm>> -> memref<64x128xf32, #tpu.memory_space<hbm>>
      tpu.wait_dma2 semaphore(%arg16 : memref<!tpu.dma_semaphore, #tpu.memory_space<semaphore_mem>>) src(%dma_wait3A_3283 : memref<64x128xf32, #tpu.memory_space<hbm>>) dst(%dma_wait3A_3280 : memref<64x128xf32, #tpu.memory_space<vmem>>)
      %broadcast_in_dim3A_3284 = arith.constant 0.000000e+00 : f32
      %broadcast_in_dim3A_3285 = vector.broadcast %broadcast_in_dim3A_3284 : f32 to vector<16xf32>
      %broadcast_in_dim3A_3286 = arith.constant 0 : i32
      %broadcast_in_dim3A_3287 = vector.broadcast %broadcast_in_dim3A_3286 : i32 to vector<16xi32>
      %add3A_3288 = vector.broadcast %and3A_3235 : i32 to vector<16xi32>
      %add3A_3289 = arith.addi %broadcast_in_dim3A_3287, %add3A_3288 : vector<16xi32>
      %broadcast_in_dim3A_3290 = arith.constant 0 : i32
      %broadcast_in_dim3A_3291 = vector.broadcast %broadcast_in_dim3A_3290 : i32 to vector<16xi32>
      %add3A_3292 = vector.broadcast %and3A_3253 : i32 to vector<16xi32>
      %add3A_3293 = arith.addi %broadcast_in_dim3A_3291, %add3A_3292 : vector<16xi32>
      %add3A_3294 = arith.constant 0 : i32
      %add3A_3295 = vector.broadcast %add3A_3294 : i32 to vector<16xi32>
      %add3A_3296 = arith.addi %iota3A, %add3A_3295 : vector<16xi32>
      %gather3A_3297 = arith.constant 0 : i32
      %gather3A_3298 = arith.constant 0 : i32
      %gather3A_3299 = arith.constant 0 : i32
      %gather3A_3300 = tpu.memref_slice %arg11[%gather3A_3297, %gather3A_3298, %gather3A_3299] : memref<4x64x128xf32, #tpu.memory_space<vmem>> -> memref<1x64x128xf32, #tpu.memory_space<vmem>>
      %gather3A_3301 = tpu.memref_squeeze %gather3A_3300 : memref<1x64x128xf32, #tpu.memory_space<vmem>> -> memref<64x128xf32, #tpu.memory_space<vmem>>
      %gather3A_3302 = tpu.vector_load_idx %gather3A_3301[%add3A_3296, %add3A_3289] : memref<64x128xf32, #tpu.memory_space<vmem>>[vector<16xi32>, vector<16xi32>], vector<16xf32>,
      %gather3A_3303 = arith.constant 0 : i32
      %gather3A_3304 = arith.constant 0 : i32
      %gather3A_3305 = arith.constant 0 : i32
      %gather3A_3306 = tpu.memref_slice %arg12[%gather3A_3303, %gather3A_3304, %gather3A_3305] : memref<4x64x128xf32, #tpu.memory_space<vmem>> -> memref<1x64x128xf32, #tpu.memory_space<vmem>>
      %gather3A_3307 = tpu.memref_squeeze %gather3A_3306 : memref<1x64x128xf32, #tpu.memory_space<vmem>> -> memref<64x128xf32, #tpu.memory_space<vmem>>
      %gather3A_3308 = tpu.vector_load_idx %gather3A_3307[%add3A_3296, %add3A_3293] : memref<64x128xf32, #tpu.memory_space<vmem>>[vector<16xi32>, vector<16xi32>], vector<16xf32>,
      %mul3A_3309 = arith.mulf %gather3A_3302, %gather3A_3308 : vector<16xf32>
      %add3A_3310 = arith.addf %broadcast_in_dim3A_3285, %mul3A_3309 : vector<16xf32>
      %add3A_3311 = arith.constant 16 : i32
      %add3A_3312 = vector.broadcast %add3A_3311 : i32 to vector<16xi32>
      %add3A_3313 = arith.addi %iota3A, %add3A_3312 : vector<16xi32>
      %gather3A_3314 = arith.constant 0 : i32
      %gather3A_3315 = arith.constant 0 : i32
      %gather3A_3316 = arith.constant 0 : i32
      %gather3A_3317 = tpu.memref_slice %arg11[%gather3A_3314, %gather3A_3315, %gather3A_3316] : memref<4x64x128xf32, #tpu.memory_space<vmem>> -> memref<1x64x128xf32, #tpu.memory_space<vmem>>
      %gather3A_3318 = tpu.memref_squeeze %gather3A_3317 : memref<1x64x128xf32, #tpu.memory_space<vmem>> -> memref<64x128xf32, #tpu.memory_space<vmem>>
      %gather3A_3319 = tpu.vector_load_idx %gather3A_3318[%add3A_3313, %add3A_3289] : memref<64x128xf32, #tpu.memory_space<vmem>>[vector<16xi32>, vector<16xi32>], vector<16xf32>,
      %gather3A_3320 = arith.constant 0 : i32
      %gather3A_3321 = arith.constant 0 : i32
      %gather3A_3322 = arith.constant 0 : i32
      %gather3A_3323 = tpu.memref_slice %arg12[%gather3A_3320, %gather3A_3321, %gather3A_3322] : memref<4x64x128xf32, #tpu.memory_space<vmem>> -> memref<1x64x128xf32, #tpu.memory_space<vmem>>
      %gather3A_3324 = tpu.memref_squeeze %gather3A_3323 : memref<1x64x128xf32, #tpu.memory_space<vmem>> -> memref<64x128xf32, #tpu.memory_space<vmem>>
      %gather3A_3325 = tpu.vector_load_idx %gather3A_3324[%add3A_3313, %add3A_3293] : memref<64x128xf32, #tpu.memory_space<vmem>>[vector<16xi32>, vector<16xi32>], vector<16xf32>,
      %mul3A_3326 = arith.mulf %gather3A_3319, %gather3A_3325 : vector<16xf32>
      %add3A_3327 = arith.addf %add3A_3310, %mul3A_3326 : vector<16xf32>
      %add3A_3328 = arith.constant 32 : i32
      %add3A_3329 = vector.broadcast %add3A_3328 : i32 to vector<16xi32>
      %add3A_3330 = arith.addi %iota3A, %add3A_3329 : vector<16xi32>
      %gather3A_3331 = arith.constant 0 : i32
      %gather3A_3332 = arith.constant 0 : i32
      %gather3A_3333 = arith.constant 0 : i32
      %gather3A_3334 = tpu.memref_slice %arg11[%gather3A_3331, %gather3A_3332, %gather3A_3333] : memref<4x64x128xf32, #tpu.memory_space<vmem>> -> memref<1x64x128xf32, #tpu.memory_space<vmem>>
      %gather3A_3335 = tpu.memref_squeeze %gather3A_3334 : memref<1x64x128xf32, #tpu.memory_space<vmem>> -> memref<64x128xf32, #tpu.memory_space<vmem>>
      %gather3A_3336 = tpu.vector_load_idx %gather3A_3335[%add3A_3330, %add3A_3289] : memref<64x128xf32, #tpu.memory_space<vmem>>[vector<16xi32>, vector<16xi32>], vector<16xf32>,
      %gather3A_3337 = arith.constant 0 : i32
      %gather3A_3338 = arith.constant 0 : i32
      %gather3A_3339 = arith.constant 0 : i32
      %gather3A_3340 = tpu.memref_slice %arg12[%gather3A_3337, %gather3A_3338, %gather3A_3339] : memref<4x64x128xf32, #tpu.memory_space<vmem>> -> memref<1x64x128xf32, #tpu.memory_space<vmem>>
      %gather3A_3341 = tpu.memref_squeeze %gather3A_3340 : memref<1x64x128xf32, #tpu.memory_space<vmem>> -> memref<64x128xf32, #tpu.memory_space<vmem>>
      %gather3A_3342 = tpu.vector_load_idx %gather3A_3341[%add3A_3330, %add3A_3293] : memref<64x128xf32, #tpu.memory_space<vmem>>[vector<16xi32>, vector<16xi32>], vector<16xf32>,
      %mul3A_3343 = arith.mulf %gather3A_3336, %gather3A_3342 : vector<16xf32>
      %add3A_3344 = arith.addf %add3A_3327, %mul3A_3343 : vector<16xf32>
      %add3A_3345 = arith.constant 48 : i32
      %add3A_3346 = vector.broadcast %add3A_3345 : i32 to vector<16xi32>
      %add3A_3347 = arith.addi %iota3A, %add3A_3346 : vector<16xi32>
      %gather3A_3348 = arith.constant 0 : i32
      %gather3A_3349 = arith.constant 0 : i32
      %gather3A_3350 = arith.constant 0 : i32
      %gather3A_3351 = tpu.memref_slice %arg11[%gather3A_3348, %gather3A_3349, %gather3A_3350] : memref<4x64x128xf32, #tpu.memory_space<vmem>> -> memref<1x64x128xf32, #tpu.memory_space<vmem>>
      %gather3A_3352 = tpu.memref_squeeze %gather3A_3351 : memref<1x64x128xf32, #tpu.memory_space<vmem>> -> memref<64x128xf32, #tpu.memory_space<vmem>>
      %gather3A_3353 = tpu.vector_load_idx %gather3A_3352[%add3A_3347, %add3A_3289] : memref<64x128xf32, #tpu.memory_space<vmem>>[vector<16xi32>, vector<16xi32>], vector<16xf32>,
      %gather3A_3354 = arith.constant 0 : i32
      %gather3A_3355 = arith.constant 0 : i32
      %gather3A_3356 = arith.constant 0 : i32
      %gather3A_3357 = tpu.memref_slice %arg12[%gather3A_3354, %gather3A_3355, %gather3A_3356] : memref<4x64x128xf32, #tpu.memory_space<vmem>> -> memref<1x64x128xf32, #tpu.memory_space<vmem>>
      %gather3A_3358 = tpu.memref_squeeze %gather3A_3357 : memref<1x64x128xf32, #tpu.memory_space<vmem>> -> memref<64x128xf32, #tpu.memory_space<vmem>>
      %gather3A_3359 = tpu.vector_load_idx %gather3A_3358[%add3A_3347, %add3A_3293] : memref<64x128xf32, #tpu.memory_space<vmem>>[vector<16xi32>, vector<16xi32>], vector<16xf32>,
      %mul3A_3360 = arith.mulf %gather3A_3353, %gather3A_3359 : vector<16xf32>
      %add3A_3361 = arith.addf %add3A_3344, %mul3A_3360 : vector<16xf32>
      %reduce_sum3A_3362 = arith.constant true
      %reduce_sum3A_3363 = vector.broadcast %reduce_sum3A_3362 : i1 to vector<16xi1>
      %reduce_sum3A_3364 = tpu.scan <sum>, %add3A_3361 masked %reduce_sum3A_3363 : vector<16xf32>, vector<16xi1> -> vector<16xf32>
      %reduce_sum3A_3365 = vector.extract %reduce_sum3A_3364[15] : f32 from vector<16xf32>
      %eq3A_3366 = arith.constant 12 : i32
      %eq3A_3367 = vector.broadcast %eq3A_3366 : i32 to vector<16xi32>
      %eq3A_3368 = arith.cmpi eq, %iota3A, %eq3A_3367 : vector<16xi32>
      %jit3A_3369 = arith.constant 0.000000e+00 : f32
      %broadcast_in_dim3A_3370 = vector.broadcast %reduce_sum3A_3365 : f32 to vector<16xf32>
      %broadcast_in_dim3A_3371 = vector.broadcast %jit3A_3369 : f32 to vector<16xf32>
      %select_n3A_3372 = arith.select %eq3A_3368, %broadcast_in_dim3A_3370, %broadcast_in_dim3A_3371 : vector<16xi1>, vector<16xf32>
      %add3A_3373 = arith.addf %add3A_3155, %select_n3A_3372 : vector<16xf32>
      %iota3A_3374 = tpu.iota {dimensions = array<i32: 0>} : vector<16xi32>
      %eq3A_3375 = arith.constant 0 : i32
      %eq3A_3376 = vector.broadcast %eq3A_3375 : i32 to vector<16xi32>
      %eq3A_3377 = arith.cmpi eq, %iota3A_3374, %eq3A_3376 : vector<16xi32>
      %jit3A_3378 = arith.constant 0 : i32
      %broadcast_in_dim3A_3379 = vector.broadcast %jit3A_3378 : i32 to vector<16xi32>
      %select_n3A_3380 = arith.select %eq3A_3377, %get3A_590, %broadcast_in_dim3A_3379 : vector<16xi1>, vector<16xi32>
      %reduce_sum3A_3381 = arith.constant true
      %reduce_sum3A_3382 = vector.broadcast %reduce_sum3A_3381 : i1 to vector<16xi1>
      %reduce_sum3A_3383 = tpu.scan <sum>, %select_n3A_3380 masked %reduce_sum3A_3382 : vector<16xi32>, vector<16xi1> -> vector<16xi32>
      %reduce_sum3A_3384 = vector.extract %reduce_sum3A_3383[15] : i32 from vector<16xi32>
      %shift_right_arithmetic3A_3385 = arith.constant 7 : i32
      %shift_right_arithmetic3A_3386 = arith.shrsi %reduce_sum3A_3384, %shift_right_arithmetic3A_3385 : i32
      %mul3A_3387 = arith.constant 128 : i32
      %mul3A_3388 = arith.muli %shift_right_arithmetic3A_3386, %mul3A_3387 : i32
      %multiple_of3A_3389 = tpu.assume_multiple %mul3A_3388, 128 : i32
      %and3A_3390 = arith.constant 127 : i32
      %and3A_3391 = arith.andi %reduce_sum3A_3384, %and3A_3390 : i32
      %iota3A_3392 = tpu.iota {dimensions = array<i32: 0>} : vector<16xi32>
      %eq3A_3393 = arith.constant 0 : i32
      %eq3A_3394 = vector.broadcast %eq3A_3393 : i32 to vector<16xi32>
      %eq3A_3395 = arith.cmpi eq, %iota3A_3392, %eq3A_3394 : vector<16xi32>
      %jit3A_3396 = arith.constant 0 : i32
      %broadcast_in_dim3A_3397 = vector.broadcast %jit3A_3396 : i32 to vector<16xi32>
      %select_n3A_3398 = arith.select %eq3A_3395, %get3A_593, %broadcast_in_dim3A_3397 : vector<16xi1>, vector<16xi32>
      %reduce_sum3A_3399 = arith.constant true
      %reduce_sum3A_3400 = vector.broadcast %reduce_sum3A_3399 : i1 to vector<16xi1>
      %reduce_sum3A_3401 = tpu.scan <sum>, %select_n3A_3398 masked %reduce_sum3A_3400 : vector<16xi32>, vector<16xi1> -> vector<16xi32>
      %reduce_sum3A_3402 = vector.extract %reduce_sum3A_3401[15] : i32 from vector<16xi32>
      %shift_right_arithmetic3A_3403 = arith.constant 7 : i32
      %shift_right_arithmetic3A_3404 = arith.shrsi %reduce_sum3A_3402, %shift_right_arithmetic3A_3403 : i32
      %mul3A_3405 = arith.constant 128 : i32
      %mul3A_3406 = arith.muli %shift_right_arithmetic3A_3404, %mul3A_3405 : i32
      %multiple_of3A_3407 = tpu.assume_multiple %mul3A_3406, 128 : i32
      %and3A_3408 = arith.constant 127 : i32
      %and3A_3409 = arith.andi %reduce_sum3A_3402, %and3A_3408 : i32
      %dma_start3A_3410 = arith.constant 0 : i32
      %dma_start3A_3411 = arith.constant 0 : i32
      %dma_start3A_3412 = arith.constant 0 : i32
      %dma_start3A_3413 = tpu.memref_slice %arg11[%dma_start3A_3410, %dma_start3A_3411, %dma_start3A_3412] : memref<4x64x128xf32, #tpu.memory_space<vmem>> -> memref<1x64x128xf32, #tpu.memory_space<vmem>>
      %dma_start3A_3414 = tpu.memref_squeeze %dma_start3A_3413 : memref<1x64x128xf32, #tpu.memory_space<vmem>> -> memref<64x128xf32, #tpu.memory_space<vmem>>
      %dma_start3A_3415 = arith.constant 0 : i32
      %dma_start3A_3416 = tpu.memref_slice %arg4[%dma_start3A_3415, %multiple_of3A_3389] : memref<64x1000000xf32, #tpu.memory_space<hbm>> -> memref<64x128xf32, #tpu.memory_space<hbm>>
      %dma_start3A_3417 = arith.constant 0 : i32
      %dma_start3A_3418 = arith.constant 0 : i32
      %dma_start3A_3419 = tpu.memref_slice %arg11[%dma_start3A_3410, %dma_start3A_3417, %dma_start3A_3418] : memref<4x64x128xf32, #tpu.memory_space<vmem>> -> memref<1x64x128xf32, #tpu.memory_space<vmem>>
      %dma_start3A_3420 = tpu.memref_squeeze %dma_start3A_3419 : memref<1x64x128xf32, #tpu.memory_space<vmem>> -> memref<64x128xf32, #tpu.memory_space<vmem>>
      %dma_start3A_3421 = arith.constant 0 : i32
      %dma_start3A_3422 = tpu.memref_slice %arg4[%dma_start3A_3421, %multiple_of3A_3389] : memref<64x1000000xf32, #tpu.memory_space<hbm>> -> memref<64x128xf32, #tpu.memory_space<hbm>>
      tpu.enqueue_dma source(%dma_start3A_3422 : memref<64x128xf32, #tpu.memory_space<hbm>>) target(%dma_start3A_3420 : memref<64x128xf32, #tpu.memory_space<vmem>>) target_semaphore(%arg16 : memref<!tpu.dma_semaphore, #tpu.memory_space<semaphore_mem>>)
      %dma_start3A_3423 = arith.constant 0 : i32
      %dma_start3A_3424 = arith.constant 0 : i32
      %dma_start3A_3425 = arith.constant 0 : i32
      %dma_start3A_3426 = tpu.memref_slice %arg12[%dma_start3A_3423, %dma_start3A_3424, %dma_start3A_3425] : memref<4x64x128xf32, #tpu.memory_space<vmem>> -> memref<1x64x128xf32, #tpu.memory_space<vmem>>
      %dma_start3A_3427 = tpu.memref_squeeze %dma_start3A_3426 : memref<1x64x128xf32, #tpu.memory_space<vmem>> -> memref<64x128xf32, #tpu.memory_space<vmem>>
      %dma_start3A_3428 = arith.constant 0 : i32
      %dma_start3A_3429 = tpu.memref_slice %arg5[%dma_start3A_3428, %multiple_of3A_3407] : memref<64x1000000xf32, #tpu.memory_space<hbm>> -> memref<64x128xf32, #tpu.memory_space<hbm>>
      %dma_start3A_3430 = arith.constant 0 : i32
      %dma_start3A_3431 = arith.constant 0 : i32
      %dma_start3A_3432 = tpu.memref_slice %arg12[%dma_start3A_3423, %dma_start3A_3430, %dma_start3A_3431] : memref<4x64x128xf32, #tpu.memory_space<vmem>> -> memref<1x64x128xf32, #tpu.memory_space<vmem>>
      %dma_start3A_3433 = tpu.memref_squeeze %dma_start3A_3432 : memref<1x64x128xf32, #tpu.memory_space<vmem>> -> memref<64x128xf32, #tpu.memory_space<vmem>>
      %dma_start3A_3434 = arith.constant 0 : i32
      %dma_start3A_3435 = tpu.memref_slice %arg5[%dma_start3A_3434, %multiple_of3A_3407] : memref<64x1000000xf32, #tpu.memory_space<hbm>> -> memref<64x128xf32, #tpu.memory_space<hbm>>
      tpu.enqueue_dma source(%dma_start3A_3435 : memref<64x128xf32, #tpu.memory_space<hbm>>) target(%dma_start3A_3433 : memref<64x128xf32, #tpu.memory_space<vmem>>) target_semaphore(%arg16 : memref<!tpu.dma_semaphore, #tpu.memory_space<semaphore_mem>>)
      %iota3A_3436 = tpu.iota {dimensions = array<i32: 0>} : vector<16xi32>
      %eq3A_3437 = arith.constant 13 : i32
      %eq3A_3438 = vector.broadcast %eq3A_3437 : i32 to vector<16xi32>
      %eq3A_3439 = arith.cmpi eq, %iota3A_3436, %eq3A_3438 : vector<16xi32>
      %jit3A_3440 = arith.constant 0 : i32
      %broadcast_in_dim3A_3441 = vector.broadcast %jit3A_3440 : i32 to vector<16xi32>
      %select_n3A_3442 = arith.select %eq3A_3439, %get3A_539, %broadcast_in_dim3A_3441 : vector<16xi1>, vector<16xi32>
      %reduce_sum3A_3443 = arith.constant true
      %reduce_sum3A_3444 = vector.broadcast %reduce_sum3A_3443 : i1 to vector<16xi1>
      %reduce_sum3A_3445 = tpu.scan <sum>, %select_n3A_3442 masked %reduce_sum3A_3444 : vector<16xi32>, vector<16xi1> -> vector<16xi32>
      %reduce_sum3A_3446 = vector.extract %reduce_sum3A_3445[15] : i32 from vector<16xi32>
      %shift_right_arithmetic3A_3447 = arith.constant 7 : i32
      %shift_right_arithmetic3A_3448 = arith.shrsi %reduce_sum3A_3446, %shift_right_arithmetic3A_3447 : i32
      %mul3A_3449 = arith.constant 128 : i32
      %mul3A_3450 = arith.muli %shift_right_arithmetic3A_3448, %mul3A_3449 : i32
      %multiple_of3A_3451 = tpu.assume_multiple %mul3A_3450, 128 : i32
      %and3A_3452 = arith.constant 127 : i32
      %and3A_3453 = arith.andi %reduce_sum3A_3446, %and3A_3452 : i32
      %iota3A_3454 = tpu.iota {dimensions = array<i32: 0>} : vector<16xi32>
      %eq3A_3455 = arith.constant 13 : i32
      %eq3A_3456 = vector.broadcast %eq3A_3455 : i32 to vector<16xi32>
      %eq3A_3457 = arith.cmpi eq, %iota3A_3454, %eq3A_3456 : vector<16xi32>
      %jit3A_3458 = arith.constant 0 : i32
      %broadcast_in_dim3A_3459 = vector.broadcast %jit3A_3458 : i32 to vector<16xi32>
      %select_n3A_3460 = arith.select %eq3A_3457, %get3A_542, %broadcast_in_dim3A_3459 : vector<16xi1>, vector<16xi32>
      %reduce_sum3A_3461 = arith.constant true
      %reduce_sum3A_3462 = vector.broadcast %reduce_sum3A_3461 : i1 to vector<16xi1>
      %reduce_sum3A_3463 = tpu.scan <sum>, %select_n3A_3460 masked %reduce_sum3A_3462 : vector<16xi32>, vector<16xi1> -> vector<16xi32>
      %reduce_sum3A_3464 = vector.extract %reduce_sum3A_3463[15] : i32 from vector<16xi32>
      %shift_right_arithmetic3A_3465 = arith.constant 7 : i32
      %shift_right_arithmetic3A_3466 = arith.shrsi %reduce_sum3A_3464, %shift_right_arithmetic3A_3465 : i32
      %mul3A_3467 = arith.constant 128 : i32
      %mul3A_3468 = arith.muli %shift_right_arithmetic3A_3466, %mul3A_3467 : i32
      %multiple_of3A_3469 = tpu.assume_multiple %mul3A_3468, 128 : i32
      %and3A_3470 = arith.constant 127 : i32
      %and3A_3471 = arith.andi %reduce_sum3A_3464, %and3A_3470 : i32
      %dma_wait3A_3472 = arith.constant 1 : i32
      %dma_wait3A_3473 = arith.constant 0 : i32
      %dma_wait3A_3474 = arith.constant 0 : i32
      %dma_wait3A_3475 = tpu.memref_slice %arg11[%dma_wait3A_3472, %dma_wait3A_3473, %dma_wait3A_3474] : memref<4x64x128xf32, #tpu.memory_space<vmem>> -> memref<1x64x128xf32, #tpu.memory_space<vmem>>
      %dma_wait3A_3476 = tpu.memref_squeeze %dma_wait3A_3475 : memref<1x64x128xf32, #tpu.memory_space<vmem>> -> memref<64x128xf32, #tpu.memory_space<vmem>>
      %dma_wait3A_3477 = arith.constant 0 : i32
      %dma_wait3A_3478 = arith.constant 0 : i32
      %dma_wait3A_3479 = tpu.memref_slice %arg4[%dma_wait3A_3477, %dma_wait3A_3478] : memref<64x1000000xf32, #tpu.memory_space<hbm>> -> memref<64x128xf32, #tpu.memory_space<hbm>>
      %dma_wait3A_3480 = arith.constant 0 : i32
      %dma_wait3A_3481 = arith.constant 0 : i32
      %dma_wait3A_3482 = tpu.memref_slice %arg11[%dma_wait3A_3472, %dma_wait3A_3480, %dma_wait3A_3481] : memref<4x64x128xf32, #tpu.memory_space<vmem>> -> memref<1x64x128xf32, #tpu.memory_space<vmem>>
      %dma_wait3A_3483 = tpu.memref_squeeze %dma_wait3A_3482 : memref<1x64x128xf32, #tpu.memory_space<vmem>> -> memref<64x128xf32, #tpu.memory_space<vmem>>
      %dma_wait3A_3484 = arith.constant 0 : i32
      %dma_wait3A_3485 = arith.constant 0 : i32
      %dma_wait3A_3486 = tpu.memref_slice %arg4[%dma_wait3A_3484, %dma_wait3A_3485] : memref<64x1000000xf32, #tpu.memory_space<hbm>> -> memref<64x128xf32, #tpu.memory_space<hbm>>
      tpu.wait_dma2 semaphore(%arg16 : memref<!tpu.dma_semaphore, #tpu.memory_space<semaphore_mem>>) src(%dma_wait3A_3486 : memref<64x128xf32, #tpu.memory_space<hbm>>) dst(%dma_wait3A_3483 : memref<64x128xf32, #tpu.memory_space<vmem>>)
      %dma_wait3A_3487 = arith.constant 1 : i32
      %dma_wait3A_3488 = arith.constant 0 : i32
      %dma_wait3A_3489 = arith.constant 0 : i32
      %dma_wait3A_3490 = tpu.memref_slice %arg12[%dma_wait3A_3487, %dma_wait3A_3488, %dma_wait3A_3489] : memref<4x64x128xf32, #tpu.memory_space<vmem>> -> memref<1x64x128xf32, #tpu.memory_space<vmem>>
      %dma_wait3A_3491 = tpu.memref_squeeze %dma_wait3A_3490 : memref<1x64x128xf32, #tpu.memory_space<vmem>> -> memref<64x128xf32, #tpu.memory_space<vmem>>
      %dma_wait3A_3492 = arith.constant 0 : i32
      %dma_wait3A_3493 = arith.constant 0 : i32
      %dma_wait3A_3494 = tpu.memref_slice %arg5[%dma_wait3A_3492, %dma_wait3A_3493] : memref<64x1000000xf32, #tpu.memory_space<hbm>> -> memref<64x128xf32, #tpu.memory_space<hbm>>
      %dma_wait3A_3495 = arith.constant 0 : i32
      %dma_wait3A_3496 = arith.constant 0 : i32
      %dma_wait3A_3497 = tpu.memref_slice %arg12[%dma_wait3A_3487, %dma_wait3A_3495, %dma_wait3A_3496] : memref<4x64x128xf32, #tpu.memory_space<vmem>> -> memref<1x64x128xf32, #tpu.memory_space<vmem>>
      %dma_wait3A_3498 = tpu.memref_squeeze %dma_wait3A_3497 : memref<1x64x128xf32, #tpu.memory_space<vmem>> -> memref<64x128xf32, #tpu.memory_space<vmem>>
      %dma_wait3A_3499 = arith.constant 0 : i32
      %dma_wait3A_3500 = arith.constant 0 : i32
      %dma_wait3A_3501 = tpu.memref_slice %arg5[%dma_wait3A_3499, %dma_wait3A_3500] : memref<64x1000000xf32, #tpu.memory_space<hbm>> -> memref<64x128xf32, #tpu.memory_space<hbm>>
      tpu.wait_dma2 semaphore(%arg16 : memref<!tpu.dma_semaphore, #tpu.memory_space<semaphore_mem>>) src(%dma_wait3A_3501 : memref<64x128xf32, #tpu.memory_space<hbm>>) dst(%dma_wait3A_3498 : memref<64x128xf32, #tpu.memory_space<vmem>>)
      %broadcast_in_dim3A_3502 = arith.constant 0.000000e+00 : f32
      %broadcast_in_dim3A_3503 = vector.broadcast %broadcast_in_dim3A_3502 : f32 to vector<16xf32>
      %broadcast_in_dim3A_3504 = arith.constant 0 : i32
      %broadcast_in_dim3A_3505 = vector.broadcast %broadcast_in_dim3A_3504 : i32 to vector<16xi32>
      %add3A_3506 = vector.broadcast %and3A_3453 : i32 to vector<16xi32>
      %add3A_3507 = arith.addi %broadcast_in_dim3A_3505, %add3A_3506 : vector<16xi32>
      %broadcast_in_dim3A_3508 = arith.constant 0 : i32
      %broadcast_in_dim3A_3509 = vector.broadcast %broadcast_in_dim3A_3508 : i32 to vector<16xi32>
      %add3A_3510 = vector.broadcast %and3A_3471 : i32 to vector<16xi32>
      %add3A_3511 = arith.addi %broadcast_in_dim3A_3509, %add3A_3510 : vector<16xi32>
      %add3A_3512 = arith.constant 0 : i32
      %add3A_3513 = vector.broadcast %add3A_3512 : i32 to vector<16xi32>
      %add3A_3514 = arith.addi %iota3A, %add3A_3513 : vector<16xi32>
      %gather3A_3515 = arith.constant 1 : i32
      %gather3A_3516 = arith.constant 0 : i32
      %gather3A_3517 = arith.constant 0 : i32
      %gather3A_3518 = tpu.memref_slice %arg11[%gather3A_3515, %gather3A_3516, %gather3A_3517] : memref<4x64x128xf32, #tpu.memory_space<vmem>> -> memref<1x64x128xf32, #tpu.memory_space<vmem>>
      %gather3A_3519 = tpu.memref_squeeze %gather3A_3518 : memref<1x64x128xf32, #tpu.memory_space<vmem>> -> memref<64x128xf32, #tpu.memory_space<vmem>>
      %gather3A_3520 = tpu.vector_load_idx %gather3A_3519[%add3A_3514, %add3A_3507] : memref<64x128xf32, #tpu.memory_space<vmem>>[vector<16xi32>, vector<16xi32>], vector<16xf32>,
      %gather3A_3521 = arith.constant 1 : i32
      %gather3A_3522 = arith.constant 0 : i32
      %gather3A_3523 = arith.constant 0 : i32
      %gather3A_3524 = tpu.memref_slice %arg12[%gather3A_3521, %gather3A_3522, %gather3A_3523] : memref<4x64x128xf32, #tpu.memory_space<vmem>> -> memref<1x64x128xf32, #tpu.memory_space<vmem>>
      %gather3A_3525 = tpu.memref_squeeze %gather3A_3524 : memref<1x64x128xf32, #tpu.memory_space<vmem>> -> memref<64x128xf32, #tpu.memory_space<vmem>>
      %gather3A_3526 = tpu.vector_load_idx %gather3A_3525[%add3A_3514, %add3A_3511] : memref<64x128xf32, #tpu.memory_space<vmem>>[vector<16xi32>, vector<16xi32>], vector<16xf32>,
      %mul3A_3527 = arith.mulf %gather3A_3520, %gather3A_3526 : vector<16xf32>
      %add3A_3528 = arith.addf %broadcast_in_dim3A_3503, %mul3A_3527 : vector<16xf32>
      %add3A_3529 = arith.constant 16 : i32
      %add3A_3530 = vector.broadcast %add3A_3529 : i32 to vector<16xi32>
      %add3A_3531 = arith.addi %iota3A, %add3A_3530 : vector<16xi32>
      %gather3A_3532 = arith.constant 1 : i32
      %gather3A_3533 = arith.constant 0 : i32
      %gather3A_3534 = arith.constant 0 : i32
      %gather3A_3535 = tpu.memref_slice %arg11[%gather3A_3532, %gather3A_3533, %gather3A_3534] : memref<4x64x128xf32, #tpu.memory_space<vmem>> -> memref<1x64x128xf32, #tpu.memory_space<vmem>>
      %gather3A_3536 = tpu.memref_squeeze %gather3A_3535 : memref<1x64x128xf32, #tpu.memory_space<vmem>> -> memref<64x128xf32, #tpu.memory_space<vmem>>
      %gather3A_3537 = tpu.vector_load_idx %gather3A_3536[%add3A_3531, %add3A_3507] : memref<64x128xf32, #tpu.memory_space<vmem>>[vector<16xi32>, vector<16xi32>], vector<16xf32>,
      %gather3A_3538 = arith.constant 1 : i32
      %gather3A_3539 = arith.constant 0 : i32
      %gather3A_3540 = arith.constant 0 : i32
      %gather3A_3541 = tpu.memref_slice %arg12[%gather3A_3538, %gather3A_3539, %gather3A_3540] : memref<4x64x128xf32, #tpu.memory_space<vmem>> -> memref<1x64x128xf32, #tpu.memory_space<vmem>>
      %gather3A_3542 = tpu.memref_squeeze %gather3A_3541 : memref<1x64x128xf32, #tpu.memory_space<vmem>> -> memref<64x128xf32, #tpu.memory_space<vmem>>
      %gather3A_3543 = tpu.vector_load_idx %gather3A_3542[%add3A_3531, %add3A_3511] : memref<64x128xf32, #tpu.memory_space<vmem>>[vector<16xi32>, vector<16xi32>], vector<16xf32>,
      %mul3A_3544 = arith.mulf %gather3A_3537, %gather3A_3543 : vector<16xf32>
      %add3A_3545 = arith.addf %add3A_3528, %mul3A_3544 : vector<16xf32>
      %add3A_3546 = arith.constant 32 : i32
      %add3A_3547 = vector.broadcast %add3A_3546 : i32 to vector<16xi32>
      %add3A_3548 = arith.addi %iota3A, %add3A_3547 : vector<16xi32>
      %gather3A_3549 = arith.constant 1 : i32
      %gather3A_3550 = arith.constant 0 : i32
      %gather3A_3551 = arith.constant 0 : i32
      %gather3A_3552 = tpu.memref_slice %arg11[%gather3A_3549, %gather3A_3550, %gather3A_3551] : memref<4x64x128xf32, #tpu.memory_space<vmem>> -> memref<1x64x128xf32, #tpu.memory_space<vmem>>
      %gather3A_3553 = tpu.memref_squeeze %gather3A_3552 : memref<1x64x128xf32, #tpu.memory_space<vmem>> -> memref<64x128xf32, #tpu.memory_space<vmem>>
      %gather3A_3554 = tpu.vector_load_idx %gather3A_3553[%add3A_3548, %add3A_3507] : memref<64x128xf32, #tpu.memory_space<vmem>>[vector<16xi32>, vector<16xi32>], vector<16xf32>,
      %gather3A_3555 = arith.constant 1 : i32
      %gather3A_3556 = arith.constant 0 : i32
      %gather3A_3557 = arith.constant 0 : i32
      %gather3A_3558 = tpu.memref_slice %arg12[%gather3A_3555, %gather3A_3556, %gather3A_3557] : memref<4x64x128xf32, #tpu.memory_space<vmem>> -> memref<1x64x128xf32, #tpu.memory_space<vmem>>
      %gather3A_3559 = tpu.memref_squeeze %gather3A_3558 : memref<1x64x128xf32, #tpu.memory_space<vmem>> -> memref<64x128xf32, #tpu.memory_space<vmem>>
      %gather3A_3560 = tpu.vector_load_idx %gather3A_3559[%add3A_3548, %add3A_3511] : memref<64x128xf32, #tpu.memory_space<vmem>>[vector<16xi32>, vector<16xi32>], vector<16xf32>,
      %mul3A_3561 = arith.mulf %gather3A_3554, %gather3A_3560 : vector<16xf32>
      %add3A_3562 = arith.addf %add3A_3545, %mul3A_3561 : vector<16xf32>
      %add3A_3563 = arith.constant 48 : i32
      %add3A_3564 = vector.broadcast %add3A_3563 : i32 to vector<16xi32>
      %add3A_3565 = arith.addi %iota3A, %add3A_3564 : vector<16xi32>
      %gather3A_3566 = arith.constant 1 : i32
      %gather3A_3567 = arith.constant 0 : i32
      %gather3A_3568 = arith.constant 0 : i32
      %gather3A_3569 = tpu.memref_slice %arg11[%gather3A_3566, %gather3A_3567, %gather3A_3568] : memref<4x64x128xf32, #tpu.memory_space<vmem>> -> memref<1x64x128xf32, #tpu.memory_space<vmem>>
      %gather3A_3570 = tpu.memref_squeeze %gather3A_3569 : memref<1x64x128xf32, #tpu.memory_space<vmem>> -> memref<64x128xf32, #tpu.memory_space<vmem>>
      %gather3A_3571 = tpu.vector_load_idx %gather3A_3570[%add3A_3565, %add3A_3507] : memref<64x128xf32, #tpu.memory_space<vmem>>[vector<16xi32>, vector<16xi32>], vector<16xf32>,
      %gather3A_3572 = arith.constant 1 : i32
      %gather3A_3573 = arith.constant 0 : i32
      %gather3A_3574 = arith.constant 0 : i32
      %gather3A_3575 = tpu.memref_slice %arg12[%gather3A_3572, %gather3A_3573, %gather3A_3574] : memref<4x64x128xf32, #tpu.memory_space<vmem>> -> memref<1x64x128xf32, #tpu.memory_space<vmem>>
      %gather3A_3576 = tpu.memref_squeeze %gather3A_3575 : memref<1x64x128xf32, #tpu.memory_space<vmem>> -> memref<64x128xf32, #tpu.memory_space<vmem>>
      %gather3A_3577 = tpu.vector_load_idx %gather3A_3576[%add3A_3565, %add3A_3511] : memref<64x128xf32, #tpu.memory_space<vmem>>[vector<16xi32>, vector<16xi32>], vector<16xf32>,
      %mul3A_3578 = arith.mulf %gather3A_3571, %gather3A_3577 : vector<16xf32>
      %add3A_3579 = arith.addf %add3A_3562, %mul3A_3578 : vector<16xf32>
      %reduce_sum3A_3580 = arith.constant true
      %reduce_sum3A_3581 = vector.broadcast %reduce_sum3A_3580 : i1 to vector<16xi1>
      %reduce_sum3A_3582 = tpu.scan <sum>, %add3A_3579 masked %reduce_sum3A_3581 : vector<16xf32>, vector<16xi1> -> vector<16xf32>
      %reduce_sum3A_3583 = vector.extract %reduce_sum3A_3582[15] : f32 from vector<16xf32>
      %eq3A_3584 = arith.constant 13 : i32
      %eq3A_3585 = vector.broadcast %eq3A_3584 : i32 to vector<16xi32>
      %eq3A_3586 = arith.cmpi eq, %iota3A, %eq3A_3585 : vector<16xi32>
      %jit3A_3587 = arith.constant 0.000000e+00 : f32
      %broadcast_in_dim3A_3588 = vector.broadcast %reduce_sum3A_3583 : f32 to vector<16xf32>
      %broadcast_in_dim3A_3589 = vector.broadcast %jit3A_3587 : f32 to vector<16xf32>
      %select_n3A_3590 = arith.select %eq3A_3586, %broadcast_in_dim3A_3588, %broadcast_in_dim3A_3589 : vector<16xi1>, vector<16xf32>
      %add3A_3591 = arith.addf %add3A_3373, %select_n3A_3590 : vector<16xf32>
      %iota3A_3592 = tpu.iota {dimensions = array<i32: 0>} : vector<16xi32>
      %eq3A_3593 = arith.constant 1 : i32
      %eq3A_3594 = vector.broadcast %eq3A_3593 : i32 to vector<16xi32>
      %eq3A_3595 = arith.cmpi eq, %iota3A_3592, %eq3A_3594 : vector<16xi32>
      %jit3A_3596 = arith.constant 0 : i32
      %broadcast_in_dim3A_3597 = vector.broadcast %jit3A_3596 : i32 to vector<16xi32>
      %select_n3A_3598 = arith.select %eq3A_3595, %get3A_590, %broadcast_in_dim3A_3597 : vector<16xi1>, vector<16xi32>
      %reduce_sum3A_3599 = arith.constant true
      %reduce_sum3A_3600 = vector.broadcast %reduce_sum3A_3599 : i1 to vector<16xi1>
      %reduce_sum3A_3601 = tpu.scan <sum>, %select_n3A_3598 masked %reduce_sum3A_3600 : vector<16xi32>, vector<16xi1> -> vector<16xi32>
      %reduce_sum3A_3602 = vector.extract %reduce_sum3A_3601[15] : i32 from vector<16xi32>
      %shift_right_arithmetic3A_3603 = arith.constant 7 : i32
      %shift_right_arithmetic3A_3604 = arith.shrsi %reduce_sum3A_3602, %shift_right_arithmetic3A_3603 : i32
      %mul3A_3605 = arith.constant 128 : i32
      %mul3A_3606 = arith.muli %shift_right_arithmetic3A_3604, %mul3A_3605 : i32
      %multiple_of3A_3607 = tpu.assume_multiple %mul3A_3606, 128 : i32
      %and3A_3608 = arith.constant 127 : i32
      %and3A_3609 = arith.andi %reduce_sum3A_3602, %and3A_3608 : i32
      %iota3A_3610 = tpu.iota {dimensions = array<i32: 0>} : vector<16xi32>
      %eq3A_3611 = arith.constant 1 : i32
      %eq3A_3612 = vector.broadcast %eq3A_3611 : i32 to vector<16xi32>
      %eq3A_3613 = arith.cmpi eq, %iota3A_3610, %eq3A_3612 : vector<16xi32>
      %jit3A_3614 = arith.constant 0 : i32
      %broadcast_in_dim3A_3615 = vector.broadcast %jit3A_3614 : i32 to vector<16xi32>
      %select_n3A_3616 = arith.select %eq3A_3613, %get3A_593, %broadcast_in_dim3A_3615 : vector<16xi1>, vector<16xi32>
      %reduce_sum3A_3617 = arith.constant true
      %reduce_sum3A_3618 = vector.broadcast %reduce_sum3A_3617 : i1 to vector<16xi1>
      %reduce_sum3A_3619 = tpu.scan <sum>, %select_n3A_3616 masked %reduce_sum3A_3618 : vector<16xi32>, vector<16xi1> -> vector<16xi32>
      %reduce_sum3A_3620 = vector.extract %reduce_sum3A_3619[15] : i32 from vector<16xi32>
      %shift_right_arithmetic3A_3621 = arith.constant 7 : i32
      %shift_right_arithmetic3A_3622 = arith.shrsi %reduce_sum3A_3620, %shift_right_arithmetic3A_3621 : i32
      %mul3A_3623 = arith.constant 128 : i32
      %mul3A_3624 = arith.muli %shift_right_arithmetic3A_3622, %mul3A_3623 : i32
      %multiple_of3A_3625 = tpu.assume_multiple %mul3A_3624, 128 : i32
      %and3A_3626 = arith.constant 127 : i32
      %and3A_3627 = arith.andi %reduce_sum3A_3620, %and3A_3626 : i32
      %dma_start3A_3628 = arith.constant 1 : i32
      %dma_start3A_3629 = arith.constant 0 : i32
      %dma_start3A_3630 = arith.constant 0 : i32
      %dma_start3A_3631 = tpu.memref_slice %arg11[%dma_start3A_3628, %dma_start3A_3629, %dma_start3A_3630] : memref<4x64x128xf32, #tpu.memory_space<vmem>> -> memref<1x64x128xf32, #tpu.memory_space<vmem>>
      %dma_start3A_3632 = tpu.memref_squeeze %dma_start3A_3631 : memref<1x64x128xf32, #tpu.memory_space<vmem>> -> memref<64x128xf32, #tpu.memory_space<vmem>>
      %dma_start3A_3633 = arith.constant 0 : i32
      %dma_start3A_3634 = tpu.memref_slice %arg4[%dma_start3A_3633, %multiple_of3A_3607] : memref<64x1000000xf32, #tpu.memory_space<hbm>> -> memref<64x128xf32, #tpu.memory_space<hbm>>
      %dma_start3A_3635 = arith.constant 0 : i32
      %dma_start3A_3636 = arith.constant 0 : i32
      %dma_start3A_3637 = tpu.memref_slice %arg11[%dma_start3A_3628, %dma_start3A_3635, %dma_start3A_3636] : memref<4x64x128xf32, #tpu.memory_space<vmem>> -> memref<1x64x128xf32, #tpu.memory_space<vmem>>
      %dma_start3A_3638 = tpu.memref_squeeze %dma_start3A_3637 : memref<1x64x128xf32, #tpu.memory_space<vmem>> -> memref<64x128xf32, #tpu.memory_space<vmem>>
      %dma_start3A_3639 = arith.constant 0 : i32
      %dma_start3A_3640 = tpu.memref_slice %arg4[%dma_start3A_3639, %multiple_of3A_3607] : memref<64x1000000xf32, #tpu.memory_space<hbm>> -> memref<64x128xf32, #tpu.memory_space<hbm>>
      tpu.enqueue_dma source(%dma_start3A_3640 : memref<64x128xf32, #tpu.memory_space<hbm>>) target(%dma_start3A_3638 : memref<64x128xf32, #tpu.memory_space<vmem>>) target_semaphore(%arg16 : memref<!tpu.dma_semaphore, #tpu.memory_space<semaphore_mem>>)
      %dma_start3A_3641 = arith.constant 1 : i32
      %dma_start3A_3642 = arith.constant 0 : i32
      %dma_start3A_3643 = arith.constant 0 : i32
      %dma_start3A_3644 = tpu.memref_slice %arg12[%dma_start3A_3641, %dma_start3A_3642, %dma_start3A_3643] : memref<4x64x128xf32, #tpu.memory_space<vmem>> -> memref<1x64x128xf32, #tpu.memory_space<vmem>>
      %dma_start3A_3645 = tpu.memref_squeeze %dma_start3A_3644 : memref<1x64x128xf32, #tpu.memory_space<vmem>> -> memref<64x128xf32, #tpu.memory_space<vmem>>
      %dma_start3A_3646 = arith.constant 0 : i32
      %dma_start3A_3647 = tpu.memref_slice %arg5[%dma_start3A_3646, %multiple_of3A_3625] : memref<64x1000000xf32, #tpu.memory_space<hbm>> -> memref<64x128xf32, #tpu.memory_space<hbm>>
      %dma_start3A_3648 = arith.constant 0 : i32
      %dma_start3A_3649 = arith.constant 0 : i32
      %dma_start3A_3650 = tpu.memref_slice %arg12[%dma_start3A_3641, %dma_start3A_3648, %dma_start3A_3649] : memref<4x64x128xf32, #tpu.memory_space<vmem>> -> memref<1x64x128xf32, #tpu.memory_space<vmem>>
      %dma_start3A_3651 = tpu.memref_squeeze %dma_start3A_3650 : memref<1x64x128xf32, #tpu.memory_space<vmem>> -> memref<64x128xf32, #tpu.memory_space<vmem>>
      %dma_start3A_3652 = arith.constant 0 : i32
      %dma_start3A_3653 = tpu.memref_slice %arg5[%dma_start3A_3652, %multiple_of3A_3625] : memref<64x1000000xf32, #tpu.memory_space<hbm>> -> memref<64x128xf32, #tpu.memory_space<hbm>>
      tpu.enqueue_dma source(%dma_start3A_3653 : memref<64x128xf32, #tpu.memory_space<hbm>>) target(%dma_start3A_3651 : memref<64x128xf32, #tpu.memory_space<vmem>>) target_semaphore(%arg16 : memref<!tpu.dma_semaphore, #tpu.memory_space<semaphore_mem>>)
      %iota3A_3654 = tpu.iota {dimensions = array<i32: 0>} : vector<16xi32>
      %eq3A_3655 = arith.constant 14 : i32
      %eq3A_3656 = vector.broadcast %eq3A_3655 : i32 to vector<16xi32>
      %eq3A_3657 = arith.cmpi eq, %iota3A_3654, %eq3A_3656 : vector<16xi32>
      %jit3A_3658 = arith.constant 0 : i32
      %broadcast_in_dim3A_3659 = vector.broadcast %jit3A_3658 : i32 to vector<16xi32>
      %select_n3A_3660 = arith.select %eq3A_3657, %get3A_539, %broadcast_in_dim3A_3659 : vector<16xi1>, vector<16xi32>
      %reduce_sum3A_3661 = arith.constant true
      %reduce_sum3A_3662 = vector.broadcast %reduce_sum3A_3661 : i1 to vector<16xi1>
      %reduce_sum3A_3663 = tpu.scan <sum>, %select_n3A_3660 masked %reduce_sum3A_3662 : vector<16xi32>, vector<16xi1> -> vector<16xi32>
      %reduce_sum3A_3664 = vector.extract %reduce_sum3A_3663[15] : i32 from vector<16xi32>
      %shift_right_arithmetic3A_3665 = arith.constant 7 : i32
      %shift_right_arithmetic3A_3666 = arith.shrsi %reduce_sum3A_3664, %shift_right_arithmetic3A_3665 : i32
      %mul3A_3667 = arith.constant 128 : i32
      %mul3A_3668 = arith.muli %shift_right_arithmetic3A_3666, %mul3A_3667 : i32
      %multiple_of3A_3669 = tpu.assume_multiple %mul3A_3668, 128 : i32
      %and3A_3670 = arith.constant 127 : i32
      %and3A_3671 = arith.andi %reduce_sum3A_3664, %and3A_3670 : i32
      %iota3A_3672 = tpu.iota {dimensions = array<i32: 0>} : vector<16xi32>
      %eq3A_3673 = arith.constant 14 : i32
      %eq3A_3674 = vector.broadcast %eq3A_3673 : i32 to vector<16xi32>
      %eq3A_3675 = arith.cmpi eq, %iota3A_3672, %eq3A_3674 : vector<16xi32>
      %jit3A_3676 = arith.constant 0 : i32
      %broadcast_in_dim3A_3677 = vector.broadcast %jit3A_3676 : i32 to vector<16xi32>
      %select_n3A_3678 = arith.select %eq3A_3675, %get3A_542, %broadcast_in_dim3A_3677 : vector<16xi1>, vector<16xi32>
      %reduce_sum3A_3679 = arith.constant true
      %reduce_sum3A_3680 = vector.broadcast %reduce_sum3A_3679 : i1 to vector<16xi1>
      %reduce_sum3A_3681 = tpu.scan <sum>, %select_n3A_3678 masked %reduce_sum3A_3680 : vector<16xi32>, vector<16xi1> -> vector<16xi32>
      %reduce_sum3A_3682 = vector.extract %reduce_sum3A_3681[15] : i32 from vector<16xi32>
      %shift_right_arithmetic3A_3683 = arith.constant 7 : i32
      %shift_right_arithmetic3A_3684 = arith.shrsi %reduce_sum3A_3682, %shift_right_arithmetic3A_3683 : i32
      %mul3A_3685 = arith.constant 128 : i32
      %mul3A_3686 = arith.muli %shift_right_arithmetic3A_3684, %mul3A_3685 : i32
      %multiple_of3A_3687 = tpu.assume_multiple %mul3A_3686, 128 : i32
      %and3A_3688 = arith.constant 127 : i32
      %and3A_3689 = arith.andi %reduce_sum3A_3682, %and3A_3688 : i32
      %dma_wait3A_3690 = arith.constant 2 : i32
      %dma_wait3A_3691 = arith.constant 0 : i32
      %dma_wait3A_3692 = arith.constant 0 : i32
      %dma_wait3A_3693 = tpu.memref_slice %arg11[%dma_wait3A_3690, %dma_wait3A_3691, %dma_wait3A_3692] : memref<4x64x128xf32, #tpu.memory_space<vmem>> -> memref<1x64x128xf32, #tpu.memory_space<vmem>>
      %dma_wait3A_3694 = tpu.memref_squeeze %dma_wait3A_3693 : memref<1x64x128xf32, #tpu.memory_space<vmem>> -> memref<64x128xf32, #tpu.memory_space<vmem>>
      %dma_wait3A_3695 = arith.constant 0 : i32
      %dma_wait3A_3696 = arith.constant 0 : i32
      %dma_wait3A_3697 = tpu.memref_slice %arg4[%dma_wait3A_3695, %dma_wait3A_3696] : memref<64x1000000xf32, #tpu.memory_space<hbm>> -> memref<64x128xf32, #tpu.memory_space<hbm>>
      %dma_wait3A_3698 = arith.constant 0 : i32
      %dma_wait3A_3699 = arith.constant 0 : i32
      %dma_wait3A_3700 = tpu.memref_slice %arg11[%dma_wait3A_3690, %dma_wait3A_3698, %dma_wait3A_3699] : memref<4x64x128xf32, #tpu.memory_space<vmem>> -> memref<1x64x128xf32, #tpu.memory_space<vmem>>
      %dma_wait3A_3701 = tpu.memref_squeeze %dma_wait3A_3700 : memref<1x64x128xf32, #tpu.memory_space<vmem>> -> memref<64x128xf32, #tpu.memory_space<vmem>>
      %dma_wait3A_3702 = arith.constant 0 : i32
      %dma_wait3A_3703 = arith.constant 0 : i32
      %dma_wait3A_3704 = tpu.memref_slice %arg4[%dma_wait3A_3702, %dma_wait3A_3703] : memref<64x1000000xf32, #tpu.memory_space<hbm>> -> memref<64x128xf32, #tpu.memory_space<hbm>>
      tpu.wait_dma2 semaphore(%arg16 : memref<!tpu.dma_semaphore, #tpu.memory_space<semaphore_mem>>) src(%dma_wait3A_3704 : memref<64x128xf32, #tpu.memory_space<hbm>>) dst(%dma_wait3A_3701 : memref<64x128xf32, #tpu.memory_space<vmem>>)
      %dma_wait3A_3705 = arith.constant 2 : i32
      %dma_wait3A_3706 = arith.constant 0 : i32
      %dma_wait3A_3707 = arith.constant 0 : i32
      %dma_wait3A_3708 = tpu.memref_slice %arg12[%dma_wait3A_3705, %dma_wait3A_3706, %dma_wait3A_3707] : memref<4x64x128xf32, #tpu.memory_space<vmem>> -> memref<1x64x128xf32, #tpu.memory_space<vmem>>
      %dma_wait3A_3709 = tpu.memref_squeeze %dma_wait3A_3708 : memref<1x64x128xf32, #tpu.memory_space<vmem>> -> memref<64x128xf32, #tpu.memory_space<vmem>>
      %dma_wait3A_3710 = arith.constant 0 : i32
      %dma_wait3A_3711 = arith.constant 0 : i32
      %dma_wait3A_3712 = tpu.memref_slice %arg5[%dma_wait3A_3710, %dma_wait3A_3711] : memref<64x1000000xf32, #tpu.memory_space<hbm>> -> memref<64x128xf32, #tpu.memory_space<hbm>>
      %dma_wait3A_3713 = arith.constant 0 : i32
      %dma_wait3A_3714 = arith.constant 0 : i32
      %dma_wait3A_3715 = tpu.memref_slice %arg12[%dma_wait3A_3705, %dma_wait3A_3713, %dma_wait3A_3714] : memref<4x64x128xf32, #tpu.memory_space<vmem>> -> memref<1x64x128xf32, #tpu.memory_space<vmem>>
      %dma_wait3A_3716 = tpu.memref_squeeze %dma_wait3A_3715 : memref<1x64x128xf32, #tpu.memory_space<vmem>> -> memref<64x128xf32, #tpu.memory_space<vmem>>
      %dma_wait3A_3717 = arith.constant 0 : i32
      %dma_wait3A_3718 = arith.constant 0 : i32
      %dma_wait3A_3719 = tpu.memref_slice %arg5[%dma_wait3A_3717, %dma_wait3A_3718] : memref<64x1000000xf32, #tpu.memory_space<hbm>> -> memref<64x128xf32, #tpu.memory_space<hbm>>
      tpu.wait_dma2 semaphore(%arg16 : memref<!tpu.dma_semaphore, #tpu.memory_space<semaphore_mem>>) src(%dma_wait3A_3719 : memref<64x128xf32, #tpu.memory_space<hbm>>) dst(%dma_wait3A_3716 : memref<64x128xf32, #tpu.memory_space<vmem>>)
      %broadcast_in_dim3A_3720 = arith.constant 0.000000e+00 : f32
      %broadcast_in_dim3A_3721 = vector.broadcast %broadcast_in_dim3A_3720 : f32 to vector<16xf32>
      %broadcast_in_dim3A_3722 = arith.constant 0 : i32
      %broadcast_in_dim3A_3723 = vector.broadcast %broadcast_in_dim3A_3722 : i32 to vector<16xi32>
      %add3A_3724 = vector.broadcast %and3A_3671 : i32 to vector<16xi32>
      %add3A_3725 = arith.addi %broadcast_in_dim3A_3723, %add3A_3724 : vector<16xi32>
      %broadcast_in_dim3A_3726 = arith.constant 0 : i32
      %broadcast_in_dim3A_3727 = vector.broadcast %broadcast_in_dim3A_3726 : i32 to vector<16xi32>
      %add3A_3728 = vector.broadcast %and3A_3689 : i32 to vector<16xi32>
      %add3A_3729 = arith.addi %broadcast_in_dim3A_3727, %add3A_3728 : vector<16xi32>
      %add3A_3730 = arith.constant 0 : i32
      %add3A_3731 = vector.broadcast %add3A_3730 : i32 to vector<16xi32>
      %add3A_3732 = arith.addi %iota3A, %add3A_3731 : vector<16xi32>
      %gather3A_3733 = arith.constant 2 : i32
      %gather3A_3734 = arith.constant 0 : i32
      %gather3A_3735 = arith.constant 0 : i32
      %gather3A_3736 = tpu.memref_slice %arg11[%gather3A_3733, %gather3A_3734, %gather3A_3735] : memref<4x64x128xf32, #tpu.memory_space<vmem>> -> memref<1x64x128xf32, #tpu.memory_space<vmem>>
      %gather3A_3737 = tpu.memref_squeeze %gather3A_3736 : memref<1x64x128xf32, #tpu.memory_space<vmem>> -> memref<64x128xf32, #tpu.memory_space<vmem>>
      %gather3A_3738 = tpu.vector_load_idx %gather3A_3737[%add3A_3732, %add3A_3725] : memref<64x128xf32, #tpu.memory_space<vmem>>[vector<16xi32>, vector<16xi32>], vector<16xf32>,
      %gather3A_3739 = arith.constant 2 : i32
      %gather3A_3740 = arith.constant 0 : i32
      %gather3A_3741 = arith.constant 0 : i32
      %gather3A_3742 = tpu.memref_slice %arg12[%gather3A_3739, %gather3A_3740, %gather3A_3741] : memref<4x64x128xf32, #tpu.memory_space<vmem>> -> memref<1x64x128xf32, #tpu.memory_space<vmem>>
      %gather3A_3743 = tpu.memref_squeeze %gather3A_3742 : memref<1x64x128xf32, #tpu.memory_space<vmem>> -> memref<64x128xf32, #tpu.memory_space<vmem>>
      %gather3A_3744 = tpu.vector_load_idx %gather3A_3743[%add3A_3732, %add3A_3729] : memref<64x128xf32, #tpu.memory_space<vmem>>[vector<16xi32>, vector<16xi32>], vector<16xf32>,
      %mul3A_3745 = arith.mulf %gather3A_3738, %gather3A_3744 : vector<16xf32>
      %add3A_3746 = arith.addf %broadcast_in_dim3A_3721, %mul3A_3745 : vector<16xf32>
      %add3A_3747 = arith.constant 16 : i32
      %add3A_3748 = vector.broadcast %add3A_3747 : i32 to vector<16xi32>
      %add3A_3749 = arith.addi %iota3A, %add3A_3748 : vector<16xi32>
      %gather3A_3750 = arith.constant 2 : i32
      %gather3A_3751 = arith.constant 0 : i32
      %gather3A_3752 = arith.constant 0 : i32
      %gather3A_3753 = tpu.memref_slice %arg11[%gather3A_3750, %gather3A_3751, %gather3A_3752] : memref<4x64x128xf32, #tpu.memory_space<vmem>> -> memref<1x64x128xf32, #tpu.memory_space<vmem>>
      %gather3A_3754 = tpu.memref_squeeze %gather3A_3753 : memref<1x64x128xf32, #tpu.memory_space<vmem>> -> memref<64x128xf32, #tpu.memory_space<vmem>>
      %gather3A_3755 = tpu.vector_load_idx %gather3A_3754[%add3A_3749, %add3A_3725] : memref<64x128xf32, #tpu.memory_space<vmem>>[vector<16xi32>, vector<16xi32>], vector<16xf32>,
      %gather3A_3756 = arith.constant 2 : i32
      %gather3A_3757 = arith.constant 0 : i32
      %gather3A_3758 = arith.constant 0 : i32
      %gather3A_3759 = tpu.memref_slice %arg12[%gather3A_3756, %gather3A_3757, %gather3A_3758] : memref<4x64x128xf32, #tpu.memory_space<vmem>> -> memref<1x64x128xf32, #tpu.memory_space<vmem>>
      %gather3A_3760 = tpu.memref_squeeze %gather3A_3759 : memref<1x64x128xf32, #tpu.memory_space<vmem>> -> memref<64x128xf32, #tpu.memory_space<vmem>>
      %gather3A_3761 = tpu.vector_load_idx %gather3A_3760[%add3A_3749, %add3A_3729] : memref<64x128xf32, #tpu.memory_space<vmem>>[vector<16xi32>, vector<16xi32>], vector<16xf32>,
      %mul3A_3762 = arith.mulf %gather3A_3755, %gather3A_3761 : vector<16xf32>
      %add3A_3763 = arith.addf %add3A_3746, %mul3A_3762 : vector<16xf32>
      %add3A_3764 = arith.constant 32 : i32
      %add3A_3765 = vector.broadcast %add3A_3764 : i32 to vector<16xi32>
      %add3A_3766 = arith.addi %iota3A, %add3A_3765 : vector<16xi32>
      %gather3A_3767 = arith.constant 2 : i32
      %gather3A_3768 = arith.constant 0 : i32
      %gather3A_3769 = arith.constant 0 : i32
      %gather3A_3770 = tpu.memref_slice %arg11[%gather3A_3767, %gather3A_3768, %gather3A_3769] : memref<4x64x128xf32, #tpu.memory_space<vmem>> -> memref<1x64x128xf32, #tpu.memory_space<vmem>>
      %gather3A_3771 = tpu.memref_squeeze %gather3A_3770 : memref<1x64x128xf32, #tpu.memory_space<vmem>> -> memref<64x128xf32, #tpu.memory_space<vmem>>
      %gather3A_3772 = tpu.vector_load_idx %gather3A_3771[%add3A_3766, %add3A_3725] : memref<64x128xf32, #tpu.memory_space<vmem>>[vector<16xi32>, vector<16xi32>], vector<16xf32>,
      %gather3A_3773 = arith.constant 2 : i32
      %gather3A_3774 = arith.constant 0 : i32
      %gather3A_3775 = arith.constant 0 : i32
      %gather3A_3776 = tpu.memref_slice %arg12[%gather3A_3773, %gather3A_3774, %gather3A_3775] : memref<4x64x128xf32, #tpu.memory_space<vmem>> -> memref<1x64x128xf32, #tpu.memory_space<vmem>>
      %gather3A_3777 = tpu.memref_squeeze %gather3A_3776 : memref<1x64x128xf32, #tpu.memory_space<vmem>> -> memref<64x128xf32, #tpu.memory_space<vmem>>
      %gather3A_3778 = tpu.vector_load_idx %gather3A_3777[%add3A_3766, %add3A_3729] : memref<64x128xf32, #tpu.memory_space<vmem>>[vector<16xi32>, vector<16xi32>], vector<16xf32>,
      %mul3A_3779 = arith.mulf %gather3A_3772, %gather3A_3778 : vector<16xf32>
      %add3A_3780 = arith.addf %add3A_3763, %mul3A_3779 : vector<16xf32>
      %add3A_3781 = arith.constant 48 : i32
      %add3A_3782 = vector.broadcast %add3A_3781 : i32 to vector<16xi32>
      %add3A_3783 = arith.addi %iota3A, %add3A_3782 : vector<16xi32>
      %gather3A_3784 = arith.constant 2 : i32
      %gather3A_3785 = arith.constant 0 : i32
      %gather3A_3786 = arith.constant 0 : i32
      %gather3A_3787 = tpu.memref_slice %arg11[%gather3A_3784, %gather3A_3785, %gather3A_3786] : memref<4x64x128xf32, #tpu.memory_space<vmem>> -> memref<1x64x128xf32, #tpu.memory_space<vmem>>
      %gather3A_3788 = tpu.memref_squeeze %gather3A_3787 : memref<1x64x128xf32, #tpu.memory_space<vmem>> -> memref<64x128xf32, #tpu.memory_space<vmem>>
      %gather3A_3789 = tpu.vector_load_idx %gather3A_3788[%add3A_3783, %add3A_3725] : memref<64x128xf32, #tpu.memory_space<vmem>>[vector<16xi32>, vector<16xi32>], vector<16xf32>,
      %gather3A_3790 = arith.constant 2 : i32
      %gather3A_3791 = arith.constant 0 : i32
      %gather3A_3792 = arith.constant 0 : i32
      %gather3A_3793 = tpu.memref_slice %arg12[%gather3A_3790, %gather3A_3791, %gather3A_3792] : memref<4x64x128xf32, #tpu.memory_space<vmem>> -> memref<1x64x128xf32, #tpu.memory_space<vmem>>
      %gather3A_3794 = tpu.memref_squeeze %gather3A_3793 : memref<1x64x128xf32, #tpu.memory_space<vmem>> -> memref<64x128xf32, #tpu.memory_space<vmem>>
      %gather3A_3795 = tpu.vector_load_idx %gather3A_3794[%add3A_3783, %add3A_3729] : memref<64x128xf32, #tpu.memory_space<vmem>>[vector<16xi32>, vector<16xi32>], vector<16xf32>,
      %mul3A_3796 = arith.mulf %gather3A_3789, %gather3A_3795 : vector<16xf32>
      %add3A_3797 = arith.addf %add3A_3780, %mul3A_3796 : vector<16xf32>
      %reduce_sum3A_3798 = arith.constant true
      %reduce_sum3A_3799 = vector.broadcast %reduce_sum3A_3798 : i1 to vector<16xi1>
      %reduce_sum3A_3800 = tpu.scan <sum>, %add3A_3797 masked %reduce_sum3A_3799 : vector<16xf32>, vector<16xi1> -> vector<16xf32>
      %reduce_sum3A_3801 = vector.extract %reduce_sum3A_3800[15] : f32 from vector<16xf32>
      %eq3A_3802 = arith.constant 14 : i32
      %eq3A_3803 = vector.broadcast %eq3A_3802 : i32 to vector<16xi32>
      %eq3A_3804 = arith.cmpi eq, %iota3A, %eq3A_3803 : vector<16xi32>
      %jit3A_3805 = arith.constant 0.000000e+00 : f32
      %broadcast_in_dim3A_3806 = vector.broadcast %reduce_sum3A_3801 : f32 to vector<16xf32>
      %broadcast_in_dim3A_3807 = vector.broadcast %jit3A_3805 : f32 to vector<16xf32>
      %select_n3A_3808 = arith.select %eq3A_3804, %broadcast_in_dim3A_3806, %broadcast_in_dim3A_3807 : vector<16xi1>, vector<16xf32>
      %add3A_3809 = arith.addf %add3A_3591, %select_n3A_3808 : vector<16xf32>
      %iota3A_3810 = tpu.iota {dimensions = array<i32: 0>} : vector<16xi32>
      %eq3A_3811 = arith.constant 2 : i32
      %eq3A_3812 = vector.broadcast %eq3A_3811 : i32 to vector<16xi32>
      %eq3A_3813 = arith.cmpi eq, %iota3A_3810, %eq3A_3812 : vector<16xi32>
      %jit3A_3814 = arith.constant 0 : i32
      %broadcast_in_dim3A_3815 = vector.broadcast %jit3A_3814 : i32 to vector<16xi32>
      %select_n3A_3816 = arith.select %eq3A_3813, %get3A_590, %broadcast_in_dim3A_3815 : vector<16xi1>, vector<16xi32>
      %reduce_sum3A_3817 = arith.constant true
      %reduce_sum3A_3818 = vector.broadcast %reduce_sum3A_3817 : i1 to vector<16xi1>
      %reduce_sum3A_3819 = tpu.scan <sum>, %select_n3A_3816 masked %reduce_sum3A_3818 : vector<16xi32>, vector<16xi1> -> vector<16xi32>
      %reduce_sum3A_3820 = vector.extract %reduce_sum3A_3819[15] : i32 from vector<16xi32>
      %shift_right_arithmetic3A_3821 = arith.constant 7 : i32
      %shift_right_arithmetic3A_3822 = arith.shrsi %reduce_sum3A_3820, %shift_right_arithmetic3A_3821 : i32
      %mul3A_3823 = arith.constant 128 : i32
      %mul3A_3824 = arith.muli %shift_right_arithmetic3A_3822, %mul3A_3823 : i32
      %multiple_of3A_3825 = tpu.assume_multiple %mul3A_3824, 128 : i32
      %and3A_3826 = arith.constant 127 : i32
      %and3A_3827 = arith.andi %reduce_sum3A_3820, %and3A_3826 : i32
      %iota3A_3828 = tpu.iota {dimensions = array<i32: 0>} : vector<16xi32>
      %eq3A_3829 = arith.constant 2 : i32
      %eq3A_3830 = vector.broadcast %eq3A_3829 : i32 to vector<16xi32>
      %eq3A_3831 = arith.cmpi eq, %iota3A_3828, %eq3A_3830 : vector<16xi32>
      %jit3A_3832 = arith.constant 0 : i32
      %broadcast_in_dim3A_3833 = vector.broadcast %jit3A_3832 : i32 to vector<16xi32>
      %select_n3A_3834 = arith.select %eq3A_3831, %get3A_593, %broadcast_in_dim3A_3833 : vector<16xi1>, vector<16xi32>
      %reduce_sum3A_3835 = arith.constant true
      %reduce_sum3A_3836 = vector.broadcast %reduce_sum3A_3835 : i1 to vector<16xi1>
      %reduce_sum3A_3837 = tpu.scan <sum>, %select_n3A_3834 masked %reduce_sum3A_3836 : vector<16xi32>, vector<16xi1> -> vector<16xi32>
      %reduce_sum3A_3838 = vector.extract %reduce_sum3A_3837[15] : i32 from vector<16xi32>
      %shift_right_arithmetic3A_3839 = arith.constant 7 : i32
      %shift_right_arithmetic3A_3840 = arith.shrsi %reduce_sum3A_3838, %shift_right_arithmetic3A_3839 : i32
      %mul3A_3841 = arith.constant 128 : i32
      %mul3A_3842 = arith.muli %shift_right_arithmetic3A_3840, %mul3A_3841 : i32
      %multiple_of3A_3843 = tpu.assume_multiple %mul3A_3842, 128 : i32
      %and3A_3844 = arith.constant 127 : i32
      %and3A_3845 = arith.andi %reduce_sum3A_3838, %and3A_3844 : i32
      %dma_start3A_3846 = arith.constant 2 : i32
      %dma_start3A_3847 = arith.constant 0 : i32
      %dma_start3A_3848 = arith.constant 0 : i32
      %dma_start3A_3849 = tpu.memref_slice %arg11[%dma_start3A_3846, %dma_start3A_3847, %dma_start3A_3848] : memref<4x64x128xf32, #tpu.memory_space<vmem>> -> memref<1x64x128xf32, #tpu.memory_space<vmem>>
      %dma_start3A_3850 = tpu.memref_squeeze %dma_start3A_3849 : memref<1x64x128xf32, #tpu.memory_space<vmem>> -> memref<64x128xf32, #tpu.memory_space<vmem>>
      %dma_start3A_3851 = arith.constant 0 : i32
      %dma_start3A_3852 = tpu.memref_slice %arg4[%dma_start3A_3851, %multiple_of3A_3825] : memref<64x1000000xf32, #tpu.memory_space<hbm>> -> memref<64x128xf32, #tpu.memory_space<hbm>>
      %dma_start3A_3853 = arith.constant 0 : i32
      %dma_start3A_3854 = arith.constant 0 : i32
      %dma_start3A_3855 = tpu.memref_slice %arg11[%dma_start3A_3846, %dma_start3A_3853, %dma_start3A_3854] : memref<4x64x128xf32, #tpu.memory_space<vmem>> -> memref<1x64x128xf32, #tpu.memory_space<vmem>>
      %dma_start3A_3856 = tpu.memref_squeeze %dma_start3A_3855 : memref<1x64x128xf32, #tpu.memory_space<vmem>> -> memref<64x128xf32, #tpu.memory_space<vmem>>
      %dma_start3A_3857 = arith.constant 0 : i32
      %dma_start3A_3858 = tpu.memref_slice %arg4[%dma_start3A_3857, %multiple_of3A_3825] : memref<64x1000000xf32, #tpu.memory_space<hbm>> -> memref<64x128xf32, #tpu.memory_space<hbm>>
      tpu.enqueue_dma source(%dma_start3A_3858 : memref<64x128xf32, #tpu.memory_space<hbm>>) target(%dma_start3A_3856 : memref<64x128xf32, #tpu.memory_space<vmem>>) target_semaphore(%arg16 : memref<!tpu.dma_semaphore, #tpu.memory_space<semaphore_mem>>)
      %dma_start3A_3859 = arith.constant 2 : i32
      %dma_start3A_3860 = arith.constant 0 : i32
      %dma_start3A_3861 = arith.constant 0 : i32
      %dma_start3A_3862 = tpu.memref_slice %arg12[%dma_start3A_3859, %dma_start3A_3860, %dma_start3A_3861] : memref<4x64x128xf32, #tpu.memory_space<vmem>> -> memref<1x64x128xf32, #tpu.memory_space<vmem>>
      %dma_start3A_3863 = tpu.memref_squeeze %dma_start3A_3862 : memref<1x64x128xf32, #tpu.memory_space<vmem>> -> memref<64x128xf32, #tpu.memory_space<vmem>>
      %dma_start3A_3864 = arith.constant 0 : i32
      %dma_start3A_3865 = tpu.memref_slice %arg5[%dma_start3A_3864, %multiple_of3A_3843] : memref<64x1000000xf32, #tpu.memory_space<hbm>> -> memref<64x128xf32, #tpu.memory_space<hbm>>
      %dma_start3A_3866 = arith.constant 0 : i32
      %dma_start3A_3867 = arith.constant 0 : i32
      %dma_start3A_3868 = tpu.memref_slice %arg12[%dma_start3A_3859, %dma_start3A_3866, %dma_start3A_3867] : memref<4x64x128xf32, #tpu.memory_space<vmem>> -> memref<1x64x128xf32, #tpu.memory_space<vmem>>
      %dma_start3A_3869 = tpu.memref_squeeze %dma_start3A_3868 : memref<1x64x128xf32, #tpu.memory_space<vmem>> -> memref<64x128xf32, #tpu.memory_space<vmem>>
      %dma_start3A_3870 = arith.constant 0 : i32
      %dma_start3A_3871 = tpu.memref_slice %arg5[%dma_start3A_3870, %multiple_of3A_3843] : memref<64x1000000xf32, #tpu.memory_space<hbm>> -> memref<64x128xf32, #tpu.memory_space<hbm>>
      tpu.enqueue_dma source(%dma_start3A_3871 : memref<64x128xf32, #tpu.memory_space<hbm>>) target(%dma_start3A_3869 : memref<64x128xf32, #tpu.memory_space<vmem>>) target_semaphore(%arg16 : memref<!tpu.dma_semaphore, #tpu.memory_space<semaphore_mem>>)
      %iota3A_3872 = tpu.iota {dimensions = array<i32: 0>} : vector<16xi32>
      %eq3A_3873 = arith.constant 15 : i32
      %eq3A_3874 = vector.broadcast %eq3A_3873 : i32 to vector<16xi32>
      %eq3A_3875 = arith.cmpi eq, %iota3A_3872, %eq3A_3874 : vector<16xi32>
      %jit3A_3876 = arith.constant 0 : i32
      %broadcast_in_dim3A_3877 = vector.broadcast %jit3A_3876 : i32 to vector<16xi32>
      %select_n3A_3878 = arith.select %eq3A_3875, %get3A_539, %broadcast_in_dim3A_3877 : vector<16xi1>, vector<16xi32>
      %reduce_sum3A_3879 = arith.constant true
      %reduce_sum3A_3880 = vector.broadcast %reduce_sum3A_3879 : i1 to vector<16xi1>
      %reduce_sum3A_3881 = tpu.scan <sum>, %select_n3A_3878 masked %reduce_sum3A_3880 : vector<16xi32>, vector<16xi1> -> vector<16xi32>
      %reduce_sum3A_3882 = vector.extract %reduce_sum3A_3881[15] : i32 from vector<16xi32>
      %shift_right_arithmetic3A_3883 = arith.constant 7 : i32
      %shift_right_arithmetic3A_3884 = arith.shrsi %reduce_sum3A_3882, %shift_right_arithmetic3A_3883 : i32
      %mul3A_3885 = arith.constant 128 : i32
      %mul3A_3886 = arith.muli %shift_right_arithmetic3A_3884, %mul3A_3885 : i32
      %multiple_of3A_3887 = tpu.assume_multiple %mul3A_3886, 128 : i32
      %and3A_3888 = arith.constant 127 : i32
      %and3A_3889 = arith.andi %reduce_sum3A_3882, %and3A_3888 : i32
      %iota3A_3890 = tpu.iota {dimensions = array<i32: 0>} : vector<16xi32>
      %eq3A_3891 = arith.constant 15 : i32
      %eq3A_3892 = vector.broadcast %eq3A_3891 : i32 to vector<16xi32>
      %eq3A_3893 = arith.cmpi eq, %iota3A_3890, %eq3A_3892 : vector<16xi32>
      %jit3A_3894 = arith.constant 0 : i32
      %broadcast_in_dim3A_3895 = vector.broadcast %jit3A_3894 : i32 to vector<16xi32>
      %select_n3A_3896 = arith.select %eq3A_3893, %get3A_542, %broadcast_in_dim3A_3895 : vector<16xi1>, vector<16xi32>
      %reduce_sum3A_3897 = arith.constant true
      %reduce_sum3A_3898 = vector.broadcast %reduce_sum3A_3897 : i1 to vector<16xi1>
      %reduce_sum3A_3899 = tpu.scan <sum>, %select_n3A_3896 masked %reduce_sum3A_3898 : vector<16xi32>, vector<16xi1> -> vector<16xi32>
      %reduce_sum3A_3900 = vector.extract %reduce_sum3A_3899[15] : i32 from vector<16xi32>
      %shift_right_arithmetic3A_3901 = arith.constant 7 : i32
      %shift_right_arithmetic3A_3902 = arith.shrsi %reduce_sum3A_3900, %shift_right_arithmetic3A_3901 : i32
      %mul3A_3903 = arith.constant 128 : i32
      %mul3A_3904 = arith.muli %shift_right_arithmetic3A_3902, %mul3A_3903 : i32
      %multiple_of3A_3905 = tpu.assume_multiple %mul3A_3904, 128 : i32
      %and3A_3906 = arith.constant 127 : i32
      %and3A_3907 = arith.andi %reduce_sum3A_3900, %and3A_3906 : i32
      %dma_wait3A_3908 = arith.constant 3 : i32
      %dma_wait3A_3909 = arith.constant 0 : i32
      %dma_wait3A_3910 = arith.constant 0 : i32
      %dma_wait3A_3911 = tpu.memref_slice %arg11[%dma_wait3A_3908, %dma_wait3A_3909, %dma_wait3A_3910] : memref<4x64x128xf32, #tpu.memory_space<vmem>> -> memref<1x64x128xf32, #tpu.memory_space<vmem>>
      %dma_wait3A_3912 = tpu.memref_squeeze %dma_wait3A_3911 : memref<1x64x128xf32, #tpu.memory_space<vmem>> -> memref<64x128xf32, #tpu.memory_space<vmem>>
      %dma_wait3A_3913 = arith.constant 0 : i32
      %dma_wait3A_3914 = arith.constant 0 : i32
      %dma_wait3A_3915 = tpu.memref_slice %arg4[%dma_wait3A_3913, %dma_wait3A_3914] : memref<64x1000000xf32, #tpu.memory_space<hbm>> -> memref<64x128xf32, #tpu.memory_space<hbm>>
      %dma_wait3A_3916 = arith.constant 0 : i32
      %dma_wait3A_3917 = arith.constant 0 : i32
      %dma_wait3A_3918 = tpu.memref_slice %arg11[%dma_wait3A_3908, %dma_wait3A_3916, %dma_wait3A_3917] : memref<4x64x128xf32, #tpu.memory_space<vmem>> -> memref<1x64x128xf32, #tpu.memory_space<vmem>>
      %dma_wait3A_3919 = tpu.memref_squeeze %dma_wait3A_3918 : memref<1x64x128xf32, #tpu.memory_space<vmem>> -> memref<64x128xf32, #tpu.memory_space<vmem>>
      %dma_wait3A_3920 = arith.constant 0 : i32
      %dma_wait3A_3921 = arith.constant 0 : i32
      %dma_wait3A_3922 = tpu.memref_slice %arg4[%dma_wait3A_3920, %dma_wait3A_3921] : memref<64x1000000xf32, #tpu.memory_space<hbm>> -> memref<64x128xf32, #tpu.memory_space<hbm>>
      tpu.wait_dma2 semaphore(%arg16 : memref<!tpu.dma_semaphore, #tpu.memory_space<semaphore_mem>>) src(%dma_wait3A_3922 : memref<64x128xf32, #tpu.memory_space<hbm>>) dst(%dma_wait3A_3919 : memref<64x128xf32, #tpu.memory_space<vmem>>)
      %dma_wait3A_3923 = arith.constant 3 : i32
      %dma_wait3A_3924 = arith.constant 0 : i32
      %dma_wait3A_3925 = arith.constant 0 : i32
      %dma_wait3A_3926 = tpu.memref_slice %arg12[%dma_wait3A_3923, %dma_wait3A_3924, %dma_wait3A_3925] : memref<4x64x128xf32, #tpu.memory_space<vmem>> -> memref<1x64x128xf32, #tpu.memory_space<vmem>>
      %dma_wait3A_3927 = tpu.memref_squeeze %dma_wait3A_3926 : memref<1x64x128xf32, #tpu.memory_space<vmem>> -> memref<64x128xf32, #tpu.memory_space<vmem>>
      %dma_wait3A_3928 = arith.constant 0 : i32
      %dma_wait3A_3929 = arith.constant 0 : i32
      %dma_wait3A_3930 = tpu.memref_slice %arg5[%dma_wait3A_3928, %dma_wait3A_3929] : memref<64x1000000xf32, #tpu.memory_space<hbm>> -> memref<64x128xf32, #tpu.memory_space<hbm>>
      %dma_wait3A_3931 = arith.constant 0 : i32
      %dma_wait3A_3932 = arith.constant 0 : i32
      %dma_wait3A_3933 = tpu.memref_slice %arg12[%dma_wait3A_3923, %dma_wait3A_3931, %dma_wait3A_3932] : memref<4x64x128xf32, #tpu.memory_space<vmem>> -> memref<1x64x128xf32, #tpu.memory_space<vmem>>
      %dma_wait3A_3934 = tpu.memref_squeeze %dma_wait3A_3933 : memref<1x64x128xf32, #tpu.memory_space<vmem>> -> memref<64x128xf32, #tpu.memory_space<vmem>>
      %dma_wait3A_3935 = arith.constant 0 : i32
      %dma_wait3A_3936 = arith.constant 0 : i32
      %dma_wait3A_3937 = tpu.memref_slice %arg5[%dma_wait3A_3935, %dma_wait3A_3936] : memref<64x1000000xf32, #tpu.memory_space<hbm>> -> memref<64x128xf32, #tpu.memory_space<hbm>>
      tpu.wait_dma2 semaphore(%arg16 : memref<!tpu.dma_semaphore, #tpu.memory_space<semaphore_mem>>) src(%dma_wait3A_3937 : memref<64x128xf32, #tpu.memory_space<hbm>>) dst(%dma_wait3A_3934 : memref<64x128xf32, #tpu.memory_space<vmem>>)
      %broadcast_in_dim3A_3938 = arith.constant 0.000000e+00 : f32
      %broadcast_in_dim3A_3939 = vector.broadcast %broadcast_in_dim3A_3938 : f32 to vector<16xf32>
      %broadcast_in_dim3A_3940 = arith.constant 0 : i32
      %broadcast_in_dim3A_3941 = vector.broadcast %broadcast_in_dim3A_3940 : i32 to vector<16xi32>
      %add3A_3942 = vector.broadcast %and3A_3889 : i32 to vector<16xi32>
      %add3A_3943 = arith.addi %broadcast_in_dim3A_3941, %add3A_3942 : vector<16xi32>
      %broadcast_in_dim3A_3944 = arith.constant 0 : i32
      %broadcast_in_dim3A_3945 = vector.broadcast %broadcast_in_dim3A_3944 : i32 to vector<16xi32>
      %add3A_3946 = vector.broadcast %and3A_3907 : i32 to vector<16xi32>
      %add3A_3947 = arith.addi %broadcast_in_dim3A_3945, %add3A_3946 : vector<16xi32>
      %add3A_3948 = arith.constant 0 : i32
      %add3A_3949 = vector.broadcast %add3A_3948 : i32 to vector<16xi32>
      %add3A_3950 = arith.addi %iota3A, %add3A_3949 : vector<16xi32>
      %gather3A_3951 = arith.constant 3 : i32
      %gather3A_3952 = arith.constant 0 : i32
      %gather3A_3953 = arith.constant 0 : i32
      %gather3A_3954 = tpu.memref_slice %arg11[%gather3A_3951, %gather3A_3952, %gather3A_3953] : memref<4x64x128xf32, #tpu.memory_space<vmem>> -> memref<1x64x128xf32, #tpu.memory_space<vmem>>
      %gather3A_3955 = tpu.memref_squeeze %gather3A_3954 : memref<1x64x128xf32, #tpu.memory_space<vmem>> -> memref<64x128xf32, #tpu.memory_space<vmem>>
      %gather3A_3956 = tpu.vector_load_idx %gather3A_3955[%add3A_3950, %add3A_3943] : memref<64x128xf32, #tpu.memory_space<vmem>>[vector<16xi32>, vector<16xi32>], vector<16xf32>,
      %gather3A_3957 = arith.constant 3 : i32
      %gather3A_3958 = arith.constant 0 : i32
      %gather3A_3959 = arith.constant 0 : i32
      %gather3A_3960 = tpu.memref_slice %arg12[%gather3A_3957, %gather3A_3958, %gather3A_3959] : memref<4x64x128xf32, #tpu.memory_space<vmem>> -> memref<1x64x128xf32, #tpu.memory_space<vmem>>
      %gather3A_3961 = tpu.memref_squeeze %gather3A_3960 : memref<1x64x128xf32, #tpu.memory_space<vmem>> -> memref<64x128xf32, #tpu.memory_space<vmem>>
      %gather3A_3962 = tpu.vector_load_idx %gather3A_3961[%add3A_3950, %add3A_3947] : memref<64x128xf32, #tpu.memory_space<vmem>>[vector<16xi32>, vector<16xi32>], vector<16xf32>,
      %mul3A_3963 = arith.mulf %gather3A_3956, %gather3A_3962 : vector<16xf32>
      %add3A_3964 = arith.addf %broadcast_in_dim3A_3939, %mul3A_3963 : vector<16xf32>
      %add3A_3965 = arith.constant 16 : i32
      %add3A_3966 = vector.broadcast %add3A_3965 : i32 to vector<16xi32>
      %add3A_3967 = arith.addi %iota3A, %add3A_3966 : vector<16xi32>
      %gather3A_3968 = arith.constant 3 : i32
      %gather3A_3969 = arith.constant 0 : i32
      %gather3A_3970 = arith.constant 0 : i32
      %gather3A_3971 = tpu.memref_slice %arg11[%gather3A_3968, %gather3A_3969, %gather3A_3970] : memref<4x64x128xf32, #tpu.memory_space<vmem>> -> memref<1x64x128xf32, #tpu.memory_space<vmem>>
      %gather3A_3972 = tpu.memref_squeeze %gather3A_3971 : memref<1x64x128xf32, #tpu.memory_space<vmem>> -> memref<64x128xf32, #tpu.memory_space<vmem>>
      %gather3A_3973 = tpu.vector_load_idx %gather3A_3972[%add3A_3967, %add3A_3943] : memref<64x128xf32, #tpu.memory_space<vmem>>[vector<16xi32>, vector<16xi32>], vector<16xf32>,
      %gather3A_3974 = arith.constant 3 : i32
      %gather3A_3975 = arith.constant 0 : i32
      %gather3A_3976 = arith.constant 0 : i32
      %gather3A_3977 = tpu.memref_slice %arg12[%gather3A_3974, %gather3A_3975, %gather3A_3976] : memref<4x64x128xf32, #tpu.memory_space<vmem>> -> memref<1x64x128xf32, #tpu.memory_space<vmem>>
      %gather3A_3978 = tpu.memref_squeeze %gather3A_3977 : memref<1x64x128xf32, #tpu.memory_space<vmem>> -> memref<64x128xf32, #tpu.memory_space<vmem>>
      %gather3A_3979 = tpu.vector_load_idx %gather3A_3978[%add3A_3967, %add3A_3947] : memref<64x128xf32, #tpu.memory_space<vmem>>[vector<16xi32>, vector<16xi32>], vector<16xf32>,
      %mul3A_3980 = arith.mulf %gather3A_3973, %gather3A_3979 : vector<16xf32>
      %add3A_3981 = arith.addf %add3A_3964, %mul3A_3980 : vector<16xf32>
      %add3A_3982 = arith.constant 32 : i32
      %add3A_3983 = vector.broadcast %add3A_3982 : i32 to vector<16xi32>
      %add3A_3984 = arith.addi %iota3A, %add3A_3983 : vector<16xi32>
      %gather3A_3985 = arith.constant 3 : i32
      %gather3A_3986 = arith.constant 0 : i32
      %gather3A_3987 = arith.constant 0 : i32
      %gather3A_3988 = tpu.memref_slice %arg11[%gather3A_3985, %gather3A_3986, %gather3A_3987] : memref<4x64x128xf32, #tpu.memory_space<vmem>> -> memref<1x64x128xf32, #tpu.memory_space<vmem>>
      %gather3A_3989 = tpu.memref_squeeze %gather3A_3988 : memref<1x64x128xf32, #tpu.memory_space<vmem>> -> memref<64x128xf32, #tpu.memory_space<vmem>>
      %gather3A_3990 = tpu.vector_load_idx %gather3A_3989[%add3A_3984, %add3A_3943] : memref<64x128xf32, #tpu.memory_space<vmem>>[vector<16xi32>, vector<16xi32>], vector<16xf32>,
      %gather3A_3991 = arith.constant 3 : i32
      %gather3A_3992 = arith.constant 0 : i32
      %gather3A_3993 = arith.constant 0 : i32
      %gather3A_3994 = tpu.memref_slice %arg12[%gather3A_3991, %gather3A_3992, %gather3A_3993] : memref<4x64x128xf32, #tpu.memory_space<vmem>> -> memref<1x64x128xf32, #tpu.memory_space<vmem>>
      %gather3A_3995 = tpu.memref_squeeze %gather3A_3994 : memref<1x64x128xf32, #tpu.memory_space<vmem>> -> memref<64x128xf32, #tpu.memory_space<vmem>>
      %gather3A_3996 = tpu.vector_load_idx %gather3A_3995[%add3A_3984, %add3A_3947] : memref<64x128xf32, #tpu.memory_space<vmem>>[vector<16xi32>, vector<16xi32>], vector<16xf32>,
      %mul3A_3997 = arith.mulf %gather3A_3990, %gather3A_3996 : vector<16xf32>
      %add3A_3998 = arith.addf %add3A_3981, %mul3A_3997 : vector<16xf32>
      %add3A_3999 = arith.constant 48 : i32
      %add3A_4000 = vector.broadcast %add3A_3999 : i32 to vector<16xi32>
      %add3A_4001 = arith.addi %iota3A, %add3A_4000 : vector<16xi32>
      %gather3A_4002 = arith.constant 3 : i32
      %gather3A_4003 = arith.constant 0 : i32
      %gather3A_4004 = arith.constant 0 : i32
      %gather3A_4005 = tpu.memref_slice %arg11[%gather3A_4002, %gather3A_4003, %gather3A_4004] : memref<4x64x128xf32, #tpu.memory_space<vmem>> -> memref<1x64x128xf32, #tpu.memory_space<vmem>>
      %gather3A_4006 = tpu.memref_squeeze %gather3A_4005 : memref<1x64x128xf32, #tpu.memory_space<vmem>> -> memref<64x128xf32, #tpu.memory_space<vmem>>
      %gather3A_4007 = tpu.vector_load_idx %gather3A_4006[%add3A_4001, %add3A_3943] : memref<64x128xf32, #tpu.memory_space<vmem>>[vector<16xi32>, vector<16xi32>], vector<16xf32>,
      %gather3A_4008 = arith.constant 3 : i32
      %gather3A_4009 = arith.constant 0 : i32
      %gather3A_4010 = arith.constant 0 : i32
      %gather3A_4011 = tpu.memref_slice %arg12[%gather3A_4008, %gather3A_4009, %gather3A_4010] : memref<4x64x128xf32, #tpu.memory_space<vmem>> -> memref<1x64x128xf32, #tpu.memory_space<vmem>>
      %gather3A_4012 = tpu.memref_squeeze %gather3A_4011 : memref<1x64x128xf32, #tpu.memory_space<vmem>> -> memref<64x128xf32, #tpu.memory_space<vmem>>
      %gather3A_4013 = tpu.vector_load_idx %gather3A_4012[%add3A_4001, %add3A_3947] : memref<64x128xf32, #tpu.memory_space<vmem>>[vector<16xi32>, vector<16xi32>], vector<16xf32>,
      %mul3A_4014 = arith.mulf %gather3A_4007, %gather3A_4013 : vector<16xf32>
      %add3A_4015 = arith.addf %add3A_3998, %mul3A_4014 : vector<16xf32>
      %reduce_sum3A_4016 = arith.constant true
      %reduce_sum3A_4017 = vector.broadcast %reduce_sum3A_4016 : i1 to vector<16xi1>
      %reduce_sum3A_4018 = tpu.scan <sum>, %add3A_4015 masked %reduce_sum3A_4017 : vector<16xf32>, vector<16xi1> -> vector<16xf32>
      %reduce_sum3A_4019 = vector.extract %reduce_sum3A_4018[15] : f32 from vector<16xf32>
      %eq3A_4020 = arith.constant 15 : i32
      %eq3A_4021 = vector.broadcast %eq3A_4020 : i32 to vector<16xi32>
      %eq3A_4022 = arith.cmpi eq, %iota3A, %eq3A_4021 : vector<16xi32>
      %jit3A_4023 = arith.constant 0.000000e+00 : f32
      %broadcast_in_dim3A_4024 = vector.broadcast %reduce_sum3A_4019 : f32 to vector<16xf32>
      %broadcast_in_dim3A_4025 = vector.broadcast %jit3A_4023 : f32 to vector<16xf32>
      %select_n3A_4026 = arith.select %eq3A_4022, %broadcast_in_dim3A_4024, %broadcast_in_dim3A_4025 : vector<16xi1>, vector<16xf32>
      %add3A_4027 = arith.addf %add3A_3809, %select_n3A_4026 : vector<16xf32>
      %iota3A_4028 = tpu.iota {dimensions = array<i32: 0>} : vector<16xi32>
      %eq3A_4029 = arith.constant 3 : i32
      %eq3A_4030 = vector.broadcast %eq3A_4029 : i32 to vector<16xi32>
      %eq3A_4031 = arith.cmpi eq, %iota3A_4028, %eq3A_4030 : vector<16xi32>
      %jit3A_4032 = arith.constant 0 : i32
      %broadcast_in_dim3A_4033 = vector.broadcast %jit3A_4032 : i32 to vector<16xi32>
      %select_n3A_4034 = arith.select %eq3A_4031, %get3A_590, %broadcast_in_dim3A_4033 : vector<16xi1>, vector<16xi32>
      %reduce_sum3A_4035 = arith.constant true
      %reduce_sum3A_4036 = vector.broadcast %reduce_sum3A_4035 : i1 to vector<16xi1>
      %reduce_sum3A_4037 = tpu.scan <sum>, %select_n3A_4034 masked %reduce_sum3A_4036 : vector<16xi32>, vector<16xi1> -> vector<16xi32>
      %reduce_sum3A_4038 = vector.extract %reduce_sum3A_4037[15] : i32 from vector<16xi32>
      %shift_right_arithmetic3A_4039 = arith.constant 7 : i32
      %shift_right_arithmetic3A_4040 = arith.shrsi %reduce_sum3A_4038, %shift_right_arithmetic3A_4039 : i32
      %mul3A_4041 = arith.constant 128 : i32
      %mul3A_4042 = arith.muli %shift_right_arithmetic3A_4040, %mul3A_4041 : i32
      %multiple_of3A_4043 = tpu.assume_multiple %mul3A_4042, 128 : i32
      %and3A_4044 = arith.constant 127 : i32
      %and3A_4045 = arith.andi %reduce_sum3A_4038, %and3A_4044 : i32
      %iota3A_4046 = tpu.iota {dimensions = array<i32: 0>} : vector<16xi32>
      %eq3A_4047 = arith.constant 3 : i32
      %eq3A_4048 = vector.broadcast %eq3A_4047 : i32 to vector<16xi32>
      %eq3A_4049 = arith.cmpi eq, %iota3A_4046, %eq3A_4048 : vector<16xi32>
      %jit3A_4050 = arith.constant 0 : i32
      %broadcast_in_dim3A_4051 = vector.broadcast %jit3A_4050 : i32 to vector<16xi32>
      %select_n3A_4052 = arith.select %eq3A_4049, %get3A_593, %broadcast_in_dim3A_4051 : vector<16xi1>, vector<16xi32>
      %reduce_sum3A_4053 = arith.constant true
      %reduce_sum3A_4054 = vector.broadcast %reduce_sum3A_4053 : i1 to vector<16xi1>
      %reduce_sum3A_4055 = tpu.scan <sum>, %select_n3A_4052 masked %reduce_sum3A_4054 : vector<16xi32>, vector<16xi1> -> vector<16xi32>
      %reduce_sum3A_4056 = vector.extract %reduce_sum3A_4055[15] : i32 from vector<16xi32>
      %shift_right_arithmetic3A_4057 = arith.constant 7 : i32
      %shift_right_arithmetic3A_4058 = arith.shrsi %reduce_sum3A_4056, %shift_right_arithmetic3A_4057 : i32
      %mul3A_4059 = arith.constant 128 : i32
      %mul3A_4060 = arith.muli %shift_right_arithmetic3A_4058, %mul3A_4059 : i32
      %multiple_of3A_4061 = tpu.assume_multiple %mul3A_4060, 128 : i32
      %and3A_4062 = arith.constant 127 : i32
      %and3A_4063 = arith.andi %reduce_sum3A_4056, %and3A_4062 : i32
      %dma_start3A_4064 = arith.constant 3 : i32
      %dma_start3A_4065 = arith.constant 0 : i32
      %dma_start3A_4066 = arith.constant 0 : i32
      %dma_start3A_4067 = tpu.memref_slice %arg11[%dma_start3A_4064, %dma_start3A_4065, %dma_start3A_4066] : memref<4x64x128xf32, #tpu.memory_space<vmem>> -> memref<1x64x128xf32, #tpu.memory_space<vmem>>
      %dma_start3A_4068 = tpu.memref_squeeze %dma_start3A_4067 : memref<1x64x128xf32, #tpu.memory_space<vmem>> -> memref<64x128xf32, #tpu.memory_space<vmem>>
      %dma_start3A_4069 = arith.constant 0 : i32
      %dma_start3A_4070 = tpu.memref_slice %arg4[%dma_start3A_4069, %multiple_of3A_4043] : memref<64x1000000xf32, #tpu.memory_space<hbm>> -> memref<64x128xf32, #tpu.memory_space<hbm>>
      %dma_start3A_4071 = arith.constant 0 : i32
      %dma_start3A_4072 = arith.constant 0 : i32
      %dma_start3A_4073 = tpu.memref_slice %arg11[%dma_start3A_4064, %dma_start3A_4071, %dma_start3A_4072] : memref<4x64x128xf32, #tpu.memory_space<vmem>> -> memref<1x64x128xf32, #tpu.memory_space<vmem>>
      %dma_start3A_4074 = tpu.memref_squeeze %dma_start3A_4073 : memref<1x64x128xf32, #tpu.memory_space<vmem>> -> memref<64x128xf32, #tpu.memory_space<vmem>>
      %dma_start3A_4075 = arith.constant 0 : i32
      %dma_start3A_4076 = tpu.memref_slice %arg4[%dma_start3A_4075, %multiple_of3A_4043] : memref<64x1000000xf32, #tpu.memory_space<hbm>> -> memref<64x128xf32, #tpu.memory_space<hbm>>
      tpu.enqueue_dma source(%dma_start3A_4076 : memref<64x128xf32, #tpu.memory_space<hbm>>) target(%dma_start3A_4074 : memref<64x128xf32, #tpu.memory_space<vmem>>) target_semaphore(%arg16 : memref<!tpu.dma_semaphore, #tpu.memory_space<semaphore_mem>>)
      %dma_start3A_4077 = arith.constant 3 : i32
      %dma_start3A_4078 = arith.constant 0 : i32
      %dma_start3A_4079 = arith.constant 0 : i32
      %dma_start3A_4080 = tpu.memref_slice %arg12[%dma_start3A_4077, %dma_start3A_4078, %dma_start3A_4079] : memref<4x64x128xf32, #tpu.memory_space<vmem>> -> memref<1x64x128xf32, #tpu.memory_space<vmem>>
      %dma_start3A_4081 = tpu.memref_squeeze %dma_start3A_4080 : memref<1x64x128xf32, #tpu.memory_space<vmem>> -> memref<64x128xf32, #tpu.memory_space<vmem>>
      %dma_start3A_4082 = arith.constant 0 : i32
      %dma_start3A_4083 = tpu.memref_slice %arg5[%dma_start3A_4082, %multiple_of3A_4061] : memref<64x1000000xf32, #tpu.memory_space<hbm>> -> memref<64x128xf32, #tpu.memory_space<hbm>>
      %dma_start3A_4084 = arith.constant 0 : i32
      %dma_start3A_4085 = arith.constant 0 : i32
      %dma_start3A_4086 = tpu.memref_slice %arg12[%dma_start3A_4077, %dma_start3A_4084, %dma_start3A_4085] : memref<4x64x128xf32, #tpu.memory_space<vmem>> -> memref<1x64x128xf32, #tpu.memory_space<vmem>>
      %dma_start3A_4087 = tpu.memref_squeeze %dma_start3A_4086 : memref<1x64x128xf32, #tpu.memory_space<vmem>> -> memref<64x128xf32, #tpu.memory_space<vmem>>
      %dma_start3A_4088 = arith.constant 0 : i32
      %dma_start3A_4089 = tpu.memref_slice %arg5[%dma_start3A_4088, %multiple_of3A_4061] : memref<64x1000000xf32, #tpu.memory_space<hbm>> -> memref<64x128xf32, #tpu.memory_space<hbm>>
      tpu.enqueue_dma source(%dma_start3A_4089 : memref<64x128xf32, #tpu.memory_space<hbm>>) target(%dma_start3A_4087 : memref<64x128xf32, #tpu.memory_space<vmem>>) target_semaphore(%arg16 : memref<!tpu.dma_semaphore, #tpu.memory_space<semaphore_mem>>)
      %mul3A_4090 = arith.constant 16 : i32
      %mul3A_4091 = arith.muli %scan3A_500, %mul3A_4090 : i32
      %swap3A = arith.index_cast %mul3A_4091 : i32 to index
      %swap3A_4092 = tpu.vector_load %arg15[%swap3A] {strides = array<i32>} : memref<512xf32, #tpu.memory_space<vmem>>, vector<16xf32>,
      tpu.vector_store %arg15[%swap3A], %add3A_4027 {strides = array<i32>} : memref<512xf32, #tpu.memory_space<vmem>>, vector<16xf32>,
    }
    %scan3A_379 = arith.constant 32 : i32
    %dma_wait3A_380 = arith.constant 0 : i32
    %dma_wait3A_381 = arith.constant 0 : i32
    %dma_wait3A_382 = arith.constant 0 : i32
    %dma_wait3A_383 = tpu.memref_slice %arg11[%dma_wait3A_380, %dma_wait3A_381, %dma_wait3A_382] : memref<4x64x128xf32, #tpu.memory_space<vmem>> -> memref<1x64x128xf32, #tpu.memory_space<vmem>>
    %dma_wait3A_384 = tpu.memref_squeeze %dma_wait3A_383 : memref<1x64x128xf32, #tpu.memory_space<vmem>> -> memref<64x128xf32, #tpu.memory_space<vmem>>
    %dma_wait3A_385 = arith.constant 0 : i32
    %dma_wait3A_386 = arith.constant 0 : i32
    %dma_wait3A_387 = tpu.memref_slice %arg4[%dma_wait3A_385, %dma_wait3A_386] : memref<64x1000000xf32, #tpu.memory_space<hbm>> -> memref<64x128xf32, #tpu.memory_space<hbm>>
    %dma_wait3A_388 = arith.constant 0 : i32
    %dma_wait3A_389 = arith.constant 0 : i32
    %dma_wait3A_390 = tpu.memref_slice %arg11[%dma_wait3A_380, %dma_wait3A_388, %dma_wait3A_389] : memref<4x64x128xf32, #tpu.memory_space<vmem>> -> memref<1x64x128xf32, #tpu.memory_space<vmem>>
    %dma_wait3A_391 = tpu.memref_squeeze %dma_wait3A_390 : memref<1x64x128xf32, #tpu.memory_space<vmem>> -> memref<64x128xf32, #tpu.memory_space<vmem>>
    %dma_wait3A_392 = arith.constant 0 : i32
    %dma_wait3A_393 = arith.constant 0 : i32
    %dma_wait3A_394 = tpu.memref_slice %arg4[%dma_wait3A_392, %dma_wait3A_393] : memref<64x1000000xf32, #tpu.memory_space<hbm>> -> memref<64x128xf32, #tpu.memory_space<hbm>>
    tpu.wait_dma2 semaphore(%arg16 : memref<!tpu.dma_semaphore, #tpu.memory_space<semaphore_mem>>) src(%dma_wait3A_394 : memref<64x128xf32, #tpu.memory_space<hbm>>) dst(%dma_wait3A_391 : memref<64x128xf32, #tpu.memory_space<vmem>>)
    %dma_wait3A_395 = arith.constant 0 : i32
    %dma_wait3A_396 = arith.constant 0 : i32
    %dma_wait3A_397 = arith.constant 0 : i32
    %dma_wait3A_398 = tpu.memref_slice %arg12[%dma_wait3A_395, %dma_wait3A_396, %dma_wait3A_397] : memref<4x64x128xf32, #tpu.memory_space<vmem>> -> memref<1x64x128xf32, #tpu.memory_space<vmem>>
    %dma_wait3A_399 = tpu.memref_squeeze %dma_wait3A_398 : memref<1x64x128xf32, #tpu.memory_space<vmem>> -> memref<64x128xf32, #tpu.memory_space<vmem>>
    %dma_wait3A_400 = arith.constant 0 : i32
    %dma_wait3A_401 = arith.constant 0 : i32
    %dma_wait3A_402 = tpu.memref_slice %arg5[%dma_wait3A_400, %dma_wait3A_401] : memref<64x1000000xf32, #tpu.memory_space<hbm>> -> memref<64x128xf32, #tpu.memory_space<hbm>>
    %dma_wait3A_403 = arith.constant 0 : i32
    %dma_wait3A_404 = arith.constant 0 : i32
    %dma_wait3A_405 = tpu.memref_slice %arg12[%dma_wait3A_395, %dma_wait3A_403, %dma_wait3A_404] : memref<4x64x128xf32, #tpu.memory_space<vmem>> -> memref<1x64x128xf32, #tpu.memory_space<vmem>>
    %dma_wait3A_406 = tpu.memref_squeeze %dma_wait3A_405 : memref<1x64x128xf32, #tpu.memory_space<vmem>> -> memref<64x128xf32, #tpu.memory_space<vmem>>
    %dma_wait3A_407 = arith.constant 0 : i32
    %dma_wait3A_408 = arith.constant 0 : i32
    %dma_wait3A_409 = tpu.memref_slice %arg5[%dma_wait3A_407, %dma_wait3A_408] : memref<64x1000000xf32, #tpu.memory_space<hbm>> -> memref<64x128xf32, #tpu.memory_space<hbm>>
    tpu.wait_dma2 semaphore(%arg16 : memref<!tpu.dma_semaphore, #tpu.memory_space<semaphore_mem>>) src(%dma_wait3A_409 : memref<64x128xf32, #tpu.memory_space<hbm>>) dst(%dma_wait3A_406 : memref<64x128xf32, #tpu.memory_space<vmem>>)
    %dma_wait3A_410 = arith.constant 1 : i32
    %dma_wait3A_411 = arith.constant 0 : i32
    %dma_wait3A_412 = arith.constant 0 : i32
    %dma_wait3A_413 = tpu.memref_slice %arg11[%dma_wait3A_410, %dma_wait3A_411, %dma_wait3A_412] : memref<4x64x128xf32, #tpu.memory_space<vmem>> -> memref<1x64x128xf32, #tpu.memory_space<vmem>>
    %dma_wait3A_414 = tpu.memref_squeeze %dma_wait3A_413 : memref<1x64x128xf32, #tpu.memory_space<vmem>> -> memref<64x128xf32, #tpu.memory_space<vmem>>
    %dma_wait3A_415 = arith.constant 0 : i32
    %dma_wait3A_416 = arith.constant 0 : i32
    %dma_wait3A_417 = tpu.memref_slice %arg4[%dma_wait3A_415, %dma_wait3A_416] : memref<64x1000000xf32, #tpu.memory_space<hbm>> -> memref<64x128xf32, #tpu.memory_space<hbm>>
    %dma_wait3A_418 = arith.constant 0 : i32
    %dma_wait3A_419 = arith.constant 0 : i32
    %dma_wait3A_420 = tpu.memref_slice %arg11[%dma_wait3A_410, %dma_wait3A_418, %dma_wait3A_419] : memref<4x64x128xf32, #tpu.memory_space<vmem>> -> memref<1x64x128xf32, #tpu.memory_space<vmem>>
    %dma_wait3A_421 = tpu.memref_squeeze %dma_wait3A_420 : memref<1x64x128xf32, #tpu.memory_space<vmem>> -> memref<64x128xf32, #tpu.memory_space<vmem>>
    %dma_wait3A_422 = arith.constant 0 : i32
    %dma_wait3A_423 = arith.constant 0 : i32
    %dma_wait3A_424 = tpu.memref_slice %arg4[%dma_wait3A_422, %dma_wait3A_423] : memref<64x1000000xf32, #tpu.memory_space<hbm>> -> memref<64x128xf32, #tpu.memory_space<hbm>>
    tpu.wait_dma2 semaphore(%arg16 : memref<!tpu.dma_semaphore, #tpu.memory_space<semaphore_mem>>) src(%dma_wait3A_424 : memref<64x128xf32, #tpu.memory_space<hbm>>) dst(%dma_wait3A_421 : memref<64x128xf32, #tpu.memory_space<vmem>>)
    %dma_wait3A_425 = arith.constant 1 : i32
    %dma_wait3A_426 = arith.constant 0 : i32
    %dma_wait3A_427 = arith.constant 0 : i32
    %dma_wait3A_428 = tpu.memref_slice %arg12[%dma_wait3A_425, %dma_wait3A_426, %dma_wait3A_427] : memref<4x64x128xf32, #tpu.memory_space<vmem>> -> memref<1x64x128xf32, #tpu.memory_space<vmem>>
    %dma_wait3A_429 = tpu.memref_squeeze %dma_wait3A_428 : memref<1x64x128xf32, #tpu.memory_space<vmem>> -> memref<64x128xf32, #tpu.memory_space<vmem>>
    %dma_wait3A_430 = arith.constant 0 : i32
    %dma_wait3A_431 = arith.constant 0 : i32
    %dma_wait3A_432 = tpu.memref_slice %arg5[%dma_wait3A_430, %dma_wait3A_431] : memref<64x1000000xf32, #tpu.memory_space<hbm>> -> memref<64x128xf32, #tpu.memory_space<hbm>>
    %dma_wait3A_433 = arith.constant 0 : i32
    %dma_wait3A_434 = arith.constant 0 : i32
    %dma_wait3A_435 = tpu.memref_slice %arg12[%dma_wait3A_425, %dma_wait3A_433, %dma_wait3A_434] : memref<4x64x128xf32, #tpu.memory_space<vmem>> -> memref<1x64x128xf32, #tpu.memory_space<vmem>>
    %dma_wait3A_436 = tpu.memref_squeeze %dma_wait3A_435 : memref<1x64x128xf32, #tpu.memory_space<vmem>> -> memref<64x128xf32, #tpu.memory_space<vmem>>
    %dma_wait3A_437 = arith.constant 0 : i32
    %dma_wait3A_438 = arith.constant 0 : i32
    %dma_wait3A_439 = tpu.memref_slice %arg5[%dma_wait3A_437, %dma_wait3A_438] : memref<64x1000000xf32, #tpu.memory_space<hbm>> -> memref<64x128xf32, #tpu.memory_space<hbm>>
    tpu.wait_dma2 semaphore(%arg16 : memref<!tpu.dma_semaphore, #tpu.memory_space<semaphore_mem>>) src(%dma_wait3A_439 : memref<64x128xf32, #tpu.memory_space<hbm>>) dst(%dma_wait3A_436 : memref<64x128xf32, #tpu.memory_space<vmem>>)
    %dma_wait3A_440 = arith.constant 2 : i32
    %dma_wait3A_441 = arith.constant 0 : i32
    %dma_wait3A_442 = arith.constant 0 : i32
    %dma_wait3A_443 = tpu.memref_slice %arg11[%dma_wait3A_440, %dma_wait3A_441, %dma_wait3A_442] : memref<4x64x128xf32, #tpu.memory_space<vmem>> -> memref<1x64x128xf32, #tpu.memory_space<vmem>>
    %dma_wait3A_444 = tpu.memref_squeeze %dma_wait3A_443 : memref<1x64x128xf32, #tpu.memory_space<vmem>> -> memref<64x128xf32, #tpu.memory_space<vmem>>
    %dma_wait3A_445 = arith.constant 0 : i32
    %dma_wait3A_446 = arith.constant 0 : i32
    %dma_wait3A_447 = tpu.memref_slice %arg4[%dma_wait3A_445, %dma_wait3A_446] : memref<64x1000000xf32, #tpu.memory_space<hbm>> -> memref<64x128xf32, #tpu.memory_space<hbm>>
    %dma_wait3A_448 = arith.constant 0 : i32
    %dma_wait3A_449 = arith.constant 0 : i32
    %dma_wait3A_450 = tpu.memref_slice %arg11[%dma_wait3A_440, %dma_wait3A_448, %dma_wait3A_449] : memref<4x64x128xf32, #tpu.memory_space<vmem>> -> memref<1x64x128xf32, #tpu.memory_space<vmem>>
    %dma_wait3A_451 = tpu.memref_squeeze %dma_wait3A_450 : memref<1x64x128xf32, #tpu.memory_space<vmem>> -> memref<64x128xf32, #tpu.memory_space<vmem>>
    %dma_wait3A_452 = arith.constant 0 : i32
    %dma_wait3A_453 = arith.constant 0 : i32
    %dma_wait3A_454 = tpu.memref_slice %arg4[%dma_wait3A_452, %dma_wait3A_453] : memref<64x1000000xf32, #tpu.memory_space<hbm>> -> memref<64x128xf32, #tpu.memory_space<hbm>>
    tpu.wait_dma2 semaphore(%arg16 : memref<!tpu.dma_semaphore, #tpu.memory_space<semaphore_mem>>) src(%dma_wait3A_454 : memref<64x128xf32, #tpu.memory_space<hbm>>) dst(%dma_wait3A_451 : memref<64x128xf32, #tpu.memory_space<vmem>>)
    %dma_wait3A_455 = arith.constant 2 : i32
    %dma_wait3A_456 = arith.constant 0 : i32
    %dma_wait3A_457 = arith.constant 0 : i32
    %dma_wait3A_458 = tpu.memref_slice %arg12[%dma_wait3A_455, %dma_wait3A_456, %dma_wait3A_457] : memref<4x64x128xf32, #tpu.memory_space<vmem>> -> memref<1x64x128xf32, #tpu.memory_space<vmem>>
    %dma_wait3A_459 = tpu.memref_squeeze %dma_wait3A_458 : memref<1x64x128xf32, #tpu.memory_space<vmem>> -> memref<64x128xf32, #tpu.memory_space<vmem>>
    %dma_wait3A_460 = arith.constant 0 : i32
    %dma_wait3A_461 = arith.constant 0 : i32
    %dma_wait3A_462 = tpu.memref_slice %arg5[%dma_wait3A_460, %dma_wait3A_461] : memref<64x1000000xf32, #tpu.memory_space<hbm>> -> memref<64x128xf32, #tpu.memory_space<hbm>>
    %dma_wait3A_463 = arith.constant 0 : i32
    %dma_wait3A_464 = arith.constant 0 : i32
    %dma_wait3A_465 = tpu.memref_slice %arg12[%dma_wait3A_455, %dma_wait3A_463, %dma_wait3A_464] : memref<4x64x128xf32, #tpu.memory_space<vmem>> -> memref<1x64x128xf32, #tpu.memory_space<vmem>>
    %dma_wait3A_466 = tpu.memref_squeeze %dma_wait3A_465 : memref<1x64x128xf32, #tpu.memory_space<vmem>> -> memref<64x128xf32, #tpu.memory_space<vmem>>
    %dma_wait3A_467 = arith.constant 0 : i32
    %dma_wait3A_468 = arith.constant 0 : i32
    %dma_wait3A_469 = tpu.memref_slice %arg5[%dma_wait3A_467, %dma_wait3A_468] : memref<64x1000000xf32, #tpu.memory_space<hbm>> -> memref<64x128xf32, #tpu.memory_space<hbm>>
    tpu.wait_dma2 semaphore(%arg16 : memref<!tpu.dma_semaphore, #tpu.memory_space<semaphore_mem>>) src(%dma_wait3A_469 : memref<64x128xf32, #tpu.memory_space<hbm>>) dst(%dma_wait3A_466 : memref<64x128xf32, #tpu.memory_space<vmem>>)
    %dma_wait3A_470 = arith.constant 3 : i32
    %dma_wait3A_471 = arith.constant 0 : i32
    %dma_wait3A_472 = arith.constant 0 : i32
    %dma_wait3A_473 = tpu.memref_slice %arg11[%dma_wait3A_470, %dma_wait3A_471, %dma_wait3A_472] : memref<4x64x128xf32, #tpu.memory_space<vmem>> -> memref<1x64x128xf32, #tpu.memory_space<vmem>>
    %dma_wait3A_474 = tpu.memref_squeeze %dma_wait3A_473 : memref<1x64x128xf32, #tpu.memory_space<vmem>> -> memref<64x128xf32, #tpu.memory_space<vmem>>
    %dma_wait3A_475 = arith.constant 0 : i32
    %dma_wait3A_476 = arith.constant 0 : i32
    %dma_wait3A_477 = tpu.memref_slice %arg4[%dma_wait3A_475, %dma_wait3A_476] : memref<64x1000000xf32, #tpu.memory_space<hbm>> -> memref<64x128xf32, #tpu.memory_space<hbm>>
    %dma_wait3A_478 = arith.constant 0 : i32
    %dma_wait3A_479 = arith.constant 0 : i32
    %dma_wait3A_480 = tpu.memref_slice %arg11[%dma_wait3A_470, %dma_wait3A_478, %dma_wait3A_479] : memref<4x64x128xf32, #tpu.memory_space<vmem>> -> memref<1x64x128xf32, #tpu.memory_space<vmem>>
    %dma_wait3A_481 = tpu.memref_squeeze %dma_wait3A_480 : memref<1x64x128xf32, #tpu.memory_space<vmem>> -> memref<64x128xf32, #tpu.memory_space<vmem>>
    %dma_wait3A_482 = arith.constant 0 : i32
    %dma_wait3A_483 = arith.constant 0 : i32
    %dma_wait3A_484 = tpu.memref_slice %arg4[%dma_wait3A_482, %dma_wait3A_483] : memref<64x1000000xf32, #tpu.memory_space<hbm>> -> memref<64x128xf32, #tpu.memory_space<hbm>>
    tpu.wait_dma2 semaphore(%arg16 : memref<!tpu.dma_semaphore, #tpu.memory_space<semaphore_mem>>) src(%dma_wait3A_484 : memref<64x128xf32, #tpu.memory_space<hbm>>) dst(%dma_wait3A_481 : memref<64x128xf32, #tpu.memory_space<vmem>>)
    %dma_wait3A_485 = arith.constant 3 : i32
    %dma_wait3A_486 = arith.constant 0 : i32
    %dma_wait3A_487 = arith.constant 0 : i32
    %dma_wait3A_488 = tpu.memref_slice %arg12[%dma_wait3A_485, %dma_wait3A_486, %dma_wait3A_487] : memref<4x64x128xf32, #tpu.memory_space<vmem>> -> memref<1x64x128xf32, #tpu.memory_space<vmem>>
    %dma_wait3A_489 = tpu.memref_squeeze %dma_wait3A_488 : memref<1x64x128xf32, #tpu.memory_space<vmem>> -> memref<64x128xf32, #tpu.memory_space<vmem>>
    %dma_wait3A_490 = arith.constant 0 : i32
    %dma_wait3A_491 = arith.constant 0 : i32
    %dma_wait3A_492 = tpu.memref_slice %arg5[%dma_wait3A_490, %dma_wait3A_491] : memref<64x1000000xf32, #tpu.memory_space<hbm>> -> memref<64x128xf32, #tpu.memory_space<hbm>>
    %dma_wait3A_493 = arith.constant 0 : i32
    %dma_wait3A_494 = arith.constant 0 : i32
    %dma_wait3A_495 = tpu.memref_slice %arg12[%dma_wait3A_485, %dma_wait3A_493, %dma_wait3A_494] : memref<4x64x128xf32, #tpu.memory_space<vmem>> -> memref<1x64x128xf32, #tpu.memory_space<vmem>>
    %dma_wait3A_496 = tpu.memref_squeeze %dma_wait3A_495 : memref<1x64x128xf32, #tpu.memory_space<vmem>> -> memref<64x128xf32, #tpu.memory_space<vmem>>
    %dma_wait3A_497 = arith.constant 0 : i32
    %dma_wait3A_498 = arith.constant 0 : i32
    %dma_wait3A_499 = tpu.memref_slice %arg5[%dma_wait3A_497, %dma_wait3A_498] : memref<64x1000000xf32, #tpu.memory_space<hbm>> -> memref<64x128xf32, #tpu.memory_space<hbm>>
    tpu.wait_dma2 semaphore(%arg16 : memref<!tpu.dma_semaphore, #tpu.memory_space<semaphore_mem>>) src(%dma_wait3A_499 : memref<64x128xf32, #tpu.memory_space<hbm>>) dst(%dma_wait3A_496 : memref<64x128xf32, #tpu.memory_space<vmem>>)
    "tpu.region"() ({
      %run_scoped3A = tpu.sem_alloc : memref<!tpu.dma_semaphore, #tpu.memory_space<semaphore_mem>>
      %dma_start3A_500 = tpu.memref_slice %arg8[%mul3A_2] : memref<16384xf32, #tpu.memory_space<hbm>> -> memref<512xf32, #tpu.memory_space<hbm>>
      %dma_start3A_501 = tpu.memref_slice %arg8[%mul3A_2] : memref<16384xf32, #tpu.memory_space<hbm>> -> memref<512xf32, #tpu.memory_space<hbm>>
      tpu.enqueue_dma source(%arg15 : memref<512xf32, #tpu.memory_space<vmem>>) target(%dma_start3A_501 : memref<512xf32, #tpu.memory_space<hbm>>) target_semaphore(%run_scoped3A : memref<!tpu.dma_semaphore, #tpu.memory_space<semaphore_mem>>)
      %dma_wait3A_502 = tpu.memref_slice %arg8[%mul3A_2] : memref<16384xf32, #tpu.memory_space<hbm>> -> memref<512xf32, #tpu.memory_space<hbm>>
      %dma_wait3A_503 = tpu.memref_slice %arg8[%mul3A_2] : memref<16384xf32, #tpu.memory_space<hbm>> -> memref<512xf32, #tpu.memory_space<hbm>>
      tpu.wait_dma2 semaphore(%run_scoped3A : memref<!tpu.dma_semaphore, #tpu.memory_space<semaphore_mem>>) src(%arg15 : memref<512xf32, #tpu.memory_space<vmem>>) dst(%dma_wait3A_503 : memref<512xf32, #tpu.memory_space<hbm>>)
      tpu.yield
    }) : () -> ()
    return
  }
}

</mosaic_0001>

<sc_bundles>
// kernel: _mf.3.cloned.1.call-start
scs
__scs_entry_jumppad:
0x0: {  	(pc) =	sbr.rel $0x88, $3  }
0x1: {  	(tag) =	ssettag $0x0;
	lr =	simm.s32 $0x1  }
0x2: {  	[smem:$0x3F9B] =	sst lr;
	_ =	strace $0xD0000000  }
0x3: {  	_ = 	snop  }
0x4: {  	_ = 	snop  }
0x5: {  	_ = 	snop  }
0x6: {  	_ = 	snop  }
0x7: {  	_ = 	snop  }
__scs_overlays_trampoline_lowered:
0x8: {  	[smem:$0x3FAA] =	sst s0  }
0x9: {  	[smem:$0x3FAB] =	sst s1  }
0xa: {  	[smem:$0x3FAC] =	sst s2  }
0xb: {  	[smem:$0x3FAD] =	sst s3  }
0xc: {  	[smem:$0x3FAE] =	sst s4  }
0xd: {  	[smem:$0x3FAF] =	sst s5  }
0xe: {  	[smem:$0x3FB0] =	sst s6  }
0xf: {  	[smem:$0x3FB1] =	sst s7  }
0x10: {  	[smem:$0x3FB2] =	sst s8  }
0x11: {  	[smem:$0x3FB3] =	sst s9;
	s0 =	simm.s32 @!p0 $0x0  }
0x12: {  	s1 =	sld [smem:$0x3F99];
	s0 =	simm.s32 @p0 $0x1  }
0x13: {  	[smem:$0x3FB4] =	sst s0;
	s0 =	simm.s32 @!p1 $0x0  }
0x14: {  	s2 =	sld [smem:$0x3F98];
	s0 =	simm.s32 @p1 $0x1  }
0x15: {  	[smem:$0x3FB5] =	sst s0;
	s0 =	simm.s32 @!p2 $0x0  }
0x16: {  	s3 =	sld [smem:$0x3FDB];
	s0 =	simm.s32 @p2 $0x1  }
0x17: {  	s4 =	simm.s32 $0x1BF5;
	[smem:$0x3FB7] =	sst s0  }
0x18: {  	s0 =	sld [smem:$0x3F9A];
	_ =	swait.ge [sflag:s4], $0x0  }
0x19: {  	s7 =	sld [smem:$0x3F9B]  }
0x1a: {  	s8 =	sadd.s32 $0xFFFFE003, lr  }
0x1b: {  	s9 =	sadd.s32 $0xFFFFFEF7, lr;
	s5 =	simm.s32 $0xFFFFFFFF;
	p2 =	slt.u32 s8, $0xFFFFF086  }
0x1c: {  	p1 =	slt.u32 s9, $0xF7A;
	s5 =	simm.s32 @!p2 $0x0  }
0x1d: {  	s5 =	simm.s32 @p1 $0x1;
	p0 =	seq.s32 s7, s2  }
0x1e: {  	s7 =	smul.u32 @!p0 $0xF7A, s2;
	p2 =	seq.s32 @!p0 s5, $0x0  }
0x1f: {  	s9 =	smul.u32 $0xF7A, s1;
	s8 =	simm.s32 @!p0 $0x1BF5;
	p2 =	por !p2, p0  }
0x20: {  	[sflag:s8] =	ssyncset.s32 @!p0 $0xFFFFF086;
	s6 =	sadd.s32 @!p0 s3, s7;
	s7 =	simm.s32 @!p0 $0x108  }
0x21: {  	s3 =	sadd.s32 s3, s9;
	s6 =	sadd.s32 @!p0 $0x88, s6;
	s7 =	simm.s32 @p2 $0x1082  }
0x22: {  	[simem:s7], [sflag:s8] =	dma.local @!p0 [hbm:s6], $0xF7A  }
0x23: {  	s9 =	sor.u32 $0xD0000000, s2;
	s6 =	simm.s32 $0x108;
	_ =	swait.ge @!p0 [sflag:s8], $0x0  }
0x24: {  	s3 =	sadd.s32 $0x88, s3;
	s6 =	simm.s32 @!p1 $0x1082;
	[sflag:s4] =	ssyncset.s32 $0xFFFFF086  }
0x25: {  	[simem:s6], [sflag:s4] =	dma.local [hbm:s3], $0xF7A  }
0x26: {  	[smem:$0x3F9B] =	sst s1;
	(tag) =	ssettag s2;
	_ =	strace s9  }
0x27: {  	s1 =	sld [smem:$0x3FAB]  }
0x28: {  	s2 =	sld [smem:$0x3FAC]  }
0x29: {  	s4 =	sld [smem:$0x3FAE]  }
0x2a: {  	p0 =	seq.s32 s5, $0x0;
	s5 =	sld [smem:$0x3FAF]  }
0x2b: {  	s6 =	sld [smem:$0x3FB0]  }
0x2c: {  	s7 =	sld [smem:$0x3FB1]  }
0x2d: {  	s3 =	simm.s32 $0x108;
	s8 =	sld [smem:$0x3FB2]  }
0x2e: {  	s3 =	simm.s32 @!p0 $0x1082;
	s9 =	sld [smem:$0x3FB3]  }
0x2f: {  	lr =	sadd.s32 s0, s3;
	s0 =	sld [smem:$0x3FAA]  }
0x30: {  	s3 =	sld [smem:$0x3FAD]  }
0x31: {  	[smem:$0x3FB6] =	sst s10  }
0x32: {  	s10 =	sld [smem:$0x3FB4];
	_ =	sdelay $0x3  }
0x33: {  	p0 =	seq.s32 s10, $0x1;
	s10 =	sld [smem:$0x3FB6];
	_ =	sdelay $0x3  }
0x34: {  	[smem:$0x3FB6] =	sst s10  }
0x35: {  	s10 =	sld [smem:$0x3FB5];
	_ =	sdelay $0x3  }
0x36: {  	p1 =	seq.s32 s10, $0x1;
	s10 =	sld [smem:$0x3FB6];
	_ =	sdelay $0x3  }
0x37: {  	[smem:$0x3FB6] =	sst s10  }
0x38: {  	s10 =	sld [smem:$0x3FB7]  }
0x39: {  	_ = 	snop;
	(pc) =	sbr.ind lr, $3  }
0x3a: {  	_ = 	snop  }
0x3b: {  	_ = 	snop  }
0x3c: {  	p2 =	seq.s32 s10, $0x1;
	s10 =	sld [smem:$0x3FB6]  }
0x3d: {  	_ =	shalt  }
0x3e: {  	_ =	shalt  }
0x3f: {  	_ =	shalt  }
0x40: {  	_ =	shalt  }
0x41: {  	_ =	shalt  }
0x42: {  	_ =	shalt  }
0x43: {  	_ =	shalt  }
0x44: {  	_ =	shalt  }
0x45: {  	_ =	shalt  }
0x46: {  	_ =	shalt  }
0x47: {  	_ =	shalt  }
0x48: {  	_ =	shalt  }
0x49: {  	_ =	shalt  }
0x4a: {  	_ =	shalt  }
0x4b: {  	_ =	shalt  }
0x4c: {  	_ =	shalt  }
0x4d: {  	_ =	shalt  }
0x4e: {  	_ =	shalt  }
0x4f: {  	_ =	shalt  }
0x50: {  	_ =	shalt  }
0x51: {  	_ =	shalt  }
0x52: {  	_ =	shalt  }
0x53: {  	_ =	shalt  }
0x54: {  	_ =	shalt  }
0x55: {  	_ =	shalt  }
0x56: {  	_ =	shalt  }
0x57: {  	_ =	shalt  }
0x58: {  	_ =	shalt  }
0x59: {  	_ =	shalt  }
0x5a: {  	_ =	shalt  }
0x5b: {  	_ =	shalt  }
0x5c: {  	_ =	shalt  }
0x5d: {  	_ =	shalt  }
0x5e: {  	_ =	shalt  }
0x5f: {  	_ =	shalt  }
0x60: {  	_ =	shalt  }
0x61: {  	_ =	shalt  }
0x62: {  	_ =	shalt  }
0x63: {  	_ =	shalt  }
0x64: {  	_ =	shalt  }
0x65: {  	_ =	shalt  }
0x66: {  	_ =	shalt  }
0x67: {  	_ =	shalt  }
0x68: {  	_ =	shalt  }
0x69: {  	_ =	shalt  }
0x6a: {  	_ =	shalt  }
0x6b: {  	_ =	shalt  }
0x6c: {  	_ =	shalt  }
0x6d: {  	_ =	shalt  }
0x6e: {  	_ =	shalt  }
0x6f: {  	_ =	shalt  }
0x70: {  	_ =	shalt  }
0x71: {  	_ =	shalt  }
0x72: {  	_ =	shalt  }
0x73: {  	_ =	shalt  }
0x74: {  	_ =	shalt  }
0x75: {  	_ =	shalt  }
0x76: {  	_ =	shalt  }
0x77: {  	_ =	shalt  }
0x78: {  	_ =	shalt  }
0x79: {  	_ =	shalt  }
0x7a: {  	_ =	shalt  }
0x7b: {  	_ =	shalt  }
0x7c: {  	_ =	shalt  }
0x7d: {  	_ =	shalt  }
0x7e: {  	_ =	shalt  }
0x7f: {  	_ =	shalt  }
0x80: {  	_ =	shalt  }
0x81: {  	_ =	shalt  }
0x82: {  	_ =	shalt  }
0x83: {  	_ =	shalt  }
0x84: {  	_ =	shalt  }
0x85: {  	_ =	shalt  }
0x86: {  	_ =	shalt  }
0x87: {  	_ =	shalt  }
.Lfunc_end0:
.L_simem_size_0:
called_computation_lowered:
.L_overlay_start_0:
0x88: {  	s2 =	sld [smem:$0x3FD9]  }
0x89: {  	s3 =	sld [smem:$0x3FFE];
	_ =	sdelay $0x1  }
0x8a: {  	s1 =	srdreg.scid  }
0x8b: {  	s0 =	sand.u32 $0x1, s1  }
0x8c: {  	s18 =	sshll.u32 s0, $0xA;
	s2 =	sadd.s32 s3, s2  }
0x8d: {  	s2 =	sadd.s32 s2, s18  }
0x8e: {  	[smem:$0x3FC2] =	sst s2  }
0x8f: {  	_ = 	snop  }
0x90: {  	s2 =	sld [smem:$0x3FC9]  }
0x91: {  	s19 =	sld [smem:$0x3FC8]  }
0x92: {  	s4 =	sld [smem:$0x3FC7]  }
0x93: {  	s5 =	sld [smem:$0x3FC6]  }
0x94: {  	s6 =	sld [smem:$0x3FC5]  }
0x95: {  	s7 =	sld [smem:$0x3FC4]  }
0x96: {  	s8 =	sld [smem:$0x3FD0];
	(tm) =	ssettm $0x1  }
0x97: {  	s9 =	sld [smem:$0x3FFB];
	_ =	sdelay $0x3  }
0x98: {  	_ =	strace s9  }
0x99: {  	s9 =	sld [smem:$0x3FFC];
	_ =	sdelay $0x3  }
0x9a: {  	_ =	strace s9  }
0x9b: {  	s9 =	sld [smem:$0x3FFD];
	_ =	sdelay $0x3  }
0x9c: {  	_ =	strace s9  }
0x9d: {  	_ =	strace $0x8FFFFFFF  }
0x9e: {  	s20 =	sld [smem:$0x3FDB];
	_ =	sdelay $0x1  }
0x9f: {  	s10 =	simm.s32 $_scs_section_size  }
0xa0: {  	s11 =	simm.s32 $_size__tile_overlayer_lowered;
	s12 =	simm.s32 $_tile_overlayer_lowered  }
0xa1: {  	s23 =	simm.s32 $0x1BFF;
	s22 =	sshll.u32 s12, $0x1;
	s9 =	sadd.s32 s10, s20  }
0xa2: {  	s13 =	simm.s32 $0x0;
	s21 =	sshll.u32 s11, $0x1;
	s11 =	sadd.s32 s22, s9  }
0xa3: {  	[timem:s13], [sflag:s23] =	dma.local [hbm:s11], s21  }
0xa4: {  	_ =	swait.ge [sflag:s23], s21  }
0xa5: {  	s10 =	ssub.s32 $0x0, s21;
	[sflag:s23] =	ssyncset.done $0x0  }
0xa6: {  	[sflag:s23] =	ssyncadd.s32 s10;
	_ =	sdelay $0x1  }
0xa7: {  	s24 =	simm.s32 $0x1B8B  }
0xa8: {  	_ =	swait.ge [sflag:s24], $0x1  }
0xa9: {  	[sflag:s24] =	ssyncset.done $0x0  }
0xaa: {  	s25 =	simm.s32 $0x1B8E;
	[sflag:s24] =	ssyncadd.s32 $0xFFFFFFFF  }
0xab: {  	s26 =	simm.s32 $execute0_lowered;
	[smem:$0x3FD2] =	sst s25  }
0xac: {  	s10 =	sshll.u32 s26, $0x1;
	_ =	strace $0x80000046;
	[dreg:$0x1] =	wrdreg $0xFFFFFFFF  }
0xad: {  	s28 =	simm.s32 $_size_execute0_lowered;
	s9 =	sadd.s32 s9, s10;
	[dreg:$0x0] =	wrdreg $0x0  }
0xae: {  	s10 =	sshll.u32 s28, $0x1;
	[dreg:$0x2] =	wrdreg s9  }
0xaf: {  	[dreg:$0x3] =	wrdreg s10  }
0xb0: {  	[dreg:$0x4] =	wrdreg $0xC0  }
0xb1: {  	_ =	task [dreg:s13], $0x5FFFF  }
0xb2: {  	[dreg:$0x1] =	wrdreg $0xFFFFFFFF  }
0xb3: {  	[dreg:$0x0] =	wrdreg $0x60  }
0xb4: {  	[dreg:$0x2] =	wrdreg s2  }
0xb5: {  	[dreg:$0x3] =	wrdreg s19  }
0xb6: {  	[dreg:$0x4] =	wrdreg s4  }
0xb7: {  	[dreg:$0x5] =	wrdreg s5  }
0xb8: {  	[dreg:$0x6] =	wrdreg s6  }
0xb9: {  	[dreg:$0x7] =	wrdreg s7  }
0xba: {  	[dreg:$0x8] =	wrdreg s8  }
0xbb: {  	[dreg:$0x9] =	wrdreg $0x9  }
0xbc: {  	_ =	task.clear_ibuf [dreg:s13], $0xAFFFF;
	_ =	strace $0x90000046  }
0xbd: {  	s29 =	simm.s32 $0x9;
	_ =	strace $0x80000048  }
0xbe: {  	_ =	swait.ge [sflag:s29], $0x1  }
0xbf: {  	[sflag:s29] =	ssyncadd.s32 $0xFFFFFFFF  }
0xc0: {  	_ =	strace $0x90000048  }
0xc1: {  	_ =	sfence  }
0xc2: {  	s30 =	sld [smem:$0x0];
	_ =	sdelay $0x2  }
0xc3: {  	s31 =	sshll.u32 s1, $0xD;
	s1 =	sshrl.u32 s1, $0x2  }
0xc4: {  	s3 =	sand.u32 $0x4000, s31;
	s1 =	sadd.s32 s1, s30  }
0xc5: {  	s0 =	sor.u32 s3, s0;
	s1 =	sshll.u32 s1, $0x11  }
0xc6: {  	s0 =	sor.u32 s1, s0  }
0xc7: {  	s0 =	sadd.s32 $0x8F2B, s0  }
0xc8: {  	[sflag:s0] =	ssyncadd.remote.s32 $0x1  }
0xc9: {  	_ =	sfence.sel $0xFFFF  }
0xca: {  	[dreg:$0x0] =	wrdreg $0xFFFFFFFF;
	(pc) =	sbr.abs _section_cstart, $3  }
0xcb: {  	[dreg:$0x1] =	wrdreg $0xFFFFFFFF  }
0xcc: {  	_ =	task.clear_ibuf [dreg:s13], $0x2FFFF;
	_ =	strace $0x9FFFFFFF  }
0xcd: {  	(tm) =	ssettm $0x7FFFFFFF  }
tec
execute0_lowered:
.L_overlay_start_1:
0x0: {  	(tag) =	ssettag $0x1  }
0x1: {  	s0 =	rddreg [dreg:$0x0]  }
0x2: {  	s3 =	rddreg [dreg:$0x1]  }
0x3: {  	s1 =	rddreg [dreg:$0x2]  }
0x4: {  	s2 =	rddreg [dreg:$0x3]  }
0x5: {  	s4 =	rddreg [dreg:$0x6]  }
0x6: {  	s5 =	srdreg.scid;
	s9 =	simm.s32 $0x0;
	s8 =	stileid.u32  }
0x7: {  	s28 =	simm.s32 $0x2400;
	s29 =	simm.s32 $0xA400;
	s30 =	simm.s32 $0x4400  }
0x8: {  	s31 =	simm.s32 $0xC400;
	s13 =	simm.s32 $0x2;
	s5 =	sand.u32 $0x1, s5  }
0x9: {  	s8 =	sshll.u32 s8, $0x7;
	s6 =	ssub.s32 $0x2, s5;
	s5 =	sshll.u32 s5, $0x6  }
0xa: {  	v0 =	vlaneseq.u32;
	vm1 =	vcmask $0x308;
	s14 =	simm.s32 $0x1;
	[smem:$0x7FF] =	sst s9;
	s5 =	sor.u32 s5, s8  }
0xb: {  	vm2 =	vcmask $0x70C;
	vm3 =	vcmask $0xB10;
	vm4 =	vcmask $0xF14;
	_ =	strace $0x80000047;
	s7 =	sshrl.u32 s6, $0x1;
	s0 =	sadd.s32 s0, s5  }
0xc: {  	vm6 =	vcmask $0x1318;
	vm8 =	vcmask $0x171C;
	vm10 =	vcmask $0x1B20;
	s6 =	ssub.s32 s6, s7;
	s24 =	sadd.s32 s3, s5;
	[dreg:$0x8] =	wrdreg s0  }
0xd: {  	vm12 =	vcmask $0x1F24;
	vm14 =	vcmask $0x2328;
	vm5 =	vcmask $0x272C;
	s25 =	sadd.s32 s4, s5;
	s4 =	simm.s32 $0x3;
	[dreg:$0x9] =	wrdreg s24  }
0xe: {  	vm9 =	vcmask $0x2B30;
	vm13 =	vcmask $0x2F34;
	v0 =	vmul.u32 $0x80, v0;
	s5 =	simm.s32 $0xE400;
	[dreg:$0xa] =	wrdreg s25;
	s26 =	smax.u32 s6, $0x1  }
0xf: {  	vm0 =	vmmov $0x1;
	vm7 =	vcmask $0x3338;
	vm15 =	vcmask $0x373C;
	s24 =	simm.s32 $0x7A1400;
	s25 =	simm.s32 $0x400;
	s0 =	simm.s32 $0x6400  }
0x10: {  	v1 =	vor.u32 $0x800, v0;
	v2 =	vor.u32 $0x1000, v0;
	v3 =	vor.u32 $0x1800, v0;
	s6 =	simm.s32 $0x0;
	[dreg:$0xb] =	wrdreg s26;
	s26 =	simm.s32 $0x8400  }
.LBB2_1:
0x11: {  	[dreg:$0xc] =	wrdreg s6  }
0x12: {  	s3 =	rddreg [dreg:$0x8]  }
0x13: {  	[tilespmem:s9], [sflag:$0x3] =	stream.linear.gather [hbm4b:s3+s9], $0x200, $0x38;
	[tilespmem:$0x10A00] =	vst v63  }
0x14: {  	_ =	swait.ge [sflag:s4], $0x200  }
0x15: {  	[sflag:s4] =	ssyncset.done $0x0  }
0x16: {  	s17 =	simm.s32 $0x200;
	s22 =	rddreg [dreg:$0x9];
	[sflag:s4] =	ssyncadd.s32 $0xFFFFFE00  }
0x17: {  	[tilespmem:s17], [sflag:$0x3] =	stream.linear.gather [hbm4b:s22+s9], $0x200, $0x38;
	[tilespmem:$0x10A00] =	vst v63  }
0x18: {  	_ =	swait.ge [sflag:s4], $0x200  }
0x19: {  	[sflag:s4] =	ssyncset.done $0x0  }
0x1a: {  	[sflag:s4] =	ssyncadd.s32 $0xFFFFFE00  }
0x1b: {  	s18 =	simm.s32 $0x10400;
	s6 =	simm.s32 $0x80;
	s23 =	rddreg [dreg:$0x4]  }
0x1c: {  	[tilespmem:s18], [sflag:$0x2] =	stream.indirect.gather [hbm4b:s23+s6], $0x1, s9, s6, $0xb8;
	[tilespmem:$0x10A00] =	vst v63  }
0x1d: {  	s19 =	simm.s32 $0x10600;
	s4 =	rddreg [dreg:$0x5]  }
0x1e: {  	[tilespmem:s19], [sflag:$0x2] =	stream.indirect.gather [hbm4b:s4+s6], $0x1, s17, s6, $0xb8;
	[tilespmem:$0x10A00] =	vst v63  }
0x1f: {  	s7 =	simm.s32 $0x10480  }
0x20: {  	[tilespmem:s7], [sflag:$0x2] =	stream.indirect.gather [hbm4b:s23+s6], $0x1, s6, s6, $0xb8;
	[tilespmem:$0x10A00] =	vst v63  }
0x21: {  	s10 =	simm.s32 $0x280;
	s8 =	simm.s32 $0x10680  }
0x22: {  	[tilespmem:s8], [sflag:$0x2] =	stream.indirect.gather [hbm4b:s4+s6], $0x1, s10, s6, $0xb8;
	[tilespmem:$0x10A00] =	vst v63  }
0x23: {  	s11 =	simm.s32 $0x10500;
	s12 =	simm.s32 $0x100  }
0x24: {  	[tilespmem:s11], [sflag:$0x2] =	stream.indirect.gather [hbm4b:s23+s6], $0x1, s12, s6, $0xb8;
	[tilespmem:$0x10A00] =	vst v63  }
0x25: {  	s15 =	simm.s32 $0x300;
	s16 =	simm.s32 $0x10700  }
0x26: {  	[tilespmem:s16], [sflag:$0x2] =	stream.indirect.gather [hbm4b:s4+s6], $0x1, s15, s6, $0xb8;
	[tilespmem:$0x10A00] =	vst v63  }
0x27: {  	s20 =	simm.s32 $0x180;
	s21 =	simm.s32 $0x10580  }
0x28: {  	[tilespmem:s21], [sflag:$0x2] =	stream.indirect.gather [hbm4b:s23+s6], $0x1, s20, s6, $0xb8;
	[tilespmem:$0x10A00] =	vst v63  }
0x29: {  	s22 =	simm.s32 $0x380;
	s23 =	simm.s32 $0x10780  }
0x2a: {  	[tilespmem:s23], [sflag:$0x2] =	stream.indirect.gather [hbm4b:s4+s6], $0x1, s22, s6, $0xb8;
	[tilespmem:$0x10A00] =	vst v63  }
0x2b: {  	v4 =	vld [tilespmem:$0x0];
	_ =	sdelay $0x1  }
0x2c: {  	v5 =	vld [tilespmem:$0x200];
	_ =	sdelay $0x2  }
0x2d: {  	v6 =	vnsel vm0, $0x0, v4  }
0x2e: {  	(xrf0) =	vadd.scan.msk.s32 $0xffff, v6  }
0x2f: {  	v55 =	vnsel vm0, $0x0, v5  }
0x30: {  	(xrf0) =	vadd.scan.msk.s32 $0xffff, v55;
	_ =	sdelay $0x3  }
0x31: {  	v57 =	vsel vm1, $0x0, v4;
	v56, _, _ =	vpop (xrf0)  }
0x32: {  	v58 =	vsel vm1, $0x0, v5;
	(xrf0) =	vadd.scan.msk.s32 $0xffff, v57;
	(v2sf) =	vpush v56, $0xF  }
0x33: {  	v59 =	vsel vm2, $0x0, v4;
	v7, _, _ =	vpop (xrf0);
	(xrf0) =	vadd.scan.msk.s32 $0xffff, v58  }
0x34: {  	(v2sf) =	vpush v7, $0xF;
	(xrf0) =	vadd.scan.msk.s32 $0xffff, v59;
	_ =	sdelay $0x3  }
0x35: {  	v60, _, _ =	vpop (xrf0)  }
0x36: {  	v61 =	vsel vm2, $0x0, v5;
	(v2sf) =	vpush v60, $0xF;
	v62, _, _ =	vpop (xrf0)  }
0x37: {  	(xrf0) =	vadd.scan.msk.s32 $0xffff, v61;
	(v2sf) =	vpush v62, $0xF;
	v63, _, _ =	vpop (xrf0)  }
0x38: {  	(v2sf) =	vpush v63, $0xF;
	_ =	sdelay $0x1  }
0x39: {  	v4 =	vsel vm3, $0x0, v4  }
0x3a: {  	(xrf0) =	vadd.scan.msk.s32 $0xffff, v4;
	_ =	sdelay $0x1  }
0x3b: {  	v4, _, _ =	vpop (xrf0)  }
0x3c: {  	s7 =	spop (v2sf);
	(v2sf) =	vpush v4, $0xF;
	v4 =	vsel vm3, $0x0, v5  }
0x3d: {  	s3 =	sand.u32 $0xFFFFF80, s7;
	(xrf0) =	vadd.scan.msk.s32 $0xffff, v4  }
0x3e: {  	s8 =	spop (v2sf);
	s3 =	sadd.s32 s1, s3  }
0x3f: {  	v4, _, _ =	vpop (xrf0);
	[tilespmem:s25], [sflag:$0x1] =	stream.strided.gather [hbm4b:s3+s25], $0x2000, s24, s25, $0x38;
	[tilespmem:$0x10A00] =	vst v63  }
0x40: {  	s3 =	sand.u32 $0xFFFFF80, s8;
	(v2sf) =	vpush v4, $0xF  }
0x41: {  	s3 =	sadd.s32 s2, s3  }
0x42: {  	[tilespmem:s26], [sflag:$0x1] =	stream.strided.gather [hbm4b:s3+s25], $0x2000, s24, s25, $0x38;
	[tilespmem:$0x10A00] =	vst v63  }
0x43: {  	s9 =	spop (v2sf);
	v4, _, _ =	vpop (xrf0)  }
0x44: {  	s3 =	sand.u32 $0xFFFFF80, s9;
	s10 =	spop (v2sf);
	(v2sf) =	vpush v4, $0xF  }
0x45: {  	s3 =	sadd.s32 s1, s3;
	s11 =	sand.u32 $0xFFFFF80, s10;
	s12 =	spop (v2sf)  }
0x46: {  	[tilespmem:s28], [sflag:$0x1] =	stream.strided.gather [hbm4b:s3+s25], $0x2000, s24, s25, $0x38;
	[tilespmem:$0x10A00] =	vst v63  }
0x47: {  	s3 =	sadd.s32 s2, s11;
	s15 =	sand.u32 $0xFFFFF80, s12  }
0x48: {  	[tilespmem:s29], [sflag:$0x1] =	stream.strided.gather [hbm4b:s3+s25], $0x2000, s24, s25, $0x38;
	[tilespmem:$0x10A00] =	vst v63  }
0x49: {  	s3 =	sadd.s32 s1, s15  }
0x4a: {  	[tilespmem:s30], [sflag:$0x1] =	stream.strided.gather [hbm4b:s3+s25], $0x2000, s24, s25, $0x38;
	[tilespmem:$0x10A00] =	vst v63  }
0x4b: {  	s16 =	spop (v2sf)  }
0x4c: {  	s20 =	sand.u32 $0xFFFFF80, s16  }
0x4d: {  	s3 =	sadd.s32 s2, s20  }
0x4e: {  	[tilespmem:s31], [sflag:$0x1] =	stream.strided.gather [hbm4b:s3+s25], $0x2000, s24, s25, $0x38;
	[tilespmem:$0x10A00] =	vst v63  }
0x4f: {  	s21 =	spop (v2sf)  }
0x50: {  	s22 =	sand.u32 $0xFFFFF80, s21  }
0x51: {  	s3 =	sadd.s32 s1, s22  }
0x52: {  	[tilespmem:s0], [sflag:$0x1] =	stream.strided.gather [hbm4b:s3+s25], $0x2000, s24, s25, $0x38;
	[tilespmem:$0x10A00] =	vst v63  }
0x53: {  	s23 =	spop (v2sf)  }
0x54: {  	s3 =	sand.u32 $0xFFFFF80, s23  }
0x55: {  	s3 =	sadd.s32 s2, s3  }
0x56: {  	[tilespmem:s5], [sflag:$0x1] =	stream.strided.gather [hbm4b:s3+s25], $0x2000, s24, s25, $0x38;
	[tilespmem:$0x10A00] =	vst v63  }
0x57: {  	_ =	swait.ge [sflag:s13], $0x80  }
0x58: {  	[sflag:s13] =	ssyncset.done $0x0  }
0x59: {  	[sflag:s13] =	ssyncadd.s32 $0xFFFFFF80  }
0x5a: {  	_ =	swait.ge [sflag:s13], $0x80  }
0x5b: {  	[sflag:s13] =	ssyncset.done $0x0  }
0x5c: {  	[sflag:s13] =	ssyncadd.s32 $0xFFFFFF80  }
0x5d: {  	_ =	swait.ge [sflag:s13], $0x80  }
0x5e: {  	[sflag:s13] =	ssyncset.done $0x0  }
0x5f: {  	[sflag:s13] =	ssyncadd.s32 $0xFFFFFF80  }
0x60: {  	_ =	swait.ge [sflag:s13], $0x80  }
0x61: {  	[sflag:s13] =	ssyncset.done $0x0  }
0x62: {  	[sflag:s13] =	ssyncadd.s32 $0xFFFFFF80  }
0x63: {  	_ =	swait.ge [sflag:s13], $0x80  }
0x64: {  	[sflag:s13] =	ssyncset.done $0x0  }
0x65: {  	[sflag:s13] =	ssyncadd.s32 $0xFFFFFF80  }
0x66: {  	_ =	swait.ge [sflag:s13], $0x80  }
0x67: {  	[sflag:s13] =	ssyncset.done $0x0  }
0x68: {  	[sflag:s13] =	ssyncadd.s32 $0xFFFFFF80  }
0x69: {  	_ =	swait.ge [sflag:s13], $0x80  }
0x6a: {  	[sflag:s13] =	ssyncset.done $0x0  }
0x6b: {  	[sflag:s13] =	ssyncadd.s32 $0xFFFFFF80  }
0x6c: {  	_ =	swait.ge [sflag:s13], $0x80  }
0x6d: {  	s20 =	simm.s32 $0x10800;
	[sflag:s13] =	ssyncset.done $0x0  }
0x6e: {  	s21 =	simm.s32 $0x0;
	s22 =	simm.s32 $0x1;
	[sflag:s13] =	ssyncadd.s32 $0xFFFFFF80  }
.LBB2_2:
0x6f: {  	v12 =	vld [tilespmem:s21+$0x0]  }
0x70: {  	v11 =	vld [tilespmem:s17+$0x0];
	_ =	sdelay $0x3  }
0x71: {  	v4 =	vnsel vm0, $0x0, v12  }
0x72: {  	(xrf0) =	vadd.scan.msk.s32 $0xffff, v4;
	v4 =	vnsel vm0, $0x0, v11  }
0x73: {  	(xrf0) =	vadd.scan.msk.s32 $0xffff, v4;
	_ =	sdelay $0x4  }
0x74: {  	v4, _, _ =	vpop (xrf0)  }
0x75: {  	(v2sf) =	vpush v4, $0xF;
	v4, _, _ =	vpop (xrf0)  }
0x76: {  	(v2sf) =	vpush v4, $0xF;
	_ =	sdelay $0xc  }
0x77: {  	s3 =	smin.u32 s22, $0x1F;
	v6 =	vld [tilespmem:s18+$0x0]  }
0x78: {  	v7 =	vld [tilespmem:s19+$0x0];
	s3 =	sshll.u32 s3, $0x4;
	s23 =	spop (v2sf)  }
0x79: {  	v5 =	vld [tilespmem:s3+$0x0];
	s4 =	spop (v2sf)  }
0x7a: {  	v4 =	vld [tilespmem:s3+$0x200];
	_ =	swait.ge [sflag:s14], $0x2000  }
0x7b: {  	s3 =	sand.u32 $0x7F, s23;
	[sflag:s14] =	ssyncset.done $0x0  }
0x7c: {  	s4 =	sand.u32 $0x7F, s4;
	v8 =	vor.u32 s3, v0;
	[sflag:s14] =	ssyncadd.s32 $0xFFFFE000  }
0x7d: {  	v9 =	vsel vm4, $0x0, v12;
	v10 =	vor.u32 s4, v0;
	_ =	swait.ge [sflag:s14], $0x2000  }
0x7e: {  	v13 =	vsel vm4, $0x0, v11;
	v45 =	vor.u32 s3, v1;
	(xrf0) =	vadd.scan.msk.s32 $0xffff, v9  }
0x7f: {  	v14 =	vor.u32 s4, v1;
	[sflag:s14] =	ssyncset.done $0x0;
	(xrf0) =	vadd.scan.msk.s32 $0xffff, v13  }
0x80: {  	v46 =	vor.u32 s3, v2;
	[sflag:s14] =	ssyncadd.s32 $0xFFFFE000  }
0x81: {  	v15 =	vor.u32 s4, v2;
	v8 =	vld.idx.msk [tilespmem:v8+s25+$0x0], $0xffff  }
0x82: {  	v16 =	vor.u32 s3, v3;
	v10 =	vld.idx.msk [tilespmem:v10+s26+$0x0], $0xffff  }
0x83: {  	v19 =	vsel vm1, $0x0, v12;
	v17 =	vor.u32 s4, v3;
	v9 =	vld.idx.msk [tilespmem:v45+s25+$0x0], $0xffff  }
0x84: {  	v47 =	vsel vm1, $0x0, v11;
	v14 =	vld.idx.msk [tilespmem:v14+s26+$0x0], $0xffff;
	v18, _, _ =	vpop (xrf0);
	(xrf0) =	vadd.scan.msk.s32 $0xffff, v19  }
0x85: {  	v13 =	vld.idx.msk [tilespmem:v46+s25+$0x0], $0xffff;
	(v2sf) =	vpush v18, $0xF;
	v48, _, _ =	vpop (xrf0);
	(xrf0) =	vadd.scan.msk.s32 $0xffff, v47  }
0x86: {  	v15 =	vld.idx.msk [tilespmem:v15+s26+$0x0], $0xffff;
	(v2sf) =	vpush v48, $0xF  }
0x87: {  	v49 =	vld.idx.msk [tilespmem:v16+s25+$0x0], $0xffff;
	v8 =	vmul.f32 v10, v8  }
0x88: {  	v50 =	vld.idx.msk [tilespmem:v17+s26+$0x0], $0xffff  }
0x89: {  	v9 =	vmul.f32 v14, v9;
	v8 =	vadd.f32 $0.0e+00, v8  }
0x8a: {  	v51, _, _ =	vpop (xrf0)  }
0x8b: {  	v52 =	vmul.f32 v15, v13;
	v8 =	vadd.f32 v9, v8;
	(v2sf) =	vpush v51, $0xF;
	v53, _, _ =	vpop (xrf0)  }
0x8c: {  	(v2sf) =	vpush v53, $0xF  }
0x8d: {  	v54 =	vmul.f32 v50, v49;
	v8 =	vadd.f32 v52, v8;
	_ =	sdelay $0x1  }
0x8e: {  	v8 =	vadd.f32 v54, v8;
	_ =	sdelay $0x1  }
0x8f: {  	(xrf2) =	vadd.scan.msk.f32 $0xffff, v8;
	_ =	sdelay $0x2  }
0x90: {  	s23 =	spop (v2sf)  }
0x91: {  	s6 =	sand.u32 $0xFFFFF80, s23;
	s15 =	spop (v2sf)  }
0x92: {  	s3 =	sadd.s32 s1, s6;
	s7 =	sand.u32 $0xFFFFF80, s15  }
0x93: {  	[tilespmem:s25], [sflag:$0x1] =	stream.strided.gather [hbm4b:s3+s25], $0x2000, s24, s25, $0x38;
	[tilespmem:$0x10A00] =	vst v63  }
0x94: {  	s3 =	sadd.s32 s2, s7  }
0x95: {  	[tilespmem:s26], [sflag:$0x1] =	stream.strided.gather [hbm4b:s3+s25], $0x2000, s24, s25, $0x38;
	[tilespmem:$0x10A00] =	vst v63  }
0x96: {  	s8 =	spop (v2sf)  }
0x97: {  	v8, _, _ =	vpop (xrf2);
	s9 =	spop (v2sf)  }
0x98: {  	_ =	swait.ge [sflag:s14], $0x2000  }
0x99: {  	s3 =	sand.u32 $0x7F, s8;
	[sflag:s14] =	ssyncset.done $0x0  }
0x9a: {  	s4 =	sand.u32 $0x7F, s9;
	v55 =	vor.u32 s3, v0;
	[sflag:s14] =	ssyncadd.s32 $0xFFFFE000  }
0x9b: {  	v56 =	vsel vm6, $0x0, v12;
	v57 =	vor.u32 s4, v0;
	_ =	swait.ge [sflag:s14], $0x2000  }
0x9c: {  	v59 =	vsel vm6, $0x0, v11;
	v58 =	vor.u32 s3, v1;
	(xrf0) =	vadd.scan.msk.s32 $0xffff, v56  }
0x9d: {  	v60 =	vor.u32 s4, v1;
	[sflag:s14] =	ssyncset.done $0x0;
	(xrf0) =	vadd.scan.msk.s32 $0xffff, v59  }
0x9e: {  	v61 =	vor.u32 s3, v2;
	[sflag:s14] =	ssyncadd.s32 $0xFFFFE000  }
0x9f: {  	v62 =	vor.u32 s4, v2;
	v9 =	vld.idx.msk [tilespmem:v55+s28+$0x0], $0xffff  }
0xa0: {  	v63 =	vor.u32 s3, v3;
	v13 =	vld.idx.msk [tilespmem:v57+s29+$0x0], $0xffff  }
0xa1: {  	v20 =	vsel vm2, $0x0, v12;
	v24 =	vor.u32 s4, v3;
	v10 =	vld.idx.msk [tilespmem:v58+s28+$0x0], $0xffff  }
0xa2: {  	v26 =	vsel vm2, $0x0, v11;
	v15 =	vld.idx.msk [tilespmem:v60+s29+$0x0], $0xffff;
	v25, _, _ =	vpop (xrf0);
	(xrf0) =	vadd.scan.msk.s32 $0xffff, v20  }
0xa3: {  	v14 =	vld.idx.msk [tilespmem:v61+s28+$0x0], $0xffff;
	(v2sf) =	vpush v25, $0xF;
	v27, _, _ =	vpop (xrf0);
	(xrf0) =	vadd.scan.msk.s32 $0xffff, v26  }
0xa4: {  	v16 =	vld.idx.msk [tilespmem:v62+s29+$0x0], $0xffff;
	(v2sf) =	vpush v27, $0xF  }
0xa5: {  	v28 =	vld.idx.msk [tilespmem:v63+s28+$0x0], $0xffff;
	v9 =	vmul.f32 v13, v9  }
0xa6: {  	v29 =	vld.idx.msk [tilespmem:v24+s29+$0x0], $0xffff  }
0xa7: {  	v10 =	vmul.f32 v15, v10;
	v9 =	vadd.f32 $0.0e+00, v9  }
0xa8: {  	v30, _, _ =	vpop (xrf0)  }
0xa9: {  	v31 =	vmul.f32 v16, v14;
	v9 =	vadd.f32 v10, v9;
	(v2sf) =	vpush v30, $0xF;
	v32, _, _ =	vpop (xrf0)  }
0xaa: {  	(v2sf) =	vpush v32, $0xF  }
0xab: {  	v33 =	vmul.f32 v29, v28;
	v9 =	vadd.f32 v31, v9;
	_ =	sdelay $0x1  }
0xac: {  	v9 =	vadd.f32 v33, v9;
	_ =	sdelay $0x1  }
0xad: {  	(xrf2) =	vadd.scan.msk.f32 $0xffff, v9;
	_ =	sdelay $0x2  }
0xae: {  	s7 =	spop (v2sf)  }
0xaf: {  	s10 =	sand.u32 $0xFFFFF80, s7;
	s8 =	spop (v2sf)  }
0xb0: {  	s3 =	sadd.s32 s1, s10;
	s11 =	sand.u32 $0xFFFFF80, s8  }
0xb1: {  	[tilespmem:s28], [sflag:$0x1] =	stream.strided.gather [hbm4b:s3+s25], $0x2000, s24, s25, $0x38;
	[tilespmem:$0x10A00] =	vst v63  }
0xb2: {  	s3 =	sadd.s32 s2, s11  }
0xb3: {  	[tilespmem:s29], [sflag:$0x1] =	stream.strided.gather [hbm4b:s3+s25], $0x2000, s24, s25, $0x38;
	[tilespmem:$0x10A00] =	vst v63  }
0xb4: {  	s12 =	spop (v2sf)  }
0xb5: {  	v9, _, _ =	vpop (xrf2);
	s16 =	spop (v2sf)  }
0xb6: {  	_ =	swait.ge [sflag:s14], $0x2000  }
0xb7: {  	s3 =	sand.u32 $0x7F, s12;
	[sflag:s14] =	ssyncset.done $0x0  }
0xb8: {  	s4 =	sand.u32 $0x7F, s16;
	v34 =	vor.u32 s3, v0;
	[sflag:s14] =	ssyncadd.s32 $0xFFFFE000  }
0xb9: {  	v35 =	vsel vm8, $0x0, v12;
	v36 =	vor.u32 s4, v0;
	_ =	swait.ge [sflag:s14], $0x2000  }
0xba: {  	v38 =	vsel vm8, $0x0, v11;
	v37 =	vor.u32 s3, v1;
	(xrf0) =	vadd.scan.msk.s32 $0xffff, v35  }
0xbb: {  	v39 =	vor.u32 s4, v1;
	[sflag:s14] =	ssyncset.done $0x0;
	(xrf0) =	vadd.scan.msk.s32 $0xffff, v38  }
0xbc: {  	v40 =	vor.u32 s3, v2;
	[sflag:s14] =	ssyncadd.s32 $0xFFFFE000  }
0xbd: {  	v41 =	vor.u32 s4, v2;
	v10 =	vld.idx.msk [tilespmem:v34+s30+$0x0], $0xffff  }
0xbe: {  	v42 =	vor.u32 s3, v3;
	v14 =	vld.idx.msk [tilespmem:v36+s31+$0x0], $0xffff  }
0xbf: {  	v21 =	vsel vm3, $0x0, v12;
	v43 =	vor.u32 s4, v3;
	v13 =	vld.idx.msk [tilespmem:v37+s30+$0x0], $0xffff  }
0xc0: {  	v45 =	vsel vm3, $0x0, v11;
	v16 =	vld.idx.msk [tilespmem:v39+s31+$0x0], $0xffff;
	v44, _, _ =	vpop (xrf0);
	(xrf0) =	vadd.scan.msk.s32 $0xffff, v21  }
0xc1: {  	v15 =	vld.idx.msk [tilespmem:v40+s30+$0x0], $0xffff;
	(v2sf) =	vpush v44, $0xF;
	v46, _, _ =	vpop (xrf0);
	(xrf0) =	vadd.scan.msk.s32 $0xffff, v45  }
0xc2: {  	v17 =	vld.idx.msk [tilespmem:v41+s31+$0x0], $0xffff;
	(v2sf) =	vpush v46, $0xF  }
0xc3: {  	v47 =	vld.idx.msk [tilespmem:v42+s30+$0x0], $0xffff;
	v10 =	vmul.f32 v14, v10  }
0xc4: {  	v48 =	vld.idx.msk [tilespmem:v43+s31+$0x0], $0xffff  }
0xc5: {  	v13 =	vmul.f32 v16, v13;
	v10 =	vadd.f32 $0.0e+00, v10  }
0xc6: {  	v49, _, _ =	vpop (xrf0)  }
0xc7: {  	v50 =	vmul.f32 v17, v15;
	v10 =	vadd.f32 v13, v10;
	(v2sf) =	vpush v49, $0xF;
	v51, _, _ =	vpop (xrf0)  }
0xc8: {  	(v2sf) =	vpush v51, $0xF  }
0xc9: {  	v52 =	vmul.f32 v48, v47;
	v10 =	vadd.f32 v50, v10;
	_ =	sdelay $0x1  }
0xca: {  	v10 =	vadd.f32 v52, v10;
	_ =	sdelay $0x1  }
0xcb: {  	(xrf2) =	vadd.scan.msk.f32 $0xffff, v10;
	_ =	sdelay $0x2  }
0xcc: {  	s9 =	spop (v2sf)  }
0xcd: {  	s4 =	sand.u32 $0xFFFFF80, s9;
	s10 =	spop (v2sf)  }
0xce: {  	s3 =	sadd.s32 s1, s4;
	s6 =	sand.u32 $0xFFFFF80, s10  }
0xcf: {  	[tilespmem:s30], [sflag:$0x1] =	stream.strided.gather [hbm4b:s3+s25], $0x2000, s24, s25, $0x38;
	[tilespmem:$0x10A00] =	vst v63  }
0xd0: {  	s3 =	sadd.s32 s2, s6  }
0xd1: {  	[tilespmem:s31], [sflag:$0x1] =	stream.strided.gather [hbm4b:s3+s25], $0x2000, s24, s25, $0x38;
	[tilespmem:$0x10A00] =	vst v63  }
0xd2: {  	s11 =	spop (v2sf)  }
0xd3: {  	v10, _, _ =	vpop (xrf2);
	s12 =	spop (v2sf)  }
0xd4: {  	s3 =	sand.u32 $0x7F, s11;
	_ =	swait.ge [sflag:s14], $0x2000  }
0xd5: {  	s4 =	sand.u32 $0x7F, s12;
	v53 =	vor.u32 s3, v0;
	[sflag:s14] =	ssyncset.done $0x0  }
0xd6: {  	v54 =	vor.u32 s4, v0;
	[sflag:s14] =	ssyncadd.s32 $0xFFFFE000  }
0xd7: {  	v55 =	vor.u32 s3, v1;
	_ =	swait.ge [sflag:s14], $0x2000  }
0xd8: {  	v56 =	vsel vm10, $0x0, v12;
	v57 =	vor.u32 s4, v1;
	[sflag:s14] =	ssyncset.done $0x0  }
0xd9: {  	v59 =	vsel vm10, $0x0, v11;
	v58 =	vor.u32 s3, v2;
	(xrf0) =	vadd.scan.msk.s32 $0xffff, v56;
	[sflag:s14] =	ssyncadd.s32 $0xFFFFE000  }
0xda: {  	v60 =	vor.u32 s4, v2;
	(xrf0) =	vadd.scan.msk.s32 $0xffff, v59;
	v13 =	vld.idx.msk [tilespmem:v53+s0+$0x0], $0xffff  }
0xdb: {  	v61 =	vor.u32 s3, v3;
	v14 =	vld.idx.msk [tilespmem:v54+s5+$0x0], $0xffff  }
0xdc: {  	v62 =	vor.u32 s4, v3;
	v15 =	vld.idx.msk [tilespmem:v55+s0+$0x0], $0xffff  }
0xdd: {  	v17 =	vld.idx.msk [tilespmem:v57+s5+$0x0], $0xffff  }
0xde: {  	v16 =	vld.idx.msk [tilespmem:v58+s0+$0x0], $0xffff  }
0xdf: {  	v19 =	vld.idx.msk [tilespmem:v60+s5+$0x0], $0xffff;
	v63, _, _ =	vpop (xrf0)  }
0xe0: {  	v24 =	vld.idx.msk [tilespmem:v61+s0+$0x0], $0xffff;
	(v2sf) =	vpush v63, $0xF;
	v13 =	vmul.f32 v14, v13;
	v25, _, _ =	vpop (xrf0)  }
0xe1: {  	v20 =	vld.idx.msk [tilespmem:v62+s5+$0x0], $0xffff;
	(v2sf) =	vpush v25, $0xF  }
0xe2: {  	v15 =	vmul.f32 v17, v15;
	v13 =	vadd.f32 $0.0e+00, v13;
	_ =	sdelay $0x1  }
0xe3: {  	v26 =	vmul.f32 v19, v16;
	v13 =	vadd.f32 v15, v13;
	_ =	sdelay $0x1  }
0xe4: {  	v14 =	vmul.f32 v20, v24;
	v13 =	vadd.f32 v26, v13;
	_ =	sdelay $0x1  }
0xe5: {  	v13 =	vadd.f32 v14, v13;
	_ =	sdelay $0x1  }
0xe6: {  	(xrf2) =	vadd.scan.msk.f32 $0xffff, v13;
	_ =	sdelay $0x4  }
0xe7: {  	s3 =	spop (v2sf)  }
0xe8: {  	s6 =	sand.u32 $0xFFFFF80, s3;
	s4 =	spop (v2sf)  }
0xe9: {  	s6 =	sadd.s32 s1, s6;
	s16 =	sand.u32 $0xFFFFF80, s4  }
0xea: {  	[tilespmem:s0], [sflag:$0x1] =	stream.strided.gather [hbm4b:s6+s25], $0x2000, s24, s25, $0x38;
	[tilespmem:$0x10A00] =	vst v63  }
0xeb: {  	s6 =	sadd.s32 s2, s16  }
0xec: {  	v13, _, _ =	vpop (xrf2);
	[tilespmem:s5], [sflag:$0x1] =	stream.strided.gather [hbm4b:s6+s25], $0x2000, s24, s25, $0x38;
	[tilespmem:$0x10A00] =	vst v63  }
0xed: {  	s23 =	sand.u32 $0x7F, s23;
	_ =	swait.ge [sflag:s14], $0x2000  }
0xee: {  	v27 =	vor.u32 s23, v0;
	s11 =	sand.u32 $0x7F, s15;
	[sflag:s14] =	ssyncset.done $0x0  }
0xef: {  	v28 =	vor.u32 s11, v0;
	[sflag:s14] =	ssyncadd.s32 $0xFFFFE000  }
0xf0: {  	v29 =	vor.u32 s23, v1;
	_ =	swait.ge [sflag:s14], $0x2000  }
0xf1: {  	v30 =	vsel vm12, $0x0, v12;
	v31 =	vor.u32 s11, v1;
	[sflag:s14] =	ssyncset.done $0x0  }
0xf2: {  	v32 =	vor.u32 s23, v2;
	v33 =	vsel vm12, $0x0, v11;
	(xrf0) =	vadd.scan.msk.s32 $0xffff, v30;
	[sflag:s14] =	ssyncadd.s32 $0xFFFFE000  }
0xf3: {  	v34 =	vor.u32 s11, v2;
	(xrf0) =	vadd.scan.msk.s32 $0xffff, v33;
	v14 =	vld.idx.msk [tilespmem:v27+s25+$0x0], $0xffff  }
0xf4: {  	v35 =	vor.u32 s23, v3;
	v15 =	vld.idx.msk [tilespmem:v28+s26+$0x0], $0xffff  }
0xf5: {  	v36 =	vor.u32 s11, v3;
	v16 =	vld.idx.msk [tilespmem:v29+s25+$0x0], $0xffff  }
0xf6: {  	v18 =	vld.idx.msk [tilespmem:v31+s26+$0x0], $0xffff  }
0xf7: {  	v17 =	vld.idx.msk [tilespmem:v32+s25+$0x0], $0xffff  }
0xf8: {  	v20 =	vld.idx.msk [tilespmem:v34+s26+$0x0], $0xffff;
	v22, _, _ =	vpop (xrf0)  }
0xf9: {  	v37 =	vld.idx.msk [tilespmem:v35+s25+$0x0], $0xffff;
	(v2sf) =	vpush v22, $0xF;
	v14 =	vmul.f32 v15, v14;
	v38, _, _ =	vpop (xrf0)  }
0xfa: {  	v21 =	vld.idx.msk [tilespmem:v36+s26+$0x0], $0xffff;
	(v2sf) =	vpush v38, $0xF  }
0xfb: {  	v16 =	vmul.f32 v18, v16;
	v14 =	vadd.f32 $0.0e+00, v14;
	_ =	sdelay $0x1  }
0xfc: {  	v39 =	vmul.f32 v20, v17;
	v14 =	vadd.f32 v16, v14;
	_ =	sdelay $0x1  }
0xfd: {  	v15 =	vmul.f32 v21, v37;
	v14 =	vadd.f32 v39, v14;
	_ =	sdelay $0x1  }
0xfe: {  	v14 =	vadd.f32 v15, v14;
	_ =	sdelay $0x1  }
0xff: {  	(xrf2) =	vadd.scan.msk.f32 $0xffff, v14;
	_ =	sdelay $0x4  }
0x100: {  	s15 =	spop (v2sf)  }
0x101: {  	s12 =	sand.u32 $0xFFFFF80, s15;
	s23 =	spop (v2sf)  }
0x102: {  	s6 =	sadd.s32 s1, s12;
	s16 =	sand.u32 $0xFFFFF80, s23  }
0x103: {  	[tilespmem:s25], [sflag:$0x1] =	stream.strided.gather [hbm4b:s6+s25], $0x2000, s24, s25, $0x38;
	[tilespmem:$0x10A00] =	vst v63  }
0x104: {  	s6 =	sadd.s32 s2, s16  }
0x105: {  	v14, _, _ =	vpop (xrf2);
	[tilespmem:s26], [sflag:$0x1] =	stream.strided.gather [hbm4b:s6+s25], $0x2000, s24, s25, $0x38;
	[tilespmem:$0x10A00] =	vst v63  }
0x106: {  	s11 =	sand.u32 $0x7F, s7;
	_ =	swait.ge [sflag:s14], $0x2000  }
0x107: {  	v40 =	vor.u32 s11, v0;
	s12 =	sand.u32 $0x7F, s8;
	[sflag:s14] =	ssyncset.done $0x0  }
0x108: {  	v41 =	vor.u32 s12, v0;
	[sflag:s14] =	ssyncadd.s32 $0xFFFFE000  }
0x109: {  	v42 =	vor.u32 s11, v1;
	_ =	swait.ge [sflag:s14], $0x2000  }
0x10a: {  	v43 =	vsel vm14, $0x0, v12;
	v44 =	vor.u32 s12, v1;
	[sflag:s14] =	ssyncset.done $0x0  }
0x10b: {  	v46 =	vsel vm14, $0x0, v11;
	v45 =	vor.u32 s11, v2;
	(xrf0) =	vadd.scan.msk.s32 $0xffff, v43;
	[sflag:s14] =	ssyncadd.s32 $0xFFFFE000  }
0x10c: {  	v47 =	vor.u32 s12, v2;
	(xrf0) =	vadd.scan.msk.s32 $0xffff, v46;
	v15 =	vld.idx.msk [tilespmem:v40+s28+$0x0], $0xffff  }
0x10d: {  	v48 =	vor.u32 s11, v3;
	v16 =	vld.idx.msk [tilespmem:v41+s29+$0x0], $0xffff  }
0x10e: {  	v49 =	vor.u32 s12, v3;
	v17 =	vld.idx.msk [tilespmem:v42+s28+$0x0], $0xffff  }
0x10f: {  	v19 =	vld.idx.msk [tilespmem:v44+s29+$0x0], $0xffff  }
0x110: {  	v18 =	vld.idx.msk [tilespmem:v45+s28+$0x0], $0xffff  }
0x111: {  	v21 =	vld.idx.msk [tilespmem:v47+s29+$0x0], $0xffff;
	v23, _, _ =	vpop (xrf0)  }
0x112: {  	v50 =	vld.idx.msk [tilespmem:v48+s28+$0x0], $0xffff;
	(v2sf) =	vpush v23, $0xF;
	v15 =	vmul.f32 v16, v15;
	v51, _, _ =	vpop (xrf0)  }
0x113: {  	v22 =	vld.idx.msk [tilespmem:v49+s29+$0x0], $0xffff;
	(v2sf) =	vpush v51, $0xF  }
0x114: {  	v17 =	vmul.f32 v19, v17;
	v15 =	vadd.f32 $0.0e+00, v15;
	_ =	sdelay $0x1  }
0x115: {  	v52 =	vmul.f32 v21, v18;
	v15 =	vadd.f32 v17, v15;
	_ =	sdelay $0x1  }
0x116: {  	v16 =	vmul.f32 v22, v50;
	v15 =	vadd.f32 v52, v15;
	_ =	sdelay $0x1  }
0x117: {  	v15 =	vadd.f32 v16, v15;
	_ =	sdelay $0x1  }
0x118: {  	(xrf2) =	vadd.scan.msk.f32 $0xffff, v15;
	_ =	sdelay $0x4  }
0x119: {  	s6 =	spop (v2sf)  }
0x11a: {  	s16 =	sand.u32 $0xFFFFF80, s6;
	s12 =	spop (v2sf)  }
0x11b: {  	s7 =	sadd.s32 s1, s16;
	s8 =	sand.u32 $0xFFFFF80, s12  }
0x11c: {  	[tilespmem:s28], [sflag:$0x1] =	stream.strided.gather [hbm4b:s7+s25], $0x2000, s24, s25, $0x38;
	[tilespmem:$0x10A00] =	vst v63  }
0x11d: {  	s7 =	sadd.s32 s2, s8  }
0x11e: {  	v15, _, _ =	vpop (xrf2);
	[tilespmem:s29], [sflag:$0x1] =	stream.strided.gather [hbm4b:s7+s25], $0x2000, s24, s25, $0x38;
	[tilespmem:$0x10A00] =	vst v63  }
0x11f: {  	s11 =	sand.u32 $0x7F, s9;
	_ =	swait.ge [sflag:s14], $0x2000  }
0x120: {  	v53 =	vor.u32 s11, v0;
	s16 =	sand.u32 $0x7F, s10;
	[sflag:s14] =	ssyncset.done $0x0  }
0x121: {  	v54 =	vor.u32 s16, v0;
	[sflag:s14] =	ssyncadd.s32 $0xFFFFE000  }
0x122: {  	v55 =	vor.u32 s11, v1;
	_ =	swait.ge [sflag:s14], $0x2000  }
0x123: {  	v56 =	vsel vm5, $0x0, v12;
	v57 =	vor.u32 s16, v1;
	[sflag:s14] =	ssyncset.done $0x0  }
0x124: {  	v59 =	vsel vm5, $0x0, v11;
	v58 =	vor.u32 s11, v2;
	(xrf0) =	vadd.scan.msk.s32 $0xffff, v56;
	[sflag:s14] =	ssyncadd.s32 $0xFFFFE000  }
0x125: {  	v60 =	vor.u32 s16, v2;
	(xrf0) =	vadd.scan.msk.s32 $0xffff, v59;
	v16 =	vld.idx.msk [tilespmem:v53+s30+$0x0], $0xffff  }
0x126: {  	v61 =	vor.u32 s11, v3;
	v17 =	vld.idx.msk [tilespmem:v54+s31+$0x0], $0xffff  }
0x127: {  	v62 =	vor.u32 s16, v3;
	v18 =	vld.idx.msk [tilespmem:v55+s30+$0x0], $0xffff  }
0x128: {  	v20 =	vld.idx.msk [tilespmem:v57+s31+$0x0], $0xffff  }
0x129: {  	v19 =	vld.idx.msk [tilespmem:v58+s30+$0x0], $0xffff  }
0x12a: {  	v22 =	vld.idx.msk [tilespmem:v60+s31+$0x0], $0xffff;
	v24, _, _ =	vpop (xrf0)  }
0x12b: {  	v63 =	vld.idx.msk [tilespmem:v61+s30+$0x0], $0xffff;
	(v2sf) =	vpush v24, $0xF;
	v16 =	vmul.f32 v17, v16;
	v24, _, _ =	vpop (xrf0)  }
0x12c: {  	v23 =	vld.idx.msk [tilespmem:v62+s31+$0x0], $0xffff;
	(v2sf) =	vpush v24, $0xF  }
0x12d: {  	v18 =	vmul.f32 v20, v18;
	v16 =	vadd.f32 $0.0e+00, v16;
	_ =	sdelay $0x1  }
0x12e: {  	v25 =	vmul.f32 v22, v19;
	v16 =	vadd.f32 v18, v16;
	_ =	sdelay $0x1  }
0x12f: {  	v17 =	vmul.f32 v23, v63;
	v16 =	vadd.f32 v25, v16;
	_ =	sdelay $0x1  }
0x130: {  	v16 =	vadd.f32 v17, v16;
	_ =	sdelay $0x1  }
0x131: {  	(xrf2) =	vadd.scan.msk.f32 $0xffff, v16;
	_ =	sdelay $0x4  }
0x132: {  	s11 =	spop (v2sf)  }
0x133: {  	s9 =	sand.u32 $0xFFFFF80, s11;
	s16 =	spop (v2sf)  }
0x134: {  	s7 =	sadd.s32 s1, s9;
	s10 =	sand.u32 $0xFFFFF80, s16  }
0x135: {  	[tilespmem:s30], [sflag:$0x1] =	stream.strided.gather [hbm4b:s7+s25], $0x2000, s24, s25, $0x38;
	[tilespmem:$0x10A00] =	vst v63  }
0x136: {  	s7 =	sadd.s32 s2, s10  }
0x137: {  	v16, _, _ =	vpop (xrf2);
	[tilespmem:s31], [sflag:$0x1] =	stream.strided.gather [hbm4b:s7+s25], $0x2000, s24, s25, $0x38;
	[tilespmem:$0x10A00] =	vst v63  }
0x138: {  	s3 =	sand.u32 $0x7F, s3;
	_ =	swait.ge [sflag:s14], $0x2000  }
0x139: {  	s4 =	sand.u32 $0x7F, s4;
	v26 =	vor.u32 s3, v0;
	[sflag:s14] =	ssyncset.done $0x0  }
0x13a: {  	v27 =	vor.u32 s4, v0;
	[sflag:s14] =	ssyncadd.s32 $0xFFFFE000  }
0x13b: {  	v28 =	vor.u32 s3, v1;
	_ =	swait.ge [sflag:s14], $0x2000  }
0x13c: {  	v30 =	vor.u32 s4, v1;
	v29 =	vsel vm9, $0x0, v12;
	[sflag:s14] =	ssyncset.done $0x0  }
0x13d: {  	v31 =	vor.u32 s3, v2;
	v32 =	vsel vm9, $0x0, v11;
	(xrf0) =	vadd.scan.msk.s32 $0xffff, v29;
	[sflag:s14] =	ssyncadd.s32 $0xFFFFE000  }
0x13e: {  	v33 =	vor.u32 s4, v2;
	(xrf0) =	vadd.scan.msk.s32 $0xffff, v32;
	v17 =	vld.idx.msk [tilespmem:v26+s0+$0x0], $0xffff  }
0x13f: {  	v34 =	vor.u32 s3, v3;
	v18 =	vld.idx.msk [tilespmem:v27+s5+$0x0], $0xffff  }
0x140: {  	v35 =	vor.u32 s4, v3;
	v19 =	vld.idx.msk [tilespmem:v28+s0+$0x0], $0xffff  }
0x141: {  	v21 =	vld.idx.msk [tilespmem:v30+s5+$0x0], $0xffff  }
0x142: {  	v20 =	vld.idx.msk [tilespmem:v31+s0+$0x0], $0xffff  }
0x143: {  	v23 =	vld.idx.msk [tilespmem:v33+s5+$0x0], $0xffff;
	v25, _, _ =	vpop (xrf0)  }
0x144: {  	v36 =	vld.idx.msk [tilespmem:v34+s0+$0x0], $0xffff;
	(v2sf) =	vpush v25, $0xF;
	v17 =	vmul.f32 v18, v17;
	v37, _, _ =	vpop (xrf0)  }
0x145: {  	v24 =	vld.idx.msk [tilespmem:v35+s5+$0x0], $0xffff;
	(v2sf) =	vpush v37, $0xF  }
0x146: {  	v19 =	vmul.f32 v21, v19;
	v17 =	vadd.f32 $0.0e+00, v17;
	_ =	sdelay $0x1  }
0x147: {  	v38 =	vmul.f32 v23, v20;
	v17 =	vadd.f32 v19, v17;
	_ =	sdelay $0x1  }
0x148: {  	v18 =	vmul.f32 v24, v36;
	v17 =	vadd.f32 v38, v17;
	_ =	sdelay $0x1  }
0x149: {  	v17 =	vadd.f32 v18, v17;
	_ =	sdelay $0x1  }
0x14a: {  	(xrf2) =	vadd.scan.msk.f32 $0xffff, v17;
	_ =	sdelay $0x4  }
0x14b: {  	s3 =	spop (v2sf)  }
0x14c: {  	s8 =	sand.u32 $0xFFFFF80, s3;
	s4 =	spop (v2sf)  }
0x14d: {  	s7 =	sadd.s32 s1, s8;
	s9 =	sand.u32 $0xFFFFF80, s4  }
0x14e: {  	[tilespmem:s0], [sflag:$0x1] =	stream.strided.gather [hbm4b:s7+s25], $0x2000, s24, s25, $0x38;
	[tilespmem:$0x10A00] =	vst v63  }
0x14f: {  	s7 =	sadd.s32 s2, s9  }
0x150: {  	v17, _, _ =	vpop (xrf2);
	[tilespmem:s5], [sflag:$0x1] =	stream.strided.gather [hbm4b:s7+s25], $0x2000, s24, s25, $0x38;
	[tilespmem:$0x10A00] =	vst v63  }
0x151: {  	s10 =	sand.u32 $0x7F, s15;
	_ =	swait.ge [sflag:s14], $0x2000  }
0x152: {  	s15 =	sand.u32 $0x7F, s23;
	v39 =	vor.u32 s10, v0;
	[sflag:s14] =	ssyncset.done $0x0  }
0x153: {  	v40 =	vor.u32 s15, v0;
	[sflag:s14] =	ssyncadd.s32 $0xFFFFE000  }
0x154: {  	v41 =	vor.u32 s10, v1;
	_ =	swait.ge [sflag:s14], $0x2000  }
0x155: {  	v42 =	vsel vm13, $0x0, v12;
	v43 =	vor.u32 s15, v1;
	[sflag:s14] =	ssyncset.done $0x0  }
0x156: {  	v45 =	vsel vm13, $0x0, v11;
	v44 =	vor.u32 s10, v2;
	(xrf0) =	vadd.scan.msk.s32 $0xffff, v42;
	[sflag:s14] =	ssyncadd.s32 $0xFFFFE000  }
0x157: {  	v46 =	vor.u32 s15, v2;
	(xrf0) =	vadd.scan.msk.s32 $0xffff, v45;
	v18 =	vld.idx.msk [tilespmem:v39+s25+$0x0], $0xffff  }
0x158: {  	v47 =	vor.u32 s10, v3;
	v19 =	vld.idx.msk [tilespmem:v40+s26+$0x0], $0xffff  }
0x159: {  	v48 =	vor.u32 s15, v3;
	v20 =	vld.idx.msk [tilespmem:v41+s25+$0x0], $0xffff  }
0x15a: {  	v22 =	vld.idx.msk [tilespmem:v43+s26+$0x0], $0xffff  }
0x15b: {  	v21 =	vld.idx.msk [tilespmem:v44+s25+$0x0], $0xffff  }
0x15c: {  	v24 =	vld.idx.msk [tilespmem:v46+s26+$0x0], $0xffff;
	v26, _, _ =	vpop (xrf0)  }
0x15d: {  	v49 =	vld.idx.msk [tilespmem:v47+s25+$0x0], $0xffff;
	(v2sf) =	vpush v26, $0xF;
	v18 =	vmul.f32 v19, v18;
	v50, _, _ =	vpop (xrf0)  }
0x15e: {  	v25 =	vld.idx.msk [tilespmem:v48+s26+$0x0], $0xffff;
	(v2sf) =	vpush v50, $0xF  }
0x15f: {  	v20 =	vmul.f32 v22, v20;
	v18 =	vadd.f32 $0.0e+00, v18;
	_ =	sdelay $0x1  }
0x160: {  	v51 =	vmul.f32 v24, v21;
	v18 =	vadd.f32 v20, v18;
	_ =	sdelay $0x1  }
0x161: {  	v19 =	vmul.f32 v25, v49;
	v18 =	vadd.f32 v51, v18;
	_ =	sdelay $0x1  }
0x162: {  	v18 =	vadd.f32 v19, v18;
	_ =	sdelay $0x1  }
0x163: {  	(xrf2) =	vadd.scan.msk.f32 $0xffff, v18;
	_ =	sdelay $0x4  }
0x164: {  	s7 =	spop (v2sf)  }
0x165: {  	s23 =	sand.u32 $0xFFFFF80, s7;
	s8 =	spop (v2sf)  }
0x166: {  	s9 =	sadd.s32 s1, s23;
	s10 =	sand.u32 $0xFFFFF80, s8  }
0x167: {  	[tilespmem:s25], [sflag:$0x1] =	stream.strided.gather [hbm4b:s9+s25], $0x2000, s24, s25, $0x38;
	[tilespmem:$0x10A00] =	vst v63  }
0x168: {  	s9 =	sadd.s32 s2, s10  }
0x169: {  	v18, _, _ =	vpop (xrf2);
	[tilespmem:s26], [sflag:$0x1] =	stream.strided.gather [hbm4b:s9+s25], $0x2000, s24, s25, $0x38;
	[tilespmem:$0x10A00] =	vst v63  }
0x16a: {  	s6 =	sand.u32 $0x7F, s6;
	_ =	swait.ge [sflag:s14], $0x2000  }
0x16b: {  	v52 =	vor.u32 s6, v0;
	s15 =	sand.u32 $0x7F, s12;
	[sflag:s14] =	ssyncset.done $0x0  }
0x16c: {  	v53 =	vor.u32 s15, v0;
	[sflag:s14] =	ssyncadd.s32 $0xFFFFE000  }
0x16d: {  	v54 =	vor.u32 s6, v1;
	_ =	swait.ge [sflag:s14], $0x2000  }
0x16e: {  	v55 =	vsel vm7, $0x0, v12;
	v56 =	vor.u32 s15, v1;
	[sflag:s14] =	ssyncset.done $0x0  }
0x16f: {  	v57 =	vor.u32 s6, v2;
	v58 =	vsel vm7, $0x0, v11;
	(xrf0) =	vadd.scan.msk.s32 $0xffff, v55;
	[sflag:s14] =	ssyncadd.s32 $0xFFFFE000  }
0x170: {  	v59 =	vor.u32 s15, v2;
	(xrf0) =	vadd.scan.msk.s32 $0xffff, v58;
	v19 =	vld.idx.msk [tilespmem:v52+s28+$0x0], $0xffff  }
0x171: {  	v60 =	vor.u32 s6, v3;
	v20 =	vld.idx.msk [tilespmem:v53+s29+$0x0], $0xffff  }
0x172: {  	v61 =	vor.u32 s15, v3;
	v21 =	vld.idx.msk [tilespmem:v54+s28+$0x0], $0xffff  }
0x173: {  	v23 =	vld.idx.msk [tilespmem:v56+s29+$0x0], $0xffff  }
0x174: {  	v22 =	vld.idx.msk [tilespmem:v57+s28+$0x0], $0xffff  }
0x175: {  	v25 =	vld.idx.msk [tilespmem:v59+s29+$0x0], $0xffff;
	v27, _, _ =	vpop (xrf0)  }
0x176: {  	v62 =	vld.idx.msk [tilespmem:v60+s28+$0x0], $0xffff;
	(v2sf) =	vpush v27, $0xF;
	v19 =	vmul.f32 v20, v19;
	v63, _, _ =	vpop (xrf0)  }
0x177: {  	v26 =	vld.idx.msk [tilespmem:v61+s29+$0x0], $0xffff;
	(v2sf) =	vpush v63, $0xF  }
0x178: {  	v21 =	vmul.f32 v23, v21;
	v19 =	vadd.f32 $0.0e+00, v19;
	_ =	sdelay $0x1  }
0x179: {  	v28 =	vmul.f32 v25, v22;
	v19 =	vadd.f32 v21, v19;
	_ =	sdelay $0x1  }
0x17a: {  	v20 =	vmul.f32 v26, v62;
	v19 =	vadd.f32 v28, v19;
	_ =	sdelay $0x1  }
0x17b: {  	v19 =	vadd.f32 v20, v19;
	_ =	sdelay $0x1  }
0x17c: {  	(xrf2) =	vadd.scan.msk.f32 $0xffff, v19;
	_ =	sdelay $0x4  }
0x17d: {  	s9 =	spop (v2sf)  }
0x17e: {  	s23 =	sand.u32 $0xFFFFF80, s9;
	s10 =	spop (v2sf)  }
0x17f: {  	s6 =	sadd.s32 s1, s23;
	s12 =	sand.u32 $0xFFFFF80, s10  }
0x180: {  	[tilespmem:s28], [sflag:$0x1] =	stream.strided.gather [hbm4b:s6+s25], $0x2000, s24, s25, $0x38;
	[tilespmem:$0x10A00] =	vst v63  }
0x181: {  	s6 =	sadd.s32 s2, s12  }
0x182: {  	v19, _, _ =	vpop (xrf2);
	[tilespmem:s29], [sflag:$0x1] =	stream.strided.gather [hbm4b:s6+s25], $0x2000, s24, s25, $0x38;
	[tilespmem:$0x10A00] =	vst v63  }
0x183: {  	s15 =	sand.u32 $0x7F, s11;
	_ =	swait.ge [sflag:s14], $0x2000  }
0x184: {  	v29 =	vor.u32 s15, v0;
	s23 =	sand.u32 $0x7F, s16;
	[sflag:s14] =	ssyncset.done $0x0  }
0x185: {  	v30 =	vor.u32 s23, v0;
	[sflag:s14] =	ssyncadd.s32 $0xFFFFE000  }
0x186: {  	v31 =	vor.u32 s15, v1;
	_ =	swait.ge [sflag:s14], $0x2000  }
0x187: {  	v32 =	vsel vm15, $0x0, v12;
	v33 =	vor.u32 s23, v1;
	[sflag:s14] =	ssyncset.done $0x0  }
0x188: {  	v34 =	vor.u32 s15, v2;
	v35 =	vsel vm15, $0x0, v11;
	(xrf0) =	vadd.scan.msk.s32 $0xffff, v32;
	[sflag:s14] =	ssyncadd.s32 $0xFFFFE000  }
0x189: {  	v36 =	vor.u32 s23, v2;
	(xrf0) =	vadd.scan.msk.s32 $0xffff, v35;
	v20 =	vld.idx.msk [tilespmem:v29+s30+$0x0], $0xffff  }
0x18a: {  	v37 =	vor.u32 s15, v3;
	v21 =	vld.idx.msk [tilespmem:v30+s31+$0x0], $0xffff  }
0x18b: {  	v38 =	vor.u32 s23, v3;
	v22 =	vld.idx.msk [tilespmem:v31+s30+$0x0], $0xffff  }
0x18c: {  	v24 =	vld.idx.msk [tilespmem:v33+s31+$0x0], $0xffff  }
0x18d: {  	v23 =	vld.idx.msk [tilespmem:v34+s30+$0x0], $0xffff  }
0x18e: {  	v26 =	vld.idx.msk [tilespmem:v36+s31+$0x0], $0xffff;
	v28, _, _ =	vpop (xrf0)  }
0x18f: {  	v39 =	vld.idx.msk [tilespmem:v37+s30+$0x0], $0xffff;
	(v2sf) =	vpush v28, $0xF;
	v20 =	vmul.f32 v21, v20;
	v40, _, _ =	vpop (xrf0)  }
0x190: {  	v27 =	vld.idx.msk [tilespmem:v38+s31+$0x0], $0xffff;
	(v2sf) =	vpush v40, $0xF  }
0x191: {  	v22 =	vmul.f32 v24, v22;
	v20 =	vadd.f32 $0.0e+00, v20;
	_ =	sdelay $0x1  }
0x192: {  	v41 =	vmul.f32 v26, v23;
	v20 =	vadd.f32 v22, v20;
	_ =	sdelay $0x1  }
0x193: {  	v21 =	vmul.f32 v27, v39;
	v20 =	vadd.f32 v41, v20;
	_ =	sdelay $0x1  }
0x194: {  	v20 =	vadd.f32 v21, v20;
	_ =	sdelay $0x1  }
0x195: {  	(xrf2) =	vadd.scan.msk.f32 $0xffff, v20;
	_ =	sdelay $0x4  }
0x196: {  	s15 =	spop (v2sf)  }
0x197: {  	s11 =	sand.u32 $0xFFFFF80, s15;
	s23 =	spop (v2sf)  }
0x198: {  	s6 =	sadd.s32 s1, s11;
	s12 =	sand.u32 $0xFFFFF80, s23  }
0x199: {  	[tilespmem:s30], [sflag:$0x1] =	stream.strided.gather [hbm4b:s6+s25], $0x2000, s24, s25, $0x38;
	[tilespmem:$0x10A00] =	vst v63  }
0x19a: {  	s6 =	sadd.s32 s2, s12  }
0x19b: {  	v20, _, _ =	vpop (xrf2);
	[tilespmem:s31], [sflag:$0x1] =	stream.strided.gather [hbm4b:s6+s25], $0x2000, s24, s25, $0x38;
	[tilespmem:$0x10A00] =	vst v63  }
0x19c: {  	vm11 =	vmmov $0x7fff;
	s3 =	sand.u32 $0x7F, s3;
	v44 =	vimm.s32 $0x0;
	_ =	swait.ge [sflag:s14], $0x2000  }
0x19d: {  	s4 =	sand.u32 $0x7F, s4;
	v42 =	vor.u32 s3, v0;
	v23 =	vsel vm11, $0xFFFFFFFF, v44;
	[sflag:s14] =	ssyncset.done $0x0  }
0x19e: {  	v43 =	vor.u32 s4, v0;
	[tilespmem:$0x1FFF0] =	vst v23;
	[sflag:s14] =	ssyncadd.s32 $0xFFFFE000  }
0x19f: {  	v45 =	vor.u32 s3, v1;
	_ =	swait.ge [sflag:s14], $0x2000  }
0x1a0: {  	v12 =	vsel vm11, $0x0, v12;
	v46 =	vor.u32 s4, v1;
	[sflag:s14] =	ssyncset.done $0x0  }
0x1a1: {  	v11 =	vsel vm11, $0x0, v11;
	v47 =	vor.u32 s3, v2;
	(xrf0) =	vadd.scan.msk.s32 $0xffff, v12;
	[sflag:s14] =	ssyncadd.s32 $0xFFFFE000  }
0x1a2: {  	v48 =	vor.u32 s4, v2;
	(xrf0) =	vadd.scan.msk.s32 $0xffff, v11;
	v21 =	vld.idx.msk [tilespmem:v42+s0+$0x0], $0xffff  }
0x1a3: {  	v50 =	vor.u32 s3, v3;
	v49 =	vld.idx.msk [tilespmem:v43+s5+$0x0], $0xffff  }
0x1a4: {  	v51 =	vor.u32 s4, v3;
	v23 =	vld.idx.msk [tilespmem:v45+s0+$0x0], $0xffff  }
0x1a5: {  	v24 =	vld.idx.msk [tilespmem:v46+s5+$0x0], $0xffff  }
0x1a6: {  	v12 =	vld.idx.msk [tilespmem:v47+s0+$0x0], $0xffff  }
0x1a7: {  	v25 =	vld.idx.msk [tilespmem:v48+s5+$0x0], $0xffff;
	v52, _, _ =	vpop (xrf0)  }
0x1a8: {  	v53 =	vld.idx.msk [tilespmem:v50+s0+$0x0], $0xffff;
	(v2sf) =	vpush v52, $0xF;
	v11 =	vmul.f32 v49, v21;
	v54, _, _ =	vpop (xrf0)  }
0x1a9: {  	v26 =	vld.idx.msk [tilespmem:v51+s5+$0x0], $0xffff;
	(v2sf) =	vpush v54, $0xF  }
0x1aa: {  	v55 =	vmul.f32 v24, v23;
	v11 =	vadd.f32 $0.0e+00, v11;
	_ =	sdelay $0x1  }
0x1ab: {  	v12 =	vmul.f32 v25, v12;
	v11 =	vadd.f32 v55, v11;
	_ =	sdelay $0x1  }
0x1ac: {  	v56 =	vmul.f32 v26, v53;
	v11 =	vadd.f32 v12, v11;
	_ =	sdelay $0x1  }
0x1ad: {  	v11 =	vadd.f32 v56, v11;
	_ =	sdelay $0x1  }
0x1ae: {  	(xrf2) =	vadd.scan.msk.f32 $0xffff, v11;
	_ =	sdelay $0x4  }
0x1af: {  	s4 =	spop (v2sf)  }
0x1b0: {  	s16 =	sand.u32 $0xFFFFF80, s4;
	s3 =	spop (v2sf)  }
0x1b1: {  	s6 =	sadd.s32 s1, s16;
	s11 =	sand.u32 $0xFFFFF80, s3  }
0x1b2: {  	[tilespmem:s0], [sflag:$0x1] =	stream.strided.gather [hbm4b:s6+s25], $0x2000, s24, s25, $0x38;
	[tilespmem:$0x10A00] =	vst v63  }
0x1b3: {  	s6 =	sadd.s32 s2, s11  }
0x1b4: {  	[tilespmem:s5], [sflag:$0x1] =	stream.strided.gather [hbm4b:s6+s25], $0x2000, s24, s25, $0x38;
	v11, _, _ =	vpop (xrf2);
	[tilespmem:$0x10A00] =	vst v63  }
0x1b5: {  	s12 =	sand.u32 $0x7F, s7;
	_ =	swait.ge [sflag:s14], $0x2000  }
0x1b6: {  	v57 =	vor.u32 s12, v0;
	s16 =	sand.u32 $0x7F, s8;
	[sflag:s14] =	ssyncset.done $0x0  }
0x1b7: {  	v58 =	vor.u32 s16, v0;
	[sflag:s14] =	ssyncadd.s32 $0xFFFFE000  }
0x1b8: {  	v59 =	vnsel vm0, $0x0, v5;
	v60 =	vor.u32 s12, v1;
	_ =	swait.ge [sflag:s14], $0x2000  }
0x1b9: {  	v61 =	vor.u32 s16, v1;
	(xrf0) =	vadd.scan.msk.s32 $0xffff, v59;
	[sflag:s14] =	ssyncset.done $0x0  }
0x1ba: {  	v32 =	vnsel vm0, $0x0, v4;
	v62 =	vor.u32 s12, v2;
	[sflag:s14] =	ssyncadd.s32 $0xFFFFE000  }
0x1bb: {  	v63 =	vor.u32 s16, v2;
	(xrf0) =	vadd.scan.msk.s32 $0xffff, v32;
	v12 =	vld.idx.msk [tilespmem:v57+s25+$0x0], $0xffff  }
0x1bc: {  	v33 =	vor.u32 s12, v3;
	v21 =	vld.idx.msk [tilespmem:v58+s26+$0x0], $0xffff  }
0x1bd: {  	v34 =	vor.u32 s16, v3;
	v23 =	vld.idx.msk [tilespmem:v60+s25+$0x0], $0xffff  }
0x1be: {  	v22 =	vld.idx.msk [tilespmem:v61+s26+$0x0], $0xffff  }
0x1bf: {  	v24 =	vld.idx.msk [tilespmem:v62+s25+$0x0], $0xffff;
	v35, _, _ =	vpop (xrf0)  }
0x1c0: {  	v25 =	vld.idx.msk [tilespmem:v63+s26+$0x0], $0xffff;
	(v2sf) =	vpush v35, $0xF  }
0x1c1: {  	v36 =	vld.idx.msk [tilespmem:v33+s25+$0x0], $0xffff;
	v12 =	vmul.f32 v21, v12;
	v37, _, _ =	vpop (xrf0)  }
0x1c2: {  	v26 =	vld.idx.msk [tilespmem:v34+s26+$0x0], $0xffff;
	(v2sf) =	vpush v37, $0xF  }
0x1c3: {  	v22 =	vmul.f32 v22, v23;
	v12 =	vadd.f32 $0.0e+00, v12;
	_ =	sdelay $0x1  }
0x1c4: {  	v38 =	vmul.f32 v25, v24;
	v12 =	vadd.f32 v22, v12;
	_ =	sdelay $0x1  }
0x1c5: {  	v21 =	vmul.f32 v26, v36;
	v12 =	vadd.f32 v38, v12;
	_ =	sdelay $0x1  }
0x1c6: {  	v12 =	vadd.f32 v21, v12;
	_ =	sdelay $0x1  }
0x1c7: {  	(xrf2) =	vadd.scan.msk.f32 $0xffff, v12;
	_ =	sdelay $0x3  }
0x1c8: {  	s8 =	spop (v2sf)  }
0x1c9: {  	s6 =	sand.u32 $0xFFFFF80, s8  }
0x1ca: {  	s11 =	spop (v2sf);
	s6 =	sadd.s32 s1, s6  }
0x1cb: {  	[tilespmem:s25], [sflag:$0x1] =	stream.strided.gather [hbm4b:s6+s25], $0x2000, s24, s25, $0x38;
	[tilespmem:$0x10A00] =	vst v63  }
0x1cc: {  	s6 =	sand.u32 $0xFFFFF80, s11  }
0x1cd: {  	s6 =	sadd.s32 s2, s6  }
0x1ce: {  	[tilespmem:s26], [sflag:$0x1] =	stream.strided.gather [hbm4b:s6+s25], $0x2000, s24, s25, $0x38;
	v12, _, _ =	vpop (xrf2);
	[tilespmem:$0x10A00] =	vst v63  }
0x1cf: {  	s12 =	sand.u32 $0x7F, s9;
	_ =	swait.ge [sflag:s14], $0x2000  }
0x1d0: {  	v39 =	vor.u32 s12, v0;
	s16 =	sand.u32 $0x7F, s10;
	[sflag:s14] =	ssyncset.done $0x0  }
0x1d1: {  	v40 =	vor.u32 s16, v0;
	[sflag:s14] =	ssyncadd.s32 $0xFFFFE000  }
0x1d2: {  	v41 =	vsel vm1, $0x0, v5;
	v42 =	vor.u32 s12, v1;
	_ =	swait.ge [sflag:s14], $0x2000  }
0x1d3: {  	v43 =	vor.u32 s16, v1;
	(xrf0) =	vadd.scan.msk.s32 $0xffff, v41;
	[sflag:s14] =	ssyncset.done $0x0  }
0x1d4: {  	v44 =	vor.u32 s12, v2;
	v46 =	vsel vm1, $0x0, v4;
	[sflag:s14] =	ssyncadd.s32 $0xFFFFE000  }
0x1d5: {  	v45 =	vor.u32 s16, v2;
	(xrf0) =	vadd.scan.msk.s32 $0xffff, v46;
	v21 =	vld.idx.msk [tilespmem:v39+s28+$0x0], $0xffff  }
0x1d6: {  	v47 =	vor.u32 s12, v3;
	v22 =	vld.idx.msk [tilespmem:v40+s29+$0x0], $0xffff  }
0x1d7: {  	v48 =	vor.u32 s16, v3;
	v24 =	vld.idx.msk [tilespmem:v42+s28+$0x0], $0xffff  }
0x1d8: {  	v23 =	vld.idx.msk [tilespmem:v43+s29+$0x0], $0xffff  }
0x1d9: {  	v25 =	vld.idx.msk [tilespmem:v44+s28+$0x0], $0xffff;
	v29, _, _ =	vpop (xrf0)  }
0x1da: {  	v26 =	vld.idx.msk [tilespmem:v45+s29+$0x0], $0xffff;
	(v2sf) =	vpush v29, $0xF  }
0x1db: {  	v49 =	vld.idx.msk [tilespmem:v47+s28+$0x0], $0xffff;
	v21 =	vmul.f32 v22, v21;
	v50, _, _ =	vpop (xrf0)  }
0x1dc: {  	v27 =	vld.idx.msk [tilespmem:v48+s29+$0x0], $0xffff;
	(v2sf) =	vpush v50, $0xF  }
0x1dd: {  	v23 =	vmul.f32 v23, v24;
	v21 =	vadd.f32 $0.0e+00, v21;
	_ =	sdelay $0x1  }
0x1de: {  	v51 =	vmul.f32 v26, v25;
	v21 =	vadd.f32 v23, v21;
	_ =	sdelay $0x1  }
0x1df: {  	v22 =	vmul.f32 v27, v49;
	v21 =	vadd.f32 v51, v21;
	_ =	sdelay $0x1  }
0x1e0: {  	v21 =	vadd.f32 v22, v21;
	_ =	sdelay $0x1  }
0x1e1: {  	(xrf2) =	vadd.scan.msk.f32 $0xffff, v21;
	_ =	sdelay $0x3  }
0x1e2: {  	s8 =	spop (v2sf)  }
0x1e3: {  	s6 =	sand.u32 $0xFFFFF80, s8  }
0x1e4: {  	s9 =	spop (v2sf);
	s6 =	sadd.s32 s1, s6  }
0x1e5: {  	[tilespmem:s28], [sflag:$0x1] =	stream.strided.gather [hbm4b:s6+s25], $0x2000, s24, s25, $0x38;
	[tilespmem:$0x10A00] =	vst v63  }
0x1e6: {  	s6 =	sand.u32 $0xFFFFF80, s9  }
0x1e7: {  	s6 =	sadd.s32 s2, s6  }
0x1e8: {  	[tilespmem:s29], [sflag:$0x1] =	stream.strided.gather [hbm4b:s6+s25], $0x2000, s24, s25, $0x38;
	v21, _, _ =	vpop (xrf2);
	[tilespmem:$0x10A00] =	vst v63  }
0x1e9: {  	s10 =	sand.u32 $0x7F, s15;
	_ =	swait.ge [sflag:s14], $0x2000  }
0x1ea: {  	v52 =	vor.u32 s10, v0;
	s11 =	sand.u32 $0x7F, s23;
	[sflag:s14] =	ssyncset.done $0x0  }
0x1eb: {  	v53 =	vor.u32 s11, v0;
	[sflag:s14] =	ssyncadd.s32 $0xFFFFE000  }
0x1ec: {  	v54 =	vsel vm2, $0x0, v5;
	v55 =	vor.u32 s10, v1;
	_ =	swait.ge [sflag:s14], $0x2000  }
0x1ed: {  	v56 =	vor.u32 s11, v1;
	(xrf0) =	vadd.scan.msk.s32 $0xffff, v54;
	[sflag:s14] =	ssyncset.done $0x0  }
0x1ee: {  	v59 =	vsel vm2, $0x0, v4;
	v57 =	vor.u32 s10, v2;
	[sflag:s14] =	ssyncadd.s32 $0xFFFFE000  }
0x1ef: {  	v58 =	vor.u32 s11, v2;
	(xrf0) =	vadd.scan.msk.s32 $0xffff, v59;
	v22 =	vld.idx.msk [tilespmem:v52+s30+$0x0], $0xffff  }
0x1f0: {  	v60 =	vor.u32 s10, v3;
	v23 =	vld.idx.msk [tilespmem:v53+s31+$0x0], $0xffff  }
0x1f1: {  	v61 =	vor.u32 s11, v3;
	v25 =	vld.idx.msk [tilespmem:v55+s30+$0x0], $0xffff  }
0x1f2: {  	v24 =	vld.idx.msk [tilespmem:v56+s31+$0x0], $0xffff  }
0x1f3: {  	v26 =	vld.idx.msk [tilespmem:v57+s30+$0x0], $0xffff;
	v30, _, _ =	vpop (xrf0)  }
0x1f4: {  	v27 =	vld.idx.msk [tilespmem:v58+s31+$0x0], $0xffff;
	(v2sf) =	vpush v30, $0xF  }
0x1f5: {  	v62 =	vld.idx.msk [tilespmem:v60+s30+$0x0], $0xffff;
	v22 =	vmul.f32 v23, v22;
	v63, _, _ =	vpop (xrf0)  }
0x1f6: {  	v28 =	vld.idx.msk [tilespmem:v61+s31+$0x0], $0xffff;
	(v2sf) =	vpush v63, $0xF  }
0x1f7: {  	v24 =	vmul.f32 v24, v25;
	v22 =	vadd.f32 $0.0e+00, v22;
	_ =	sdelay $0x1  }
0x1f8: {  	v29 =	vmul.f32 v27, v26;
	v22 =	vadd.f32 v24, v22;
	_ =	sdelay $0x1  }
0x1f9: {  	v23 =	vmul.f32 v28, v62;
	v22 =	vadd.f32 v29, v22;
	_ =	sdelay $0x1  }
0x1fa: {  	v22 =	vadd.f32 v23, v22  }
0x1fb: {  	v8 =	vbroadcast v8, $0xF  }
0x1fc: {  	v6 =	vadd.f32 v7, v6;
	(xrf2) =	vadd.scan.msk.f32 $0xffff, v22  }
0x1fd: {  	v8 =	vnsel vm0, $0x0, v8  }
0x1fe: {  	v6 =	vadd.f32 v8, v6  }
0x1ff: {  	v10 =	vbroadcast v10, $0xF;
	v31 =	vbroadcast v9, $0xF;
	vm11 =	vmmov vm0  }
0x200: {  	vm0 =	vmmov vm3;
	vm3 =	vmmov vm2;
	vm2 =	vmmov vm1;
	s12 =	spop (v2sf)  }
0x201: {  	vm1 =	vmmov vm15;
	vm15 =	vmmov vm7;
	vm7 =	vmmov vm13;
	s6 =	sand.u32 $0xFFFFF80, s12  }
0x202: {  	vm13 =	vmmov vm9;
	vm9 =	vmmov vm5;
	vm5 =	vmmov vm14;
	s15 =	spop (v2sf);
	s6 =	sadd.s32 s1, s6  }
0x203: {  	vm14 =	vmmov vm12;
	vm12 =	vmmov vm10;
	vm10 =	vmmov vm8;
	[tilespmem:s30], [sflag:$0x1] =	stream.strided.gather [hbm4b:s6+s25], $0x2000, s24, s25, $0x38;
	[tilespmem:$0x10A00] =	vst v63  }
0x204: {  	s3 =	sand.u32 $0x7F, s3;
	vm8 =	vmmov vm6;
	vm6 =	vmmov vm4;
	vm4 =	vcmask $0x704;
	s6 =	sand.u32 $0xFFFFF80, s15  }
0x205: {  	v32 =	vor.u32 s3, v0;
	v7 =	vnsel vm4, $0x0, v31;
	vm4 =	vmmov vm6;
	s6 =	sadd.s32 s2, s6  }
0x206: {  	vm6 =	vmmov vm8;
	vm8 =	vmmov vm10;
	vm10 =	vmmov vm12;
	[tilespmem:s31], [sflag:$0x1] =	stream.strided.gather [hbm4b:s6+s25], $0x2000, s24, s25, $0x38;
	v22, _, _ =	vpop (xrf2);
	[tilespmem:$0x10A00] =	vst v63  }
0x207: {  	s4 =	sand.u32 $0x7F, s4;
	vm12 =	vmmov vm14;
	vm14 =	vmmov vm5;
	vm5 =	vmmov vm9;
	_ =	swait.ge [sflag:s14], $0x2000  }
0x208: {  	vm9 =	vmmov vm13;
	vm13 =	vmmov vm7;
	v30 =	vor.u32 s4, v0;
	[sflag:s14] =	ssyncset.done $0x0  }
0x209: {  	vm7 =	vmmov vm15;
	vm15 =	vmmov vm1;
	vm1 =	vmmov vm2;
	[sflag:s14] =	ssyncadd.s32 $0xFFFFE000  }
0x20a: {  	vm2 =	vmmov vm3;
	vm3 =	vmmov vm0;
	v33 =	vor.u32 s4, v1;
	_ =	swait.ge [sflag:s14], $0x2000  }
0x20b: {  	vm0 =	vmmov vm11;
	vm11 =	vcmask $0xB08;
	v34 =	vor.u32 s3, v1;
	[sflag:s14] =	ssyncset.done $0x0  }
0x20c: {  	v5 =	vsel vm3, $0x0, v5;
	v6 =	vadd.f32 v7, v6;
	v35 =	vor.u32 s4, v2;
	[sflag:s14] =	ssyncadd.s32 $0xFFFFE000  }
0x20d: {  	v13 =	vbroadcast v13, $0xF;
	v10 =	vnsel vm11, $0x0, v10;
	v37 =	vor.u32 s3, v2;
	(xrf0) =	vadd.scan.msk.s32 $0xffff, v5;
	v36 =	vld.idx.msk [tilespmem:v30+s0+$0x0], $0xffff  }
0x20e: {  	vm11 =	vcmask $0xF0C;
	v6 =	vadd.f32 v10, v6;
	v39 =	vor.u32 s3, v3;
	v9 =	vld.idx.msk [tilespmem:v32+s5+$0x0], $0xffff  }
0x20f: {  	v14 =	vbroadcast v14, $0xF;
	v13 =	vnsel vm11, $0x0, v13;
	v5 =	vor.u32 s4, v3;
	v38 =	vld.idx.msk [tilespmem:v33+s0+$0x0], $0xffff  }
0x210: {  	v4 =	vsel vm3, $0x0, v4;
	vm11 =	vcmask $0x1310;
	v6 =	vadd.f32 v13, v6;
	v8 =	vld.idx.msk [tilespmem:v34+s5+$0x0], $0xffff  }
0x211: {  	v41 =	vbroadcast v15, $0xF;
	v46 =	vbroadcast v16, $0xF;
	(xrf0) =	vadd.scan.msk.s32 $0xffff, v4;
	v4 =	vnsel vm11, $0x0, v14;
	v40 =	vld.idx.msk [tilespmem:v35+s0+$0x0], $0xffff  }
0x212: {  	v50 =	vbroadcast v17, $0xF;
	vm11 =	vcmask $0x1714;
	v42 =	vld.idx.msk [tilespmem:v37+s5+$0x0], $0xffff;
	v4 =	vadd.f32 v4, v6  }
0x213: {  	v54 =	vbroadcast v18, $0xF;
	v45 =	vnsel vm11, $0x0, v41;
	v47 =	vld.idx.msk [tilespmem:v39+s5+$0x0], $0xffff;
	v43, _, _ =	vpop (xrf0);
	v44 =	vmul.f32 v9, v36  }
0x214: {  	vm11 =	vcmask $0x1B18;
	v4 =	vadd.f32 v45, v4;
	v5 =	vld.idx.msk [tilespmem:v5+s0+$0x0], $0xffff;
	(v2sf) =	vpush v43, $0xF  }
0x215: {  	v49 =	vnsel vm11, $0x0, v46;
	v48 =	vmul.f32 v8, v38;
	v6 =	vadd.f32 $0.0e+00, v44  }
0x216: {  	v56 =	vbroadcast v19, $0xF;
	vm11 =	vcmask $0x1F1C;
	v4 =	vadd.f32 v49, v4  }
0x217: {  	v53 =	vnsel vm11, $0x0, v50;
	v51 =	vmul.f32 v42, v40;
	v52, _, _ =	vpop (xrf0);
	v6 =	vadd.f32 v48, v6  }
0x218: {  	vm11 =	vcmask $0x2320;
	(v2sf) =	vpush v52, $0xF;
	v4 =	vadd.f32 v53, v4  }
0x219: {  	v55 =	vnsel vm11, $0x0, v54;
	v5 =	vmul.f32 v47, v5;
	v6 =	vadd.f32 v51, v6  }
0x21a: {  	vm11 =	vcmask $0x2724;
	v4 =	vadd.f32 v55, v4  }
0x21b: {  	v58 =	vbroadcast v20, $0xF;
	v57 =	vnsel vm11, $0x0, v56;
	v5 =	vadd.f32 v5, v6  }
0x21c: {  	vm11 =	vcmask $0x2B28;
	v4 =	vadd.f32 v57, v4  }
0x21d: {  	v59 =	vbroadcast v11, $0xF;
	(xrf2) =	vadd.scan.msk.f32 $0xffff, v5;
	v5 =	vnsel vm11, $0x0, v58  }
0x21e: {  	vm11 =	vcmask $0x2F2C;
	v4 =	vadd.f32 v5, v4  }
0x21f: {  	v60 =	vbroadcast v12, $0xF;
	v5 =	vnsel vm11, $0x0, v59  }
0x220: {  	vm11 =	vcmask $0x3330;
	v4 =	vadd.f32 v5, v4  }
0x221: {  	v61 =	vbroadcast v21, $0xF;
	v5 =	vnsel vm11, $0x0, v60  }
0x222: {  	v62 =	vbroadcast v22, $0xF;
	v63 =	vld [tilespmem:$0x1FFF0];
	vm11 =	vcmask $0x3734;
	v4 =	vadd.f32 v5, v4  }
0x223: {  	s16 =	spop (v2sf);
	v5 =	vnsel vm11, $0x0, v61;
	vm11 =	vcmask $0x3B38  }
0x224: {  	s3 =	sand.u32 $0xFFFFF80, s16;
	v4 =	vadd.f32 v5, v4;
	v5 =	vnsel vm11, $0x0, v62  }
0x225: {  	p0 =	sne.s32 s22, $0x20;
	s3 =	sadd.s32 s1, s3  }
0x226: {  	[tilespmem:s0], [sflag:$0x1] =	stream.strided.gather [hbm4b:s3+s25], $0x2000, s24, s25, $0x38;
	[tilespmem:$0x10A00] =	vst v63  }
.Ltmp0:
0x227: {  	s23 =	spop (v2sf);
	vm11 =	vnez.u8 v63;
	v4 =	vadd.f32 v5, v4;
	v5, _, _ =	vpop (xrf2);
	(pc) =	sbr.rel @p0 .LBB2_2-.Ltmp0, $4  }
0x228: {  	s21 =	sadd.s32 $0x10, s21;
	s3 =	sand.u32 $0xFFFFF80, s23;
	v5 =	vsel vm11, $0x0, v5  }
0x229: {  	s17 =	sadd.s32 $0x10, s17;
	s19 =	sadd.s32 $0x10, s19;
	s3 =	sadd.s32 s2, s3;
	v4 =	vadd.f32 v5, v4  }
0x22a: {  	[tilespmem:s5], [sflag:$0x1] =	stream.strided.gather [hbm4b:s3+s25], $0x2000, s24, s25, $0x38;
	[tilespmem:$0x10A00] =	vst v63  }
0x22b: {  	s18 =	sadd.s32 $0x10, s18;
	s22 =	sadd.s32 $0x1, s22;
	[tilespmem:s20+$0x0] =	vst v4;
	s20 =	sadd.s32 $0x10, s20  }
0x22c: {  	_ =	swait.ge [sflag:s14], $0x2000  }
0x22d: {  	[sflag:s14] =	ssyncset.done $0x0  }
0x22e: {  	[sflag:s14] =	ssyncadd.s32 $0xFFFFE000  }
0x22f: {  	_ =	swait.ge [sflag:s14], $0x2000  }
0x230: {  	[sflag:s14] =	ssyncset.done $0x0  }
0x231: {  	[sflag:s14] =	ssyncadd.s32 $0xFFFFE000  }
0x232: {  	_ =	swait.ge [sflag:s14], $0x2000  }
0x233: {  	[sflag:s14] =	ssyncset.done $0x0  }
0x234: {  	[sflag:s14] =	ssyncadd.s32 $0xFFFFE000  }
0x235: {  	_ =	swait.ge [sflag:s14], $0x2000  }
0x236: {  	[sflag:s14] =	ssyncset.done $0x0  }
0x237: {  	[sflag:s14] =	ssyncadd.s32 $0xFFFFE000  }
0x238: {  	_ =	swait.ge [sflag:s14], $0x2000  }
0x239: {  	[sflag:s14] =	ssyncset.done $0x0  }
0x23a: {  	[sflag:s14] =	ssyncadd.s32 $0xFFFFE000  }
0x23b: {  	_ =	swait.ge [sflag:s14], $0x2000  }
0x23c: {  	[sflag:s14] =	ssyncset.done $0x0  }
0x23d: {  	[sflag:s14] =	ssyncadd.s32 $0xFFFFE000  }
0x23e: {  	_ =	swait.ge [sflag:s14], $0x2000  }
0x23f: {  	[sflag:s14] =	ssyncset.done $0x0  }
0x240: {  	[sflag:s14] =	ssyncadd.s32 $0xFFFFE000  }
0x241: {  	_ =	swait.ge [sflag:s14], $0x2000  }
0x242: {  	s9 =	simm.s32 $0x0;
	[sflag:s14] =	ssyncset.done $0x0  }
0x243: {  	s4 =	simm.s32 $0x10800;
	s3 =	rddreg [dreg:$0xa];
	[sflag:s14] =	ssyncadd.s32 $0xFFFFE000  }
0x244: {  	[hbm4b:s3+s9] =	stream.linear.scatter [tilespmem:s4], [sflag:$0x3], $0x200, $0x38;
	[tilespmem:$0x10A00] =	vst v63  }
0x245: {  	s4 =	simm.s32 $0x3  }
0x246: {  	_ =	swait.ge [sflag:s4], $0x200  }
0x247: {  	s6 =	rddreg [dreg:$0xc]  }
0x248: {  	s23 =	rddreg [dreg:$0xb];
	s6 =	sadd.s32 $0x1, s6  }
0x249: {  	p0 =	sne.s32 s6, s23  }
.Ltmp1:
0x24a: {  	_ = 	snop;
	(pc) =	sbr.rel @p0 .LBB2_1-.Ltmp1, $3  }
0x24b: {  	_ =	sdelay $0x1  }
0x24c: {  	[sflag:s4] =	ssyncset.done $0x0  }
0x24d: {  	[sflag:s4] =	ssyncadd.s32 $0xFFFFFE00  }
0x24e: {  	_ =	sfence.sel $0x180000  }
0x24f: {  	[bflag:$0x0] =	sbarrier.arrive $0xFFFF  }
0x250: {  	_ =	strace $0x90000047  }
0x251: {  	s0 =	stileid.u32;
	[bflag:$0x2] =	sbarrier.arrive $0xFFFF  }
0x252: {  	p0 =	sne.s32 s0, $0x0;
	s0 =	rddreg [dreg:$0x7]  }
0x253: {  	s0 =	sadd.s32 @!p0 $0x100000, s0  }
0x254: {  	[sflag:s0] =	ssyncadd.tile.s32 @!p0 $0x1;
	_ =	shalt  }
.Lfunc_end2:
_tile_overlayer_lowered:
.L_overlay_start_2:
0x255: {  	(tag) =	ssettag $0x2  }
0x256: {  	s0 =	rddreg [dreg:$0x0];
	s2 =	stileid.u32  }
0x257: {  	s1 =	rddreg [dreg:$0x1];
	p0 =	sne.s32 s2, $0x0  }
0x258: {  	s3 =	rddreg [dreg:$0x2];
	[bflag:$0x3] =	sbarrier.arrive $0xFFFF;
	s2 =	simm.s32 @!p0 $0x1C03  }
0x259: {  	[timem:s3], [sflag:s2] =	dma.local @!p0 [hbm:s0], s1  }
0x25a: {  	s0 =	simm.s32 @!p0 $0x3  }
0x25b: {  	_ =	swait.ge @!p0 [sflag:s0], s1  }
0x25c: {  	s1 =	ssub.s32 @!p0 $0x0, s1;
	[sflag:s0] =	ssyncset.done @!p0 $0x0  }
0x25d: {  	[sflag:s0] =	ssyncadd.s32 @!p0 s1  }
0x25e: {  	[bflag:$0x3] =	sbarrier.arrive $0xFFFF  }
0x25f: {  	_ =	shalt  }

</sc_bundles>
